<compile_context>
chip_gen: v7x
topology: tpu7x:2x2x1
jax: 0.10.2.dev20260603
libtpu: 0.0.44.dev20260713+nightly
codegen_flags: <defaults>
</compile_context>

<pallas_src>
import functools

import jax
import jax.numpy as jnp
from jax import lax
from jax.experimental import pallas as pl
from jax.experimental.pallas import tpu as pltpu
from jax.experimental.pallas import tpu_sc as plsc

_VOCAB = 1000000
_EMBED_DIM = 32
_BATCH = 16384

_NC = 2
_NS = 16
_COLS_PER_W = 245
_CCOLS = 11
_CHUNK = _CCOLS * 128
_NCHUNK = 24
_MAX_OFF = 998528
_TAIL_OFF = 999936
_IDXBLK = 4096
_LIST = _BATCH + 64
_DUMP = _BATCH
_SENT = 32767


def _stream_body(idx_hbm, table_hbm, out_hbm, idxblk_v, lpack, cpack,
                 chunk_a, chunk_b, val_v, rowidx_v, sem_a, sem_b, sem_s):
    wid = lax.axis_index("s") * _NC + lax.axis_index("c")
    iota = lax.iota(jnp.int32, 16)
    cstart = wid * _COLS_PER_W
    lo = cstart * 128
    hi = jnp.minimum((cstart + _COLS_PER_W) * 128, _VOCAB)

    cnt0 = jnp.int32(0)
    for blk in range(_BATCH // _IDXBLK):
        pltpu.sync_copy(idx_hbm.at[pl.ds(blk * _IDXBLK, _IDXBLK)], idxblk_v)

        def scan_step(v, cnt, blk=blk):
            for u in range(4):
                r = idxblk_v[pl.ds((v * 4 + u) * 16, 16)]
                m = (r >= lo) & (r < hi)
                pk = ((blk * _IDXBLK + (v * 4 + u) * 16 + iota) << 15) | (
                    r - lo)
                plsc.store_compressed(lpack.at[pl.ds(cnt, 16)], pk, mask=m)
                cnt = cnt + jnp.max(plsc.all_reduce_population_count(m))
            return cnt

        cnt0 = lax.fori_loop(0, _IDXBLK // 64, scan_step, cnt0)
    cnt = cnt0
    for u in range(4):
        lpack[pl.ds(cnt + u * 16, 16)] = ((_DUMP + iota) << 15) | _SENT
    ntrip = (cnt + 63) // 64

    def chunk_off(c):
        return pl.multiple_of(
            jnp.minimum((cstart + c * _CCOLS) * 128, _MAX_OFF), 128)

    def fire_chunk(c, buf, sem):
        pltpu.async_copy(table_hbm.at[:, pl.ds(chunk_off(c), _CHUNK)],
                         buf, sem)

    def drain_chunk(sem):
        pltpu.make_async_copy(table_hbm.at[:, pl.ds(0, _CHUNK)],
                              chunk_a, sem).wait()

    def drain_scatter():
        pltpu.make_async_copy(out_hbm.at[pl.ds(0, 16)], val_v, sem_s).wait()

    def process(buf, clo, mlo, chi):
        rlo = mlo - lo
        rhi = chi - lo
        roff = clo - lo

        def pair_step(w, ccnt):
            for u in range(4):
                pk = lpack[pl.ds((w * 4 + u) * 16, 16)]
                rb = pk & _SENT
                m = (rb >= rlo) & (rb < rhi)
                plsc.store_compressed(cpack.at[pl.ds(ccnt, 16)], pk, mask=m)
                ccnt = ccnt + jnp.max(plsc.all_reduce_population_count(m))
            return ccnt

        ccnt = lax.fori_loop(0, ntrip, pair_step, jnp.int32(0))
        cpack[pl.ds(ccnt, 16)] = ((_DUMP + iota) << 15) | roff

        def wave_step(w, carry):
            pk = cpack[pl.ds(w * 16, 16)]
            rel = (pk & _SENT) - roff
            drain_scatter()
            rowidx_v[...] = pk >> 15
            for d in range(_EMBED_DIM):
                vals = plsc.load_gather(
                    buf, [jnp.full((16,), d, jnp.int32), rel])
                plsc.store_scatter(
                    val_v, [iota, jnp.full((16,), d, jnp.int32)], vals)
            pltpu.async_copy(val_v, out_hbm.at[rowidx_v], sem_s)
            return carry

        lax.fori_loop(0, (ccnt + 15) // 16, wave_step, jnp.int32(0))

    rowidx_v[...] = _DUMP + iota
    pltpu.async_copy(val_v, out_hbm.at[rowidx_v], sem_s)
    fire_chunk(0, chunk_a, sem_a)

    def pipe_step(j, carry):
        c0 = j * 2
        fire_chunk(c0 + 1, chunk_b, sem_b)
        drain_chunk(sem_a)
        clo0 = chunk_off(c0)
        process(chunk_a, clo0, jnp.maximum(clo0, lo), clo0 + _CHUNK)
        fire_chunk(c0 + 2, chunk_a, sem_a)
        drain_chunk(sem_b)
        clo1 = chunk_off(c0 + 1)
        process(chunk_b, clo1, jnp.maximum(clo1, lo), clo1 + _CHUNK)
        return carry

    lax.fori_loop(0, _NCHUNK // 2, pipe_step, jnp.int32(0))
    drain_chunk(sem_a)

    tail = pl.multiple_of(wid * 0 + _TAIL_OFF, 128)
    pltpu.sync_copy(table_hbm.at[:, pl.ds(tail, 128)],
                    chunk_a.at[:, pl.ds(0, 128)])
    process(chunk_a, tail, jnp.maximum(tail, lo), tail + 128)
    drain_scatter()


@jax.jit
def _stream_gather(idx, table_t):
    mesh = plsc.VectorSubcoreMesh(core_axis_name="c", subcore_axis_name="s")
    run = functools.partial(
        pl.kernel,
        out_type=jax.ShapeDtypeStruct((_BATCH + 16, 128), jnp.float32),
        mesh=mesh,
        scratch_types=[
            pltpu.VMEM((_IDXBLK,), jnp.int32),
            pltpu.VMEM((_LIST,), jnp.int32),
            pltpu.VMEM((_LIST,), jnp.int32),
            pltpu.VMEM((_EMBED_DIM, _CHUNK), jnp.float32),
            pltpu.VMEM((_EMBED_DIM, _CHUNK), jnp.float32),
            pltpu.VMEM((16, 128), jnp.float32),
            pltpu.VMEM((16,), jnp.int32),
            pltpu.SemaphoreType.DMA,
            pltpu.SemaphoreType.DMA,
            pltpu.SemaphoreType.DMA,
        ],
        compiler_params=pltpu.CompilerParams(
            needs_layout_passes=False, disable_bounds_checks=True),
    )(_stream_body)
    return run(idx, table_t)


def kernel(selector, kernel):
    idx = jnp.reshape(selector, (-1,)).astype(jnp.int32)
    table_t = jnp.transpose(kernel)
    out_p = _stream_gather(idx, table_t)
    return out_p[:_BATCH, :_EMBED_DIM]

# --- scband reference (transcript-rebuilt; emitter-appended) ---
"""Pipeline reference for scband-big-table-62405874811152 (READ-ONLY COPY).

The authoritative reference and input builder live on the scoring server;
editing this copy changes nothing except your own understanding.
"""

import jax, jax.numpy as jnp
import numpy as np

VOCAB = 1000000
EMBED_DIM = 32
BATCH = 16384
MIN_W = 0.0
MAX_W = 10.0


def setup_inputs(seed: int = 0) -> dict:
    key = jax.random.key(seed)
    k_sel, k_kernel = jax.random.split(key)
    selector = jax.random.randint(k_sel, (BATCH,), 0, VOCAB, dtype=jnp.int64 if jax.config.jax_enable_x64 else jnp.int32)
    # kernel initialized RandomUniform(min_w, max_w) per BigTable.build
    kernel = jax.random.uniform(k_kernel, (VOCAB, EMBED_DIM), dtype=jnp.float32, minval=MIN_W, maxval=MAX_W)
    return {"selector": selector, "kernel": kernel}


def reference(selector, kernel):
    # BigTable.call: flatten selector, gather rows from kernel
    sel_flat = jnp.reshape(selector, (-1,))
    rows = jnp.take(kernel, sel_flat, axis=0)
    return rows

if __name__ == "__main__":
    import jax
    _d = setup_inputs()
    print(jax.jit(kernel)(*tuple(_d.values())))

</pallas_src>

<mosaic_0001>
#map = affine_map<(d0, d1) -> (0)>
#map1 = affine_map<(d0, d1) -> (0, 0)>
module attributes {stable_mosaic.version = 14 : i64} {
  func.func @_stream_body(%arg0: i32, %arg1: i32, %arg2: memref<16384xi32, #tpu.memory_space<hbm>>, %arg3: memref<32x1000000xf32, #tpu.memory_space<hbm>>, %arg4: memref<16400x128xf32, #tpu.memory_space<hbm>>, %arg5: memref<4096xi32, #tpu.memory_space<vmem>>, %arg6: memref<16448xi32, #tpu.memory_space<vmem>>, %arg7: memref<16448xi32, #tpu.memory_space<vmem>>, %arg8: memref<32x1408xf32, #tpu.memory_space<vmem>>, %arg9: memref<32x1408xf32, #tpu.memory_space<vmem>>, %arg10: memref<16x128xf32, #tpu.memory_space<vmem>>, %arg11: memref<16xi32, #tpu.memory_space<vmem>>, %arg12: memref<!tpu.dma_semaphore, #tpu.memory_space<semaphore_mem>>, %arg13: memref<!tpu.dma_semaphore, #tpu.memory_space<semaphore_mem>>, %arg14: memref<!tpu.dma_semaphore, #tpu.memory_space<semaphore_mem>>) attributes {dimension_semantics = [#tpu.dimension_semantics<core_parallel>, #tpu.dimension_semantics<subcore_parallel>], iteration_bounds = array<i64: 2, 16>, scalar_prefetch = 0 : i64, scratch_operands = 10 : i64, tpu.core_type = #tpu.core_type<sc_vector_subcore>, window_params = [{transform_indices = #map}, {transform_indices = #map1}, {transform_indices = #map1}]} {
    %mul3A = arith.constant 2 : i32
    %mul3A_0 = arith.muli %arg1, %mul3A : i32
    %add3A = arith.addi %mul3A_0, %arg0 : i32
    %iota3A = tpu.iota {dimensions = array<i32: 0>} : vector<16xi32>
    %mul3A_1 = arith.constant 245 : i32
    %mul3A_2 = arith.muli %add3A, %mul3A_1 : i32
    %mul3A_3 = arith.constant 128 : i32
    %mul3A_4 = arith.muli %mul3A_2, %mul3A_3 : i32
    %add3A_5 = arith.constant 245 : i32
    %add3A_6 = arith.addi %mul3A_2, %add3A_5 : i32
    %mul3A_7 = arith.constant 128 : i32
    %mul3A_8 = arith.muli %add3A_6, %mul3A_7 : i32
    %min3A = arith.constant 1000000 : i32
    %min3A_9 = arith.minsi %mul3A_8, %min3A : i32
    "tpu.region"() ({
      %run_scoped3A = tpu.sem_alloc : memref<!tpu.dma_semaphore, #tpu.memory_space<semaphore_mem>>
      %dma_start3A_202 = arith.constant 0 : i32
      %dma_start3A_203 = tpu.memref_slice %arg2[%dma_start3A_202] : memref<16384xi32, #tpu.memory_space<hbm>> -> memref<4096xi32, #tpu.memory_space<hbm>>
      %dma_start3A_204 = arith.constant 0 : i32
      %dma_start3A_205 = tpu.memref_slice %arg2[%dma_start3A_204] : memref<16384xi32, #tpu.memory_space<hbm>> -> memref<4096xi32, #tpu.memory_space<hbm>>
      tpu.enqueue_dma source(%dma_start3A_205 : memref<4096xi32, #tpu.memory_space<hbm>>) target(%arg5 : memref<4096xi32, #tpu.memory_space<vmem>>) target_semaphore(%run_scoped3A : memref<!tpu.dma_semaphore, #tpu.memory_space<semaphore_mem>>)
      %dma_wait3A_206 = arith.constant 0 : i32
      %dma_wait3A_207 = tpu.memref_slice %arg2[%dma_wait3A_206] : memref<16384xi32, #tpu.memory_space<hbm>> -> memref<4096xi32, #tpu.memory_space<hbm>>
      %dma_wait3A_208 = arith.constant 0 : i32
      %dma_wait3A_209 = tpu.memref_slice %arg2[%dma_wait3A_208] : memref<16384xi32, #tpu.memory_space<hbm>> -> memref<4096xi32, #tpu.memory_space<hbm>>
      tpu.wait_dma2 semaphore(%run_scoped3A : memref<!tpu.dma_semaphore, #tpu.memory_space<semaphore_mem>>) src(%dma_wait3A_209 : memref<4096xi32, #tpu.memory_space<hbm>>) dst(%arg5 : memref<4096xi32, #tpu.memory_space<vmem>>)
      tpu.yield
    }) : () -> ()
    %scan3A = arith.constant 0 : i32
    %scan3A_10 = arith.constant 0 : i32
    %scan3A_11 = arith.constant 64 : i32
    %scan3A_12 = arith.addi %scan3A_10, %scan3A_11 : i32
    %scan3A_13 = arith.constant 1 : i32
    %scan3A_14 = scf.for %scan3A_202 = %scan3A_10 to %scan3A_12 step %scan3A_13 iter_args(%scan3A_203 = %scan3A) -> (i32)  : i32 {
      %mul3A_204 = arith.constant 4 : i32
      %mul3A_205 = arith.muli %scan3A_202, %mul3A_204 : i32
      %add3A_206 = arith.constant 0 : i32
      %add3A_207 = arith.addi %mul3A_205, %add3A_206 : i32
      %mul3A_208 = arith.constant 16 : i32
      %mul3A_209 = arith.muli %add3A_207, %mul3A_208 : i32
      %get3A = arith.index_cast %mul3A_209 : i32 to index
      %get3A_210 = tpu.vector_load %arg5[%get3A] {strides = array<i32>} : memref<4096xi32, #tpu.memory_space<vmem>>, vector<16xi32>,
      %ge3A = vector.broadcast %mul3A_4 : i32 to vector<16xi32>
      %ge3A_211 = arith.cmpi sge, %get3A_210, %ge3A : vector<16xi32>
      %lt3A = vector.broadcast %min3A_9 : i32 to vector<16xi32>
      %lt3A_212 = arith.cmpi slt, %get3A_210, %lt3A : vector<16xi32>
      %and3A_213 = arith.andi %ge3A_211, %lt3A_212 : vector<16xi1>
      %mul3A_214 = arith.constant 4 : i32
      %mul3A_215 = arith.muli %scan3A_202, %mul3A_214 : i32
      %add3A_216 = arith.constant 0 : i32
      %add3A_217 = arith.addi %mul3A_215, %add3A_216 : i32
      %mul3A_218 = arith.constant 16 : i32
      %mul3A_219 = arith.muli %add3A_217, %mul3A_218 : i32
      %add3A_220 = arith.constant 0 : i32
      %add3A_221 = arith.addi %add3A_220, %mul3A_219 : i32
      %add3A_222 = vector.broadcast %add3A_221 : i32 to vector<16xi32>
      %add3A_223 = arith.addi %add3A_222, %iota3A : vector<16xi32>
      %shift_left3A_224 = arith.constant 15 : i32
      %shift_left3A_225 = vector.broadcast %shift_left3A_224 : i32 to vector<16xi32>
      %shift_left3A_226 = arith.shli %add3A_223, %shift_left3A_225 : vector<16xi32>
      %sub3A_227 = vector.broadcast %mul3A_4 : i32 to vector<16xi32>
      %sub3A_228 = arith.subi %get3A_210, %sub3A_227 : vector<16xi32>
      %or3A_229 = arith.ori %shift_left3A_226, %sub3A_228 : vector<16xi32>
      %swap3A_230 = arith.index_cast %scan3A_203 : i32 to index
      %swap3A_231 = tpu.vector_load %arg6[%swap3A_230] masked %and3A_213 {strides = array<i32>} : memref<16448xi32, #tpu.memory_space<vmem>>, vector<16xi32>, vector<16xi1>
      tpu.vector_store %arg6[%swap3A_230], %or3A_229 masked %and3A_213 {strides = array<i32>} : memref<16448xi32, #tpu.memory_space<vmem>>, vector<16xi32>, vector<16xi1>
      %all_reduce_population_count3A = tpu.all_reduce %and3A_213 {dim = 0 : i64, kind = #tpu.reduction_kind<sum>} : vector<16xi1> -> vector<16xi32>
      %reduce_max3A = arith.constant true
      %reduce_max3A_232 = vector.broadcast %reduce_max3A : i1 to vector<16xi1>
      %reduce_max3A_233 = arith.constant -2147483648 : i32
      %reduce_max3A_234 = vector.broadcast %reduce_max3A_233 : i32 to vector<16xi32>
      %reduce_max3A_235 = arith.xori %all_reduce_population_count3A, %reduce_max3A_234 : vector<16xi32>
      %reduce_max3A_236 = tpu.scan <max>, %reduce_max3A_235 masked %reduce_max3A_232 : vector<16xi32>, vector<16xi1> -> vector<16xi32>
      %reduce_max3A_237 = arith.xori %reduce_max3A_236, %reduce_max3A_234 : vector<16xi32>
      %reduce_max3A_238 = vector.extract %reduce_max3A_237[15] : i32 from vector<16xi32>
      %add3A_239 = arith.addi %scan3A_203, %reduce_max3A_238 : i32
      %mul3A_240 = arith.constant 4 : i32
      %mul3A_241 = arith.muli %scan3A_202, %mul3A_240 : i32
      %add3A_242 = arith.constant 1 : i32
      %add3A_243 = arith.addi %mul3A_241, %add3A_242 : i32
      %mul3A_244 = arith.constant 16 : i32
      %mul3A_245 = arith.muli %add3A_243, %mul3A_244 : i32
      %get3A_246 = arith.index_cast %mul3A_245 : i32 to index
      %get3A_247 = tpu.vector_load %arg5[%get3A_246] {strides = array<i32>} : memref<4096xi32, #tpu.memory_space<vmem>>, vector<16xi32>,
      %ge3A_248 = vector.broadcast %mul3A_4 : i32 to vector<16xi32>
      %ge3A_249 = arith.cmpi sge, %get3A_247, %ge3A_248 : vector<16xi32>
      %lt3A_250 = vector.broadcast %min3A_9 : i32 to vector<16xi32>
      %lt3A_251 = arith.cmpi slt, %get3A_247, %lt3A_250 : vector<16xi32>
      %and3A_252 = arith.andi %ge3A_249, %lt3A_251 : vector<16xi1>
      %mul3A_253 = arith.constant 4 : i32
      %mul3A_254 = arith.muli %scan3A_202, %mul3A_253 : i32
      %add3A_255 = arith.constant 1 : i32
      %add3A_256 = arith.addi %mul3A_254, %add3A_255 : i32
      %mul3A_257 = arith.constant 16 : i32
      %mul3A_258 = arith.muli %add3A_256, %mul3A_257 : i32
      %add3A_259 = arith.constant 0 : i32
      %add3A_260 = arith.addi %add3A_259, %mul3A_258 : i32
      %add3A_261 = vector.broadcast %add3A_260 : i32 to vector<16xi32>
      %add3A_262 = arith.addi %add3A_261, %iota3A : vector<16xi32>
      %shift_left3A_263 = arith.constant 15 : i32
      %shift_left3A_264 = vector.broadcast %shift_left3A_263 : i32 to vector<16xi32>
      %shift_left3A_265 = arith.shli %add3A_262, %shift_left3A_264 : vector<16xi32>
      %sub3A_266 = vector.broadcast %mul3A_4 : i32 to vector<16xi32>
      %sub3A_267 = arith.subi %get3A_247, %sub3A_266 : vector<16xi32>
      %or3A_268 = arith.ori %shift_left3A_265, %sub3A_267 : vector<16xi32>
      %swap3A_269 = arith.index_cast %add3A_239 : i32 to index
      %swap3A_270 = tpu.vector_load %arg6[%swap3A_269] masked %and3A_252 {strides = array<i32>} : memref<16448xi32, #tpu.memory_space<vmem>>, vector<16xi32>, vector<16xi1>
      tpu.vector_store %arg6[%swap3A_269], %or3A_268 masked %and3A_252 {strides = array<i32>} : memref<16448xi32, #tpu.memory_space<vmem>>, vector<16xi32>, vector<16xi1>
      %all_reduce_population_count3A_271 = tpu.all_reduce %and3A_252 {dim = 0 : i64, kind = #tpu.reduction_kind<sum>} : vector<16xi1> -> vector<16xi32>
      %reduce_max3A_272 = arith.constant true
      %reduce_max3A_273 = vector.broadcast %reduce_max3A_272 : i1 to vector<16xi1>
      %reduce_max3A_274 = arith.constant -2147483648 : i32
      %reduce_max3A_275 = vector.broadcast %reduce_max3A_274 : i32 to vector<16xi32>
      %reduce_max3A_276 = arith.xori %all_reduce_population_count3A_271, %reduce_max3A_275 : vector<16xi32>
      %reduce_max3A_277 = tpu.scan <max>, %reduce_max3A_276 masked %reduce_max3A_273 : vector<16xi32>, vector<16xi1> -> vector<16xi32>
      %reduce_max3A_278 = arith.xori %reduce_max3A_277, %reduce_max3A_275 : vector<16xi32>
      %reduce_max3A_279 = vector.extract %reduce_max3A_278[15] : i32 from vector<16xi32>
      %add3A_280 = arith.addi %add3A_239, %reduce_max3A_279 : i32
      %mul3A_281 = arith.constant 4 : i32
      %mul3A_282 = arith.muli %scan3A_202, %mul3A_281 : i32
      %add3A_283 = arith.constant 2 : i32
      %add3A_284 = arith.addi %mul3A_282, %add3A_283 : i32
      %mul3A_285 = arith.constant 16 : i32
      %mul3A_286 = arith.muli %add3A_284, %mul3A_285 : i32
      %get3A_287 = arith.index_cast %mul3A_286 : i32 to index
      %get3A_288 = tpu.vector_load %arg5[%get3A_287] {strides = array<i32>} : memref<4096xi32, #tpu.memory_space<vmem>>, vector<16xi32>,
      %ge3A_289 = vector.broadcast %mul3A_4 : i32 to vector<16xi32>
      %ge3A_290 = arith.cmpi sge, %get3A_288, %ge3A_289 : vector<16xi32>
      %lt3A_291 = vector.broadcast %min3A_9 : i32 to vector<16xi32>
      %lt3A_292 = arith.cmpi slt, %get3A_288, %lt3A_291 : vector<16xi32>
      %and3A_293 = arith.andi %ge3A_290, %lt3A_292 : vector<16xi1>
      %mul3A_294 = arith.constant 4 : i32
      %mul3A_295 = arith.muli %scan3A_202, %mul3A_294 : i32
      %add3A_296 = arith.constant 2 : i32
      %add3A_297 = arith.addi %mul3A_295, %add3A_296 : i32
      %mul3A_298 = arith.constant 16 : i32
      %mul3A_299 = arith.muli %add3A_297, %mul3A_298 : i32
      %add3A_300 = arith.constant 0 : i32
      %add3A_301 = arith.addi %add3A_300, %mul3A_299 : i32
      %add3A_302 = vector.broadcast %add3A_301 : i32 to vector<16xi32>
      %add3A_303 = arith.addi %add3A_302, %iota3A : vector<16xi32>
      %shift_left3A_304 = arith.constant 15 : i32
      %shift_left3A_305 = vector.broadcast %shift_left3A_304 : i32 to vector<16xi32>
      %shift_left3A_306 = arith.shli %add3A_303, %shift_left3A_305 : vector<16xi32>
      %sub3A_307 = vector.broadcast %mul3A_4 : i32 to vector<16xi32>
      %sub3A_308 = arith.subi %get3A_288, %sub3A_307 : vector<16xi32>
      %or3A_309 = arith.ori %shift_left3A_306, %sub3A_308 : vector<16xi32>
      %swap3A_310 = arith.index_cast %add3A_280 : i32 to index
      %swap3A_311 = tpu.vector_load %arg6[%swap3A_310] masked %and3A_293 {strides = array<i32>} : memref<16448xi32, #tpu.memory_space<vmem>>, vector<16xi32>, vector<16xi1>
      tpu.vector_store %arg6[%swap3A_310], %or3A_309 masked %and3A_293 {strides = array<i32>} : memref<16448xi32, #tpu.memory_space<vmem>>, vector<16xi32>, vector<16xi1>
      %all_reduce_population_count3A_312 = tpu.all_reduce %and3A_293 {dim = 0 : i64, kind = #tpu.reduction_kind<sum>} : vector<16xi1> -> vector<16xi32>
      %reduce_max3A_313 = arith.constant true
      %reduce_max3A_314 = vector.broadcast %reduce_max3A_313 : i1 to vector<16xi1>
      %reduce_max3A_315 = arith.constant -2147483648 : i32
      %reduce_max3A_316 = vector.broadcast %reduce_max3A_315 : i32 to vector<16xi32>
      %reduce_max3A_317 = arith.xori %all_reduce_population_count3A_312, %reduce_max3A_316 : vector<16xi32>
      %reduce_max3A_318 = tpu.scan <max>, %reduce_max3A_317 masked %reduce_max3A_314 : vector<16xi32>, vector<16xi1> -> vector<16xi32>
      %reduce_max3A_319 = arith.xori %reduce_max3A_318, %reduce_max3A_316 : vector<16xi32>
      %reduce_max3A_320 = vector.extract %reduce_max3A_319[15] : i32 from vector<16xi32>
      %add3A_321 = arith.addi %add3A_280, %reduce_max3A_320 : i32
      %mul3A_322 = arith.constant 4 : i32
      %mul3A_323 = arith.muli %scan3A_202, %mul3A_322 : i32
      %add3A_324 = arith.constant 3 : i32
      %add3A_325 = arith.addi %mul3A_323, %add3A_324 : i32
      %mul3A_326 = arith.constant 16 : i32
      %mul3A_327 = arith.muli %add3A_325, %mul3A_326 : i32
      %get3A_328 = arith.index_cast %mul3A_327 : i32 to index
      %get3A_329 = tpu.vector_load %arg5[%get3A_328] {strides = array<i32>} : memref<4096xi32, #tpu.memory_space<vmem>>, vector<16xi32>,
      %ge3A_330 = vector.broadcast %mul3A_4 : i32 to vector<16xi32>
      %ge3A_331 = arith.cmpi sge, %get3A_329, %ge3A_330 : vector<16xi32>
      %lt3A_332 = vector.broadcast %min3A_9 : i32 to vector<16xi32>
      %lt3A_333 = arith.cmpi slt, %get3A_329, %lt3A_332 : vector<16xi32>
      %and3A_334 = arith.andi %ge3A_331, %lt3A_333 : vector<16xi1>
      %mul3A_335 = arith.constant 4 : i32
      %mul3A_336 = arith.muli %scan3A_202, %mul3A_335 : i32
      %add3A_337 = arith.constant 3 : i32
      %add3A_338 = arith.addi %mul3A_336, %add3A_337 : i32
      %mul3A_339 = arith.constant 16 : i32
      %mul3A_340 = arith.muli %add3A_338, %mul3A_339 : i32
      %add3A_341 = arith.constant 0 : i32
      %add3A_342 = arith.addi %add3A_341, %mul3A_340 : i32
      %add3A_343 = vector.broadcast %add3A_342 : i32 to vector<16xi32>
      %add3A_344 = arith.addi %add3A_343, %iota3A : vector<16xi32>
      %shift_left3A_345 = arith.constant 15 : i32
      %shift_left3A_346 = vector.broadcast %shift_left3A_345 : i32 to vector<16xi32>
      %shift_left3A_347 = arith.shli %add3A_344, %shift_left3A_346 : vector<16xi32>
      %sub3A_348 = vector.broadcast %mul3A_4 : i32 to vector<16xi32>
      %sub3A_349 = arith.subi %get3A_329, %sub3A_348 : vector<16xi32>
      %or3A_350 = arith.ori %shift_left3A_347, %sub3A_349 : vector<16xi32>
      %swap3A_351 = arith.index_cast %add3A_321 : i32 to index
      %swap3A_352 = tpu.vector_load %arg6[%swap3A_351] masked %and3A_334 {strides = array<i32>} : memref<16448xi32, #tpu.memory_space<vmem>>, vector<16xi32>, vector<16xi1>
      tpu.vector_store %arg6[%swap3A_351], %or3A_350 masked %and3A_334 {strides = array<i32>} : memref<16448xi32, #tpu.memory_space<vmem>>, vector<16xi32>, vector<16xi1>
      %all_reduce_population_count3A_353 = tpu.all_reduce %and3A_334 {dim = 0 : i64, kind = #tpu.reduction_kind<sum>} : vector<16xi1> -> vector<16xi32>
      %reduce_max3A_354 = arith.constant true
      %reduce_max3A_355 = vector.broadcast %reduce_max3A_354 : i1 to vector<16xi1>
      %reduce_max3A_356 = arith.constant -2147483648 : i32
      %reduce_max3A_357 = vector.broadcast %reduce_max3A_356 : i32 to vector<16xi32>
      %reduce_max3A_358 = arith.xori %all_reduce_population_count3A_353, %reduce_max3A_357 : vector<16xi32>
      %reduce_max3A_359 = tpu.scan <max>, %reduce_max3A_358 masked %reduce_max3A_355 : vector<16xi32>, vector<16xi1> -> vector<16xi32>
      %reduce_max3A_360 = arith.xori %reduce_max3A_359, %reduce_max3A_357 : vector<16xi32>
      %reduce_max3A_361 = vector.extract %reduce_max3A_360[15] : i32 from vector<16xi32>
      %add3A_362 = arith.addi %add3A_321, %reduce_max3A_361 : i32
      scf.yield %add3A_362 : i32
    }
    %scan3A_15 = arith.constant 64 : i32
    "tpu.region"() ({
      %run_scoped3A = tpu.sem_alloc : memref<!tpu.dma_semaphore, #tpu.memory_space<semaphore_mem>>
      %dma_start3A_202 = arith.constant 4096 : i32
      %dma_start3A_203 = tpu.memref_slice %arg2[%dma_start3A_202] : memref<16384xi32, #tpu.memory_space<hbm>> -> memref<4096xi32, #tpu.memory_space<hbm>>
      %dma_start3A_204 = arith.constant 4096 : i32
      %dma_start3A_205 = tpu.memref_slice %arg2[%dma_start3A_204] : memref<16384xi32, #tpu.memory_space<hbm>> -> memref<4096xi32, #tpu.memory_space<hbm>>
      tpu.enqueue_dma source(%dma_start3A_205 : memref<4096xi32, #tpu.memory_space<hbm>>) target(%arg5 : memref<4096xi32, #tpu.memory_space<vmem>>) target_semaphore(%run_scoped3A : memref<!tpu.dma_semaphore, #tpu.memory_space<semaphore_mem>>)
      %dma_wait3A_206 = arith.constant 4096 : i32
      %dma_wait3A_207 = tpu.memref_slice %arg2[%dma_wait3A_206] : memref<16384xi32, #tpu.memory_space<hbm>> -> memref<4096xi32, #tpu.memory_space<hbm>>
      %dma_wait3A_208 = arith.constant 4096 : i32
      %dma_wait3A_209 = tpu.memref_slice %arg2[%dma_wait3A_208] : memref<16384xi32, #tpu.memory_space<hbm>> -> memref<4096xi32, #tpu.memory_space<hbm>>
      tpu.wait_dma2 semaphore(%run_scoped3A : memref<!tpu.dma_semaphore, #tpu.memory_space<semaphore_mem>>) src(%dma_wait3A_209 : memref<4096xi32, #tpu.memory_space<hbm>>) dst(%arg5 : memref<4096xi32, #tpu.memory_space<vmem>>)
      tpu.yield
    }) : () -> ()
    %scan3A_16 = arith.constant 0 : i32
    %scan3A_17 = arith.constant 64 : i32
    %scan3A_18 = arith.addi %scan3A_16, %scan3A_17 : i32
    %scan3A_19 = arith.constant 1 : i32
    %scan3A_20 = scf.for %scan3A_202 = %scan3A_16 to %scan3A_18 step %scan3A_19 iter_args(%scan3A_203 = %scan3A_14) -> (i32)  : i32 {
      %mul3A_204 = arith.constant 4 : i32
      %mul3A_205 = arith.muli %scan3A_202, %mul3A_204 : i32
      %add3A_206 = arith.constant 0 : i32
      %add3A_207 = arith.addi %mul3A_205, %add3A_206 : i32
      %mul3A_208 = arith.constant 16 : i32
      %mul3A_209 = arith.muli %add3A_207, %mul3A_208 : i32
      %get3A = arith.index_cast %mul3A_209 : i32 to index
      %get3A_210 = tpu.vector_load %arg5[%get3A] {strides = array<i32>} : memref<4096xi32, #tpu.memory_space<vmem>>, vector<16xi32>,
      %ge3A = vector.broadcast %mul3A_4 : i32 to vector<16xi32>
      %ge3A_211 = arith.cmpi sge, %get3A_210, %ge3A : vector<16xi32>
      %lt3A = vector.broadcast %min3A_9 : i32 to vector<16xi32>
      %lt3A_212 = arith.cmpi slt, %get3A_210, %lt3A : vector<16xi32>
      %and3A_213 = arith.andi %ge3A_211, %lt3A_212 : vector<16xi1>
      %mul3A_214 = arith.constant 4 : i32
      %mul3A_215 = arith.muli %scan3A_202, %mul3A_214 : i32
      %add3A_216 = arith.constant 0 : i32
      %add3A_217 = arith.addi %mul3A_215, %add3A_216 : i32
      %mul3A_218 = arith.constant 16 : i32
      %mul3A_219 = arith.muli %add3A_217, %mul3A_218 : i32
      %add3A_220 = arith.constant 4096 : i32
      %add3A_221 = arith.addi %add3A_220, %mul3A_219 : i32
      %add3A_222 = vector.broadcast %add3A_221 : i32 to vector<16xi32>
      %add3A_223 = arith.addi %add3A_222, %iota3A : vector<16xi32>
      %shift_left3A_224 = arith.constant 15 : i32
      %shift_left3A_225 = vector.broadcast %shift_left3A_224 : i32 to vector<16xi32>
      %shift_left3A_226 = arith.shli %add3A_223, %shift_left3A_225 : vector<16xi32>
      %sub3A_227 = vector.broadcast %mul3A_4 : i32 to vector<16xi32>
      %sub3A_228 = arith.subi %get3A_210, %sub3A_227 : vector<16xi32>
      %or3A_229 = arith.ori %shift_left3A_226, %sub3A_228 : vector<16xi32>
      %swap3A_230 = arith.index_cast %scan3A_203 : i32 to index
      %swap3A_231 = tpu.vector_load %arg6[%swap3A_230] masked %and3A_213 {strides = array<i32>} : memref<16448xi32, #tpu.memory_space<vmem>>, vector<16xi32>, vector<16xi1>
      tpu.vector_store %arg6[%swap3A_230], %or3A_229 masked %and3A_213 {strides = array<i32>} : memref<16448xi32, #tpu.memory_space<vmem>>, vector<16xi32>, vector<16xi1>
      %all_reduce_population_count3A = tpu.all_reduce %and3A_213 {dim = 0 : i64, kind = #tpu.reduction_kind<sum>} : vector<16xi1> -> vector<16xi32>
      %reduce_max3A = arith.constant true
      %reduce_max3A_232 = vector.broadcast %reduce_max3A : i1 to vector<16xi1>
      %reduce_max3A_233 = arith.constant -2147483648 : i32
      %reduce_max3A_234 = vector.broadcast %reduce_max3A_233 : i32 to vector<16xi32>
      %reduce_max3A_235 = arith.xori %all_reduce_population_count3A, %reduce_max3A_234 : vector<16xi32>
      %reduce_max3A_236 = tpu.scan <max>, %reduce_max3A_235 masked %reduce_max3A_232 : vector<16xi32>, vector<16xi1> -> vector<16xi32>
      %reduce_max3A_237 = arith.xori %reduce_max3A_236, %reduce_max3A_234 : vector<16xi32>
      %reduce_max3A_238 = vector.extract %reduce_max3A_237[15] : i32 from vector<16xi32>
      %add3A_239 = arith.addi %scan3A_203, %reduce_max3A_238 : i32
      %mul3A_240 = arith.constant 4 : i32
      %mul3A_241 = arith.muli %scan3A_202, %mul3A_240 : i32
      %add3A_242 = arith.constant 1 : i32
      %add3A_243 = arith.addi %mul3A_241, %add3A_242 : i32
      %mul3A_244 = arith.constant 16 : i32
      %mul3A_245 = arith.muli %add3A_243, %mul3A_244 : i32
      %get3A_246 = arith.index_cast %mul3A_245 : i32 to index
      %get3A_247 = tpu.vector_load %arg5[%get3A_246] {strides = array<i32>} : memref<4096xi32, #tpu.memory_space<vmem>>, vector<16xi32>,
      %ge3A_248 = vector.broadcast %mul3A_4 : i32 to vector<16xi32>
      %ge3A_249 = arith.cmpi sge, %get3A_247, %ge3A_248 : vector<16xi32>
      %lt3A_250 = vector.broadcast %min3A_9 : i32 to vector<16xi32>
      %lt3A_251 = arith.cmpi slt, %get3A_247, %lt3A_250 : vector<16xi32>
      %and3A_252 = arith.andi %ge3A_249, %lt3A_251 : vector<16xi1>
      %mul3A_253 = arith.constant 4 : i32
      %mul3A_254 = arith.muli %scan3A_202, %mul3A_253 : i32
      %add3A_255 = arith.constant 1 : i32
      %add3A_256 = arith.addi %mul3A_254, %add3A_255 : i32
      %mul3A_257 = arith.constant 16 : i32
      %mul3A_258 = arith.muli %add3A_256, %mul3A_257 : i32
      %add3A_259 = arith.constant 4096 : i32
      %add3A_260 = arith.addi %add3A_259, %mul3A_258 : i32
      %add3A_261 = vector.broadcast %add3A_260 : i32 to vector<16xi32>
      %add3A_262 = arith.addi %add3A_261, %iota3A : vector<16xi32>
      %shift_left3A_263 = arith.constant 15 : i32
      %shift_left3A_264 = vector.broadcast %shift_left3A_263 : i32 to vector<16xi32>
      %shift_left3A_265 = arith.shli %add3A_262, %shift_left3A_264 : vector<16xi32>
      %sub3A_266 = vector.broadcast %mul3A_4 : i32 to vector<16xi32>
      %sub3A_267 = arith.subi %get3A_247, %sub3A_266 : vector<16xi32>
      %or3A_268 = arith.ori %shift_left3A_265, %sub3A_267 : vector<16xi32>
      %swap3A_269 = arith.index_cast %add3A_239 : i32 to index
      %swap3A_270 = tpu.vector_load %arg6[%swap3A_269] masked %and3A_252 {strides = array<i32>} : memref<16448xi32, #tpu.memory_space<vmem>>, vector<16xi32>, vector<16xi1>
      tpu.vector_store %arg6[%swap3A_269], %or3A_268 masked %and3A_252 {strides = array<i32>} : memref<16448xi32, #tpu.memory_space<vmem>>, vector<16xi32>, vector<16xi1>
      %all_reduce_population_count3A_271 = tpu.all_reduce %and3A_252 {dim = 0 : i64, kind = #tpu.reduction_kind<sum>} : vector<16xi1> -> vector<16xi32>
      %reduce_max3A_272 = arith.constant true
      %reduce_max3A_273 = vector.broadcast %reduce_max3A_272 : i1 to vector<16xi1>
      %reduce_max3A_274 = arith.constant -2147483648 : i32
      %reduce_max3A_275 = vector.broadcast %reduce_max3A_274 : i32 to vector<16xi32>
      %reduce_max3A_276 = arith.xori %all_reduce_population_count3A_271, %reduce_max3A_275 : vector<16xi32>
      %reduce_max3A_277 = tpu.scan <max>, %reduce_max3A_276 masked %reduce_max3A_273 : vector<16xi32>, vector<16xi1> -> vector<16xi32>
      %reduce_max3A_278 = arith.xori %reduce_max3A_277, %reduce_max3A_275 : vector<16xi32>
      %reduce_max3A_279 = vector.extract %reduce_max3A_278[15] : i32 from vector<16xi32>
      %add3A_280 = arith.addi %add3A_239, %reduce_max3A_279 : i32
      %mul3A_281 = arith.constant 4 : i32
      %mul3A_282 = arith.muli %scan3A_202, %mul3A_281 : i32
      %add3A_283 = arith.constant 2 : i32
      %add3A_284 = arith.addi %mul3A_282, %add3A_283 : i32
      %mul3A_285 = arith.constant 16 : i32
      %mul3A_286 = arith.muli %add3A_284, %mul3A_285 : i32
      %get3A_287 = arith.index_cast %mul3A_286 : i32 to index
      %get3A_288 = tpu.vector_load %arg5[%get3A_287] {strides = array<i32>} : memref<4096xi32, #tpu.memory_space<vmem>>, vector<16xi32>,
      %ge3A_289 = vector.broadcast %mul3A_4 : i32 to vector<16xi32>
      %ge3A_290 = arith.cmpi sge, %get3A_288, %ge3A_289 : vector<16xi32>
      %lt3A_291 = vector.broadcast %min3A_9 : i32 to vector<16xi32>
      %lt3A_292 = arith.cmpi slt, %get3A_288, %lt3A_291 : vector<16xi32>
      %and3A_293 = arith.andi %ge3A_290, %lt3A_292 : vector<16xi1>
      %mul3A_294 = arith.constant 4 : i32
      %mul3A_295 = arith.muli %scan3A_202, %mul3A_294 : i32
      %add3A_296 = arith.constant 2 : i32
      %add3A_297 = arith.addi %mul3A_295, %add3A_296 : i32
      %mul3A_298 = arith.constant 16 : i32
      %mul3A_299 = arith.muli %add3A_297, %mul3A_298 : i32
      %add3A_300 = arith.constant 4096 : i32
      %add3A_301 = arith.addi %add3A_300, %mul3A_299 : i32
      %add3A_302 = vector.broadcast %add3A_301 : i32 to vector<16xi32>
      %add3A_303 = arith.addi %add3A_302, %iota3A : vector<16xi32>
      %shift_left3A_304 = arith.constant 15 : i32
      %shift_left3A_305 = vector.broadcast %shift_left3A_304 : i32 to vector<16xi32>
      %shift_left3A_306 = arith.shli %add3A_303, %shift_left3A_305 : vector<16xi32>
      %sub3A_307 = vector.broadcast %mul3A_4 : i32 to vector<16xi32>
      %sub3A_308 = arith.subi %get3A_288, %sub3A_307 : vector<16xi32>
      %or3A_309 = arith.ori %shift_left3A_306, %sub3A_308 : vector<16xi32>
      %swap3A_310 = arith.index_cast %add3A_280 : i32 to index
      %swap3A_311 = tpu.vector_load %arg6[%swap3A_310] masked %and3A_293 {strides = array<i32>} : memref<16448xi32, #tpu.memory_space<vmem>>, vector<16xi32>, vector<16xi1>
      tpu.vector_store %arg6[%swap3A_310], %or3A_309 masked %and3A_293 {strides = array<i32>} : memref<16448xi32, #tpu.memory_space<vmem>>, vector<16xi32>, vector<16xi1>
      %all_reduce_population_count3A_312 = tpu.all_reduce %and3A_293 {dim = 0 : i64, kind = #tpu.reduction_kind<sum>} : vector<16xi1> -> vector<16xi32>
      %reduce_max3A_313 = arith.constant true
      %reduce_max3A_314 = vector.broadcast %reduce_max3A_313 : i1 to vector<16xi1>
      %reduce_max3A_315 = arith.constant -2147483648 : i32
      %reduce_max3A_316 = vector.broadcast %reduce_max3A_315 : i32 to vector<16xi32>
      %reduce_max3A_317 = arith.xori %all_reduce_population_count3A_312, %reduce_max3A_316 : vector<16xi32>
      %reduce_max3A_318 = tpu.scan <max>, %reduce_max3A_317 masked %reduce_max3A_314 : vector<16xi32>, vector<16xi1> -> vector<16xi32>
      %reduce_max3A_319 = arith.xori %reduce_max3A_318, %reduce_max3A_316 : vector<16xi32>
      %reduce_max3A_320 = vector.extract %reduce_max3A_319[15] : i32 from vector<16xi32>
      %add3A_321 = arith.addi %add3A_280, %reduce_max3A_320 : i32
      %mul3A_322 = arith.constant 4 : i32
      %mul3A_323 = arith.muli %scan3A_202, %mul3A_322 : i32
      %add3A_324 = arith.constant 3 : i32
      %add3A_325 = arith.addi %mul3A_323, %add3A_324 : i32
      %mul3A_326 = arith.constant 16 : i32
      %mul3A_327 = arith.muli %add3A_325, %mul3A_326 : i32
      %get3A_328 = arith.index_cast %mul3A_327 : i32 to index
      %get3A_329 = tpu.vector_load %arg5[%get3A_328] {strides = array<i32>} : memref<4096xi32, #tpu.memory_space<vmem>>, vector<16xi32>,
      %ge3A_330 = vector.broadcast %mul3A_4 : i32 to vector<16xi32>
      %ge3A_331 = arith.cmpi sge, %get3A_329, %ge3A_330 : vector<16xi32>
      %lt3A_332 = vector.broadcast %min3A_9 : i32 to vector<16xi32>
      %lt3A_333 = arith.cmpi slt, %get3A_329, %lt3A_332 : vector<16xi32>
      %and3A_334 = arith.andi %ge3A_331, %lt3A_333 : vector<16xi1>
      %mul3A_335 = arith.constant 4 : i32
      %mul3A_336 = arith.muli %scan3A_202, %mul3A_335 : i32
      %add3A_337 = arith.constant 3 : i32
      %add3A_338 = arith.addi %mul3A_336, %add3A_337 : i32
      %mul3A_339 = arith.constant 16 : i32
      %mul3A_340 = arith.muli %add3A_338, %mul3A_339 : i32
      %add3A_341 = arith.constant 4096 : i32
      %add3A_342 = arith.addi %add3A_341, %mul3A_340 : i32
      %add3A_343 = vector.broadcast %add3A_342 : i32 to vector<16xi32>
      %add3A_344 = arith.addi %add3A_343, %iota3A : vector<16xi32>
      %shift_left3A_345 = arith.constant 15 : i32
      %shift_left3A_346 = vector.broadcast %shift_left3A_345 : i32 to vector<16xi32>
      %shift_left3A_347 = arith.shli %add3A_344, %shift_left3A_346 : vector<16xi32>
      %sub3A_348 = vector.broadcast %mul3A_4 : i32 to vector<16xi32>
      %sub3A_349 = arith.subi %get3A_329, %sub3A_348 : vector<16xi32>
      %or3A_350 = arith.ori %shift_left3A_347, %sub3A_349 : vector<16xi32>
      %swap3A_351 = arith.index_cast %add3A_321 : i32 to index
      %swap3A_352 = tpu.vector_load %arg6[%swap3A_351] masked %and3A_334 {strides = array<i32>} : memref<16448xi32, #tpu.memory_space<vmem>>, vector<16xi32>, vector<16xi1>
      tpu.vector_store %arg6[%swap3A_351], %or3A_350 masked %and3A_334 {strides = array<i32>} : memref<16448xi32, #tpu.memory_space<vmem>>, vector<16xi32>, vector<16xi1>
      %all_reduce_population_count3A_353 = tpu.all_reduce %and3A_334 {dim = 0 : i64, kind = #tpu.reduction_kind<sum>} : vector<16xi1> -> vector<16xi32>
      %reduce_max3A_354 = arith.constant true
      %reduce_max3A_355 = vector.broadcast %reduce_max3A_354 : i1 to vector<16xi1>
      %reduce_max3A_356 = arith.constant -2147483648 : i32
      %reduce_max3A_357 = vector.broadcast %reduce_max3A_356 : i32 to vector<16xi32>
      %reduce_max3A_358 = arith.xori %all_reduce_population_count3A_353, %reduce_max3A_357 : vector<16xi32>
      %reduce_max3A_359 = tpu.scan <max>, %reduce_max3A_358 masked %reduce_max3A_355 : vector<16xi32>, vector<16xi1> -> vector<16xi32>
      %reduce_max3A_360 = arith.xori %reduce_max3A_359, %reduce_max3A_357 : vector<16xi32>
      %reduce_max3A_361 = vector.extract %reduce_max3A_360[15] : i32 from vector<16xi32>
      %add3A_362 = arith.addi %add3A_321, %reduce_max3A_361 : i32
      scf.yield %add3A_362 : i32
    }
    %scan3A_21 = arith.constant 64 : i32
    "tpu.region"() ({
      %run_scoped3A = tpu.sem_alloc : memref<!tpu.dma_semaphore, #tpu.memory_space<semaphore_mem>>
      %dma_start3A_202 = arith.constant 8192 : i32
      %dma_start3A_203 = tpu.memref_slice %arg2[%dma_start3A_202] : memref<16384xi32, #tpu.memory_space<hbm>> -> memref<4096xi32, #tpu.memory_space<hbm>>
      %dma_start3A_204 = arith.constant 8192 : i32
      %dma_start3A_205 = tpu.memref_slice %arg2[%dma_start3A_204] : memref<16384xi32, #tpu.memory_space<hbm>> -> memref<4096xi32, #tpu.memory_space<hbm>>
      tpu.enqueue_dma source(%dma_start3A_205 : memref<4096xi32, #tpu.memory_space<hbm>>) target(%arg5 : memref<4096xi32, #tpu.memory_space<vmem>>) target_semaphore(%run_scoped3A : memref<!tpu.dma_semaphore, #tpu.memory_space<semaphore_mem>>)
      %dma_wait3A_206 = arith.constant 8192 : i32
      %dma_wait3A_207 = tpu.memref_slice %arg2[%dma_wait3A_206] : memref<16384xi32, #tpu.memory_space<hbm>> -> memref<4096xi32, #tpu.memory_space<hbm>>
      %dma_wait3A_208 = arith.constant 8192 : i32
      %dma_wait3A_209 = tpu.memref_slice %arg2[%dma_wait3A_208] : memref<16384xi32, #tpu.memory_space<hbm>> -> memref<4096xi32, #tpu.memory_space<hbm>>
      tpu.wait_dma2 semaphore(%run_scoped3A : memref<!tpu.dma_semaphore, #tpu.memory_space<semaphore_mem>>) src(%dma_wait3A_209 : memref<4096xi32, #tpu.memory_space<hbm>>) dst(%arg5 : memref<4096xi32, #tpu.memory_space<vmem>>)
      tpu.yield
    }) : () -> ()
    %scan3A_22 = arith.constant 0 : i32
    %scan3A_23 = arith.constant 64 : i32
    %scan3A_24 = arith.addi %scan3A_22, %scan3A_23 : i32
    %scan3A_25 = arith.constant 1 : i32
    %scan3A_26 = scf.for %scan3A_202 = %scan3A_22 to %scan3A_24 step %scan3A_25 iter_args(%scan3A_203 = %scan3A_20) -> (i32)  : i32 {
      %mul3A_204 = arith.constant 4 : i32
      %mul3A_205 = arith.muli %scan3A_202, %mul3A_204 : i32
      %add3A_206 = arith.constant 0 : i32
      %add3A_207 = arith.addi %mul3A_205, %add3A_206 : i32
      %mul3A_208 = arith.constant 16 : i32
      %mul3A_209 = arith.muli %add3A_207, %mul3A_208 : i32
      %get3A = arith.index_cast %mul3A_209 : i32 to index
      %get3A_210 = tpu.vector_load %arg5[%get3A] {strides = array<i32>} : memref<4096xi32, #tpu.memory_space<vmem>>, vector<16xi32>,
      %ge3A = vector.broadcast %mul3A_4 : i32 to vector<16xi32>
      %ge3A_211 = arith.cmpi sge, %get3A_210, %ge3A : vector<16xi32>
      %lt3A = vector.broadcast %min3A_9 : i32 to vector<16xi32>
      %lt3A_212 = arith.cmpi slt, %get3A_210, %lt3A : vector<16xi32>
      %and3A_213 = arith.andi %ge3A_211, %lt3A_212 : vector<16xi1>
      %mul3A_214 = arith.constant 4 : i32
      %mul3A_215 = arith.muli %scan3A_202, %mul3A_214 : i32
      %add3A_216 = arith.constant 0 : i32
      %add3A_217 = arith.addi %mul3A_215, %add3A_216 : i32
      %mul3A_218 = arith.constant 16 : i32
      %mul3A_219 = arith.muli %add3A_217, %mul3A_218 : i32
      %add3A_220 = arith.constant 8192 : i32
      %add3A_221 = arith.addi %add3A_220, %mul3A_219 : i32
      %add3A_222 = vector.broadcast %add3A_221 : i32 to vector<16xi32>
      %add3A_223 = arith.addi %add3A_222, %iota3A : vector<16xi32>
      %shift_left3A_224 = arith.constant 15 : i32
      %shift_left3A_225 = vector.broadcast %shift_left3A_224 : i32 to vector<16xi32>
      %shift_left3A_226 = arith.shli %add3A_223, %shift_left3A_225 : vector<16xi32>
      %sub3A_227 = vector.broadcast %mul3A_4 : i32 to vector<16xi32>
      %sub3A_228 = arith.subi %get3A_210, %sub3A_227 : vector<16xi32>
      %or3A_229 = arith.ori %shift_left3A_226, %sub3A_228 : vector<16xi32>
      %swap3A_230 = arith.index_cast %scan3A_203 : i32 to index
      %swap3A_231 = tpu.vector_load %arg6[%swap3A_230] masked %and3A_213 {strides = array<i32>} : memref<16448xi32, #tpu.memory_space<vmem>>, vector<16xi32>, vector<16xi1>
      tpu.vector_store %arg6[%swap3A_230], %or3A_229 masked %and3A_213 {strides = array<i32>} : memref<16448xi32, #tpu.memory_space<vmem>>, vector<16xi32>, vector<16xi1>
      %all_reduce_population_count3A = tpu.all_reduce %and3A_213 {dim = 0 : i64, kind = #tpu.reduction_kind<sum>} : vector<16xi1> -> vector<16xi32>
      %reduce_max3A = arith.constant true
      %reduce_max3A_232 = vector.broadcast %reduce_max3A : i1 to vector<16xi1>
      %reduce_max3A_233 = arith.constant -2147483648 : i32
      %reduce_max3A_234 = vector.broadcast %reduce_max3A_233 : i32 to vector<16xi32>
      %reduce_max3A_235 = arith.xori %all_reduce_population_count3A, %reduce_max3A_234 : vector<16xi32>
      %reduce_max3A_236 = tpu.scan <max>, %reduce_max3A_235 masked %reduce_max3A_232 : vector<16xi32>, vector<16xi1> -> vector<16xi32>
      %reduce_max3A_237 = arith.xori %reduce_max3A_236, %reduce_max3A_234 : vector<16xi32>
      %reduce_max3A_238 = vector.extract %reduce_max3A_237[15] : i32 from vector<16xi32>
      %add3A_239 = arith.addi %scan3A_203, %reduce_max3A_238 : i32
      %mul3A_240 = arith.constant 4 : i32
      %mul3A_241 = arith.muli %scan3A_202, %mul3A_240 : i32
      %add3A_242 = arith.constant 1 : i32
      %add3A_243 = arith.addi %mul3A_241, %add3A_242 : i32
      %mul3A_244 = arith.constant 16 : i32
      %mul3A_245 = arith.muli %add3A_243, %mul3A_244 : i32
      %get3A_246 = arith.index_cast %mul3A_245 : i32 to index
      %get3A_247 = tpu.vector_load %arg5[%get3A_246] {strides = array<i32>} : memref<4096xi32, #tpu.memory_space<vmem>>, vector<16xi32>,
      %ge3A_248 = vector.broadcast %mul3A_4 : i32 to vector<16xi32>
      %ge3A_249 = arith.cmpi sge, %get3A_247, %ge3A_248 : vector<16xi32>
      %lt3A_250 = vector.broadcast %min3A_9 : i32 to vector<16xi32>
      %lt3A_251 = arith.cmpi slt, %get3A_247, %lt3A_250 : vector<16xi32>
      %and3A_252 = arith.andi %ge3A_249, %lt3A_251 : vector<16xi1>
      %mul3A_253 = arith.constant 4 : i32
      %mul3A_254 = arith.muli %scan3A_202, %mul3A_253 : i32
      %add3A_255 = arith.constant 1 : i32
      %add3A_256 = arith.addi %mul3A_254, %add3A_255 : i32
      %mul3A_257 = arith.constant 16 : i32
      %mul3A_258 = arith.muli %add3A_256, %mul3A_257 : i32
      %add3A_259 = arith.constant 8192 : i32
      %add3A_260 = arith.addi %add3A_259, %mul3A_258 : i32
      %add3A_261 = vector.broadcast %add3A_260 : i32 to vector<16xi32>
      %add3A_262 = arith.addi %add3A_261, %iota3A : vector<16xi32>
      %shift_left3A_263 = arith.constant 15 : i32
      %shift_left3A_264 = vector.broadcast %shift_left3A_263 : i32 to vector<16xi32>
      %shift_left3A_265 = arith.shli %add3A_262, %shift_left3A_264 : vector<16xi32>
      %sub3A_266 = vector.broadcast %mul3A_4 : i32 to vector<16xi32>
      %sub3A_267 = arith.subi %get3A_247, %sub3A_266 : vector<16xi32>
      %or3A_268 = arith.ori %shift_left3A_265, %sub3A_267 : vector<16xi32>
      %swap3A_269 = arith.index_cast %add3A_239 : i32 to index
      %swap3A_270 = tpu.vector_load %arg6[%swap3A_269] masked %and3A_252 {strides = array<i32>} : memref<16448xi32, #tpu.memory_space<vmem>>, vector<16xi32>, vector<16xi1>
      tpu.vector_store %arg6[%swap3A_269], %or3A_268 masked %and3A_252 {strides = array<i32>} : memref<16448xi32, #tpu.memory_space<vmem>>, vector<16xi32>, vector<16xi1>
      %all_reduce_population_count3A_271 = tpu.all_reduce %and3A_252 {dim = 0 : i64, kind = #tpu.reduction_kind<sum>} : vector<16xi1> -> vector<16xi32>
      %reduce_max3A_272 = arith.constant true
      %reduce_max3A_273 = vector.broadcast %reduce_max3A_272 : i1 to vector<16xi1>
      %reduce_max3A_274 = arith.constant -2147483648 : i32
      %reduce_max3A_275 = vector.broadcast %reduce_max3A_274 : i32 to vector<16xi32>
      %reduce_max3A_276 = arith.xori %all_reduce_population_count3A_271, %reduce_max3A_275 : vector<16xi32>
      %reduce_max3A_277 = tpu.scan <max>, %reduce_max3A_276 masked %reduce_max3A_273 : vector<16xi32>, vector<16xi1> -> vector<16xi32>
      %reduce_max3A_278 = arith.xori %reduce_max3A_277, %reduce_max3A_275 : vector<16xi32>
      %reduce_max3A_279 = vector.extract %reduce_max3A_278[15] : i32 from vector<16xi32>
      %add3A_280 = arith.addi %add3A_239, %reduce_max3A_279 : i32
      %mul3A_281 = arith.constant 4 : i32
      %mul3A_282 = arith.muli %scan3A_202, %mul3A_281 : i32
      %add3A_283 = arith.constant 2 : i32
      %add3A_284 = arith.addi %mul3A_282, %add3A_283 : i32
      %mul3A_285 = arith.constant 16 : i32
      %mul3A_286 = arith.muli %add3A_284, %mul3A_285 : i32
      %get3A_287 = arith.index_cast %mul3A_286 : i32 to index
      %get3A_288 = tpu.vector_load %arg5[%get3A_287] {strides = array<i32>} : memref<4096xi32, #tpu.memory_space<vmem>>, vector<16xi32>,
      %ge3A_289 = vector.broadcast %mul3A_4 : i32 to vector<16xi32>
      %ge3A_290 = arith.cmpi sge, %get3A_288, %ge3A_289 : vector<16xi32>
      %lt3A_291 = vector.broadcast %min3A_9 : i32 to vector<16xi32>
      %lt3A_292 = arith.cmpi slt, %get3A_288, %lt3A_291 : vector<16xi32>
      %and3A_293 = arith.andi %ge3A_290, %lt3A_292 : vector<16xi1>
      %mul3A_294 = arith.constant 4 : i32
      %mul3A_295 = arith.muli %scan3A_202, %mul3A_294 : i32
      %add3A_296 = arith.constant 2 : i32
      %add3A_297 = arith.addi %mul3A_295, %add3A_296 : i32
      %mul3A_298 = arith.constant 16 : i32
      %mul3A_299 = arith.muli %add3A_297, %mul3A_298 : i32
      %add3A_300 = arith.constant 8192 : i32
      %add3A_301 = arith.addi %add3A_300, %mul3A_299 : i32
      %add3A_302 = vector.broadcast %add3A_301 : i32 to vector<16xi32>
      %add3A_303 = arith.addi %add3A_302, %iota3A : vector<16xi32>
      %shift_left3A_304 = arith.constant 15 : i32
      %shift_left3A_305 = vector.broadcast %shift_left3A_304 : i32 to vector<16xi32>
      %shift_left3A_306 = arith.shli %add3A_303, %shift_left3A_305 : vector<16xi32>
      %sub3A_307 = vector.broadcast %mul3A_4 : i32 to vector<16xi32>
      %sub3A_308 = arith.subi %get3A_288, %sub3A_307 : vector<16xi32>
      %or3A_309 = arith.ori %shift_left3A_306, %sub3A_308 : vector<16xi32>
      %swap3A_310 = arith.index_cast %add3A_280 : i32 to index
      %swap3A_311 = tpu.vector_load %arg6[%swap3A_310] masked %and3A_293 {strides = array<i32>} : memref<16448xi32, #tpu.memory_space<vmem>>, vector<16xi32>, vector<16xi1>
      tpu.vector_store %arg6[%swap3A_310], %or3A_309 masked %and3A_293 {strides = array<i32>} : memref<16448xi32, #tpu.memory_space<vmem>>, vector<16xi32>, vector<16xi1>
      %all_reduce_population_count3A_312 = tpu.all_reduce %and3A_293 {dim = 0 : i64, kind = #tpu.reduction_kind<sum>} : vector<16xi1> -> vector<16xi32>
      %reduce_max3A_313 = arith.constant true
      %reduce_max3A_314 = vector.broadcast %reduce_max3A_313 : i1 to vector<16xi1>
      %reduce_max3A_315 = arith.constant -2147483648 : i32
      %reduce_max3A_316 = vector.broadcast %reduce_max3A_315 : i32 to vector<16xi32>
      %reduce_max3A_317 = arith.xori %all_reduce_population_count3A_312, %reduce_max3A_316 : vector<16xi32>
      %reduce_max3A_318 = tpu.scan <max>, %reduce_max3A_317 masked %reduce_max3A_314 : vector<16xi32>, vector<16xi1> -> vector<16xi32>
      %reduce_max3A_319 = arith.xori %reduce_max3A_318, %reduce_max3A_316 : vector<16xi32>
      %reduce_max3A_320 = vector.extract %reduce_max3A_319[15] : i32 from vector<16xi32>
      %add3A_321 = arith.addi %add3A_280, %reduce_max3A_320 : i32
      %mul3A_322 = arith.constant 4 : i32
      %mul3A_323 = arith.muli %scan3A_202, %mul3A_322 : i32
      %add3A_324 = arith.constant 3 : i32
      %add3A_325 = arith.addi %mul3A_323, %add3A_324 : i32
      %mul3A_326 = arith.constant 16 : i32
      %mul3A_327 = arith.muli %add3A_325, %mul3A_326 : i32
      %get3A_328 = arith.index_cast %mul3A_327 : i32 to index
      %get3A_329 = tpu.vector_load %arg5[%get3A_328] {strides = array<i32>} : memref<4096xi32, #tpu.memory_space<vmem>>, vector<16xi32>,
      %ge3A_330 = vector.broadcast %mul3A_4 : i32 to vector<16xi32>
      %ge3A_331 = arith.cmpi sge, %get3A_329, %ge3A_330 : vector<16xi32>
      %lt3A_332 = vector.broadcast %min3A_9 : i32 to vector<16xi32>
      %lt3A_333 = arith.cmpi slt, %get3A_329, %lt3A_332 : vector<16xi32>
      %and3A_334 = arith.andi %ge3A_331, %lt3A_333 : vector<16xi1>
      %mul3A_335 = arith.constant 4 : i32
      %mul3A_336 = arith.muli %scan3A_202, %mul3A_335 : i32
      %add3A_337 = arith.constant 3 : i32
      %add3A_338 = arith.addi %mul3A_336, %add3A_337 : i32
      %mul3A_339 = arith.constant 16 : i32
      %mul3A_340 = arith.muli %add3A_338, %mul3A_339 : i32
      %add3A_341 = arith.constant 8192 : i32
      %add3A_342 = arith.addi %add3A_341, %mul3A_340 : i32
      %add3A_343 = vector.broadcast %add3A_342 : i32 to vector<16xi32>
      %add3A_344 = arith.addi %add3A_343, %iota3A : vector<16xi32>
      %shift_left3A_345 = arith.constant 15 : i32
      %shift_left3A_346 = vector.broadcast %shift_left3A_345 : i32 to vector<16xi32>
      %shift_left3A_347 = arith.shli %add3A_344, %shift_left3A_346 : vector<16xi32>
      %sub3A_348 = vector.broadcast %mul3A_4 : i32 to vector<16xi32>
      %sub3A_349 = arith.subi %get3A_329, %sub3A_348 : vector<16xi32>
      %or3A_350 = arith.ori %shift_left3A_347, %sub3A_349 : vector<16xi32>
      %swap3A_351 = arith.index_cast %add3A_321 : i32 to index
      %swap3A_352 = tpu.vector_load %arg6[%swap3A_351] masked %and3A_334 {strides = array<i32>} : memref<16448xi32, #tpu.memory_space<vmem>>, vector<16xi32>, vector<16xi1>
      tpu.vector_store %arg6[%swap3A_351], %or3A_350 masked %and3A_334 {strides = array<i32>} : memref<16448xi32, #tpu.memory_space<vmem>>, vector<16xi32>, vector<16xi1>
      %all_reduce_population_count3A_353 = tpu.all_reduce %and3A_334 {dim = 0 : i64, kind = #tpu.reduction_kind<sum>} : vector<16xi1> -> vector<16xi32>
      %reduce_max3A_354 = arith.constant true
      %reduce_max3A_355 = vector.broadcast %reduce_max3A_354 : i1 to vector<16xi1>
      %reduce_max3A_356 = arith.constant -2147483648 : i32
      %reduce_max3A_357 = vector.broadcast %reduce_max3A_356 : i32 to vector<16xi32>
      %reduce_max3A_358 = arith.xori %all_reduce_population_count3A_353, %reduce_max3A_357 : vector<16xi32>
      %reduce_max3A_359 = tpu.scan <max>, %reduce_max3A_358 masked %reduce_max3A_355 : vector<16xi32>, vector<16xi1> -> vector<16xi32>
      %reduce_max3A_360 = arith.xori %reduce_max3A_359, %reduce_max3A_357 : vector<16xi32>
      %reduce_max3A_361 = vector.extract %reduce_max3A_360[15] : i32 from vector<16xi32>
      %add3A_362 = arith.addi %add3A_321, %reduce_max3A_361 : i32
      scf.yield %add3A_362 : i32
    }
    %scan3A_27 = arith.constant 64 : i32
    "tpu.region"() ({
      %run_scoped3A = tpu.sem_alloc : memref<!tpu.dma_semaphore, #tpu.memory_space<semaphore_mem>>
      %dma_start3A_202 = arith.constant 12288 : i32
      %dma_start3A_203 = tpu.memref_slice %arg2[%dma_start3A_202] : memref<16384xi32, #tpu.memory_space<hbm>> -> memref<4096xi32, #tpu.memory_space<hbm>>
      %dma_start3A_204 = arith.constant 12288 : i32
      %dma_start3A_205 = tpu.memref_slice %arg2[%dma_start3A_204] : memref<16384xi32, #tpu.memory_space<hbm>> -> memref<4096xi32, #tpu.memory_space<hbm>>
      tpu.enqueue_dma source(%dma_start3A_205 : memref<4096xi32, #tpu.memory_space<hbm>>) target(%arg5 : memref<4096xi32, #tpu.memory_space<vmem>>) target_semaphore(%run_scoped3A : memref<!tpu.dma_semaphore, #tpu.memory_space<semaphore_mem>>)
      %dma_wait3A_206 = arith.constant 12288 : i32
      %dma_wait3A_207 = tpu.memref_slice %arg2[%dma_wait3A_206] : memref<16384xi32, #tpu.memory_space<hbm>> -> memref<4096xi32, #tpu.memory_space<hbm>>
      %dma_wait3A_208 = arith.constant 12288 : i32
      %dma_wait3A_209 = tpu.memref_slice %arg2[%dma_wait3A_208] : memref<16384xi32, #tpu.memory_space<hbm>> -> memref<4096xi32, #tpu.memory_space<hbm>>
      tpu.wait_dma2 semaphore(%run_scoped3A : memref<!tpu.dma_semaphore, #tpu.memory_space<semaphore_mem>>) src(%dma_wait3A_209 : memref<4096xi32, #tpu.memory_space<hbm>>) dst(%arg5 : memref<4096xi32, #tpu.memory_space<vmem>>)
      tpu.yield
    }) : () -> ()
    %scan3A_28 = arith.constant 0 : i32
    %scan3A_29 = arith.constant 64 : i32
    %scan3A_30 = arith.addi %scan3A_28, %scan3A_29 : i32
    %scan3A_31 = arith.constant 1 : i32
    %scan3A_32 = scf.for %scan3A_202 = %scan3A_28 to %scan3A_30 step %scan3A_31 iter_args(%scan3A_203 = %scan3A_26) -> (i32)  : i32 {
      %mul3A_204 = arith.constant 4 : i32
      %mul3A_205 = arith.muli %scan3A_202, %mul3A_204 : i32
      %add3A_206 = arith.constant 0 : i32
      %add3A_207 = arith.addi %mul3A_205, %add3A_206 : i32
      %mul3A_208 = arith.constant 16 : i32
      %mul3A_209 = arith.muli %add3A_207, %mul3A_208 : i32
      %get3A = arith.index_cast %mul3A_209 : i32 to index
      %get3A_210 = tpu.vector_load %arg5[%get3A] {strides = array<i32>} : memref<4096xi32, #tpu.memory_space<vmem>>, vector<16xi32>,
      %ge3A = vector.broadcast %mul3A_4 : i32 to vector<16xi32>
      %ge3A_211 = arith.cmpi sge, %get3A_210, %ge3A : vector<16xi32>
      %lt3A = vector.broadcast %min3A_9 : i32 to vector<16xi32>
      %lt3A_212 = arith.cmpi slt, %get3A_210, %lt3A : vector<16xi32>
      %and3A_213 = arith.andi %ge3A_211, %lt3A_212 : vector<16xi1>
      %mul3A_214 = arith.constant 4 : i32
      %mul3A_215 = arith.muli %scan3A_202, %mul3A_214 : i32
      %add3A_216 = arith.constant 0 : i32
      %add3A_217 = arith.addi %mul3A_215, %add3A_216 : i32
      %mul3A_218 = arith.constant 16 : i32
      %mul3A_219 = arith.muli %add3A_217, %mul3A_218 : i32
      %add3A_220 = arith.constant 12288 : i32
      %add3A_221 = arith.addi %add3A_220, %mul3A_219 : i32
      %add3A_222 = vector.broadcast %add3A_221 : i32 to vector<16xi32>
      %add3A_223 = arith.addi %add3A_222, %iota3A : vector<16xi32>
      %shift_left3A_224 = arith.constant 15 : i32
      %shift_left3A_225 = vector.broadcast %shift_left3A_224 : i32 to vector<16xi32>
      %shift_left3A_226 = arith.shli %add3A_223, %shift_left3A_225 : vector<16xi32>
      %sub3A_227 = vector.broadcast %mul3A_4 : i32 to vector<16xi32>
      %sub3A_228 = arith.subi %get3A_210, %sub3A_227 : vector<16xi32>
      %or3A_229 = arith.ori %shift_left3A_226, %sub3A_228 : vector<16xi32>
      %swap3A_230 = arith.index_cast %scan3A_203 : i32 to index
      %swap3A_231 = tpu.vector_load %arg6[%swap3A_230] masked %and3A_213 {strides = array<i32>} : memref<16448xi32, #tpu.memory_space<vmem>>, vector<16xi32>, vector<16xi1>
      tpu.vector_store %arg6[%swap3A_230], %or3A_229 masked %and3A_213 {strides = array<i32>} : memref<16448xi32, #tpu.memory_space<vmem>>, vector<16xi32>, vector<16xi1>
      %all_reduce_population_count3A = tpu.all_reduce %and3A_213 {dim = 0 : i64, kind = #tpu.reduction_kind<sum>} : vector<16xi1> -> vector<16xi32>
      %reduce_max3A = arith.constant true
      %reduce_max3A_232 = vector.broadcast %reduce_max3A : i1 to vector<16xi1>
      %reduce_max3A_233 = arith.constant -2147483648 : i32
      %reduce_max3A_234 = vector.broadcast %reduce_max3A_233 : i32 to vector<16xi32>
      %reduce_max3A_235 = arith.xori %all_reduce_population_count3A, %reduce_max3A_234 : vector<16xi32>
      %reduce_max3A_236 = tpu.scan <max>, %reduce_max3A_235 masked %reduce_max3A_232 : vector<16xi32>, vector<16xi1> -> vector<16xi32>
      %reduce_max3A_237 = arith.xori %reduce_max3A_236, %reduce_max3A_234 : vector<16xi32>
      %reduce_max3A_238 = vector.extract %reduce_max3A_237[15] : i32 from vector<16xi32>
      %add3A_239 = arith.addi %scan3A_203, %reduce_max3A_238 : i32
      %mul3A_240 = arith.constant 4 : i32
      %mul3A_241 = arith.muli %scan3A_202, %mul3A_240 : i32
      %add3A_242 = arith.constant 1 : i32
      %add3A_243 = arith.addi %mul3A_241, %add3A_242 : i32
      %mul3A_244 = arith.constant 16 : i32
      %mul3A_245 = arith.muli %add3A_243, %mul3A_244 : i32
      %get3A_246 = arith.index_cast %mul3A_245 : i32 to index
      %get3A_247 = tpu.vector_load %arg5[%get3A_246] {strides = array<i32>} : memref<4096xi32, #tpu.memory_space<vmem>>, vector<16xi32>,
      %ge3A_248 = vector.broadcast %mul3A_4 : i32 to vector<16xi32>
      %ge3A_249 = arith.cmpi sge, %get3A_247, %ge3A_248 : vector<16xi32>
      %lt3A_250 = vector.broadcast %min3A_9 : i32 to vector<16xi32>
      %lt3A_251 = arith.cmpi slt, %get3A_247, %lt3A_250 : vector<16xi32>
      %and3A_252 = arith.andi %ge3A_249, %lt3A_251 : vector<16xi1>
      %mul3A_253 = arith.constant 4 : i32
      %mul3A_254 = arith.muli %scan3A_202, %mul3A_253 : i32
      %add3A_255 = arith.constant 1 : i32
      %add3A_256 = arith.addi %mul3A_254, %add3A_255 : i32
      %mul3A_257 = arith.constant 16 : i32
      %mul3A_258 = arith.muli %add3A_256, %mul3A_257 : i32
      %add3A_259 = arith.constant 12288 : i32
      %add3A_260 = arith.addi %add3A_259, %mul3A_258 : i32
      %add3A_261 = vector.broadcast %add3A_260 : i32 to vector<16xi32>
      %add3A_262 = arith.addi %add3A_261, %iota3A : vector<16xi32>
      %shift_left3A_263 = arith.constant 15 : i32
      %shift_left3A_264 = vector.broadcast %shift_left3A_263 : i32 to vector<16xi32>
      %shift_left3A_265 = arith.shli %add3A_262, %shift_left3A_264 : vector<16xi32>
      %sub3A_266 = vector.broadcast %mul3A_4 : i32 to vector<16xi32>
      %sub3A_267 = arith.subi %get3A_247, %sub3A_266 : vector<16xi32>
      %or3A_268 = arith.ori %shift_left3A_265, %sub3A_267 : vector<16xi32>
      %swap3A_269 = arith.index_cast %add3A_239 : i32 to index
      %swap3A_270 = tpu.vector_load %arg6[%swap3A_269] masked %and3A_252 {strides = array<i32>} : memref<16448xi32, #tpu.memory_space<vmem>>, vector<16xi32>, vector<16xi1>
      tpu.vector_store %arg6[%swap3A_269], %or3A_268 masked %and3A_252 {strides = array<i32>} : memref<16448xi32, #tpu.memory_space<vmem>>, vector<16xi32>, vector<16xi1>
      %all_reduce_population_count3A_271 = tpu.all_reduce %and3A_252 {dim = 0 : i64, kind = #tpu.reduction_kind<sum>} : vector<16xi1> -> vector<16xi32>
      %reduce_max3A_272 = arith.constant true
      %reduce_max3A_273 = vector.broadcast %reduce_max3A_272 : i1 to vector<16xi1>
      %reduce_max3A_274 = arith.constant -2147483648 : i32
      %reduce_max3A_275 = vector.broadcast %reduce_max3A_274 : i32 to vector<16xi32>
      %reduce_max3A_276 = arith.xori %all_reduce_population_count3A_271, %reduce_max3A_275 : vector<16xi32>
      %reduce_max3A_277 = tpu.scan <max>, %reduce_max3A_276 masked %reduce_max3A_273 : vector<16xi32>, vector<16xi1> -> vector<16xi32>
      %reduce_max3A_278 = arith.xori %reduce_max3A_277, %reduce_max3A_275 : vector<16xi32>
      %reduce_max3A_279 = vector.extract %reduce_max3A_278[15] : i32 from vector<16xi32>
      %add3A_280 = arith.addi %add3A_239, %reduce_max3A_279 : i32
      %mul3A_281 = arith.constant 4 : i32
      %mul3A_282 = arith.muli %scan3A_202, %mul3A_281 : i32
      %add3A_283 = arith.constant 2 : i32
      %add3A_284 = arith.addi %mul3A_282, %add3A_283 : i32
      %mul3A_285 = arith.constant 16 : i32
      %mul3A_286 = arith.muli %add3A_284, %mul3A_285 : i32
      %get3A_287 = arith.index_cast %mul3A_286 : i32 to index
      %get3A_288 = tpu.vector_load %arg5[%get3A_287] {strides = array<i32>} : memref<4096xi32, #tpu.memory_space<vmem>>, vector<16xi32>,
      %ge3A_289 = vector.broadcast %mul3A_4 : i32 to vector<16xi32>
      %ge3A_290 = arith.cmpi sge, %get3A_288, %ge3A_289 : vector<16xi32>
      %lt3A_291 = vector.broadcast %min3A_9 : i32 to vector<16xi32>
      %lt3A_292 = arith.cmpi slt, %get3A_288, %lt3A_291 : vector<16xi32>
      %and3A_293 = arith.andi %ge3A_290, %lt3A_292 : vector<16xi1>
      %mul3A_294 = arith.constant 4 : i32
      %mul3A_295 = arith.muli %scan3A_202, %mul3A_294 : i32
      %add3A_296 = arith.constant 2 : i32
      %add3A_297 = arith.addi %mul3A_295, %add3A_296 : i32
      %mul3A_298 = arith.constant 16 : i32
      %mul3A_299 = arith.muli %add3A_297, %mul3A_298 : i32
      %add3A_300 = arith.constant 12288 : i32
      %add3A_301 = arith.addi %add3A_300, %mul3A_299 : i32
      %add3A_302 = vector.broadcast %add3A_301 : i32 to vector<16xi32>
      %add3A_303 = arith.addi %add3A_302, %iota3A : vector<16xi32>
      %shift_left3A_304 = arith.constant 15 : i32
      %shift_left3A_305 = vector.broadcast %shift_left3A_304 : i32 to vector<16xi32>
      %shift_left3A_306 = arith.shli %add3A_303, %shift_left3A_305 : vector<16xi32>
      %sub3A_307 = vector.broadcast %mul3A_4 : i32 to vector<16xi32>
      %sub3A_308 = arith.subi %get3A_288, %sub3A_307 : vector<16xi32>
      %or3A_309 = arith.ori %shift_left3A_306, %sub3A_308 : vector<16xi32>
      %swap3A_310 = arith.index_cast %add3A_280 : i32 to index
      %swap3A_311 = tpu.vector_load %arg6[%swap3A_310] masked %and3A_293 {strides = array<i32>} : memref<16448xi32, #tpu.memory_space<vmem>>, vector<16xi32>, vector<16xi1>
      tpu.vector_store %arg6[%swap3A_310], %or3A_309 masked %and3A_293 {strides = array<i32>} : memref<16448xi32, #tpu.memory_space<vmem>>, vector<16xi32>, vector<16xi1>
      %all_reduce_population_count3A_312 = tpu.all_reduce %and3A_293 {dim = 0 : i64, kind = #tpu.reduction_kind<sum>} : vector<16xi1> -> vector<16xi32>
      %reduce_max3A_313 = arith.constant true
      %reduce_max3A_314 = vector.broadcast %reduce_max3A_313 : i1 to vector<16xi1>
      %reduce_max3A_315 = arith.constant -2147483648 : i32
      %reduce_max3A_316 = vector.broadcast %reduce_max3A_315 : i32 to vector<16xi32>
      %reduce_max3A_317 = arith.xori %all_reduce_population_count3A_312, %reduce_max3A_316 : vector<16xi32>
      %reduce_max3A_318 = tpu.scan <max>, %reduce_max3A_317 masked %reduce_max3A_314 : vector<16xi32>, vector<16xi1> -> vector<16xi32>
      %reduce_max3A_319 = arith.xori %reduce_max3A_318, %reduce_max3A_316 : vector<16xi32>
      %reduce_max3A_320 = vector.extract %reduce_max3A_319[15] : i32 from vector<16xi32>
      %add3A_321 = arith.addi %add3A_280, %reduce_max3A_320 : i32
      %mul3A_322 = arith.constant 4 : i32
      %mul3A_323 = arith.muli %scan3A_202, %mul3A_322 : i32
      %add3A_324 = arith.constant 3 : i32
      %add3A_325 = arith.addi %mul3A_323, %add3A_324 : i32
      %mul3A_326 = arith.constant 16 : i32
      %mul3A_327 = arith.muli %add3A_325, %mul3A_326 : i32
      %get3A_328 = arith.index_cast %mul3A_327 : i32 to index
      %get3A_329 = tpu.vector_load %arg5[%get3A_328] {strides = array<i32>} : memref<4096xi32, #tpu.memory_space<vmem>>, vector<16xi32>,
      %ge3A_330 = vector.broadcast %mul3A_4 : i32 to vector<16xi32>
      %ge3A_331 = arith.cmpi sge, %get3A_329, %ge3A_330 : vector<16xi32>
      %lt3A_332 = vector.broadcast %min3A_9 : i32 to vector<16xi32>
      %lt3A_333 = arith.cmpi slt, %get3A_329, %lt3A_332 : vector<16xi32>
      %and3A_334 = arith.andi %ge3A_331, %lt3A_333 : vector<16xi1>
      %mul3A_335 = arith.constant 4 : i32
      %mul3A_336 = arith.muli %scan3A_202, %mul3A_335 : i32
      %add3A_337 = arith.constant 3 : i32
      %add3A_338 = arith.addi %mul3A_336, %add3A_337 : i32
      %mul3A_339 = arith.constant 16 : i32
      %mul3A_340 = arith.muli %add3A_338, %mul3A_339 : i32
      %add3A_341 = arith.constant 12288 : i32
      %add3A_342 = arith.addi %add3A_341, %mul3A_340 : i32
      %add3A_343 = vector.broadcast %add3A_342 : i32 to vector<16xi32>
      %add3A_344 = arith.addi %add3A_343, %iota3A : vector<16xi32>
      %shift_left3A_345 = arith.constant 15 : i32
      %shift_left3A_346 = vector.broadcast %shift_left3A_345 : i32 to vector<16xi32>
      %shift_left3A_347 = arith.shli %add3A_344, %shift_left3A_346 : vector<16xi32>
      %sub3A_348 = vector.broadcast %mul3A_4 : i32 to vector<16xi32>
      %sub3A_349 = arith.subi %get3A_329, %sub3A_348 : vector<16xi32>
      %or3A_350 = arith.ori %shift_left3A_347, %sub3A_349 : vector<16xi32>
      %swap3A_351 = arith.index_cast %add3A_321 : i32 to index
      %swap3A_352 = tpu.vector_load %arg6[%swap3A_351] masked %and3A_334 {strides = array<i32>} : memref<16448xi32, #tpu.memory_space<vmem>>, vector<16xi32>, vector<16xi1>
      tpu.vector_store %arg6[%swap3A_351], %or3A_350 masked %and3A_334 {strides = array<i32>} : memref<16448xi32, #tpu.memory_space<vmem>>, vector<16xi32>, vector<16xi1>
      %all_reduce_population_count3A_353 = tpu.all_reduce %and3A_334 {dim = 0 : i64, kind = #tpu.reduction_kind<sum>} : vector<16xi1> -> vector<16xi32>
      %reduce_max3A_354 = arith.constant true
      %reduce_max3A_355 = vector.broadcast %reduce_max3A_354 : i1 to vector<16xi1>
      %reduce_max3A_356 = arith.constant -2147483648 : i32
      %reduce_max3A_357 = vector.broadcast %reduce_max3A_356 : i32 to vector<16xi32>
      %reduce_max3A_358 = arith.xori %all_reduce_population_count3A_353, %reduce_max3A_357 : vector<16xi32>
      %reduce_max3A_359 = tpu.scan <max>, %reduce_max3A_358 masked %reduce_max3A_355 : vector<16xi32>, vector<16xi1> -> vector<16xi32>
      %reduce_max3A_360 = arith.xori %reduce_max3A_359, %reduce_max3A_357 : vector<16xi32>
      %reduce_max3A_361 = vector.extract %reduce_max3A_360[15] : i32 from vector<16xi32>
      %add3A_362 = arith.addi %add3A_321, %reduce_max3A_361 : i32
      scf.yield %add3A_362 : i32
    }
    %scan3A_33 = arith.constant 64 : i32
    %add3A_34 = arith.constant 16384 : i32
    %add3A_35 = vector.broadcast %add3A_34 : i32 to vector<16xi32>
    %add3A_36 = arith.addi %add3A_35, %iota3A : vector<16xi32>
    %shift_left3A = arith.constant 15 : i32
    %shift_left3A_37 = vector.broadcast %shift_left3A : i32 to vector<16xi32>
    %shift_left3A_38 = arith.shli %add3A_36, %shift_left3A_37 : vector<16xi32>
    %or3A = arith.constant 32767 : i32
    %or3A_39 = vector.broadcast %or3A : i32 to vector<16xi32>
    %or3A_40 = arith.ori %shift_left3A_38, %or3A_39 : vector<16xi32>
    %add3A_41 = arith.constant 0 : i32
    %add3A_42 = arith.addi %scan3A_32, %add3A_41 : i32
    %swap3A = arith.index_cast %add3A_42 : i32 to index
    %swap3A_43 = tpu.vector_load %arg6[%swap3A] {strides = array<i32>} : memref<16448xi32, #tpu.memory_space<vmem>>, vector<16xi32>,
    tpu.vector_store %arg6[%swap3A], %or3A_40 {strides = array<i32>} : memref<16448xi32, #tpu.memory_space<vmem>>, vector<16xi32>,
    %add3A_44 = arith.constant 16384 : i32
    %add3A_45 = vector.broadcast %add3A_44 : i32 to vector<16xi32>
    %add3A_46 = arith.addi %add3A_45, %iota3A : vector<16xi32>
    %shift_left3A_47 = arith.constant 15 : i32
    %shift_left3A_48 = vector.broadcast %shift_left3A_47 : i32 to vector<16xi32>
    %shift_left3A_49 = arith.shli %add3A_46, %shift_left3A_48 : vector<16xi32>
    %or3A_50 = arith.constant 32767 : i32
    %or3A_51 = vector.broadcast %or3A_50 : i32 to vector<16xi32>
    %or3A_52 = arith.ori %shift_left3A_49, %or3A_51 : vector<16xi32>
    %add3A_53 = arith.constant 16 : i32
    %add3A_54 = arith.addi %scan3A_32, %add3A_53 : i32
    %swap3A_55 = arith.index_cast %add3A_54 : i32 to index
    %swap3A_56 = tpu.vector_load %arg6[%swap3A_55] {strides = array<i32>} : memref<16448xi32, #tpu.memory_space<vmem>>, vector<16xi32>,
    tpu.vector_store %arg6[%swap3A_55], %or3A_52 {strides = array<i32>} : memref<16448xi32, #tpu.memory_space<vmem>>, vector<16xi32>,
    %add3A_57 = arith.constant 16384 : i32
    %add3A_58 = vector.broadcast %add3A_57 : i32 to vector<16xi32>
    %add3A_59 = arith.addi %add3A_58, %iota3A : vector<16xi32>
    %shift_left3A_60 = arith.constant 15 : i32
    %shift_left3A_61 = vector.broadcast %shift_left3A_60 : i32 to vector<16xi32>
    %shift_left3A_62 = arith.shli %add3A_59, %shift_left3A_61 : vector<16xi32>
    %or3A_63 = arith.constant 32767 : i32
    %or3A_64 = vector.broadcast %or3A_63 : i32 to vector<16xi32>
    %or3A_65 = arith.ori %shift_left3A_62, %or3A_64 : vector<16xi32>
    %add3A_66 = arith.constant 32 : i32
    %add3A_67 = arith.addi %scan3A_32, %add3A_66 : i32
    %swap3A_68 = arith.index_cast %add3A_67 : i32 to index
    %swap3A_69 = tpu.vector_load %arg6[%swap3A_68] {strides = array<i32>} : memref<16448xi32, #tpu.memory_space<vmem>>, vector<16xi32>,
    tpu.vector_store %arg6[%swap3A_68], %or3A_65 {strides = array<i32>} : memref<16448xi32, #tpu.memory_space<vmem>>, vector<16xi32>,
    %add3A_70 = arith.constant 16384 : i32
    %add3A_71 = vector.broadcast %add3A_70 : i32 to vector<16xi32>
    %add3A_72 = arith.addi %add3A_71, %iota3A : vector<16xi32>
    %shift_left3A_73 = arith.constant 15 : i32
    %shift_left3A_74 = vector.broadcast %shift_left3A_73 : i32 to vector<16xi32>
    %shift_left3A_75 = arith.shli %add3A_72, %shift_left3A_74 : vector<16xi32>
    %or3A_76 = arith.constant 32767 : i32
    %or3A_77 = vector.broadcast %or3A_76 : i32 to vector<16xi32>
    %or3A_78 = arith.ori %shift_left3A_75, %or3A_77 : vector<16xi32>
    %add3A_79 = arith.constant 48 : i32
    %add3A_80 = arith.addi %scan3A_32, %add3A_79 : i32
    %swap3A_81 = arith.index_cast %add3A_80 : i32 to index
    %swap3A_82 = tpu.vector_load %arg6[%swap3A_81] {strides = array<i32>} : memref<16448xi32, #tpu.memory_space<vmem>>, vector<16xi32>,
    tpu.vector_store %arg6[%swap3A_81], %or3A_78 {strides = array<i32>} : memref<16448xi32, #tpu.memory_space<vmem>>, vector<16xi32>,
    %add3A_83 = arith.constant 63 : i32
    %add3A_84 = arith.addi %scan3A_32, %add3A_83 : i32
    %jit3A = arith.constant 64 : i32
    %div3A = arith.divsi %add3A_84, %jit3A : i32
    %sign3A = arith.constant 0 : i32
    %sign3A_85 = arith.cmpi sgt, %add3A_84, %sign3A : i32
    %sign3A_86 = arith.extui %sign3A_85 : i1 to i32
    %sign3A_87 = arith.constant 0 : i32
    %sign3A_88 = arith.cmpi slt, %add3A_84, %sign3A_87 : i32
    %sign3A_89 = arith.extui %sign3A_88 : i1 to i32
    %sign3A_90 = arith.subi %sign3A_86, %sign3A_89 : i32
    %sign3A_91 = arith.constant 0 : i32
    %sign3A_92 = arith.cmpi sgt, %jit3A, %sign3A_91 : i32
    %sign3A_93 = arith.extui %sign3A_92 : i1 to i32
    %sign3A_94 = arith.constant 0 : i32
    %sign3A_95 = arith.cmpi slt, %jit3A, %sign3A_94 : i32
    %sign3A_96 = arith.extui %sign3A_95 : i1 to i32
    %sign3A_97 = arith.subi %sign3A_93, %sign3A_96 : i32
    %ne3A = arith.cmpi ne, %sign3A_90, %sign3A_97 : i32
    %rem3A = arith.remsi %add3A_84, %jit3A : i32
    %ne3A_98 = arith.constant 0 : i32
    %ne3A_99 = arith.cmpi ne, %rem3A, %ne3A_98 : i32
    %and3A = arith.andi %ne3A, %ne3A_99 : i1
    %sub3A = arith.constant 1 : i32
    %sub3A_100 = arith.subi %div3A, %sub3A : i32
    %select_n3A = arith.select %and3A, %sub3A_100, %div3A : i32
    %add3A_101 = arith.constant 16384 : i32
    %add3A_102 = vector.broadcast %add3A_101 : i32 to vector<16xi32>
    %add3A_103 = arith.addi %add3A_102, %iota3A : vector<16xi32>
    %swap3A_104 = arith.constant 0 : index
    %swap3A_105 = tpu.vector_load %arg11[%swap3A_104] {strides = array<i32>} : memref<16xi32, #tpu.memory_space<vmem>>, vector<16xi32>,
    tpu.vector_store %arg11[%swap3A_104], %add3A_103 {strides = array<i32>} : memref<16xi32, #tpu.memory_space<vmem>>, vector<16xi32>,
    %dma_start3A = arith.constant 0 : i32
    %dma_start3A_106 = arith.constant 0 : i32
    %dma_start3A_107 = tpu.memref_slice %arg4[%dma_start3A, %dma_start3A_106] : memref<16400x128xf32, #tpu.memory_space<hbm>> -> memref<16400x128xf32, #tpu.memory_space<hbm>>
    tpu.enqueue_indirect_dma source(%arg10 : memref<16x128xf32, #tpu.memory_space<vmem>>) target(%dma_start3A_107 : memref<16400x128xf32, #tpu.memory_space<hbm>>) offsets(%arg11 : memref<16xi32, #tpu.memory_space<vmem>>) semaphore(%arg14 : memref<!tpu.dma_semaphore, #tpu.memory_space<semaphore_mem>>)
    %add3A_108 = arith.constant 0 : i32
    %add3A_109 = arith.addi %mul3A_2, %add3A_108 : i32
    %mul3A_110 = arith.constant 128 : i32
    %mul3A_111 = arith.muli %add3A_109, %mul3A_110 : i32
    %min3A_112 = arith.constant 998528 : i32
    %min3A_113 = arith.minsi %mul3A_111, %min3A_112 : i32
    %multiple_of3A = tpu.assume_multiple %min3A_113, 128 : i32
    %dma_start3A_114 = arith.constant 0 : i32
    %dma_start3A_115 = tpu.memref_slice %arg3[%dma_start3A_114, %multiple_of3A] : memref<32x1000000xf32, #tpu.memory_space<hbm>> -> memref<32x1408xf32, #tpu.memory_space<hbm>>
    %dma_start3A_116 = arith.constant 0 : i32
    %dma_start3A_117 = tpu.memref_slice %arg3[%dma_start3A_116, %multiple_of3A] : memref<32x1000000xf32, #tpu.memory_space<hbm>> -> memref<32x1408xf32, #tpu.memory_space<hbm>>
    tpu.enqueue_dma source(%dma_start3A_117 : memref<32x1408xf32, #tpu.memory_space<hbm>>) target(%arg8 : memref<32x1408xf32, #tpu.memory_space<vmem>>) target_semaphore(%arg12 : memref<!tpu.dma_semaphore, #tpu.memory_space<semaphore_mem>>)
    %scan3A_118 = arith.constant 0 : i32
    %scan3A_119 = arith.constant 0 : i32
    %scan3A_120 = arith.constant 12 : i32
    %scan3A_121 = arith.addi %scan3A_119, %scan3A_120 : i32
    %scan3A_122 = arith.constant 1 : i32
    scf.for %scan3A_202 = %scan3A_119 to %scan3A_121 step %scan3A_122  : i32 {
      %mul3A_203 = arith.constant 2 : i32
      %mul3A_204 = arith.muli %scan3A_202, %mul3A_203 : i32
      %add3A_205 = arith.constant 1 : i32
      %add3A_206 = arith.addi %mul3A_204, %add3A_205 : i32
      %mul3A_207 = arith.constant 11 : i32
      %mul3A_208 = arith.muli %add3A_206, %mul3A_207 : i32
      %add3A_209 = arith.addi %mul3A_2, %mul3A_208 : i32
      %mul3A_210 = arith.constant 128 : i32
      %mul3A_211 = arith.muli %add3A_209, %mul3A_210 : i32
      %min3A_212 = arith.constant 998528 : i32
      %min3A_213 = arith.minsi %mul3A_211, %min3A_212 : i32
      %multiple_of3A_214 = tpu.assume_multiple %min3A_213, 128 : i32
      %dma_start3A_215 = arith.constant 0 : i32
      %dma_start3A_216 = tpu.memref_slice %arg3[%dma_start3A_215, %multiple_of3A_214] : memref<32x1000000xf32, #tpu.memory_space<hbm>> -> memref<32x1408xf32, #tpu.memory_space<hbm>>
      %dma_start3A_217 = arith.constant 0 : i32
      %dma_start3A_218 = tpu.memref_slice %arg3[%dma_start3A_217, %multiple_of3A_214] : memref<32x1000000xf32, #tpu.memory_space<hbm>> -> memref<32x1408xf32, #tpu.memory_space<hbm>>
      tpu.enqueue_dma source(%dma_start3A_218 : memref<32x1408xf32, #tpu.memory_space<hbm>>) target(%arg9 : memref<32x1408xf32, #tpu.memory_space<vmem>>) target_semaphore(%arg13 : memref<!tpu.dma_semaphore, #tpu.memory_space<semaphore_mem>>)
      %dma_wait3A_219 = arith.constant 0 : i32
      %dma_wait3A_220 = arith.constant 0 : i32
      %dma_wait3A_221 = tpu.memref_slice %arg3[%dma_wait3A_219, %dma_wait3A_220] : memref<32x1000000xf32, #tpu.memory_space<hbm>> -> memref<32x1408xf32, #tpu.memory_space<hbm>>
      %dma_wait3A_222 = arith.constant 0 : i32
      %dma_wait3A_223 = arith.constant 0 : i32
      %dma_wait3A_224 = tpu.memref_slice %arg3[%dma_wait3A_222, %dma_wait3A_223] : memref<32x1000000xf32, #tpu.memory_space<hbm>> -> memref<32x1408xf32, #tpu.memory_space<hbm>>
      tpu.wait_dma2 semaphore(%arg12 : memref<!tpu.dma_semaphore, #tpu.memory_space<semaphore_mem>>) src(%dma_wait3A_224 : memref<32x1408xf32, #tpu.memory_space<hbm>>) dst(%arg8 : memref<32x1408xf32, #tpu.memory_space<vmem>>)
      %mul3A_225 = arith.constant 11 : i32
      %mul3A_226 = arith.muli %mul3A_204, %mul3A_225 : i32
      %add3A_227 = arith.addi %mul3A_2, %mul3A_226 : i32
      %mul3A_228 = arith.constant 128 : i32
      %mul3A_229 = arith.muli %add3A_227, %mul3A_228 : i32
      %min3A_230 = arith.constant 998528 : i32
      %min3A_231 = arith.minsi %mul3A_229, %min3A_230 : i32
      %multiple_of3A_232 = tpu.assume_multiple %min3A_231, 128 : i32
      %max3A_233 = arith.maxsi %multiple_of3A_232, %mul3A_4 : i32
      %add3A_234 = arith.constant 1408 : i32
      %add3A_235 = arith.addi %multiple_of3A_232, %add3A_234 : i32
      %sub3A_236 = arith.subi %max3A_233, %mul3A_4 : i32
      %sub3A_237 = arith.subi %add3A_235, %mul3A_4 : i32
      %sub3A_238 = arith.subi %multiple_of3A_232, %mul3A_4 : i32
      %while3A_239 = arith.constant 0 : i32
      %while3A_240 = arith.constant 0 : i32
      %while3A_241 = arith.subi %select_n3A, %while3A_239 : i32
      %while3A_242 = arith.addi %while3A_239, %while3A_241 : i32
      %while3A_243 = arith.constant 1 : i32
      %while3A_244 = arith.divsi %while3A_241, %while3A_243 : i32
      %while3A_245 = arith.muli %while3A_244, %while3A_243 : i32
      %while3A_246 = arith.addi %while3A_239, %while3A_245 : i32
      %while3A_247 = arith.constant 1 : i32
      %while3A_248 = scf.for %while3A_391 = %while3A_239 to %while3A_246 step %while3A_247 iter_args(%while3A_392 = %while3A_240) -> (i32)  : i32 {
        %mul3A_393 = arith.constant 4 : i32
        %mul3A_394 = arith.muli %while3A_391, %mul3A_393 : i32
        %add3A_395 = arith.constant 0 : i32
        %add3A_396 = arith.addi %mul3A_394, %add3A_395 : i32
        %mul3A_397 = arith.constant 16 : i32
        %mul3A_398 = arith.muli %add3A_396, %mul3A_397 : i32
        %get3A = arith.index_cast %mul3A_398 : i32 to index
        %get3A_399 = tpu.vector_load %arg6[%get3A] {strides = array<i32>} : memref<16448xi32, #tpu.memory_space<vmem>>, vector<16xi32>,
        %and3A_400 = arith.constant 32767 : i32
        %and3A_401 = vector.broadcast %and3A_400 : i32 to vector<16xi32>
        %and3A_402 = arith.andi %get3A_399, %and3A_401 : vector<16xi32>
        %ge3A = vector.broadcast %sub3A_236 : i32 to vector<16xi32>
        %ge3A_403 = arith.cmpi sge, %and3A_402, %ge3A : vector<16xi32>
        %lt3A = vector.broadcast %sub3A_237 : i32 to vector<16xi32>
        %lt3A_404 = arith.cmpi slt, %and3A_402, %lt3A : vector<16xi32>
        %and3A_405 = arith.andi %ge3A_403, %lt3A_404 : vector<16xi1>
        %swap3A_406 = arith.index_cast %while3A_392 : i32 to index
        %swap3A_407 = tpu.vector_load %arg7[%swap3A_406] masked %and3A_405 {strides = array<i32>} : memref<16448xi32, #tpu.memory_space<vmem>>, vector<16xi32>, vector<16xi1>
        tpu.vector_store %arg7[%swap3A_406], %get3A_399 masked %and3A_405 {strides = array<i32>} : memref<16448xi32, #tpu.memory_space<vmem>>, vector<16xi32>, vector<16xi1>
        %all_reduce_population_count3A = tpu.all_reduce %and3A_405 {dim = 0 : i64, kind = #tpu.reduction_kind<sum>} : vector<16xi1> -> vector<16xi32>
        %reduce_max3A = arith.constant true
        %reduce_max3A_408 = vector.broadcast %reduce_max3A : i1 to vector<16xi1>
        %reduce_max3A_409 = arith.constant -2147483648 : i32
        %reduce_max3A_410 = vector.broadcast %reduce_max3A_409 : i32 to vector<16xi32>
        %reduce_max3A_411 = arith.xori %all_reduce_population_count3A, %reduce_max3A_410 : vector<16xi32>
        %reduce_max3A_412 = tpu.scan <max>, %reduce_max3A_411 masked %reduce_max3A_408 : vector<16xi32>, vector<16xi1> -> vector<16xi32>
        %reduce_max3A_413 = arith.xori %reduce_max3A_412, %reduce_max3A_410 : vector<16xi32>
        %reduce_max3A_414 = vector.extract %reduce_max3A_413[15] : i32 from vector<16xi32>
        %add3A_415 = arith.addi %while3A_392, %reduce_max3A_414 : i32
        %mul3A_416 = arith.constant 4 : i32
        %mul3A_417 = arith.muli %while3A_391, %mul3A_416 : i32
        %add3A_418 = arith.constant 1 : i32
        %add3A_419 = arith.addi %mul3A_417, %add3A_418 : i32
        %mul3A_420 = arith.constant 16 : i32
        %mul3A_421 = arith.muli %add3A_419, %mul3A_420 : i32
        %get3A_422 = arith.index_cast %mul3A_421 : i32 to index
        %get3A_423 = tpu.vector_load %arg6[%get3A_422] {strides = array<i32>} : memref<16448xi32, #tpu.memory_space<vmem>>, vector<16xi32>,
        %and3A_424 = arith.constant 32767 : i32
        %and3A_425 = vector.broadcast %and3A_424 : i32 to vector<16xi32>
        %and3A_426 = arith.andi %get3A_423, %and3A_425 : vector<16xi32>
        %ge3A_427 = vector.broadcast %sub3A_236 : i32 to vector<16xi32>
        %ge3A_428 = arith.cmpi sge, %and3A_426, %ge3A_427 : vector<16xi32>
        %lt3A_429 = vector.broadcast %sub3A_237 : i32 to vector<16xi32>
        %lt3A_430 = arith.cmpi slt, %and3A_426, %lt3A_429 : vector<16xi32>
        %and3A_431 = arith.andi %ge3A_428, %lt3A_430 : vector<16xi1>
        %swap3A_432 = arith.index_cast %add3A_415 : i32 to index
        %swap3A_433 = tpu.vector_load %arg7[%swap3A_432] masked %and3A_431 {strides = array<i32>} : memref<16448xi32, #tpu.memory_space<vmem>>, vector<16xi32>, vector<16xi1>
        tpu.vector_store %arg7[%swap3A_432], %get3A_423 masked %and3A_431 {strides = array<i32>} : memref<16448xi32, #tpu.memory_space<vmem>>, vector<16xi32>, vector<16xi1>
        %all_reduce_population_count3A_434 = tpu.all_reduce %and3A_431 {dim = 0 : i64, kind = #tpu.reduction_kind<sum>} : vector<16xi1> -> vector<16xi32>
        %reduce_max3A_435 = arith.constant true
        %reduce_max3A_436 = vector.broadcast %reduce_max3A_435 : i1 to vector<16xi1>
        %reduce_max3A_437 = arith.constant -2147483648 : i32
        %reduce_max3A_438 = vector.broadcast %reduce_max3A_437 : i32 to vector<16xi32>
        %reduce_max3A_439 = arith.xori %all_reduce_population_count3A_434, %reduce_max3A_438 : vector<16xi32>
        %reduce_max3A_440 = tpu.scan <max>, %reduce_max3A_439 masked %reduce_max3A_436 : vector<16xi32>, vector<16xi1> -> vector<16xi32>
        %reduce_max3A_441 = arith.xori %reduce_max3A_440, %reduce_max3A_438 : vector<16xi32>
        %reduce_max3A_442 = vector.extract %reduce_max3A_441[15] : i32 from vector<16xi32>
        %add3A_443 = arith.addi %add3A_415, %reduce_max3A_442 : i32
        %mul3A_444 = arith.constant 4 : i32
        %mul3A_445 = arith.muli %while3A_391, %mul3A_444 : i32
        %add3A_446 = arith.constant 2 : i32
        %add3A_447 = arith.addi %mul3A_445, %add3A_446 : i32
        %mul3A_448 = arith.constant 16 : i32
        %mul3A_449 = arith.muli %add3A_447, %mul3A_448 : i32
        %get3A_450 = arith.index_cast %mul3A_449 : i32 to index
        %get3A_451 = tpu.vector_load %arg6[%get3A_450] {strides = array<i32>} : memref<16448xi32, #tpu.memory_space<vmem>>, vector<16xi32>,
        %and3A_452 = arith.constant 32767 : i32
        %and3A_453 = vector.broadcast %and3A_452 : i32 to vector<16xi32>
        %and3A_454 = arith.andi %get3A_451, %and3A_453 : vector<16xi32>
        %ge3A_455 = vector.broadcast %sub3A_236 : i32 to vector<16xi32>
        %ge3A_456 = arith.cmpi sge, %and3A_454, %ge3A_455 : vector<16xi32>
        %lt3A_457 = vector.broadcast %sub3A_237 : i32 to vector<16xi32>
        %lt3A_458 = arith.cmpi slt, %and3A_454, %lt3A_457 : vector<16xi32>
        %and3A_459 = arith.andi %ge3A_456, %lt3A_458 : vector<16xi1>
        %swap3A_460 = arith.index_cast %add3A_443 : i32 to index
        %swap3A_461 = tpu.vector_load %arg7[%swap3A_460] masked %and3A_459 {strides = array<i32>} : memref<16448xi32, #tpu.memory_space<vmem>>, vector<16xi32>, vector<16xi1>
        tpu.vector_store %arg7[%swap3A_460], %get3A_451 masked %and3A_459 {strides = array<i32>} : memref<16448xi32, #tpu.memory_space<vmem>>, vector<16xi32>, vector<16xi1>
        %all_reduce_population_count3A_462 = tpu.all_reduce %and3A_459 {dim = 0 : i64, kind = #tpu.reduction_kind<sum>} : vector<16xi1> -> vector<16xi32>
        %reduce_max3A_463 = arith.constant true
        %reduce_max3A_464 = vector.broadcast %reduce_max3A_463 : i1 to vector<16xi1>
        %reduce_max3A_465 = arith.constant -2147483648 : i32
        %reduce_max3A_466 = vector.broadcast %reduce_max3A_465 : i32 to vector<16xi32>
        %reduce_max3A_467 = arith.xori %all_reduce_population_count3A_462, %reduce_max3A_466 : vector<16xi32>
        %reduce_max3A_468 = tpu.scan <max>, %reduce_max3A_467 masked %reduce_max3A_464 : vector<16xi32>, vector<16xi1> -> vector<16xi32>
        %reduce_max3A_469 = arith.xori %reduce_max3A_468, %reduce_max3A_466 : vector<16xi32>
        %reduce_max3A_470 = vector.extract %reduce_max3A_469[15] : i32 from vector<16xi32>
        %add3A_471 = arith.addi %add3A_443, %reduce_max3A_470 : i32
        %mul3A_472 = arith.constant 4 : i32
        %mul3A_473 = arith.muli %while3A_391, %mul3A_472 : i32
        %add3A_474 = arith.constant 3 : i32
        %add3A_475 = arith.addi %mul3A_473, %add3A_474 : i32
        %mul3A_476 = arith.constant 16 : i32
        %mul3A_477 = arith.muli %add3A_475, %mul3A_476 : i32
        %get3A_478 = arith.index_cast %mul3A_477 : i32 to index
        %get3A_479 = tpu.vector_load %arg6[%get3A_478] {strides = array<i32>} : memref<16448xi32, #tpu.memory_space<vmem>>, vector<16xi32>,
        %and3A_480 = arith.constant 32767 : i32
        %and3A_481 = vector.broadcast %and3A_480 : i32 to vector<16xi32>
        %and3A_482 = arith.andi %get3A_479, %and3A_481 : vector<16xi32>
        %ge3A_483 = vector.broadcast %sub3A_236 : i32 to vector<16xi32>
        %ge3A_484 = arith.cmpi sge, %and3A_482, %ge3A_483 : vector<16xi32>
        %lt3A_485 = vector.broadcast %sub3A_237 : i32 to vector<16xi32>
        %lt3A_486 = arith.cmpi slt, %and3A_482, %lt3A_485 : vector<16xi32>
        %and3A_487 = arith.andi %ge3A_484, %lt3A_486 : vector<16xi1>
        %swap3A_488 = arith.index_cast %add3A_471 : i32 to index
        %swap3A_489 = tpu.vector_load %arg7[%swap3A_488] masked %and3A_487 {strides = array<i32>} : memref<16448xi32, #tpu.memory_space<vmem>>, vector<16xi32>, vector<16xi1>
        tpu.vector_store %arg7[%swap3A_488], %get3A_479 masked %and3A_487 {strides = array<i32>} : memref<16448xi32, #tpu.memory_space<vmem>>, vector<16xi32>, vector<16xi1>
        %all_reduce_population_count3A_490 = tpu.all_reduce %and3A_487 {dim = 0 : i64, kind = #tpu.reduction_kind<sum>} : vector<16xi1> -> vector<16xi32>
        %reduce_max3A_491 = arith.constant true
        %reduce_max3A_492 = vector.broadcast %reduce_max3A_491 : i1 to vector<16xi1>
        %reduce_max3A_493 = arith.constant -2147483648 : i32
        %reduce_max3A_494 = vector.broadcast %reduce_max3A_493 : i32 to vector<16xi32>
        %reduce_max3A_495 = arith.xori %all_reduce_population_count3A_490, %reduce_max3A_494 : vector<16xi32>
        %reduce_max3A_496 = tpu.scan <max>, %reduce_max3A_495 masked %reduce_max3A_492 : vector<16xi32>, vector<16xi1> -> vector<16xi32>
        %reduce_max3A_497 = arith.xori %reduce_max3A_496, %reduce_max3A_494 : vector<16xi32>
        %reduce_max3A_498 = vector.extract %reduce_max3A_497[15] : i32 from vector<16xi32>
        %add3A_499 = arith.addi %add3A_471, %reduce_max3A_498 : i32
        scf.yield %add3A_499 : i32
      }
      %while3A_249 = arith.constant 1 : i32
      %while3A_250 = scf.for %while3A_391 = %while3A_246 to %while3A_242 step %while3A_249 iter_args(%while3A_392 = %while3A_248) -> (i32)  : i32 {
        %mul3A_393 = arith.constant 4 : i32
        %mul3A_394 = arith.muli %while3A_391, %mul3A_393 : i32
        %add3A_395 = arith.constant 0 : i32
        %add3A_396 = arith.addi %mul3A_394, %add3A_395 : i32
        %mul3A_397 = arith.constant 16 : i32
        %mul3A_398 = arith.muli %add3A_396, %mul3A_397 : i32
        %get3A = arith.index_cast %mul3A_398 : i32 to index
        %get3A_399 = tpu.vector_load %arg6[%get3A] {strides = array<i32>} : memref<16448xi32, #tpu.memory_space<vmem>>, vector<16xi32>,
        %and3A_400 = arith.constant 32767 : i32
        %and3A_401 = vector.broadcast %and3A_400 : i32 to vector<16xi32>
        %and3A_402 = arith.andi %get3A_399, %and3A_401 : vector<16xi32>
        %ge3A = vector.broadcast %sub3A_236 : i32 to vector<16xi32>
        %ge3A_403 = arith.cmpi sge, %and3A_402, %ge3A : vector<16xi32>
        %lt3A = vector.broadcast %sub3A_237 : i32 to vector<16xi32>
        %lt3A_404 = arith.cmpi slt, %and3A_402, %lt3A : vector<16xi32>
        %and3A_405 = arith.andi %ge3A_403, %lt3A_404 : vector<16xi1>
        %swap3A_406 = arith.index_cast %while3A_392 : i32 to index
        %swap3A_407 = tpu.vector_load %arg7[%swap3A_406] masked %and3A_405 {strides = array<i32>} : memref<16448xi32, #tpu.memory_space<vmem>>, vector<16xi32>, vector<16xi1>
        tpu.vector_store %arg7[%swap3A_406], %get3A_399 masked %and3A_405 {strides = array<i32>} : memref<16448xi32, #tpu.memory_space<vmem>>, vector<16xi32>, vector<16xi1>
        %all_reduce_population_count3A = tpu.all_reduce %and3A_405 {dim = 0 : i64, kind = #tpu.reduction_kind<sum>} : vector<16xi1> -> vector<16xi32>
        %reduce_max3A = arith.constant true
        %reduce_max3A_408 = vector.broadcast %reduce_max3A : i1 to vector<16xi1>
        %reduce_max3A_409 = arith.constant -2147483648 : i32
        %reduce_max3A_410 = vector.broadcast %reduce_max3A_409 : i32 to vector<16xi32>
        %reduce_max3A_411 = arith.xori %all_reduce_population_count3A, %reduce_max3A_410 : vector<16xi32>
        %reduce_max3A_412 = tpu.scan <max>, %reduce_max3A_411 masked %reduce_max3A_408 : vector<16xi32>, vector<16xi1> -> vector<16xi32>
        %reduce_max3A_413 = arith.xori %reduce_max3A_412, %reduce_max3A_410 : vector<16xi32>
        %reduce_max3A_414 = vector.extract %reduce_max3A_413[15] : i32 from vector<16xi32>
        %add3A_415 = arith.addi %while3A_392, %reduce_max3A_414 : i32
        %mul3A_416 = arith.constant 4 : i32
        %mul3A_417 = arith.muli %while3A_391, %mul3A_416 : i32
        %add3A_418 = arith.constant 1 : i32
        %add3A_419 = arith.addi %mul3A_417, %add3A_418 : i32
        %mul3A_420 = arith.constant 16 : i32
        %mul3A_421 = arith.muli %add3A_419, %mul3A_420 : i32
        %get3A_422 = arith.index_cast %mul3A_421 : i32 to index
        %get3A_423 = tpu.vector_load %arg6[%get3A_422] {strides = array<i32>} : memref<16448xi32, #tpu.memory_space<vmem>>, vector<16xi32>,
        %and3A_424 = arith.constant 32767 : i32
        %and3A_425 = vector.broadcast %and3A_424 : i32 to vector<16xi32>
        %and3A_426 = arith.andi %get3A_423, %and3A_425 : vector<16xi32>
        %ge3A_427 = vector.broadcast %sub3A_236 : i32 to vector<16xi32>
        %ge3A_428 = arith.cmpi sge, %and3A_426, %ge3A_427 : vector<16xi32>
        %lt3A_429 = vector.broadcast %sub3A_237 : i32 to vector<16xi32>
        %lt3A_430 = arith.cmpi slt, %and3A_426, %lt3A_429 : vector<16xi32>
        %and3A_431 = arith.andi %ge3A_428, %lt3A_430 : vector<16xi1>
        %swap3A_432 = arith.index_cast %add3A_415 : i32 to index
        %swap3A_433 = tpu.vector_load %arg7[%swap3A_432] masked %and3A_431 {strides = array<i32>} : memref<16448xi32, #tpu.memory_space<vmem>>, vector<16xi32>, vector<16xi1>
        tpu.vector_store %arg7[%swap3A_432], %get3A_423 masked %and3A_431 {strides = array<i32>} : memref<16448xi32, #tpu.memory_space<vmem>>, vector<16xi32>, vector<16xi1>
        %all_reduce_population_count3A_434 = tpu.all_reduce %and3A_431 {dim = 0 : i64, kind = #tpu.reduction_kind<sum>} : vector<16xi1> -> vector<16xi32>
        %reduce_max3A_435 = arith.constant true
        %reduce_max3A_436 = vector.broadcast %reduce_max3A_435 : i1 to vector<16xi1>
        %reduce_max3A_437 = arith.constant -2147483648 : i32
        %reduce_max3A_438 = vector.broadcast %reduce_max3A_437 : i32 to vector<16xi32>
        %reduce_max3A_439 = arith.xori %all_reduce_population_count3A_434, %reduce_max3A_438 : vector<16xi32>
        %reduce_max3A_440 = tpu.scan <max>, %reduce_max3A_439 masked %reduce_max3A_436 : vector<16xi32>, vector<16xi1> -> vector<16xi32>
        %reduce_max3A_441 = arith.xori %reduce_max3A_440, %reduce_max3A_438 : vector<16xi32>
        %reduce_max3A_442 = vector.extract %reduce_max3A_441[15] : i32 from vector<16xi32>
        %add3A_443 = arith.addi %add3A_415, %reduce_max3A_442 : i32
        %mul3A_444 = arith.constant 4 : i32
        %mul3A_445 = arith.muli %while3A_391, %mul3A_444 : i32
        %add3A_446 = arith.constant 2 : i32
        %add3A_447 = arith.addi %mul3A_445, %add3A_446 : i32
        %mul3A_448 = arith.constant 16 : i32
        %mul3A_449 = arith.muli %add3A_447, %mul3A_448 : i32
        %get3A_450 = arith.index_cast %mul3A_449 : i32 to index
        %get3A_451 = tpu.vector_load %arg6[%get3A_450] {strides = array<i32>} : memref<16448xi32, #tpu.memory_space<vmem>>, vector<16xi32>,
        %and3A_452 = arith.constant 32767 : i32
        %and3A_453 = vector.broadcast %and3A_452 : i32 to vector<16xi32>
        %and3A_454 = arith.andi %get3A_451, %and3A_453 : vector<16xi32>
        %ge3A_455 = vector.broadcast %sub3A_236 : i32 to vector<16xi32>
        %ge3A_456 = arith.cmpi sge, %and3A_454, %ge3A_455 : vector<16xi32>
        %lt3A_457 = vector.broadcast %sub3A_237 : i32 to vector<16xi32>
        %lt3A_458 = arith.cmpi slt, %and3A_454, %lt3A_457 : vector<16xi32>
        %and3A_459 = arith.andi %ge3A_456, %lt3A_458 : vector<16xi1>
        %swap3A_460 = arith.index_cast %add3A_443 : i32 to index
        %swap3A_461 = tpu.vector_load %arg7[%swap3A_460] masked %and3A_459 {strides = array<i32>} : memref<16448xi32, #tpu.memory_space<vmem>>, vector<16xi32>, vector<16xi1>
        tpu.vector_store %arg7[%swap3A_460], %get3A_451 masked %and3A_459 {strides = array<i32>} : memref<16448xi32, #tpu.memory_space<vmem>>, vector<16xi32>, vector<16xi1>
        %all_reduce_population_count3A_462 = tpu.all_reduce %and3A_459 {dim = 0 : i64, kind = #tpu.reduction_kind<sum>} : vector<16xi1> -> vector<16xi32>
        %reduce_max3A_463 = arith.constant true
        %reduce_max3A_464 = vector.broadcast %reduce_max3A_463 : i1 to vector<16xi1>
        %reduce_max3A_465 = arith.constant -2147483648 : i32
        %reduce_max3A_466 = vector.broadcast %reduce_max3A_465 : i32 to vector<16xi32>
        %reduce_max3A_467 = arith.xori %all_reduce_population_count3A_462, %reduce_max3A_466 : vector<16xi32>
        %reduce_max3A_468 = tpu.scan <max>, %reduce_max3A_467 masked %reduce_max3A_464 : vector<16xi32>, vector<16xi1> -> vector<16xi32>
        %reduce_max3A_469 = arith.xori %reduce_max3A_468, %reduce_max3A_466 : vector<16xi32>
        %reduce_max3A_470 = vector.extract %reduce_max3A_469[15] : i32 from vector<16xi32>
        %add3A_471 = arith.addi %add3A_443, %reduce_max3A_470 : i32
        %mul3A_472 = arith.constant 4 : i32
        %mul3A_473 = arith.muli %while3A_391, %mul3A_472 : i32
        %add3A_474 = arith.constant 3 : i32
        %add3A_475 = arith.addi %mul3A_473, %add3A_474 : i32
        %mul3A_476 = arith.constant 16 : i32
        %mul3A_477 = arith.muli %add3A_475, %mul3A_476 : i32
        %get3A_478 = arith.index_cast %mul3A_477 : i32 to index
        %get3A_479 = tpu.vector_load %arg6[%get3A_478] {strides = array<i32>} : memref<16448xi32, #tpu.memory_space<vmem>>, vector<16xi32>,
        %and3A_480 = arith.constant 32767 : i32
        %and3A_481 = vector.broadcast %and3A_480 : i32 to vector<16xi32>
        %and3A_482 = arith.andi %get3A_479, %and3A_481 : vector<16xi32>
        %ge3A_483 = vector.broadcast %sub3A_236 : i32 to vector<16xi32>
        %ge3A_484 = arith.cmpi sge, %and3A_482, %ge3A_483 : vector<16xi32>
        %lt3A_485 = vector.broadcast %sub3A_237 : i32 to vector<16xi32>
        %lt3A_486 = arith.cmpi slt, %and3A_482, %lt3A_485 : vector<16xi32>
        %and3A_487 = arith.andi %ge3A_484, %lt3A_486 : vector<16xi1>
        %swap3A_488 = arith.index_cast %add3A_471 : i32 to index
        %swap3A_489 = tpu.vector_load %arg7[%swap3A_488] masked %and3A_487 {strides = array<i32>} : memref<16448xi32, #tpu.memory_space<vmem>>, vector<16xi32>, vector<16xi1>
        tpu.vector_store %arg7[%swap3A_488], %get3A_479 masked %and3A_487 {strides = array<i32>} : memref<16448xi32, #tpu.memory_space<vmem>>, vector<16xi32>, vector<16xi1>
        %all_reduce_population_count3A_490 = tpu.all_reduce %and3A_487 {dim = 0 : i64, kind = #tpu.reduction_kind<sum>} : vector<16xi1> -> vector<16xi32>
        %reduce_max3A_491 = arith.constant true
        %reduce_max3A_492 = vector.broadcast %reduce_max3A_491 : i1 to vector<16xi1>
        %reduce_max3A_493 = arith.constant -2147483648 : i32
        %reduce_max3A_494 = vector.broadcast %reduce_max3A_493 : i32 to vector<16xi32>
        %reduce_max3A_495 = arith.xori %all_reduce_population_count3A_490, %reduce_max3A_494 : vector<16xi32>
        %reduce_max3A_496 = tpu.scan <max>, %reduce_max3A_495 masked %reduce_max3A_492 : vector<16xi32>, vector<16xi1> -> vector<16xi32>
        %reduce_max3A_497 = arith.xori %reduce_max3A_496, %reduce_max3A_494 : vector<16xi32>
        %reduce_max3A_498 = vector.extract %reduce_max3A_497[15] : i32 from vector<16xi32>
        %add3A_499 = arith.addi %add3A_471, %reduce_max3A_498 : i32
        scf.yield %add3A_499 : i32
      }
      %add3A_251 = arith.constant 16384 : i32
      %add3A_252 = vector.broadcast %add3A_251 : i32 to vector<16xi32>
      %add3A_253 = arith.addi %add3A_252, %iota3A : vector<16xi32>
      %shift_left3A_254 = arith.constant 15 : i32
      %shift_left3A_255 = vector.broadcast %shift_left3A_254 : i32 to vector<16xi32>
      %shift_left3A_256 = arith.shli %add3A_253, %shift_left3A_255 : vector<16xi32>
      %or3A_257 = vector.broadcast %sub3A_238 : i32 to vector<16xi32>
      %or3A_258 = arith.ori %shift_left3A_256, %or3A_257 : vector<16xi32>
      %swap3A_259 = arith.index_cast %while3A_250 : i32 to index
      %swap3A_260 = tpu.vector_load %arg7[%swap3A_259] {strides = array<i32>} : memref<16448xi32, #tpu.memory_space<vmem>>, vector<16xi32>,
      tpu.vector_store %arg7[%swap3A_259], %or3A_258 {strides = array<i32>} : memref<16448xi32, #tpu.memory_space<vmem>>, vector<16xi32>,
      %add3A_261 = arith.constant 15 : i32
      %add3A_262 = arith.addi %while3A_250, %add3A_261 : i32
      %jit3A_263 = arith.constant 16 : i32
      %div3A_264 = arith.divsi %add3A_262, %jit3A_263 : i32
      %sign3A_265 = arith.constant 0 : i32
      %sign3A_266 = arith.cmpi sgt, %add3A_262, %sign3A_265 : i32
      %sign3A_267 = arith.extui %sign3A_266 : i1 to i32
      %sign3A_268 = arith.constant 0 : i32
      %sign3A_269 = arith.cmpi slt, %add3A_262, %sign3A_268 : i32
      %sign3A_270 = arith.extui %sign3A_269 : i1 to i32
      %sign3A_271 = arith.subi %sign3A_267, %sign3A_270 : i32
      %sign3A_272 = arith.constant 0 : i32
      %sign3A_273 = arith.cmpi sgt, %jit3A_263, %sign3A_272 : i32
      %sign3A_274 = arith.extui %sign3A_273 : i1 to i32
      %sign3A_275 = arith.constant 0 : i32
      %sign3A_276 = arith.cmpi slt, %jit3A_263, %sign3A_275 : i32
      %sign3A_277 = arith.extui %sign3A_276 : i1 to i32
      %sign3A_278 = arith.subi %sign3A_274, %sign3A_277 : i32
      %ne3A_279 = arith.cmpi ne, %sign3A_271, %sign3A_278 : i32
      %rem3A_280 = arith.remsi %add3A_262, %jit3A_263 : i32
      %ne3A_281 = arith.constant 0 : i32
      %ne3A_282 = arith.cmpi ne, %rem3A_280, %ne3A_281 : i32
      %and3A_283 = arith.andi %ne3A_279, %ne3A_282 : i1
      %sub3A_284 = arith.constant 1 : i32
      %sub3A_285 = arith.subi %div3A_264, %sub3A_284 : i32
      %select_n3A_286 = arith.select %and3A_283, %sub3A_285, %div3A_264 : i32
      %while3A_287 = arith.constant 0 : i32
      %while3A_288 = arith.constant 0 : i32
      %while3A_289 = arith.subi %select_n3A_286, %while3A_288 : i32
      %while3A_290 = arith.addi %while3A_288, %while3A_289 : i32
      %while3A_291 = arith.constant 1 : i32
      %while3A_292 = arith.divsi %while3A_289, %while3A_291 : i32
      %while3A_293 = arith.muli %while3A_292, %while3A_291 : i32
      %while3A_294 = arith.addi %while3A_288, %while3A_293 : i32
      %while3A_295 = arith.constant 1 : i32
      scf.for %while3A_391 = %while3A_288 to %while3A_294 step %while3A_295  : i32 {
        %mul3A_392 = arith.constant 16 : i32
        %mul3A_393 = arith.muli %while3A_391, %mul3A_392 : i32
        %get3A = arith.index_cast %mul3A_393 : i32 to index
        %get3A_394 = tpu.vector_load %arg7[%get3A] {strides = array<i32>} : memref<16448xi32, #tpu.memory_space<vmem>>, vector<16xi32>,
        %and3A_395 = arith.constant 32767 : i32
        %and3A_396 = vector.broadcast %and3A_395 : i32 to vector<16xi32>
        %and3A_397 = arith.andi %get3A_394, %and3A_396 : vector<16xi32>
        %sub3A_398 = vector.broadcast %sub3A_238 : i32 to vector<16xi32>
        %sub3A_399 = arith.subi %and3A_397, %sub3A_398 : vector<16xi32>
        %dma_wait3A_400 = arith.constant 0 : i32
        %dma_wait3A_401 = arith.constant 0 : i32
        %dma_wait3A_402 = tpu.memref_slice %arg4[%dma_wait3A_400, %dma_wait3A_401] : memref<16400x128xf32, #tpu.memory_space<hbm>> -> memref<16x128xf32, #tpu.memory_space<hbm>>
        %dma_wait3A_403 = arith.constant 0 : i32
        %dma_wait3A_404 = arith.constant 0 : i32
        %dma_wait3A_405 = tpu.memref_slice %arg4[%dma_wait3A_403, %dma_wait3A_404] : memref<16400x128xf32, #tpu.memory_space<hbm>> -> memref<16x128xf32, #tpu.memory_space<hbm>>
        tpu.wait_dma2 semaphore(%arg14 : memref<!tpu.dma_semaphore, #tpu.memory_space<semaphore_mem>>) src(%dma_wait3A_405 : memref<16x128xf32, #tpu.memory_space<hbm>>) dst(%arg10 : memref<16x128xf32, #tpu.memory_space<vmem>>)
        %shift_right_arithmetic3A = arith.constant 15 : i32
        %shift_right_arithmetic3A_406 = vector.broadcast %shift_right_arithmetic3A : i32 to vector<16xi32>
        %shift_right_arithmetic3A_407 = arith.shrsi %get3A_394, %shift_right_arithmetic3A_406 : vector<16xi32>
        %swap3A_408 = arith.constant 0 : index
        %swap3A_409 = tpu.vector_load %arg11[%swap3A_408] {strides = array<i32>} : memref<16xi32, #tpu.memory_space<vmem>>, vector<16xi32>,
        tpu.vector_store %arg11[%swap3A_408], %shift_right_arithmetic3A_407 {strides = array<i32>} : memref<16xi32, #tpu.memory_space<vmem>>, vector<16xi32>,
        %broadcast_in_dim3A = arith.constant 0 : i32
        %broadcast_in_dim3A_410 = vector.broadcast %broadcast_in_dim3A : i32 to vector<16xi32>
        %gather3A = tpu.vector_load_idx %arg8[%broadcast_in_dim3A_410, %sub3A_399] : memref<32x1408xf32, #tpu.memory_space<vmem>>[vector<16xi32>, vector<16xi32>], vector<16xf32>,
        %broadcast_in_dim3A_411 = arith.constant 0 : i32
        %broadcast_in_dim3A_412 = vector.broadcast %broadcast_in_dim3A_411 : i32 to vector<16xi32>
        tpu.vector_store_idx %arg10[%iota3A, %broadcast_in_dim3A_412], %gather3A : memref<16x128xf32, #tpu.memory_space<vmem>>[vector<16xi32>, vector<16xi32>], vector<16xf32>,
        %broadcast_in_dim3A_413 = arith.constant 1 : i32
        %broadcast_in_dim3A_414 = vector.broadcast %broadcast_in_dim3A_413 : i32 to vector<16xi32>
        %gather3A_415 = tpu.vector_load_idx %arg8[%broadcast_in_dim3A_414, %sub3A_399] : memref<32x1408xf32, #tpu.memory_space<vmem>>[vector<16xi32>, vector<16xi32>], vector<16xf32>,
        %broadcast_in_dim3A_416 = arith.constant 1 : i32
        %broadcast_in_dim3A_417 = vector.broadcast %broadcast_in_dim3A_416 : i32 to vector<16xi32>
        tpu.vector_store_idx %arg10[%iota3A, %broadcast_in_dim3A_417], %gather3A_415 : memref<16x128xf32, #tpu.memory_space<vmem>>[vector<16xi32>, vector<16xi32>], vector<16xf32>,
        %broadcast_in_dim3A_418 = arith.constant 2 : i32
        %broadcast_in_dim3A_419 = vector.broadcast %broadcast_in_dim3A_418 : i32 to vector<16xi32>
        %gather3A_420 = tpu.vector_load_idx %arg8[%broadcast_in_dim3A_419, %sub3A_399] : memref<32x1408xf32, #tpu.memory_space<vmem>>[vector<16xi32>, vector<16xi32>], vector<16xf32>,
        %broadcast_in_dim3A_421 = arith.constant 2 : i32
        %broadcast_in_dim3A_422 = vector.broadcast %broadcast_in_dim3A_421 : i32 to vector<16xi32>
        tpu.vector_store_idx %arg10[%iota3A, %broadcast_in_dim3A_422], %gather3A_420 : memref<16x128xf32, #tpu.memory_space<vmem>>[vector<16xi32>, vector<16xi32>], vector<16xf32>,
        %broadcast_in_dim3A_423 = arith.constant 3 : i32
        %broadcast_in_dim3A_424 = vector.broadcast %broadcast_in_dim3A_423 : i32 to vector<16xi32>
        %gather3A_425 = tpu.vector_load_idx %arg8[%broadcast_in_dim3A_424, %sub3A_399] : memref<32x1408xf32, #tpu.memory_space<vmem>>[vector<16xi32>, vector<16xi32>], vector<16xf32>,
        %broadcast_in_dim3A_426 = arith.constant 3 : i32
        %broadcast_in_dim3A_427 = vector.broadcast %broadcast_in_dim3A_426 : i32 to vector<16xi32>
        tpu.vector_store_idx %arg10[%iota3A, %broadcast_in_dim3A_427], %gather3A_425 : memref<16x128xf32, #tpu.memory_space<vmem>>[vector<16xi32>, vector<16xi32>], vector<16xf32>,
        %broadcast_in_dim3A_428 = arith.constant 4 : i32
        %broadcast_in_dim3A_429 = vector.broadcast %broadcast_in_dim3A_428 : i32 to vector<16xi32>
        %gather3A_430 = tpu.vector_load_idx %arg8[%broadcast_in_dim3A_429, %sub3A_399] : memref<32x1408xf32, #tpu.memory_space<vmem>>[vector<16xi32>, vector<16xi32>], vector<16xf32>,
        %broadcast_in_dim3A_431 = arith.constant 4 : i32
        %broadcast_in_dim3A_432 = vector.broadcast %broadcast_in_dim3A_431 : i32 to vector<16xi32>
        tpu.vector_store_idx %arg10[%iota3A, %broadcast_in_dim3A_432], %gather3A_430 : memref<16x128xf32, #tpu.memory_space<vmem>>[vector<16xi32>, vector<16xi32>], vector<16xf32>,
        %broadcast_in_dim3A_433 = arith.constant 5 : i32
        %broadcast_in_dim3A_434 = vector.broadcast %broadcast_in_dim3A_433 : i32 to vector<16xi32>
        %gather3A_435 = tpu.vector_load_idx %arg8[%broadcast_in_dim3A_434, %sub3A_399] : memref<32x1408xf32, #tpu.memory_space<vmem>>[vector<16xi32>, vector<16xi32>], vector<16xf32>,
        %broadcast_in_dim3A_436 = arith.constant 5 : i32
        %broadcast_in_dim3A_437 = vector.broadcast %broadcast_in_dim3A_436 : i32 to vector<16xi32>
        tpu.vector_store_idx %arg10[%iota3A, %broadcast_in_dim3A_437], %gather3A_435 : memref<16x128xf32, #tpu.memory_space<vmem>>[vector<16xi32>, vector<16xi32>], vector<16xf32>,
        %broadcast_in_dim3A_438 = arith.constant 6 : i32
        %broadcast_in_dim3A_439 = vector.broadcast %broadcast_in_dim3A_438 : i32 to vector<16xi32>
        %gather3A_440 = tpu.vector_load_idx %arg8[%broadcast_in_dim3A_439, %sub3A_399] : memref<32x1408xf32, #tpu.memory_space<vmem>>[vector<16xi32>, vector<16xi32>], vector<16xf32>,
        %broadcast_in_dim3A_441 = arith.constant 6 : i32
        %broadcast_in_dim3A_442 = vector.broadcast %broadcast_in_dim3A_441 : i32 to vector<16xi32>
        tpu.vector_store_idx %arg10[%iota3A, %broadcast_in_dim3A_442], %gather3A_440 : memref<16x128xf32, #tpu.memory_space<vmem>>[vector<16xi32>, vector<16xi32>], vector<16xf32>,
        %broadcast_in_dim3A_443 = arith.constant 7 : i32
        %broadcast_in_dim3A_444 = vector.broadcast %broadcast_in_dim3A_443 : i32 to vector<16xi32>
        %gather3A_445 = tpu.vector_load_idx %arg8[%broadcast_in_dim3A_444, %sub3A_399] : memref<32x1408xf32, #tpu.memory_space<vmem>>[vector<16xi32>, vector<16xi32>], vector<16xf32>,
        %broadcast_in_dim3A_446 = arith.constant 7 : i32
        %broadcast_in_dim3A_447 = vector.broadcast %broadcast_in_dim3A_446 : i32 to vector<16xi32>
        tpu.vector_store_idx %arg10[%iota3A, %broadcast_in_dim3A_447], %gather3A_445 : memref<16x128xf32, #tpu.memory_space<vmem>>[vector<16xi32>, vector<16xi32>], vector<16xf32>,
        %broadcast_in_dim3A_448 = arith.constant 8 : i32
        %broadcast_in_dim3A_449 = vector.broadcast %broadcast_in_dim3A_448 : i32 to vector<16xi32>
        %gather3A_450 = tpu.vector_load_idx %arg8[%broadcast_in_dim3A_449, %sub3A_399] : memref<32x1408xf32, #tpu.memory_space<vmem>>[vector<16xi32>, vector<16xi32>], vector<16xf32>,
        %broadcast_in_dim3A_451 = arith.constant 8 : i32
        %broadcast_in_dim3A_452 = vector.broadcast %broadcast_in_dim3A_451 : i32 to vector<16xi32>
        tpu.vector_store_idx %arg10[%iota3A, %broadcast_in_dim3A_452], %gather3A_450 : memref<16x128xf32, #tpu.memory_space<vmem>>[vector<16xi32>, vector<16xi32>], vector<16xf32>,
        %broadcast_in_dim3A_453 = arith.constant 9 : i32
        %broadcast_in_dim3A_454 = vector.broadcast %broadcast_in_dim3A_453 : i32 to vector<16xi32>
        %gather3A_455 = tpu.vector_load_idx %arg8[%broadcast_in_dim3A_454, %sub3A_399] : memref<32x1408xf32, #tpu.memory_space<vmem>>[vector<16xi32>, vector<16xi32>], vector<16xf32>,
        %broadcast_in_dim3A_456 = arith.constant 9 : i32
        %broadcast_in_dim3A_457 = vector.broadcast %broadcast_in_dim3A_456 : i32 to vector<16xi32>
        tpu.vector_store_idx %arg10[%iota3A, %broadcast_in_dim3A_457], %gather3A_455 : memref<16x128xf32, #tpu.memory_space<vmem>>[vector<16xi32>, vector<16xi32>], vector<16xf32>,
        %broadcast_in_dim3A_458 = arith.constant 10 : i32
        %broadcast_in_dim3A_459 = vector.broadcast %broadcast_in_dim3A_458 : i32 to vector<16xi32>
        %gather3A_460 = tpu.vector_load_idx %arg8[%broadcast_in_dim3A_459, %sub3A_399] : memref<32x1408xf32, #tpu.memory_space<vmem>>[vector<16xi32>, vector<16xi32>], vector<16xf32>,
        %broadcast_in_dim3A_461 = arith.constant 10 : i32
        %broadcast_in_dim3A_462 = vector.broadcast %broadcast_in_dim3A_461 : i32 to vector<16xi32>
        tpu.vector_store_idx %arg10[%iota3A, %broadcast_in_dim3A_462], %gather3A_460 : memref<16x128xf32, #tpu.memory_space<vmem>>[vector<16xi32>, vector<16xi32>], vector<16xf32>,
        %broadcast_in_dim3A_463 = arith.constant 11 : i32
        %broadcast_in_dim3A_464 = vector.broadcast %broadcast_in_dim3A_463 : i32 to vector<16xi32>
        %gather3A_465 = tpu.vector_load_idx %arg8[%broadcast_in_dim3A_464, %sub3A_399] : memref<32x1408xf32, #tpu.memory_space<vmem>>[vector<16xi32>, vector<16xi32>], vector<16xf32>,
        %broadcast_in_dim3A_466 = arith.constant 11 : i32
        %broadcast_in_dim3A_467 = vector.broadcast %broadcast_in_dim3A_466 : i32 to vector<16xi32>
        tpu.vector_store_idx %arg10[%iota3A, %broadcast_in_dim3A_467], %gather3A_465 : memref<16x128xf32, #tpu.memory_space<vmem>>[vector<16xi32>, vector<16xi32>], vector<16xf32>,
        %broadcast_in_dim3A_468 = arith.constant 12 : i32
        %broadcast_in_dim3A_469 = vector.broadcast %broadcast_in_dim3A_468 : i32 to vector<16xi32>
        %gather3A_470 = tpu.vector_load_idx %arg8[%broadcast_in_dim3A_469, %sub3A_399] : memref<32x1408xf32, #tpu.memory_space<vmem>>[vector<16xi32>, vector<16xi32>], vector<16xf32>,
        %broadcast_in_dim3A_471 = arith.constant 12 : i32
        %broadcast_in_dim3A_472 = vector.broadcast %broadcast_in_dim3A_471 : i32 to vector<16xi32>
        tpu.vector_store_idx %arg10[%iota3A, %broadcast_in_dim3A_472], %gather3A_470 : memref<16x128xf32, #tpu.memory_space<vmem>>[vector<16xi32>, vector<16xi32>], vector<16xf32>,
        %broadcast_in_dim3A_473 = arith.constant 13 : i32
        %broadcast_in_dim3A_474 = vector.broadcast %broadcast_in_dim3A_473 : i32 to vector<16xi32>
        %gather3A_475 = tpu.vector_load_idx %arg8[%broadcast_in_dim3A_474, %sub3A_399] : memref<32x1408xf32, #tpu.memory_space<vmem>>[vector<16xi32>, vector<16xi32>], vector<16xf32>,
        %broadcast_in_dim3A_476 = arith.constant 13 : i32
        %broadcast_in_dim3A_477 = vector.broadcast %broadcast_in_dim3A_476 : i32 to vector<16xi32>
        tpu.vector_store_idx %arg10[%iota3A, %broadcast_in_dim3A_477], %gather3A_475 : memref<16x128xf32, #tpu.memory_space<vmem>>[vector<16xi32>, vector<16xi32>], vector<16xf32>,
        %broadcast_in_dim3A_478 = arith.constant 14 : i32
        %broadcast_in_dim3A_479 = vector.broadcast %broadcast_in_dim3A_478 : i32 to vector<16xi32>
        %gather3A_480 = tpu.vector_load_idx %arg8[%broadcast_in_dim3A_479, %sub3A_399] : memref<32x1408xf32, #tpu.memory_space<vmem>>[vector<16xi32>, vector<16xi32>], vector<16xf32>,
        %broadcast_in_dim3A_481 = arith.constant 14 : i32
        %broadcast_in_dim3A_482 = vector.broadcast %broadcast_in_dim3A_481 : i32 to vector<16xi32>
        tpu.vector_store_idx %arg10[%iota3A, %broadcast_in_dim3A_482], %gather3A_480 : memref<16x128xf32, #tpu.memory_space<vmem>>[vector<16xi32>, vector<16xi32>], vector<16xf32>,
        %broadcast_in_dim3A_483 = arith.constant 15 : i32
        %broadcast_in_dim3A_484 = vector.broadcast %broadcast_in_dim3A_483 : i32 to vector<16xi32>
        %gather3A_485 = tpu.vector_load_idx %arg8[%broadcast_in_dim3A_484, %sub3A_399] : memref<32x1408xf32, #tpu.memory_space<vmem>>[vector<16xi32>, vector<16xi32>], vector<16xf32>,
        %broadcast_in_dim3A_486 = arith.constant 15 : i32
        %broadcast_in_dim3A_487 = vector.broadcast %broadcast_in_dim3A_486 : i32 to vector<16xi32>
        tpu.vector_store_idx %arg10[%iota3A, %broadcast_in_dim3A_487], %gather3A_485 : memref<16x128xf32, #tpu.memory_space<vmem>>[vector<16xi32>, vector<16xi32>], vector<16xf32>,
        %broadcast_in_dim3A_488 = arith.constant 16 : i32
        %broadcast_in_dim3A_489 = vector.broadcast %broadcast_in_dim3A_488 : i32 to vector<16xi32>
        %gather3A_490 = tpu.vector_load_idx %arg8[%broadcast_in_dim3A_489, %sub3A_399] : memref<32x1408xf32, #tpu.memory_space<vmem>>[vector<16xi32>, vector<16xi32>], vector<16xf32>,
        %broadcast_in_dim3A_491 = arith.constant 16 : i32
        %broadcast_in_dim3A_492 = vector.broadcast %broadcast_in_dim3A_491 : i32 to vector<16xi32>
        tpu.vector_store_idx %arg10[%iota3A, %broadcast_in_dim3A_492], %gather3A_490 : memref<16x128xf32, #tpu.memory_space<vmem>>[vector<16xi32>, vector<16xi32>], vector<16xf32>,
        %broadcast_in_dim3A_493 = arith.constant 17 : i32
        %broadcast_in_dim3A_494 = vector.broadcast %broadcast_in_dim3A_493 : i32 to vector<16xi32>
        %gather3A_495 = tpu.vector_load_idx %arg8[%broadcast_in_dim3A_494, %sub3A_399] : memref<32x1408xf32, #tpu.memory_space<vmem>>[vector<16xi32>, vector<16xi32>], vector<16xf32>,
        %broadcast_in_dim3A_496 = arith.constant 17 : i32
        %broadcast_in_dim3A_497 = vector.broadcast %broadcast_in_dim3A_496 : i32 to vector<16xi32>
        tpu.vector_store_idx %arg10[%iota3A, %broadcast_in_dim3A_497], %gather3A_495 : memref<16x128xf32, #tpu.memory_space<vmem>>[vector<16xi32>, vector<16xi32>], vector<16xf32>,
        %broadcast_in_dim3A_498 = arith.constant 18 : i32
        %broadcast_in_dim3A_499 = vector.broadcast %broadcast_in_dim3A_498 : i32 to vector<16xi32>
        %gather3A_500 = tpu.vector_load_idx %arg8[%broadcast_in_dim3A_499, %sub3A_399] : memref<32x1408xf32, #tpu.memory_space<vmem>>[vector<16xi32>, vector<16xi32>], vector<16xf32>,
        %broadcast_in_dim3A_501 = arith.constant 18 : i32
        %broadcast_in_dim3A_502 = vector.broadcast %broadcast_in_dim3A_501 : i32 to vector<16xi32>
        tpu.vector_store_idx %arg10[%iota3A, %broadcast_in_dim3A_502], %gather3A_500 : memref<16x128xf32, #tpu.memory_space<vmem>>[vector<16xi32>, vector<16xi32>], vector<16xf32>,
        %broadcast_in_dim3A_503 = arith.constant 19 : i32
        %broadcast_in_dim3A_504 = vector.broadcast %broadcast_in_dim3A_503 : i32 to vector<16xi32>
        %gather3A_505 = tpu.vector_load_idx %arg8[%broadcast_in_dim3A_504, %sub3A_399] : memref<32x1408xf32, #tpu.memory_space<vmem>>[vector<16xi32>, vector<16xi32>], vector<16xf32>,
        %broadcast_in_dim3A_506 = arith.constant 19 : i32
        %broadcast_in_dim3A_507 = vector.broadcast %broadcast_in_dim3A_506 : i32 to vector<16xi32>
        tpu.vector_store_idx %arg10[%iota3A, %broadcast_in_dim3A_507], %gather3A_505 : memref<16x128xf32, #tpu.memory_space<vmem>>[vector<16xi32>, vector<16xi32>], vector<16xf32>,
        %broadcast_in_dim3A_508 = arith.constant 20 : i32
        %broadcast_in_dim3A_509 = vector.broadcast %broadcast_in_dim3A_508 : i32 to vector<16xi32>
        %gather3A_510 = tpu.vector_load_idx %arg8[%broadcast_in_dim3A_509, %sub3A_399] : memref<32x1408xf32, #tpu.memory_space<vmem>>[vector<16xi32>, vector<16xi32>], vector<16xf32>,
        %broadcast_in_dim3A_511 = arith.constant 20 : i32
        %broadcast_in_dim3A_512 = vector.broadcast %broadcast_in_dim3A_511 : i32 to vector<16xi32>
        tpu.vector_store_idx %arg10[%iota3A, %broadcast_in_dim3A_512], %gather3A_510 : memref<16x128xf32, #tpu.memory_space<vmem>>[vector<16xi32>, vector<16xi32>], vector<16xf32>,
        %broadcast_in_dim3A_513 = arith.constant 21 : i32
        %broadcast_in_dim3A_514 = vector.broadcast %broadcast_in_dim3A_513 : i32 to vector<16xi32>
        %gather3A_515 = tpu.vector_load_idx %arg8[%broadcast_in_dim3A_514, %sub3A_399] : memref<32x1408xf32, #tpu.memory_space<vmem>>[vector<16xi32>, vector<16xi32>], vector<16xf32>,
        %broadcast_in_dim3A_516 = arith.constant 21 : i32
        %broadcast_in_dim3A_517 = vector.broadcast %broadcast_in_dim3A_516 : i32 to vector<16xi32>
        tpu.vector_store_idx %arg10[%iota3A, %broadcast_in_dim3A_517], %gather3A_515 : memref<16x128xf32, #tpu.memory_space<vmem>>[vector<16xi32>, vector<16xi32>], vector<16xf32>,
        %broadcast_in_dim3A_518 = arith.constant 22 : i32
        %broadcast_in_dim3A_519 = vector.broadcast %broadcast_in_dim3A_518 : i32 to vector<16xi32>
        %gather3A_520 = tpu.vector_load_idx %arg8[%broadcast_in_dim3A_519, %sub3A_399] : memref<32x1408xf32, #tpu.memory_space<vmem>>[vector<16xi32>, vector<16xi32>], vector<16xf32>,
        %broadcast_in_dim3A_521 = arith.constant 22 : i32
        %broadcast_in_dim3A_522 = vector.broadcast %broadcast_in_dim3A_521 : i32 to vector<16xi32>
        tpu.vector_store_idx %arg10[%iota3A, %broadcast_in_dim3A_522], %gather3A_520 : memref<16x128xf32, #tpu.memory_space<vmem>>[vector<16xi32>, vector<16xi32>], vector<16xf32>,
        %broadcast_in_dim3A_523 = arith.constant 23 : i32
        %broadcast_in_dim3A_524 = vector.broadcast %broadcast_in_dim3A_523 : i32 to vector<16xi32>
        %gather3A_525 = tpu.vector_load_idx %arg8[%broadcast_in_dim3A_524, %sub3A_399] : memref<32x1408xf32, #tpu.memory_space<vmem>>[vector<16xi32>, vector<16xi32>], vector<16xf32>,
        %broadcast_in_dim3A_526 = arith.constant 23 : i32
        %broadcast_in_dim3A_527 = vector.broadcast %broadcast_in_dim3A_526 : i32 to vector<16xi32>
        tpu.vector_store_idx %arg10[%iota3A, %broadcast_in_dim3A_527], %gather3A_525 : memref<16x128xf32, #tpu.memory_space<vmem>>[vector<16xi32>, vector<16xi32>], vector<16xf32>,
        %broadcast_in_dim3A_528 = arith.constant 24 : i32
        %broadcast_in_dim3A_529 = vector.broadcast %broadcast_in_dim3A_528 : i32 to vector<16xi32>
        %gather3A_530 = tpu.vector_load_idx %arg8[%broadcast_in_dim3A_529, %sub3A_399] : memref<32x1408xf32, #tpu.memory_space<vmem>>[vector<16xi32>, vector<16xi32>], vector<16xf32>,
        %broadcast_in_dim3A_531 = arith.constant 24 : i32
        %broadcast_in_dim3A_532 = vector.broadcast %broadcast_in_dim3A_531 : i32 to vector<16xi32>
        tpu.vector_store_idx %arg10[%iota3A, %broadcast_in_dim3A_532], %gather3A_530 : memref<16x128xf32, #tpu.memory_space<vmem>>[vector<16xi32>, vector<16xi32>], vector<16xf32>,
        %broadcast_in_dim3A_533 = arith.constant 25 : i32
        %broadcast_in_dim3A_534 = vector.broadcast %broadcast_in_dim3A_533 : i32 to vector<16xi32>
        %gather3A_535 = tpu.vector_load_idx %arg8[%broadcast_in_dim3A_534, %sub3A_399] : memref<32x1408xf32, #tpu.memory_space<vmem>>[vector<16xi32>, vector<16xi32>], vector<16xf32>,
        %broadcast_in_dim3A_536 = arith.constant 25 : i32
        %broadcast_in_dim3A_537 = vector.broadcast %broadcast_in_dim3A_536 : i32 to vector<16xi32>
        tpu.vector_store_idx %arg10[%iota3A, %broadcast_in_dim3A_537], %gather3A_535 : memref<16x128xf32, #tpu.memory_space<vmem>>[vector<16xi32>, vector<16xi32>], vector<16xf32>,
        %broadcast_in_dim3A_538 = arith.constant 26 : i32
        %broadcast_in_dim3A_539 = vector.broadcast %broadcast_in_dim3A_538 : i32 to vector<16xi32>
        %gather3A_540 = tpu.vector_load_idx %arg8[%broadcast_in_dim3A_539, %sub3A_399] : memref<32x1408xf32, #tpu.memory_space<vmem>>[vector<16xi32>, vector<16xi32>], vector<16xf32>,
        %broadcast_in_dim3A_541 = arith.constant 26 : i32
        %broadcast_in_dim3A_542 = vector.broadcast %broadcast_in_dim3A_541 : i32 to vector<16xi32>
        tpu.vector_store_idx %arg10[%iota3A, %broadcast_in_dim3A_542], %gather3A_540 : memref<16x128xf32, #tpu.memory_space<vmem>>[vector<16xi32>, vector<16xi32>], vector<16xf32>,
        %broadcast_in_dim3A_543 = arith.constant 27 : i32
        %broadcast_in_dim3A_544 = vector.broadcast %broadcast_in_dim3A_543 : i32 to vector<16xi32>
        %gather3A_545 = tpu.vector_load_idx %arg8[%broadcast_in_dim3A_544, %sub3A_399] : memref<32x1408xf32, #tpu.memory_space<vmem>>[vector<16xi32>, vector<16xi32>], vector<16xf32>,
        %broadcast_in_dim3A_546 = arith.constant 27 : i32
        %broadcast_in_dim3A_547 = vector.broadcast %broadcast_in_dim3A_546 : i32 to vector<16xi32>
        tpu.vector_store_idx %arg10[%iota3A, %broadcast_in_dim3A_547], %gather3A_545 : memref<16x128xf32, #tpu.memory_space<vmem>>[vector<16xi32>, vector<16xi32>], vector<16xf32>,
        %broadcast_in_dim3A_548 = arith.constant 28 : i32
        %broadcast_in_dim3A_549 = vector.broadcast %broadcast_in_dim3A_548 : i32 to vector<16xi32>
        %gather3A_550 = tpu.vector_load_idx %arg8[%broadcast_in_dim3A_549, %sub3A_399] : memref<32x1408xf32, #tpu.memory_space<vmem>>[vector<16xi32>, vector<16xi32>], vector<16xf32>,
        %broadcast_in_dim3A_551 = arith.constant 28 : i32
        %broadcast_in_dim3A_552 = vector.broadcast %broadcast_in_dim3A_551 : i32 to vector<16xi32>
        tpu.vector_store_idx %arg10[%iota3A, %broadcast_in_dim3A_552], %gather3A_550 : memref<16x128xf32, #tpu.memory_space<vmem>>[vector<16xi32>, vector<16xi32>], vector<16xf32>,
        %broadcast_in_dim3A_553 = arith.constant 29 : i32
        %broadcast_in_dim3A_554 = vector.broadcast %broadcast_in_dim3A_553 : i32 to vector<16xi32>
        %gather3A_555 = tpu.vector_load_idx %arg8[%broadcast_in_dim3A_554, %sub3A_399] : memref<32x1408xf32, #tpu.memory_space<vmem>>[vector<16xi32>, vector<16xi32>], vector<16xf32>,
        %broadcast_in_dim3A_556 = arith.constant 29 : i32
        %broadcast_in_dim3A_557 = vector.broadcast %broadcast_in_dim3A_556 : i32 to vector<16xi32>
        tpu.vector_store_idx %arg10[%iota3A, %broadcast_in_dim3A_557], %gather3A_555 : memref<16x128xf32, #tpu.memory_space<vmem>>[vector<16xi32>, vector<16xi32>], vector<16xf32>,
        %broadcast_in_dim3A_558 = arith.constant 30 : i32
        %broadcast_in_dim3A_559 = vector.broadcast %broadcast_in_dim3A_558 : i32 to vector<16xi32>
        %gather3A_560 = tpu.vector_load_idx %arg8[%broadcast_in_dim3A_559, %sub3A_399] : memref<32x1408xf32, #tpu.memory_space<vmem>>[vector<16xi32>, vector<16xi32>], vector<16xf32>,
        %broadcast_in_dim3A_561 = arith.constant 30 : i32
        %broadcast_in_dim3A_562 = vector.broadcast %broadcast_in_dim3A_561 : i32 to vector<16xi32>
        tpu.vector_store_idx %arg10[%iota3A, %broadcast_in_dim3A_562], %gather3A_560 : memref<16x128xf32, #tpu.memory_space<vmem>>[vector<16xi32>, vector<16xi32>], vector<16xf32>,
        %broadcast_in_dim3A_563 = arith.constant 31 : i32
        %broadcast_in_dim3A_564 = vector.broadcast %broadcast_in_dim3A_563 : i32 to vector<16xi32>
        %gather3A_565 = tpu.vector_load_idx %arg8[%broadcast_in_dim3A_564, %sub3A_399] : memref<32x1408xf32, #tpu.memory_space<vmem>>[vector<16xi32>, vector<16xi32>], vector<16xf32>,
        %broadcast_in_dim3A_566 = arith.constant 31 : i32
        %broadcast_in_dim3A_567 = vector.broadcast %broadcast_in_dim3A_566 : i32 to vector<16xi32>
        tpu.vector_store_idx %arg10[%iota3A, %broadcast_in_dim3A_567], %gather3A_565 : memref<16x128xf32, #tpu.memory_space<vmem>>[vector<16xi32>, vector<16xi32>], vector<16xf32>,
        %dma_start3A_568 = arith.constant 0 : i32
        %dma_start3A_569 = arith.constant 0 : i32
        %dma_start3A_570 = tpu.memref_slice %arg4[%dma_start3A_568, %dma_start3A_569] : memref<16400x128xf32, #tpu.memory_space<hbm>> -> memref<16400x128xf32, #tpu.memory_space<hbm>>
        tpu.enqueue_indirect_dma source(%arg10 : memref<16x128xf32, #tpu.memory_space<vmem>>) target(%dma_start3A_570 : memref<16400x128xf32, #tpu.memory_space<hbm>>) offsets(%arg11 : memref<16xi32, #tpu.memory_space<vmem>>) semaphore(%arg14 : memref<!tpu.dma_semaphore, #tpu.memory_space<semaphore_mem>>)
      }
      %while3A_296 = arith.constant 1 : i32
      scf.for %while3A_391 = %while3A_294 to %while3A_290 step %while3A_296  : i32 {
        %mul3A_392 = arith.constant 16 : i32
        %mul3A_393 = arith.muli %while3A_391, %mul3A_392 : i32
        %get3A = arith.index_cast %mul3A_393 : i32 to index
        %get3A_394 = tpu.vector_load %arg7[%get3A] {strides = array<i32>} : memref<16448xi32, #tpu.memory_space<vmem>>, vector<16xi32>,
        %and3A_395 = arith.constant 32767 : i32
        %and3A_396 = vector.broadcast %and3A_395 : i32 to vector<16xi32>
        %and3A_397 = arith.andi %get3A_394, %and3A_396 : vector<16xi32>
        %sub3A_398 = vector.broadcast %sub3A_238 : i32 to vector<16xi32>
        %sub3A_399 = arith.subi %and3A_397, %sub3A_398 : vector<16xi32>
        %dma_wait3A_400 = arith.constant 0 : i32
        %dma_wait3A_401 = arith.constant 0 : i32
        %dma_wait3A_402 = tpu.memref_slice %arg4[%dma_wait3A_400, %dma_wait3A_401] : memref<16400x128xf32, #tpu.memory_space<hbm>> -> memref<16x128xf32, #tpu.memory_space<hbm>>
        %dma_wait3A_403 = arith.constant 0 : i32
        %dma_wait3A_404 = arith.constant 0 : i32
        %dma_wait3A_405 = tpu.memref_slice %arg4[%dma_wait3A_403, %dma_wait3A_404] : memref<16400x128xf32, #tpu.memory_space<hbm>> -> memref<16x128xf32, #tpu.memory_space<hbm>>
        tpu.wait_dma2 semaphore(%arg14 : memref<!tpu.dma_semaphore, #tpu.memory_space<semaphore_mem>>) src(%dma_wait3A_405 : memref<16x128xf32, #tpu.memory_space<hbm>>) dst(%arg10 : memref<16x128xf32, #tpu.memory_space<vmem>>)
        %shift_right_arithmetic3A = arith.constant 15 : i32
        %shift_right_arithmetic3A_406 = vector.broadcast %shift_right_arithmetic3A : i32 to vector<16xi32>
        %shift_right_arithmetic3A_407 = arith.shrsi %get3A_394, %shift_right_arithmetic3A_406 : vector<16xi32>
        %swap3A_408 = arith.constant 0 : index
        %swap3A_409 = tpu.vector_load %arg11[%swap3A_408] {strides = array<i32>} : memref<16xi32, #tpu.memory_space<vmem>>, vector<16xi32>,
        tpu.vector_store %arg11[%swap3A_408], %shift_right_arithmetic3A_407 {strides = array<i32>} : memref<16xi32, #tpu.memory_space<vmem>>, vector<16xi32>,
        %broadcast_in_dim3A = arith.constant 0 : i32
        %broadcast_in_dim3A_410 = vector.broadcast %broadcast_in_dim3A : i32 to vector<16xi32>
        %gather3A = tpu.vector_load_idx %arg8[%broadcast_in_dim3A_410, %sub3A_399] : memref<32x1408xf32, #tpu.memory_space<vmem>>[vector<16xi32>, vector<16xi32>], vector<16xf32>,
        %broadcast_in_dim3A_411 = arith.constant 0 : i32
        %broadcast_in_dim3A_412 = vector.broadcast %broadcast_in_dim3A_411 : i32 to vector<16xi32>
        tpu.vector_store_idx %arg10[%iota3A, %broadcast_in_dim3A_412], %gather3A : memref<16x128xf32, #tpu.memory_space<vmem>>[vector<16xi32>, vector<16xi32>], vector<16xf32>,
        %broadcast_in_dim3A_413 = arith.constant 1 : i32
        %broadcast_in_dim3A_414 = vector.broadcast %broadcast_in_dim3A_413 : i32 to vector<16xi32>
        %gather3A_415 = tpu.vector_load_idx %arg8[%broadcast_in_dim3A_414, %sub3A_399] : memref<32x1408xf32, #tpu.memory_space<vmem>>[vector<16xi32>, vector<16xi32>], vector<16xf32>,
        %broadcast_in_dim3A_416 = arith.constant 1 : i32
        %broadcast_in_dim3A_417 = vector.broadcast %broadcast_in_dim3A_416 : i32 to vector<16xi32>
        tpu.vector_store_idx %arg10[%iota3A, %broadcast_in_dim3A_417], %gather3A_415 : memref<16x128xf32, #tpu.memory_space<vmem>>[vector<16xi32>, vector<16xi32>], vector<16xf32>,
        %broadcast_in_dim3A_418 = arith.constant 2 : i32
        %broadcast_in_dim3A_419 = vector.broadcast %broadcast_in_dim3A_418 : i32 to vector<16xi32>
        %gather3A_420 = tpu.vector_load_idx %arg8[%broadcast_in_dim3A_419, %sub3A_399] : memref<32x1408xf32, #tpu.memory_space<vmem>>[vector<16xi32>, vector<16xi32>], vector<16xf32>,
        %broadcast_in_dim3A_421 = arith.constant 2 : i32
        %broadcast_in_dim3A_422 = vector.broadcast %broadcast_in_dim3A_421 : i32 to vector<16xi32>
        tpu.vector_store_idx %arg10[%iota3A, %broadcast_in_dim3A_422], %gather3A_420 : memref<16x128xf32, #tpu.memory_space<vmem>>[vector<16xi32>, vector<16xi32>], vector<16xf32>,
        %broadcast_in_dim3A_423 = arith.constant 3 : i32
        %broadcast_in_dim3A_424 = vector.broadcast %broadcast_in_dim3A_423 : i32 to vector<16xi32>
        %gather3A_425 = tpu.vector_load_idx %arg8[%broadcast_in_dim3A_424, %sub3A_399] : memref<32x1408xf32, #tpu.memory_space<vmem>>[vector<16xi32>, vector<16xi32>], vector<16xf32>,
        %broadcast_in_dim3A_426 = arith.constant 3 : i32
        %broadcast_in_dim3A_427 = vector.broadcast %broadcast_in_dim3A_426 : i32 to vector<16xi32>
        tpu.vector_store_idx %arg10[%iota3A, %broadcast_in_dim3A_427], %gather3A_425 : memref<16x128xf32, #tpu.memory_space<vmem>>[vector<16xi32>, vector<16xi32>], vector<16xf32>,
        %broadcast_in_dim3A_428 = arith.constant 4 : i32
        %broadcast_in_dim3A_429 = vector.broadcast %broadcast_in_dim3A_428 : i32 to vector<16xi32>
        %gather3A_430 = tpu.vector_load_idx %arg8[%broadcast_in_dim3A_429, %sub3A_399] : memref<32x1408xf32, #tpu.memory_space<vmem>>[vector<16xi32>, vector<16xi32>], vector<16xf32>,
        %broadcast_in_dim3A_431 = arith.constant 4 : i32
        %broadcast_in_dim3A_432 = vector.broadcast %broadcast_in_dim3A_431 : i32 to vector<16xi32>
        tpu.vector_store_idx %arg10[%iota3A, %broadcast_in_dim3A_432], %gather3A_430 : memref<16x128xf32, #tpu.memory_space<vmem>>[vector<16xi32>, vector<16xi32>], vector<16xf32>,
        %broadcast_in_dim3A_433 = arith.constant 5 : i32
        %broadcast_in_dim3A_434 = vector.broadcast %broadcast_in_dim3A_433 : i32 to vector<16xi32>
        %gather3A_435 = tpu.vector_load_idx %arg8[%broadcast_in_dim3A_434, %sub3A_399] : memref<32x1408xf32, #tpu.memory_space<vmem>>[vector<16xi32>, vector<16xi32>], vector<16xf32>,
        %broadcast_in_dim3A_436 = arith.constant 5 : i32
        %broadcast_in_dim3A_437 = vector.broadcast %broadcast_in_dim3A_436 : i32 to vector<16xi32>
        tpu.vector_store_idx %arg10[%iota3A, %broadcast_in_dim3A_437], %gather3A_435 : memref<16x128xf32, #tpu.memory_space<vmem>>[vector<16xi32>, vector<16xi32>], vector<16xf32>,
        %broadcast_in_dim3A_438 = arith.constant 6 : i32
        %broadcast_in_dim3A_439 = vector.broadcast %broadcast_in_dim3A_438 : i32 to vector<16xi32>
        %gather3A_440 = tpu.vector_load_idx %arg8[%broadcast_in_dim3A_439, %sub3A_399] : memref<32x1408xf32, #tpu.memory_space<vmem>>[vector<16xi32>, vector<16xi32>], vector<16xf32>,
        %broadcast_in_dim3A_441 = arith.constant 6 : i32
        %broadcast_in_dim3A_442 = vector.broadcast %broadcast_in_dim3A_441 : i32 to vector<16xi32>
        tpu.vector_store_idx %arg10[%iota3A, %broadcast_in_dim3A_442], %gather3A_440 : memref<16x128xf32, #tpu.memory_space<vmem>>[vector<16xi32>, vector<16xi32>], vector<16xf32>,
        %broadcast_in_dim3A_443 = arith.constant 7 : i32
        %broadcast_in_dim3A_444 = vector.broadcast %broadcast_in_dim3A_443 : i32 to vector<16xi32>
        %gather3A_445 = tpu.vector_load_idx %arg8[%broadcast_in_dim3A_444, %sub3A_399] : memref<32x1408xf32, #tpu.memory_space<vmem>>[vector<16xi32>, vector<16xi32>], vector<16xf32>,
        %broadcast_in_dim3A_446 = arith.constant 7 : i32
        %broadcast_in_dim3A_447 = vector.broadcast %broadcast_in_dim3A_446 : i32 to vector<16xi32>
        tpu.vector_store_idx %arg10[%iota3A, %broadcast_in_dim3A_447], %gather3A_445 : memref<16x128xf32, #tpu.memory_space<vmem>>[vector<16xi32>, vector<16xi32>], vector<16xf32>,
        %broadcast_in_dim3A_448 = arith.constant 8 : i32
        %broadcast_in_dim3A_449 = vector.broadcast %broadcast_in_dim3A_448 : i32 to vector<16xi32>
        %gather3A_450 = tpu.vector_load_idx %arg8[%broadcast_in_dim3A_449, %sub3A_399] : memref<32x1408xf32, #tpu.memory_space<vmem>>[vector<16xi32>, vector<16xi32>], vector<16xf32>,
        %broadcast_in_dim3A_451 = arith.constant 8 : i32
        %broadcast_in_dim3A_452 = vector.broadcast %broadcast_in_dim3A_451 : i32 to vector<16xi32>
        tpu.vector_store_idx %arg10[%iota3A, %broadcast_in_dim3A_452], %gather3A_450 : memref<16x128xf32, #tpu.memory_space<vmem>>[vector<16xi32>, vector<16xi32>], vector<16xf32>,
        %broadcast_in_dim3A_453 = arith.constant 9 : i32
        %broadcast_in_dim3A_454 = vector.broadcast %broadcast_in_dim3A_453 : i32 to vector<16xi32>
        %gather3A_455 = tpu.vector_load_idx %arg8[%broadcast_in_dim3A_454, %sub3A_399] : memref<32x1408xf32, #tpu.memory_space<vmem>>[vector<16xi32>, vector<16xi32>], vector<16xf32>,
        %broadcast_in_dim3A_456 = arith.constant 9 : i32
        %broadcast_in_dim3A_457 = vector.broadcast %broadcast_in_dim3A_456 : i32 to vector<16xi32>
        tpu.vector_store_idx %arg10[%iota3A, %broadcast_in_dim3A_457], %gather3A_455 : memref<16x128xf32, #tpu.memory_space<vmem>>[vector<16xi32>, vector<16xi32>], vector<16xf32>,
        %broadcast_in_dim3A_458 = arith.constant 10 : i32
        %broadcast_in_dim3A_459 = vector.broadcast %broadcast_in_dim3A_458 : i32 to vector<16xi32>
        %gather3A_460 = tpu.vector_load_idx %arg8[%broadcast_in_dim3A_459, %sub3A_399] : memref<32x1408xf32, #tpu.memory_space<vmem>>[vector<16xi32>, vector<16xi32>], vector<16xf32>,
        %broadcast_in_dim3A_461 = arith.constant 10 : i32
        %broadcast_in_dim3A_462 = vector.broadcast %broadcast_in_dim3A_461 : i32 to vector<16xi32>
        tpu.vector_store_idx %arg10[%iota3A, %broadcast_in_dim3A_462], %gather3A_460 : memref<16x128xf32, #tpu.memory_space<vmem>>[vector<16xi32>, vector<16xi32>], vector<16xf32>,
        %broadcast_in_dim3A_463 = arith.constant 11 : i32
        %broadcast_in_dim3A_464 = vector.broadcast %broadcast_in_dim3A_463 : i32 to vector<16xi32>
        %gather3A_465 = tpu.vector_load_idx %arg8[%broadcast_in_dim3A_464, %sub3A_399] : memref<32x1408xf32, #tpu.memory_space<vmem>>[vector<16xi32>, vector<16xi32>], vector<16xf32>,
        %broadcast_in_dim3A_466 = arith.constant 11 : i32
        %broadcast_in_dim3A_467 = vector.broadcast %broadcast_in_dim3A_466 : i32 to vector<16xi32>
        tpu.vector_store_idx %arg10[%iota3A, %broadcast_in_dim3A_467], %gather3A_465 : memref<16x128xf32, #tpu.memory_space<vmem>>[vector<16xi32>, vector<16xi32>], vector<16xf32>,
        %broadcast_in_dim3A_468 = arith.constant 12 : i32
        %broadcast_in_dim3A_469 = vector.broadcast %broadcast_in_dim3A_468 : i32 to vector<16xi32>
        %gather3A_470 = tpu.vector_load_idx %arg8[%broadcast_in_dim3A_469, %sub3A_399] : memref<32x1408xf32, #tpu.memory_space<vmem>>[vector<16xi32>, vector<16xi32>], vector<16xf32>,
        %broadcast_in_dim3A_471 = arith.constant 12 : i32
        %broadcast_in_dim3A_472 = vector.broadcast %broadcast_in_dim3A_471 : i32 to vector<16xi32>
        tpu.vector_store_idx %arg10[%iota3A, %broadcast_in_dim3A_472], %gather3A_470 : memref<16x128xf32, #tpu.memory_space<vmem>>[vector<16xi32>, vector<16xi32>], vector<16xf32>,
        %broadcast_in_dim3A_473 = arith.constant 13 : i32
        %broadcast_in_dim3A_474 = vector.broadcast %broadcast_in_dim3A_473 : i32 to vector<16xi32>
        %gather3A_475 = tpu.vector_load_idx %arg8[%broadcast_in_dim3A_474, %sub3A_399] : memref<32x1408xf32, #tpu.memory_space<vmem>>[vector<16xi32>, vector<16xi32>], vector<16xf32>,
        %broadcast_in_dim3A_476 = arith.constant 13 : i32
        %broadcast_in_dim3A_477 = vector.broadcast %broadcast_in_dim3A_476 : i32 to vector<16xi32>
        tpu.vector_store_idx %arg10[%iota3A, %broadcast_in_dim3A_477], %gather3A_475 : memref<16x128xf32, #tpu.memory_space<vmem>>[vector<16xi32>, vector<16xi32>], vector<16xf32>,
        %broadcast_in_dim3A_478 = arith.constant 14 : i32
        %broadcast_in_dim3A_479 = vector.broadcast %broadcast_in_dim3A_478 : i32 to vector<16xi32>
        %gather3A_480 = tpu.vector_load_idx %arg8[%broadcast_in_dim3A_479, %sub3A_399] : memref<32x1408xf32, #tpu.memory_space<vmem>>[vector<16xi32>, vector<16xi32>], vector<16xf32>,
        %broadcast_in_dim3A_481 = arith.constant 14 : i32
        %broadcast_in_dim3A_482 = vector.broadcast %broadcast_in_dim3A_481 : i32 to vector<16xi32>
        tpu.vector_store_idx %arg10[%iota3A, %broadcast_in_dim3A_482], %gather3A_480 : memref<16x128xf32, #tpu.memory_space<vmem>>[vector<16xi32>, vector<16xi32>], vector<16xf32>,
        %broadcast_in_dim3A_483 = arith.constant 15 : i32
        %broadcast_in_dim3A_484 = vector.broadcast %broadcast_in_dim3A_483 : i32 to vector<16xi32>
        %gather3A_485 = tpu.vector_load_idx %arg8[%broadcast_in_dim3A_484, %sub3A_399] : memref<32x1408xf32, #tpu.memory_space<vmem>>[vector<16xi32>, vector<16xi32>], vector<16xf32>,
        %broadcast_in_dim3A_486 = arith.constant 15 : i32
        %broadcast_in_dim3A_487 = vector.broadcast %broadcast_in_dim3A_486 : i32 to vector<16xi32>
        tpu.vector_store_idx %arg10[%iota3A, %broadcast_in_dim3A_487], %gather3A_485 : memref<16x128xf32, #tpu.memory_space<vmem>>[vector<16xi32>, vector<16xi32>], vector<16xf32>,
        %broadcast_in_dim3A_488 = arith.constant 16 : i32
        %broadcast_in_dim3A_489 = vector.broadcast %broadcast_in_dim3A_488 : i32 to vector<16xi32>
        %gather3A_490 = tpu.vector_load_idx %arg8[%broadcast_in_dim3A_489, %sub3A_399] : memref<32x1408xf32, #tpu.memory_space<vmem>>[vector<16xi32>, vector<16xi32>], vector<16xf32>,
        %broadcast_in_dim3A_491 = arith.constant 16 : i32
        %broadcast_in_dim3A_492 = vector.broadcast %broadcast_in_dim3A_491 : i32 to vector<16xi32>
        tpu.vector_store_idx %arg10[%iota3A, %broadcast_in_dim3A_492], %gather3A_490 : memref<16x128xf32, #tpu.memory_space<vmem>>[vector<16xi32>, vector<16xi32>], vector<16xf32>,
        %broadcast_in_dim3A_493 = arith.constant 17 : i32
        %broadcast_in_dim3A_494 = vector.broadcast %broadcast_in_dim3A_493 : i32 to vector<16xi32>
        %gather3A_495 = tpu.vector_load_idx %arg8[%broadcast_in_dim3A_494, %sub3A_399] : memref<32x1408xf32, #tpu.memory_space<vmem>>[vector<16xi32>, vector<16xi32>], vector<16xf32>,
        %broadcast_in_dim3A_496 = arith.constant 17 : i32
        %broadcast_in_dim3A_497 = vector.broadcast %broadcast_in_dim3A_496 : i32 to vector<16xi32>
        tpu.vector_store_idx %arg10[%iota3A, %broadcast_in_dim3A_497], %gather3A_495 : memref<16x128xf32, #tpu.memory_space<vmem>>[vector<16xi32>, vector<16xi32>], vector<16xf32>,
        %broadcast_in_dim3A_498 = arith.constant 18 : i32
        %broadcast_in_dim3A_499 = vector.broadcast %broadcast_in_dim3A_498 : i32 to vector<16xi32>
        %gather3A_500 = tpu.vector_load_idx %arg8[%broadcast_in_dim3A_499, %sub3A_399] : memref<32x1408xf32, #tpu.memory_space<vmem>>[vector<16xi32>, vector<16xi32>], vector<16xf32>,
        %broadcast_in_dim3A_501 = arith.constant 18 : i32
        %broadcast_in_dim3A_502 = vector.broadcast %broadcast_in_dim3A_501 : i32 to vector<16xi32>
        tpu.vector_store_idx %arg10[%iota3A, %broadcast_in_dim3A_502], %gather3A_500 : memref<16x128xf32, #tpu.memory_space<vmem>>[vector<16xi32>, vector<16xi32>], vector<16xf32>,
        %broadcast_in_dim3A_503 = arith.constant 19 : i32
        %broadcast_in_dim3A_504 = vector.broadcast %broadcast_in_dim3A_503 : i32 to vector<16xi32>
        %gather3A_505 = tpu.vector_load_idx %arg8[%broadcast_in_dim3A_504, %sub3A_399] : memref<32x1408xf32, #tpu.memory_space<vmem>>[vector<16xi32>, vector<16xi32>], vector<16xf32>,
        %broadcast_in_dim3A_506 = arith.constant 19 : i32
        %broadcast_in_dim3A_507 = vector.broadcast %broadcast_in_dim3A_506 : i32 to vector<16xi32>
        tpu.vector_store_idx %arg10[%iota3A, %broadcast_in_dim3A_507], %gather3A_505 : memref<16x128xf32, #tpu.memory_space<vmem>>[vector<16xi32>, vector<16xi32>], vector<16xf32>,
        %broadcast_in_dim3A_508 = arith.constant 20 : i32
        %broadcast_in_dim3A_509 = vector.broadcast %broadcast_in_dim3A_508 : i32 to vector<16xi32>
        %gather3A_510 = tpu.vector_load_idx %arg8[%broadcast_in_dim3A_509, %sub3A_399] : memref<32x1408xf32, #tpu.memory_space<vmem>>[vector<16xi32>, vector<16xi32>], vector<16xf32>,
        %broadcast_in_dim3A_511 = arith.constant 20 : i32
        %broadcast_in_dim3A_512 = vector.broadcast %broadcast_in_dim3A_511 : i32 to vector<16xi32>
        tpu.vector_store_idx %arg10[%iota3A, %broadcast_in_dim3A_512], %gather3A_510 : memref<16x128xf32, #tpu.memory_space<vmem>>[vector<16xi32>, vector<16xi32>], vector<16xf32>,
        %broadcast_in_dim3A_513 = arith.constant 21 : i32
        %broadcast_in_dim3A_514 = vector.broadcast %broadcast_in_dim3A_513 : i32 to vector<16xi32>
        %gather3A_515 = tpu.vector_load_idx %arg8[%broadcast_in_dim3A_514, %sub3A_399] : memref<32x1408xf32, #tpu.memory_space<vmem>>[vector<16xi32>, vector<16xi32>], vector<16xf32>,
        %broadcast_in_dim3A_516 = arith.constant 21 : i32
        %broadcast_in_dim3A_517 = vector.broadcast %broadcast_in_dim3A_516 : i32 to vector<16xi32>
        tpu.vector_store_idx %arg10[%iota3A, %broadcast_in_dim3A_517], %gather3A_515 : memref<16x128xf32, #tpu.memory_space<vmem>>[vector<16xi32>, vector<16xi32>], vector<16xf32>,
        %broadcast_in_dim3A_518 = arith.constant 22 : i32
        %broadcast_in_dim3A_519 = vector.broadcast %broadcast_in_dim3A_518 : i32 to vector<16xi32>
        %gather3A_520 = tpu.vector_load_idx %arg8[%broadcast_in_dim3A_519, %sub3A_399] : memref<32x1408xf32, #tpu.memory_space<vmem>>[vector<16xi32>, vector<16xi32>], vector<16xf32>,
        %broadcast_in_dim3A_521 = arith.constant 22 : i32
        %broadcast_in_dim3A_522 = vector.broadcast %broadcast_in_dim3A_521 : i32 to vector<16xi32>
        tpu.vector_store_idx %arg10[%iota3A, %broadcast_in_dim3A_522], %gather3A_520 : memref<16x128xf32, #tpu.memory_space<vmem>>[vector<16xi32>, vector<16xi32>], vector<16xf32>,
        %broadcast_in_dim3A_523 = arith.constant 23 : i32
        %broadcast_in_dim3A_524 = vector.broadcast %broadcast_in_dim3A_523 : i32 to vector<16xi32>
        %gather3A_525 = tpu.vector_load_idx %arg8[%broadcast_in_dim3A_524, %sub3A_399] : memref<32x1408xf32, #tpu.memory_space<vmem>>[vector<16xi32>, vector<16xi32>], vector<16xf32>,
        %broadcast_in_dim3A_526 = arith.constant 23 : i32
        %broadcast_in_dim3A_527 = vector.broadcast %broadcast_in_dim3A_526 : i32 to vector<16xi32>
        tpu.vector_store_idx %arg10[%iota3A, %broadcast_in_dim3A_527], %gather3A_525 : memref<16x128xf32, #tpu.memory_space<vmem>>[vector<16xi32>, vector<16xi32>], vector<16xf32>,
        %broadcast_in_dim3A_528 = arith.constant 24 : i32
        %broadcast_in_dim3A_529 = vector.broadcast %broadcast_in_dim3A_528 : i32 to vector<16xi32>
        %gather3A_530 = tpu.vector_load_idx %arg8[%broadcast_in_dim3A_529, %sub3A_399] : memref<32x1408xf32, #tpu.memory_space<vmem>>[vector<16xi32>, vector<16xi32>], vector<16xf32>,
        %broadcast_in_dim3A_531 = arith.constant 24 : i32
        %broadcast_in_dim3A_532 = vector.broadcast %broadcast_in_dim3A_531 : i32 to vector<16xi32>
        tpu.vector_store_idx %arg10[%iota3A, %broadcast_in_dim3A_532], %gather3A_530 : memref<16x128xf32, #tpu.memory_space<vmem>>[vector<16xi32>, vector<16xi32>], vector<16xf32>,
        %broadcast_in_dim3A_533 = arith.constant 25 : i32
        %broadcast_in_dim3A_534 = vector.broadcast %broadcast_in_dim3A_533 : i32 to vector<16xi32>
        %gather3A_535 = tpu.vector_load_idx %arg8[%broadcast_in_dim3A_534, %sub3A_399] : memref<32x1408xf32, #tpu.memory_space<vmem>>[vector<16xi32>, vector<16xi32>], vector<16xf32>,
        %broadcast_in_dim3A_536 = arith.constant 25 : i32
        %broadcast_in_dim3A_537 = vector.broadcast %broadcast_in_dim3A_536 : i32 to vector<16xi32>
        tpu.vector_store_idx %arg10[%iota3A, %broadcast_in_dim3A_537], %gather3A_535 : memref<16x128xf32, #tpu.memory_space<vmem>>[vector<16xi32>, vector<16xi32>], vector<16xf32>,
        %broadcast_in_dim3A_538 = arith.constant 26 : i32
        %broadcast_in_dim3A_539 = vector.broadcast %broadcast_in_dim3A_538 : i32 to vector<16xi32>
        %gather3A_540 = tpu.vector_load_idx %arg8[%broadcast_in_dim3A_539, %sub3A_399] : memref<32x1408xf32, #tpu.memory_space<vmem>>[vector<16xi32>, vector<16xi32>], vector<16xf32>,
        %broadcast_in_dim3A_541 = arith.constant 26 : i32
        %broadcast_in_dim3A_542 = vector.broadcast %broadcast_in_dim3A_541 : i32 to vector<16xi32>
        tpu.vector_store_idx %arg10[%iota3A, %broadcast_in_dim3A_542], %gather3A_540 : memref<16x128xf32, #tpu.memory_space<vmem>>[vector<16xi32>, vector<16xi32>], vector<16xf32>,
        %broadcast_in_dim3A_543 = arith.constant 27 : i32
        %broadcast_in_dim3A_544 = vector.broadcast %broadcast_in_dim3A_543 : i32 to vector<16xi32>
        %gather3A_545 = tpu.vector_load_idx %arg8[%broadcast_in_dim3A_544, %sub3A_399] : memref<32x1408xf32, #tpu.memory_space<vmem>>[vector<16xi32>, vector<16xi32>], vector<16xf32>,
        %broadcast_in_dim3A_546 = arith.constant 27 : i32
        %broadcast_in_dim3A_547 = vector.broadcast %broadcast_in_dim3A_546 : i32 to vector<16xi32>
        tpu.vector_store_idx %arg10[%iota3A, %broadcast_in_dim3A_547], %gather3A_545 : memref<16x128xf32, #tpu.memory_space<vmem>>[vector<16xi32>, vector<16xi32>], vector<16xf32>,
        %broadcast_in_dim3A_548 = arith.constant 28 : i32
        %broadcast_in_dim3A_549 = vector.broadcast %broadcast_in_dim3A_548 : i32 to vector<16xi32>
        %gather3A_550 = tpu.vector_load_idx %arg8[%broadcast_in_dim3A_549, %sub3A_399] : memref<32x1408xf32, #tpu.memory_space<vmem>>[vector<16xi32>, vector<16xi32>], vector<16xf32>,
        %broadcast_in_dim3A_551 = arith.constant 28 : i32
        %broadcast_in_dim3A_552 = vector.broadcast %broadcast_in_dim3A_551 : i32 to vector<16xi32>
        tpu.vector_store_idx %arg10[%iota3A, %broadcast_in_dim3A_552], %gather3A_550 : memref<16x128xf32, #tpu.memory_space<vmem>>[vector<16xi32>, vector<16xi32>], vector<16xf32>,
        %broadcast_in_dim3A_553 = arith.constant 29 : i32
        %broadcast_in_dim3A_554 = vector.broadcast %broadcast_in_dim3A_553 : i32 to vector<16xi32>
        %gather3A_555 = tpu.vector_load_idx %arg8[%broadcast_in_dim3A_554, %sub3A_399] : memref<32x1408xf32, #tpu.memory_space<vmem>>[vector<16xi32>, vector<16xi32>], vector<16xf32>,
        %broadcast_in_dim3A_556 = arith.constant 29 : i32
        %broadcast_in_dim3A_557 = vector.broadcast %broadcast_in_dim3A_556 : i32 to vector<16xi32>
        tpu.vector_store_idx %arg10[%iota3A, %broadcast_in_dim3A_557], %gather3A_555 : memref<16x128xf32, #tpu.memory_space<vmem>>[vector<16xi32>, vector<16xi32>], vector<16xf32>,
        %broadcast_in_dim3A_558 = arith.constant 30 : i32
        %broadcast_in_dim3A_559 = vector.broadcast %broadcast_in_dim3A_558 : i32 to vector<16xi32>
        %gather3A_560 = tpu.vector_load_idx %arg8[%broadcast_in_dim3A_559, %sub3A_399] : memref<32x1408xf32, #tpu.memory_space<vmem>>[vector<16xi32>, vector<16xi32>], vector<16xf32>,
        %broadcast_in_dim3A_561 = arith.constant 30 : i32
        %broadcast_in_dim3A_562 = vector.broadcast %broadcast_in_dim3A_561 : i32 to vector<16xi32>
        tpu.vector_store_idx %arg10[%iota3A, %broadcast_in_dim3A_562], %gather3A_560 : memref<16x128xf32, #tpu.memory_space<vmem>>[vector<16xi32>, vector<16xi32>], vector<16xf32>,
        %broadcast_in_dim3A_563 = arith.constant 31 : i32
        %broadcast_in_dim3A_564 = vector.broadcast %broadcast_in_dim3A_563 : i32 to vector<16xi32>
        %gather3A_565 = tpu.vector_load_idx %arg8[%broadcast_in_dim3A_564, %sub3A_399] : memref<32x1408xf32, #tpu.memory_space<vmem>>[vector<16xi32>, vector<16xi32>], vector<16xf32>,
        %broadcast_in_dim3A_566 = arith.constant 31 : i32
        %broadcast_in_dim3A_567 = vector.broadcast %broadcast_in_dim3A_566 : i32 to vector<16xi32>
        tpu.vector_store_idx %arg10[%iota3A, %broadcast_in_dim3A_567], %gather3A_565 : memref<16x128xf32, #tpu.memory_space<vmem>>[vector<16xi32>, vector<16xi32>], vector<16xf32>,
        %dma_start3A_568 = arith.constant 0 : i32
        %dma_start3A_569 = arith.constant 0 : i32
        %dma_start3A_570 = tpu.memref_slice %arg4[%dma_start3A_568, %dma_start3A_569] : memref<16400x128xf32, #tpu.memory_space<hbm>> -> memref<16400x128xf32, #tpu.memory_space<hbm>>
        tpu.enqueue_indirect_dma source(%arg10 : memref<16x128xf32, #tpu.memory_space<vmem>>) target(%dma_start3A_570 : memref<16400x128xf32, #tpu.memory_space<hbm>>) offsets(%arg11 : memref<16xi32, #tpu.memory_space<vmem>>) semaphore(%arg14 : memref<!tpu.dma_semaphore, #tpu.memory_space<semaphore_mem>>)
      }
      %add3A_297 = arith.constant 2 : i32
      %add3A_298 = arith.addi %mul3A_204, %add3A_297 : i32
      %mul3A_299 = arith.constant 11 : i32
      %mul3A_300 = arith.muli %add3A_298, %mul3A_299 : i32
      %add3A_301 = arith.addi %mul3A_2, %mul3A_300 : i32
      %mul3A_302 = arith.constant 128 : i32
      %mul3A_303 = arith.muli %add3A_301, %mul3A_302 : i32
      %min3A_304 = arith.constant 998528 : i32
      %min3A_305 = arith.minsi %mul3A_303, %min3A_304 : i32
      %multiple_of3A_306 = tpu.assume_multiple %min3A_305, 128 : i32
      %dma_start3A_307 = arith.constant 0 : i32
      %dma_start3A_308 = tpu.memref_slice %arg3[%dma_start3A_307, %multiple_of3A_306] : memref<32x1000000xf32, #tpu.memory_space<hbm>> -> memref<32x1408xf32, #tpu.memory_space<hbm>>
      %dma_start3A_309 = arith.constant 0 : i32
      %dma_start3A_310 = tpu.memref_slice %arg3[%dma_start3A_309, %multiple_of3A_306] : memref<32x1000000xf32, #tpu.memory_space<hbm>> -> memref<32x1408xf32, #tpu.memory_space<hbm>>
      tpu.enqueue_dma source(%dma_start3A_310 : memref<32x1408xf32, #tpu.memory_space<hbm>>) target(%arg8 : memref<32x1408xf32, #tpu.memory_space<vmem>>) target_semaphore(%arg12 : memref<!tpu.dma_semaphore, #tpu.memory_space<semaphore_mem>>)
      %dma_wait3A_311 = arith.constant 0 : i32
      %dma_wait3A_312 = arith.constant 0 : i32
      %dma_wait3A_313 = tpu.memref_slice %arg3[%dma_wait3A_311, %dma_wait3A_312] : memref<32x1000000xf32, #tpu.memory_space<hbm>> -> memref<32x1408xf32, #tpu.memory_space<hbm>>
      %dma_wait3A_314 = arith.constant 0 : i32
      %dma_wait3A_315 = arith.constant 0 : i32
      %dma_wait3A_316 = tpu.memref_slice %arg3[%dma_wait3A_314, %dma_wait3A_315] : memref<32x1000000xf32, #tpu.memory_space<hbm>> -> memref<32x1408xf32, #tpu.memory_space<hbm>>
      tpu.wait_dma2 semaphore(%arg13 : memref<!tpu.dma_semaphore, #tpu.memory_space<semaphore_mem>>) src(%dma_wait3A_316 : memref<32x1408xf32, #tpu.memory_space<hbm>>) dst(%arg8 : memref<32x1408xf32, #tpu.memory_space<vmem>>)
      %add3A_317 = arith.constant 1 : i32
      %add3A_318 = arith.addi %mul3A_204, %add3A_317 : i32
      %mul3A_319 = arith.constant 11 : i32
      %mul3A_320 = arith.muli %add3A_318, %mul3A_319 : i32
      %add3A_321 = arith.addi %mul3A_2, %mul3A_320 : i32
      %mul3A_322 = arith.constant 128 : i32
      %mul3A_323 = arith.muli %add3A_321, %mul3A_322 : i32
      %min3A_324 = arith.constant 998528 : i32
      %min3A_325 = arith.minsi %mul3A_323, %min3A_324 : i32
      %multiple_of3A_326 = tpu.assume_multiple %min3A_325, 128 : i32
      %max3A_327 = arith.maxsi %multiple_of3A_326, %mul3A_4 : i32
      %add3A_328 = arith.constant 1408 : i32
      %add3A_329 = arith.addi %multiple_of3A_326, %add3A_328 : i32
      %sub3A_330 = arith.subi %max3A_327, %mul3A_4 : i32
      %sub3A_331 = arith.subi %add3A_329, %mul3A_4 : i32
      %sub3A_332 = arith.subi %multiple_of3A_326, %mul3A_4 : i32
      %while3A_333 = arith.constant 0 : i32
      %while3A_334 = arith.constant 0 : i32
      %while3A_335 = arith.subi %select_n3A, %while3A_333 : i32
      %while3A_336 = arith.addi %while3A_333, %while3A_335 : i32
      %while3A_337 = arith.constant 1 : i32
      %while3A_338 = arith.divsi %while3A_335, %while3A_337 : i32
      %while3A_339 = arith.muli %while3A_338, %while3A_337 : i32
      %while3A_340 = arith.addi %while3A_333, %while3A_339 : i32
      %while3A_341 = arith.constant 1 : i32
      %while3A_342 = scf.for %while3A_391 = %while3A_333 to %while3A_340 step %while3A_341 iter_args(%while3A_392 = %while3A_334) -> (i32)  : i32 {
        %mul3A_393 = arith.constant 4 : i32
        %mul3A_394 = arith.muli %while3A_391, %mul3A_393 : i32
        %add3A_395 = arith.constant 0 : i32
        %add3A_396 = arith.addi %mul3A_394, %add3A_395 : i32
        %mul3A_397 = arith.constant 16 : i32
        %mul3A_398 = arith.muli %add3A_396, %mul3A_397 : i32
        %get3A = arith.index_cast %mul3A_398 : i32 to index
        %get3A_399 = tpu.vector_load %arg6[%get3A] {strides = array<i32>} : memref<16448xi32, #tpu.memory_space<vmem>>, vector<16xi32>,
        %and3A_400 = arith.constant 32767 : i32
        %and3A_401 = vector.broadcast %and3A_400 : i32 to vector<16xi32>
        %and3A_402 = arith.andi %get3A_399, %and3A_401 : vector<16xi32>
        %ge3A = vector.broadcast %sub3A_330 : i32 to vector<16xi32>
        %ge3A_403 = arith.cmpi sge, %and3A_402, %ge3A : vector<16xi32>
        %lt3A = vector.broadcast %sub3A_331 : i32 to vector<16xi32>
        %lt3A_404 = arith.cmpi slt, %and3A_402, %lt3A : vector<16xi32>
        %and3A_405 = arith.andi %ge3A_403, %lt3A_404 : vector<16xi1>
        %swap3A_406 = arith.index_cast %while3A_392 : i32 to index
        %swap3A_407 = tpu.vector_load %arg7[%swap3A_406] masked %and3A_405 {strides = array<i32>} : memref<16448xi32, #tpu.memory_space<vmem>>, vector<16xi32>, vector<16xi1>
        tpu.vector_store %arg7[%swap3A_406], %get3A_399 masked %and3A_405 {strides = array<i32>} : memref<16448xi32, #tpu.memory_space<vmem>>, vector<16xi32>, vector<16xi1>
        %all_reduce_population_count3A = tpu.all_reduce %and3A_405 {dim = 0 : i64, kind = #tpu.reduction_kind<sum>} : vector<16xi1> -> vector<16xi32>
        %reduce_max3A = arith.constant true
        %reduce_max3A_408 = vector.broadcast %reduce_max3A : i1 to vector<16xi1>
        %reduce_max3A_409 = arith.constant -2147483648 : i32
        %reduce_max3A_410 = vector.broadcast %reduce_max3A_409 : i32 to vector<16xi32>
        %reduce_max3A_411 = arith.xori %all_reduce_population_count3A, %reduce_max3A_410 : vector<16xi32>
        %reduce_max3A_412 = tpu.scan <max>, %reduce_max3A_411 masked %reduce_max3A_408 : vector<16xi32>, vector<16xi1> -> vector<16xi32>
        %reduce_max3A_413 = arith.xori %reduce_max3A_412, %reduce_max3A_410 : vector<16xi32>
        %reduce_max3A_414 = vector.extract %reduce_max3A_413[15] : i32 from vector<16xi32>
        %add3A_415 = arith.addi %while3A_392, %reduce_max3A_414 : i32
        %mul3A_416 = arith.constant 4 : i32
        %mul3A_417 = arith.muli %while3A_391, %mul3A_416 : i32
        %add3A_418 = arith.constant 1 : i32
        %add3A_419 = arith.addi %mul3A_417, %add3A_418 : i32
        %mul3A_420 = arith.constant 16 : i32
        %mul3A_421 = arith.muli %add3A_419, %mul3A_420 : i32
        %get3A_422 = arith.index_cast %mul3A_421 : i32 to index
        %get3A_423 = tpu.vector_load %arg6[%get3A_422] {strides = array<i32>} : memref<16448xi32, #tpu.memory_space<vmem>>, vector<16xi32>,
        %and3A_424 = arith.constant 32767 : i32
        %and3A_425 = vector.broadcast %and3A_424 : i32 to vector<16xi32>
        %and3A_426 = arith.andi %get3A_423, %and3A_425 : vector<16xi32>
        %ge3A_427 = vector.broadcast %sub3A_330 : i32 to vector<16xi32>
        %ge3A_428 = arith.cmpi sge, %and3A_426, %ge3A_427 : vector<16xi32>
        %lt3A_429 = vector.broadcast %sub3A_331 : i32 to vector<16xi32>
        %lt3A_430 = arith.cmpi slt, %and3A_426, %lt3A_429 : vector<16xi32>
        %and3A_431 = arith.andi %ge3A_428, %lt3A_430 : vector<16xi1>
        %swap3A_432 = arith.index_cast %add3A_415 : i32 to index
        %swap3A_433 = tpu.vector_load %arg7[%swap3A_432] masked %and3A_431 {strides = array<i32>} : memref<16448xi32, #tpu.memory_space<vmem>>, vector<16xi32>, vector<16xi1>
        tpu.vector_store %arg7[%swap3A_432], %get3A_423 masked %and3A_431 {strides = array<i32>} : memref<16448xi32, #tpu.memory_space<vmem>>, vector<16xi32>, vector<16xi1>
        %all_reduce_population_count3A_434 = tpu.all_reduce %and3A_431 {dim = 0 : i64, kind = #tpu.reduction_kind<sum>} : vector<16xi1> -> vector<16xi32>
        %reduce_max3A_435 = arith.constant true
        %reduce_max3A_436 = vector.broadcast %reduce_max3A_435 : i1 to vector<16xi1>
        %reduce_max3A_437 = arith.constant -2147483648 : i32
        %reduce_max3A_438 = vector.broadcast %reduce_max3A_437 : i32 to vector<16xi32>
        %reduce_max3A_439 = arith.xori %all_reduce_population_count3A_434, %reduce_max3A_438 : vector<16xi32>
        %reduce_max3A_440 = tpu.scan <max>, %reduce_max3A_439 masked %reduce_max3A_436 : vector<16xi32>, vector<16xi1> -> vector<16xi32>
        %reduce_max3A_441 = arith.xori %reduce_max3A_440, %reduce_max3A_438 : vector<16xi32>
        %reduce_max3A_442 = vector.extract %reduce_max3A_441[15] : i32 from vector<16xi32>
        %add3A_443 = arith.addi %add3A_415, %reduce_max3A_442 : i32
        %mul3A_444 = arith.constant 4 : i32
        %mul3A_445 = arith.muli %while3A_391, %mul3A_444 : i32
        %add3A_446 = arith.constant 2 : i32
        %add3A_447 = arith.addi %mul3A_445, %add3A_446 : i32
        %mul3A_448 = arith.constant 16 : i32
        %mul3A_449 = arith.muli %add3A_447, %mul3A_448 : i32
        %get3A_450 = arith.index_cast %mul3A_449 : i32 to index
        %get3A_451 = tpu.vector_load %arg6[%get3A_450] {strides = array<i32>} : memref<16448xi32, #tpu.memory_space<vmem>>, vector<16xi32>,
        %and3A_452 = arith.constant 32767 : i32
        %and3A_453 = vector.broadcast %and3A_452 : i32 to vector<16xi32>
        %and3A_454 = arith.andi %get3A_451, %and3A_453 : vector<16xi32>
        %ge3A_455 = vector.broadcast %sub3A_330 : i32 to vector<16xi32>
        %ge3A_456 = arith.cmpi sge, %and3A_454, %ge3A_455 : vector<16xi32>
        %lt3A_457 = vector.broadcast %sub3A_331 : i32 to vector<16xi32>
        %lt3A_458 = arith.cmpi slt, %and3A_454, %lt3A_457 : vector<16xi32>
        %and3A_459 = arith.andi %ge3A_456, %lt3A_458 : vector<16xi1>
        %swap3A_460 = arith.index_cast %add3A_443 : i32 to index
        %swap3A_461 = tpu.vector_load %arg7[%swap3A_460] masked %and3A_459 {strides = array<i32>} : memref<16448xi32, #tpu.memory_space<vmem>>, vector<16xi32>, vector<16xi1>
        tpu.vector_store %arg7[%swap3A_460], %get3A_451 masked %and3A_459 {strides = array<i32>} : memref<16448xi32, #tpu.memory_space<vmem>>, vector<16xi32>, vector<16xi1>
        %all_reduce_population_count3A_462 = tpu.all_reduce %and3A_459 {dim = 0 : i64, kind = #tpu.reduction_kind<sum>} : vector<16xi1> -> vector<16xi32>
        %reduce_max3A_463 = arith.constant true
        %reduce_max3A_464 = vector.broadcast %reduce_max3A_463 : i1 to vector<16xi1>
        %reduce_max3A_465 = arith.constant -2147483648 : i32
        %reduce_max3A_466 = vector.broadcast %reduce_max3A_465 : i32 to vector<16xi32>
        %reduce_max3A_467 = arith.xori %all_reduce_population_count3A_462, %reduce_max3A_466 : vector<16xi32>
        %reduce_max3A_468 = tpu.scan <max>, %reduce_max3A_467 masked %reduce_max3A_464 : vector<16xi32>, vector<16xi1> -> vector<16xi32>
        %reduce_max3A_469 = arith.xori %reduce_max3A_468, %reduce_max3A_466 : vector<16xi32>
        %reduce_max3A_470 = vector.extract %reduce_max3A_469[15] : i32 from vector<16xi32>
        %add3A_471 = arith.addi %add3A_443, %reduce_max3A_470 : i32
        %mul3A_472 = arith.constant 4 : i32
        %mul3A_473 = arith.muli %while3A_391, %mul3A_472 : i32
        %add3A_474 = arith.constant 3 : i32
        %add3A_475 = arith.addi %mul3A_473, %add3A_474 : i32
        %mul3A_476 = arith.constant 16 : i32
        %mul3A_477 = arith.muli %add3A_475, %mul3A_476 : i32
        %get3A_478 = arith.index_cast %mul3A_477 : i32 to index
        %get3A_479 = tpu.vector_load %arg6[%get3A_478] {strides = array<i32>} : memref<16448xi32, #tpu.memory_space<vmem>>, vector<16xi32>,
        %and3A_480 = arith.constant 32767 : i32
        %and3A_481 = vector.broadcast %and3A_480 : i32 to vector<16xi32>
        %and3A_482 = arith.andi %get3A_479, %and3A_481 : vector<16xi32>
        %ge3A_483 = vector.broadcast %sub3A_330 : i32 to vector<16xi32>
        %ge3A_484 = arith.cmpi sge, %and3A_482, %ge3A_483 : vector<16xi32>
        %lt3A_485 = vector.broadcast %sub3A_331 : i32 to vector<16xi32>
        %lt3A_486 = arith.cmpi slt, %and3A_482, %lt3A_485 : vector<16xi32>
        %and3A_487 = arith.andi %ge3A_484, %lt3A_486 : vector<16xi1>
        %swap3A_488 = arith.index_cast %add3A_471 : i32 to index
        %swap3A_489 = tpu.vector_load %arg7[%swap3A_488] masked %and3A_487 {strides = array<i32>} : memref<16448xi32, #tpu.memory_space<vmem>>, vector<16xi32>, vector<16xi1>
        tpu.vector_store %arg7[%swap3A_488], %get3A_479 masked %and3A_487 {strides = array<i32>} : memref<16448xi32, #tpu.memory_space<vmem>>, vector<16xi32>, vector<16xi1>
        %all_reduce_population_count3A_490 = tpu.all_reduce %and3A_487 {dim = 0 : i64, kind = #tpu.reduction_kind<sum>} : vector<16xi1> -> vector<16xi32>
        %reduce_max3A_491 = arith.constant true
        %reduce_max3A_492 = vector.broadcast %reduce_max3A_491 : i1 to vector<16xi1>
        %reduce_max3A_493 = arith.constant -2147483648 : i32
        %reduce_max3A_494 = vector.broadcast %reduce_max3A_493 : i32 to vector<16xi32>
        %reduce_max3A_495 = arith.xori %all_reduce_population_count3A_490, %reduce_max3A_494 : vector<16xi32>
        %reduce_max3A_496 = tpu.scan <max>, %reduce_max3A_495 masked %reduce_max3A_492 : vector<16xi32>, vector<16xi1> -> vector<16xi32>
        %reduce_max3A_497 = arith.xori %reduce_max3A_496, %reduce_max3A_494 : vector<16xi32>
        %reduce_max3A_498 = vector.extract %reduce_max3A_497[15] : i32 from vector<16xi32>
        %add3A_499 = arith.addi %add3A_471, %reduce_max3A_498 : i32
        scf.yield %add3A_499 : i32
      }
      %while3A_343 = arith.constant 1 : i32
      %while3A_344 = scf.for %while3A_391 = %while3A_340 to %while3A_336 step %while3A_343 iter_args(%while3A_392 = %while3A_342) -> (i32)  : i32 {
        %mul3A_393 = arith.constant 4 : i32
        %mul3A_394 = arith.muli %while3A_391, %mul3A_393 : i32
        %add3A_395 = arith.constant 0 : i32
        %add3A_396 = arith.addi %mul3A_394, %add3A_395 : i32
        %mul3A_397 = arith.constant 16 : i32
        %mul3A_398 = arith.muli %add3A_396, %mul3A_397 : i32
        %get3A = arith.index_cast %mul3A_398 : i32 to index
        %get3A_399 = tpu.vector_load %arg6[%get3A] {strides = array<i32>} : memref<16448xi32, #tpu.memory_space<vmem>>, vector<16xi32>,
        %and3A_400 = arith.constant 32767 : i32
        %and3A_401 = vector.broadcast %and3A_400 : i32 to vector<16xi32>
        %and3A_402 = arith.andi %get3A_399, %and3A_401 : vector<16xi32>
        %ge3A = vector.broadcast %sub3A_330 : i32 to vector<16xi32>
        %ge3A_403 = arith.cmpi sge, %and3A_402, %ge3A : vector<16xi32>
        %lt3A = vector.broadcast %sub3A_331 : i32 to vector<16xi32>
        %lt3A_404 = arith.cmpi slt, %and3A_402, %lt3A : vector<16xi32>
        %and3A_405 = arith.andi %ge3A_403, %lt3A_404 : vector<16xi1>
        %swap3A_406 = arith.index_cast %while3A_392 : i32 to index
        %swap3A_407 = tpu.vector_load %arg7[%swap3A_406] masked %and3A_405 {strides = array<i32>} : memref<16448xi32, #tpu.memory_space<vmem>>, vector<16xi32>, vector<16xi1>
        tpu.vector_store %arg7[%swap3A_406], %get3A_399 masked %and3A_405 {strides = array<i32>} : memref<16448xi32, #tpu.memory_space<vmem>>, vector<16xi32>, vector<16xi1>
        %all_reduce_population_count3A = tpu.all_reduce %and3A_405 {dim = 0 : i64, kind = #tpu.reduction_kind<sum>} : vector<16xi1> -> vector<16xi32>
        %reduce_max3A = arith.constant true
        %reduce_max3A_408 = vector.broadcast %reduce_max3A : i1 to vector<16xi1>
        %reduce_max3A_409 = arith.constant -2147483648 : i32
        %reduce_max3A_410 = vector.broadcast %reduce_max3A_409 : i32 to vector<16xi32>
        %reduce_max3A_411 = arith.xori %all_reduce_population_count3A, %reduce_max3A_410 : vector<16xi32>
        %reduce_max3A_412 = tpu.scan <max>, %reduce_max3A_411 masked %reduce_max3A_408 : vector<16xi32>, vector<16xi1> -> vector<16xi32>
        %reduce_max3A_413 = arith.xori %reduce_max3A_412, %reduce_max3A_410 : vector<16xi32>
        %reduce_max3A_414 = vector.extract %reduce_max3A_413[15] : i32 from vector<16xi32>
        %add3A_415 = arith.addi %while3A_392, %reduce_max3A_414 : i32
        %mul3A_416 = arith.constant 4 : i32
        %mul3A_417 = arith.muli %while3A_391, %mul3A_416 : i32
        %add3A_418 = arith.constant 1 : i32
        %add3A_419 = arith.addi %mul3A_417, %add3A_418 : i32
        %mul3A_420 = arith.constant 16 : i32
        %mul3A_421 = arith.muli %add3A_419, %mul3A_420 : i32
        %get3A_422 = arith.index_cast %mul3A_421 : i32 to index
        %get3A_423 = tpu.vector_load %arg6[%get3A_422] {strides = array<i32>} : memref<16448xi32, #tpu.memory_space<vmem>>, vector<16xi32>,
        %and3A_424 = arith.constant 32767 : i32
        %and3A_425 = vector.broadcast %and3A_424 : i32 to vector<16xi32>
        %and3A_426 = arith.andi %get3A_423, %and3A_425 : vector<16xi32>
        %ge3A_427 = vector.broadcast %sub3A_330 : i32 to vector<16xi32>
        %ge3A_428 = arith.cmpi sge, %and3A_426, %ge3A_427 : vector<16xi32>
        %lt3A_429 = vector.broadcast %sub3A_331 : i32 to vector<16xi32>
        %lt3A_430 = arith.cmpi slt, %and3A_426, %lt3A_429 : vector<16xi32>
        %and3A_431 = arith.andi %ge3A_428, %lt3A_430 : vector<16xi1>
        %swap3A_432 = arith.index_cast %add3A_415 : i32 to index
        %swap3A_433 = tpu.vector_load %arg7[%swap3A_432] masked %and3A_431 {strides = array<i32>} : memref<16448xi32, #tpu.memory_space<vmem>>, vector<16xi32>, vector<16xi1>
        tpu.vector_store %arg7[%swap3A_432], %get3A_423 masked %and3A_431 {strides = array<i32>} : memref<16448xi32, #tpu.memory_space<vmem>>, vector<16xi32>, vector<16xi1>
        %all_reduce_population_count3A_434 = tpu.all_reduce %and3A_431 {dim = 0 : i64, kind = #tpu.reduction_kind<sum>} : vector<16xi1> -> vector<16xi32>
        %reduce_max3A_435 = arith.constant true
        %reduce_max3A_436 = vector.broadcast %reduce_max3A_435 : i1 to vector<16xi1>
        %reduce_max3A_437 = arith.constant -2147483648 : i32
        %reduce_max3A_438 = vector.broadcast %reduce_max3A_437 : i32 to vector<16xi32>
        %reduce_max3A_439 = arith.xori %all_reduce_population_count3A_434, %reduce_max3A_438 : vector<16xi32>
        %reduce_max3A_440 = tpu.scan <max>, %reduce_max3A_439 masked %reduce_max3A_436 : vector<16xi32>, vector<16xi1> -> vector<16xi32>
        %reduce_max3A_441 = arith.xori %reduce_max3A_440, %reduce_max3A_438 : vector<16xi32>
        %reduce_max3A_442 = vector.extract %reduce_max3A_441[15] : i32 from vector<16xi32>
        %add3A_443 = arith.addi %add3A_415, %reduce_max3A_442 : i32
        %mul3A_444 = arith.constant 4 : i32
        %mul3A_445 = arith.muli %while3A_391, %mul3A_444 : i32
        %add3A_446 = arith.constant 2 : i32
        %add3A_447 = arith.addi %mul3A_445, %add3A_446 : i32
        %mul3A_448 = arith.constant 16 : i32
        %mul3A_449 = arith.muli %add3A_447, %mul3A_448 : i32
        %get3A_450 = arith.index_cast %mul3A_449 : i32 to index
        %get3A_451 = tpu.vector_load %arg6[%get3A_450] {strides = array<i32>} : memref<16448xi32, #tpu.memory_space<vmem>>, vector<16xi32>,
        %and3A_452 = arith.constant 32767 : i32
        %and3A_453 = vector.broadcast %and3A_452 : i32 to vector<16xi32>
        %and3A_454 = arith.andi %get3A_451, %and3A_453 : vector<16xi32>
        %ge3A_455 = vector.broadcast %sub3A_330 : i32 to vector<16xi32>
        %ge3A_456 = arith.cmpi sge, %and3A_454, %ge3A_455 : vector<16xi32>
        %lt3A_457 = vector.broadcast %sub3A_331 : i32 to vector<16xi32>
        %lt3A_458 = arith.cmpi slt, %and3A_454, %lt3A_457 : vector<16xi32>
        %and3A_459 = arith.andi %ge3A_456, %lt3A_458 : vector<16xi1>
        %swap3A_460 = arith.index_cast %add3A_443 : i32 to index
        %swap3A_461 = tpu.vector_load %arg7[%swap3A_460] masked %and3A_459 {strides = array<i32>} : memref<16448xi32, #tpu.memory_space<vmem>>, vector<16xi32>, vector<16xi1>
        tpu.vector_store %arg7[%swap3A_460], %get3A_451 masked %and3A_459 {strides = array<i32>} : memref<16448xi32, #tpu.memory_space<vmem>>, vector<16xi32>, vector<16xi1>
        %all_reduce_population_count3A_462 = tpu.all_reduce %and3A_459 {dim = 0 : i64, kind = #tpu.reduction_kind<sum>} : vector<16xi1> -> vector<16xi32>
        %reduce_max3A_463 = arith.constant true
        %reduce_max3A_464 = vector.broadcast %reduce_max3A_463 : i1 to vector<16xi1>
        %reduce_max3A_465 = arith.constant -2147483648 : i32
        %reduce_max3A_466 = vector.broadcast %reduce_max3A_465 : i32 to vector<16xi32>
        %reduce_max3A_467 = arith.xori %all_reduce_population_count3A_462, %reduce_max3A_466 : vector<16xi32>
        %reduce_max3A_468 = tpu.scan <max>, %reduce_max3A_467 masked %reduce_max3A_464 : vector<16xi32>, vector<16xi1> -> vector<16xi32>
        %reduce_max3A_469 = arith.xori %reduce_max3A_468, %reduce_max3A_466 : vector<16xi32>
        %reduce_max3A_470 = vector.extract %reduce_max3A_469[15] : i32 from vector<16xi32>
        %add3A_471 = arith.addi %add3A_443, %reduce_max3A_470 : i32
        %mul3A_472 = arith.constant 4 : i32
        %mul3A_473 = arith.muli %while3A_391, %mul3A_472 : i32
        %add3A_474 = arith.constant 3 : i32
        %add3A_475 = arith.addi %mul3A_473, %add3A_474 : i32
        %mul3A_476 = arith.constant 16 : i32
        %mul3A_477 = arith.muli %add3A_475, %mul3A_476 : i32
        %get3A_478 = arith.index_cast %mul3A_477 : i32 to index
        %get3A_479 = tpu.vector_load %arg6[%get3A_478] {strides = array<i32>} : memref<16448xi32, #tpu.memory_space<vmem>>, vector<16xi32>,
        %and3A_480 = arith.constant 32767 : i32
        %and3A_481 = vector.broadcast %and3A_480 : i32 to vector<16xi32>
        %and3A_482 = arith.andi %get3A_479, %and3A_481 : vector<16xi32>
        %ge3A_483 = vector.broadcast %sub3A_330 : i32 to vector<16xi32>
        %ge3A_484 = arith.cmpi sge, %and3A_482, %ge3A_483 : vector<16xi32>
        %lt3A_485 = vector.broadcast %sub3A_331 : i32 to vector<16xi32>
        %lt3A_486 = arith.cmpi slt, %and3A_482, %lt3A_485 : vector<16xi32>
        %and3A_487 = arith.andi %ge3A_484, %lt3A_486 : vector<16xi1>
        %swap3A_488 = arith.index_cast %add3A_471 : i32 to index
        %swap3A_489 = tpu.vector_load %arg7[%swap3A_488] masked %and3A_487 {strides = array<i32>} : memref<16448xi32, #tpu.memory_space<vmem>>, vector<16xi32>, vector<16xi1>
        tpu.vector_store %arg7[%swap3A_488], %get3A_479 masked %and3A_487 {strides = array<i32>} : memref<16448xi32, #tpu.memory_space<vmem>>, vector<16xi32>, vector<16xi1>
        %all_reduce_population_count3A_490 = tpu.all_reduce %and3A_487 {dim = 0 : i64, kind = #tpu.reduction_kind<sum>} : vector<16xi1> -> vector<16xi32>
        %reduce_max3A_491 = arith.constant true
        %reduce_max3A_492 = vector.broadcast %reduce_max3A_491 : i1 to vector<16xi1>
        %reduce_max3A_493 = arith.constant -2147483648 : i32
        %reduce_max3A_494 = vector.broadcast %reduce_max3A_493 : i32 to vector<16xi32>
        %reduce_max3A_495 = arith.xori %all_reduce_population_count3A_490, %reduce_max3A_494 : vector<16xi32>
        %reduce_max3A_496 = tpu.scan <max>, %reduce_max3A_495 masked %reduce_max3A_492 : vector<16xi32>, vector<16xi1> -> vector<16xi32>
        %reduce_max3A_497 = arith.xori %reduce_max3A_496, %reduce_max3A_494 : vector<16xi32>
        %reduce_max3A_498 = vector.extract %reduce_max3A_497[15] : i32 from vector<16xi32>
        %add3A_499 = arith.addi %add3A_471, %reduce_max3A_498 : i32
        scf.yield %add3A_499 : i32
      }
      %add3A_345 = arith.constant 16384 : i32
      %add3A_346 = vector.broadcast %add3A_345 : i32 to vector<16xi32>
      %add3A_347 = arith.addi %add3A_346, %iota3A : vector<16xi32>
      %shift_left3A_348 = arith.constant 15 : i32
      %shift_left3A_349 = vector.broadcast %shift_left3A_348 : i32 to vector<16xi32>
      %shift_left3A_350 = arith.shli %add3A_347, %shift_left3A_349 : vector<16xi32>
      %or3A_351 = vector.broadcast %sub3A_332 : i32 to vector<16xi32>
      %or3A_352 = arith.ori %shift_left3A_350, %or3A_351 : vector<16xi32>
      %swap3A_353 = arith.index_cast %while3A_344 : i32 to index
      %swap3A_354 = tpu.vector_load %arg7[%swap3A_353] {strides = array<i32>} : memref<16448xi32, #tpu.memory_space<vmem>>, vector<16xi32>,
      tpu.vector_store %arg7[%swap3A_353], %or3A_352 {strides = array<i32>} : memref<16448xi32, #tpu.memory_space<vmem>>, vector<16xi32>,
      %add3A_355 = arith.constant 15 : i32
      %add3A_356 = arith.addi %while3A_344, %add3A_355 : i32
      %jit3A_357 = arith.constant 16 : i32
      %div3A_358 = arith.divsi %add3A_356, %jit3A_357 : i32
      %sign3A_359 = arith.constant 0 : i32
      %sign3A_360 = arith.cmpi sgt, %add3A_356, %sign3A_359 : i32
      %sign3A_361 = arith.extui %sign3A_360 : i1 to i32
      %sign3A_362 = arith.constant 0 : i32
      %sign3A_363 = arith.cmpi slt, %add3A_356, %sign3A_362 : i32
      %sign3A_364 = arith.extui %sign3A_363 : i1 to i32
      %sign3A_365 = arith.subi %sign3A_361, %sign3A_364 : i32
      %sign3A_366 = arith.constant 0 : i32
      %sign3A_367 = arith.cmpi sgt, %jit3A_357, %sign3A_366 : i32
      %sign3A_368 = arith.extui %sign3A_367 : i1 to i32
      %sign3A_369 = arith.constant 0 : i32
      %sign3A_370 = arith.cmpi slt, %jit3A_357, %sign3A_369 : i32
      %sign3A_371 = arith.extui %sign3A_370 : i1 to i32
      %sign3A_372 = arith.subi %sign3A_368, %sign3A_371 : i32
      %ne3A_373 = arith.cmpi ne, %sign3A_365, %sign3A_372 : i32
      %rem3A_374 = arith.remsi %add3A_356, %jit3A_357 : i32
      %ne3A_375 = arith.constant 0 : i32
      %ne3A_376 = arith.cmpi ne, %rem3A_374, %ne3A_375 : i32
      %and3A_377 = arith.andi %ne3A_373, %ne3A_376 : i1
      %sub3A_378 = arith.constant 1 : i32
      %sub3A_379 = arith.subi %div3A_358, %sub3A_378 : i32
      %select_n3A_380 = arith.select %and3A_377, %sub3A_379, %div3A_358 : i32
      %while3A_381 = arith.constant 0 : i32
      %while3A_382 = arith.constant 0 : i32
      %while3A_383 = arith.subi %select_n3A_380, %while3A_382 : i32
      %while3A_384 = arith.addi %while3A_382, %while3A_383 : i32
      %while3A_385 = arith.constant 1 : i32
      %while3A_386 = arith.divsi %while3A_383, %while3A_385 : i32
      %while3A_387 = arith.muli %while3A_386, %while3A_385 : i32
      %while3A_388 = arith.addi %while3A_382, %while3A_387 : i32
      %while3A_389 = arith.constant 1 : i32
      scf.for %while3A_391 = %while3A_382 to %while3A_388 step %while3A_389  : i32 {
        %mul3A_392 = arith.constant 16 : i32
        %mul3A_393 = arith.muli %while3A_391, %mul3A_392 : i32
        %get3A = arith.index_cast %mul3A_393 : i32 to index
        %get3A_394 = tpu.vector_load %arg7[%get3A] {strides = array<i32>} : memref<16448xi32, #tpu.memory_space<vmem>>, vector<16xi32>,
        %and3A_395 = arith.constant 32767 : i32
        %and3A_396 = vector.broadcast %and3A_395 : i32 to vector<16xi32>
        %and3A_397 = arith.andi %get3A_394, %and3A_396 : vector<16xi32>
        %sub3A_398 = vector.broadcast %sub3A_332 : i32 to vector<16xi32>
        %sub3A_399 = arith.subi %and3A_397, %sub3A_398 : vector<16xi32>
        %dma_wait3A_400 = arith.constant 0 : i32
        %dma_wait3A_401 = arith.constant 0 : i32
        %dma_wait3A_402 = tpu.memref_slice %arg4[%dma_wait3A_400, %dma_wait3A_401] : memref<16400x128xf32, #tpu.memory_space<hbm>> -> memref<16x128xf32, #tpu.memory_space<hbm>>
        %dma_wait3A_403 = arith.constant 0 : i32
        %dma_wait3A_404 = arith.constant 0 : i32
        %dma_wait3A_405 = tpu.memref_slice %arg4[%dma_wait3A_403, %dma_wait3A_404] : memref<16400x128xf32, #tpu.memory_space<hbm>> -> memref<16x128xf32, #tpu.memory_space<hbm>>
        tpu.wait_dma2 semaphore(%arg14 : memref<!tpu.dma_semaphore, #tpu.memory_space<semaphore_mem>>) src(%dma_wait3A_405 : memref<16x128xf32, #tpu.memory_space<hbm>>) dst(%arg10 : memref<16x128xf32, #tpu.memory_space<vmem>>)
        %shift_right_arithmetic3A = arith.constant 15 : i32
        %shift_right_arithmetic3A_406 = vector.broadcast %shift_right_arithmetic3A : i32 to vector<16xi32>
        %shift_right_arithmetic3A_407 = arith.shrsi %get3A_394, %shift_right_arithmetic3A_406 : vector<16xi32>
        %swap3A_408 = arith.constant 0 : index
        %swap3A_409 = tpu.vector_load %arg11[%swap3A_408] {strides = array<i32>} : memref<16xi32, #tpu.memory_space<vmem>>, vector<16xi32>,
        tpu.vector_store %arg11[%swap3A_408], %shift_right_arithmetic3A_407 {strides = array<i32>} : memref<16xi32, #tpu.memory_space<vmem>>, vector<16xi32>,
        %broadcast_in_dim3A = arith.constant 0 : i32
        %broadcast_in_dim3A_410 = vector.broadcast %broadcast_in_dim3A : i32 to vector<16xi32>
        %gather3A = tpu.vector_load_idx %arg9[%broadcast_in_dim3A_410, %sub3A_399] : memref<32x1408xf32, #tpu.memory_space<vmem>>[vector<16xi32>, vector<16xi32>], vector<16xf32>,
        %broadcast_in_dim3A_411 = arith.constant 0 : i32
        %broadcast_in_dim3A_412 = vector.broadcast %broadcast_in_dim3A_411 : i32 to vector<16xi32>
        tpu.vector_store_idx %arg10[%iota3A, %broadcast_in_dim3A_412], %gather3A : memref<16x128xf32, #tpu.memory_space<vmem>>[vector<16xi32>, vector<16xi32>], vector<16xf32>,
        %broadcast_in_dim3A_413 = arith.constant 1 : i32
        %broadcast_in_dim3A_414 = vector.broadcast %broadcast_in_dim3A_413 : i32 to vector<16xi32>
        %gather3A_415 = tpu.vector_load_idx %arg9[%broadcast_in_dim3A_414, %sub3A_399] : memref<32x1408xf32, #tpu.memory_space<vmem>>[vector<16xi32>, vector<16xi32>], vector<16xf32>,
        %broadcast_in_dim3A_416 = arith.constant 1 : i32
        %broadcast_in_dim3A_417 = vector.broadcast %broadcast_in_dim3A_416 : i32 to vector<16xi32>
        tpu.vector_store_idx %arg10[%iota3A, %broadcast_in_dim3A_417], %gather3A_415 : memref<16x128xf32, #tpu.memory_space<vmem>>[vector<16xi32>, vector<16xi32>], vector<16xf32>,
        %broadcast_in_dim3A_418 = arith.constant 2 : i32
        %broadcast_in_dim3A_419 = vector.broadcast %broadcast_in_dim3A_418 : i32 to vector<16xi32>
        %gather3A_420 = tpu.vector_load_idx %arg9[%broadcast_in_dim3A_419, %sub3A_399] : memref<32x1408xf32, #tpu.memory_space<vmem>>[vector<16xi32>, vector<16xi32>], vector<16xf32>,
        %broadcast_in_dim3A_421 = arith.constant 2 : i32
        %broadcast_in_dim3A_422 = vector.broadcast %broadcast_in_dim3A_421 : i32 to vector<16xi32>
        tpu.vector_store_idx %arg10[%iota3A, %broadcast_in_dim3A_422], %gather3A_420 : memref<16x128xf32, #tpu.memory_space<vmem>>[vector<16xi32>, vector<16xi32>], vector<16xf32>,
        %broadcast_in_dim3A_423 = arith.constant 3 : i32
        %broadcast_in_dim3A_424 = vector.broadcast %broadcast_in_dim3A_423 : i32 to vector<16xi32>
        %gather3A_425 = tpu.vector_load_idx %arg9[%broadcast_in_dim3A_424, %sub3A_399] : memref<32x1408xf32, #tpu.memory_space<vmem>>[vector<16xi32>, vector<16xi32>], vector<16xf32>,
        %broadcast_in_dim3A_426 = arith.constant 3 : i32
        %broadcast_in_dim3A_427 = vector.broadcast %broadcast_in_dim3A_426 : i32 to vector<16xi32>
        tpu.vector_store_idx %arg10[%iota3A, %broadcast_in_dim3A_427], %gather3A_425 : memref<16x128xf32, #tpu.memory_space<vmem>>[vector<16xi32>, vector<16xi32>], vector<16xf32>,
        %broadcast_in_dim3A_428 = arith.constant 4 : i32
        %broadcast_in_dim3A_429 = vector.broadcast %broadcast_in_dim3A_428 : i32 to vector<16xi32>
        %gather3A_430 = tpu.vector_load_idx %arg9[%broadcast_in_dim3A_429, %sub3A_399] : memref<32x1408xf32, #tpu.memory_space<vmem>>[vector<16xi32>, vector<16xi32>], vector<16xf32>,
        %broadcast_in_dim3A_431 = arith.constant 4 : i32
        %broadcast_in_dim3A_432 = vector.broadcast %broadcast_in_dim3A_431 : i32 to vector<16xi32>
        tpu.vector_store_idx %arg10[%iota3A, %broadcast_in_dim3A_432], %gather3A_430 : memref<16x128xf32, #tpu.memory_space<vmem>>[vector<16xi32>, vector<16xi32>], vector<16xf32>,
        %broadcast_in_dim3A_433 = arith.constant 5 : i32
        %broadcast_in_dim3A_434 = vector.broadcast %broadcast_in_dim3A_433 : i32 to vector<16xi32>
        %gather3A_435 = tpu.vector_load_idx %arg9[%broadcast_in_dim3A_434, %sub3A_399] : memref<32x1408xf32, #tpu.memory_space<vmem>>[vector<16xi32>, vector<16xi32>], vector<16xf32>,
        %broadcast_in_dim3A_436 = arith.constant 5 : i32
        %broadcast_in_dim3A_437 = vector.broadcast %broadcast_in_dim3A_436 : i32 to vector<16xi32>
        tpu.vector_store_idx %arg10[%iota3A, %broadcast_in_dim3A_437], %gather3A_435 : memref<16x128xf32, #tpu.memory_space<vmem>>[vector<16xi32>, vector<16xi32>], vector<16xf32>,
        %broadcast_in_dim3A_438 = arith.constant 6 : i32
        %broadcast_in_dim3A_439 = vector.broadcast %broadcast_in_dim3A_438 : i32 to vector<16xi32>
        %gather3A_440 = tpu.vector_load_idx %arg9[%broadcast_in_dim3A_439, %sub3A_399] : memref<32x1408xf32, #tpu.memory_space<vmem>>[vector<16xi32>, vector<16xi32>], vector<16xf32>,
        %broadcast_in_dim3A_441 = arith.constant 6 : i32
        %broadcast_in_dim3A_442 = vector.broadcast %broadcast_in_dim3A_441 : i32 to vector<16xi32>
        tpu.vector_store_idx %arg10[%iota3A, %broadcast_in_dim3A_442], %gather3A_440 : memref<16x128xf32, #tpu.memory_space<vmem>>[vector<16xi32>, vector<16xi32>], vector<16xf32>,
        %broadcast_in_dim3A_443 = arith.constant 7 : i32
        %broadcast_in_dim3A_444 = vector.broadcast %broadcast_in_dim3A_443 : i32 to vector<16xi32>
        %gather3A_445 = tpu.vector_load_idx %arg9[%broadcast_in_dim3A_444, %sub3A_399] : memref<32x1408xf32, #tpu.memory_space<vmem>>[vector<16xi32>, vector<16xi32>], vector<16xf32>,
        %broadcast_in_dim3A_446 = arith.constant 7 : i32
        %broadcast_in_dim3A_447 = vector.broadcast %broadcast_in_dim3A_446 : i32 to vector<16xi32>
        tpu.vector_store_idx %arg10[%iota3A, %broadcast_in_dim3A_447], %gather3A_445 : memref<16x128xf32, #tpu.memory_space<vmem>>[vector<16xi32>, vector<16xi32>], vector<16xf32>,
        %broadcast_in_dim3A_448 = arith.constant 8 : i32
        %broadcast_in_dim3A_449 = vector.broadcast %broadcast_in_dim3A_448 : i32 to vector<16xi32>
        %gather3A_450 = tpu.vector_load_idx %arg9[%broadcast_in_dim3A_449, %sub3A_399] : memref<32x1408xf32, #tpu.memory_space<vmem>>[vector<16xi32>, vector<16xi32>], vector<16xf32>,
        %broadcast_in_dim3A_451 = arith.constant 8 : i32
        %broadcast_in_dim3A_452 = vector.broadcast %broadcast_in_dim3A_451 : i32 to vector<16xi32>
        tpu.vector_store_idx %arg10[%iota3A, %broadcast_in_dim3A_452], %gather3A_450 : memref<16x128xf32, #tpu.memory_space<vmem>>[vector<16xi32>, vector<16xi32>], vector<16xf32>,
        %broadcast_in_dim3A_453 = arith.constant 9 : i32
        %broadcast_in_dim3A_454 = vector.broadcast %broadcast_in_dim3A_453 : i32 to vector<16xi32>
        %gather3A_455 = tpu.vector_load_idx %arg9[%broadcast_in_dim3A_454, %sub3A_399] : memref<32x1408xf32, #tpu.memory_space<vmem>>[vector<16xi32>, vector<16xi32>], vector<16xf32>,
        %broadcast_in_dim3A_456 = arith.constant 9 : i32
        %broadcast_in_dim3A_457 = vector.broadcast %broadcast_in_dim3A_456 : i32 to vector<16xi32>
        tpu.vector_store_idx %arg10[%iota3A, %broadcast_in_dim3A_457], %gather3A_455 : memref<16x128xf32, #tpu.memory_space<vmem>>[vector<16xi32>, vector<16xi32>], vector<16xf32>,
        %broadcast_in_dim3A_458 = arith.constant 10 : i32
        %broadcast_in_dim3A_459 = vector.broadcast %broadcast_in_dim3A_458 : i32 to vector<16xi32>
        %gather3A_460 = tpu.vector_load_idx %arg9[%broadcast_in_dim3A_459, %sub3A_399] : memref<32x1408xf32, #tpu.memory_space<vmem>>[vector<16xi32>, vector<16xi32>], vector<16xf32>,
        %broadcast_in_dim3A_461 = arith.constant 10 : i32
        %broadcast_in_dim3A_462 = vector.broadcast %broadcast_in_dim3A_461 : i32 to vector<16xi32>
        tpu.vector_store_idx %arg10[%iota3A, %broadcast_in_dim3A_462], %gather3A_460 : memref<16x128xf32, #tpu.memory_space<vmem>>[vector<16xi32>, vector<16xi32>], vector<16xf32>,
        %broadcast_in_dim3A_463 = arith.constant 11 : i32
        %broadcast_in_dim3A_464 = vector.broadcast %broadcast_in_dim3A_463 : i32 to vector<16xi32>
        %gather3A_465 = tpu.vector_load_idx %arg9[%broadcast_in_dim3A_464, %sub3A_399] : memref<32x1408xf32, #tpu.memory_space<vmem>>[vector<16xi32>, vector<16xi32>], vector<16xf32>,
        %broadcast_in_dim3A_466 = arith.constant 11 : i32
        %broadcast_in_dim3A_467 = vector.broadcast %broadcast_in_dim3A_466 : i32 to vector<16xi32>
        tpu.vector_store_idx %arg10[%iota3A, %broadcast_in_dim3A_467], %gather3A_465 : memref<16x128xf32, #tpu.memory_space<vmem>>[vector<16xi32>, vector<16xi32>], vector<16xf32>,
        %broadcast_in_dim3A_468 = arith.constant 12 : i32
        %broadcast_in_dim3A_469 = vector.broadcast %broadcast_in_dim3A_468 : i32 to vector<16xi32>
        %gather3A_470 = tpu.vector_load_idx %arg9[%broadcast_in_dim3A_469, %sub3A_399] : memref<32x1408xf32, #tpu.memory_space<vmem>>[vector<16xi32>, vector<16xi32>], vector<16xf32>,
        %broadcast_in_dim3A_471 = arith.constant 12 : i32
        %broadcast_in_dim3A_472 = vector.broadcast %broadcast_in_dim3A_471 : i32 to vector<16xi32>
        tpu.vector_store_idx %arg10[%iota3A, %broadcast_in_dim3A_472], %gather3A_470 : memref<16x128xf32, #tpu.memory_space<vmem>>[vector<16xi32>, vector<16xi32>], vector<16xf32>,
        %broadcast_in_dim3A_473 = arith.constant 13 : i32
        %broadcast_in_dim3A_474 = vector.broadcast %broadcast_in_dim3A_473 : i32 to vector<16xi32>
        %gather3A_475 = tpu.vector_load_idx %arg9[%broadcast_in_dim3A_474, %sub3A_399] : memref<32x1408xf32, #tpu.memory_space<vmem>>[vector<16xi32>, vector<16xi32>], vector<16xf32>,
        %broadcast_in_dim3A_476 = arith.constant 13 : i32
        %broadcast_in_dim3A_477 = vector.broadcast %broadcast_in_dim3A_476 : i32 to vector<16xi32>
        tpu.vector_store_idx %arg10[%iota3A, %broadcast_in_dim3A_477], %gather3A_475 : memref<16x128xf32, #tpu.memory_space<vmem>>[vector<16xi32>, vector<16xi32>], vector<16xf32>,
        %broadcast_in_dim3A_478 = arith.constant 14 : i32
        %broadcast_in_dim3A_479 = vector.broadcast %broadcast_in_dim3A_478 : i32 to vector<16xi32>
        %gather3A_480 = tpu.vector_load_idx %arg9[%broadcast_in_dim3A_479, %sub3A_399] : memref<32x1408xf32, #tpu.memory_space<vmem>>[vector<16xi32>, vector<16xi32>], vector<16xf32>,
        %broadcast_in_dim3A_481 = arith.constant 14 : i32
        %broadcast_in_dim3A_482 = vector.broadcast %broadcast_in_dim3A_481 : i32 to vector<16xi32>
        tpu.vector_store_idx %arg10[%iota3A, %broadcast_in_dim3A_482], %gather3A_480 : memref<16x128xf32, #tpu.memory_space<vmem>>[vector<16xi32>, vector<16xi32>], vector<16xf32>,
        %broadcast_in_dim3A_483 = arith.constant 15 : i32
        %broadcast_in_dim3A_484 = vector.broadcast %broadcast_in_dim3A_483 : i32 to vector<16xi32>
        %gather3A_485 = tpu.vector_load_idx %arg9[%broadcast_in_dim3A_484, %sub3A_399] : memref<32x1408xf32, #tpu.memory_space<vmem>>[vector<16xi32>, vector<16xi32>], vector<16xf32>,
        %broadcast_in_dim3A_486 = arith.constant 15 : i32
        %broadcast_in_dim3A_487 = vector.broadcast %broadcast_in_dim3A_486 : i32 to vector<16xi32>
        tpu.vector_store_idx %arg10[%iota3A, %broadcast_in_dim3A_487], %gather3A_485 : memref<16x128xf32, #tpu.memory_space<vmem>>[vector<16xi32>, vector<16xi32>], vector<16xf32>,
        %broadcast_in_dim3A_488 = arith.constant 16 : i32
        %broadcast_in_dim3A_489 = vector.broadcast %broadcast_in_dim3A_488 : i32 to vector<16xi32>
        %gather3A_490 = tpu.vector_load_idx %arg9[%broadcast_in_dim3A_489, %sub3A_399] : memref<32x1408xf32, #tpu.memory_space<vmem>>[vector<16xi32>, vector<16xi32>], vector<16xf32>,
        %broadcast_in_dim3A_491 = arith.constant 16 : i32
        %broadcast_in_dim3A_492 = vector.broadcast %broadcast_in_dim3A_491 : i32 to vector<16xi32>
        tpu.vector_store_idx %arg10[%iota3A, %broadcast_in_dim3A_492], %gather3A_490 : memref<16x128xf32, #tpu.memory_space<vmem>>[vector<16xi32>, vector<16xi32>], vector<16xf32>,
        %broadcast_in_dim3A_493 = arith.constant 17 : i32
        %broadcast_in_dim3A_494 = vector.broadcast %broadcast_in_dim3A_493 : i32 to vector<16xi32>
        %gather3A_495 = tpu.vector_load_idx %arg9[%broadcast_in_dim3A_494, %sub3A_399] : memref<32x1408xf32, #tpu.memory_space<vmem>>[vector<16xi32>, vector<16xi32>], vector<16xf32>,
        %broadcast_in_dim3A_496 = arith.constant 17 : i32
        %broadcast_in_dim3A_497 = vector.broadcast %broadcast_in_dim3A_496 : i32 to vector<16xi32>
        tpu.vector_store_idx %arg10[%iota3A, %broadcast_in_dim3A_497], %gather3A_495 : memref<16x128xf32, #tpu.memory_space<vmem>>[vector<16xi32>, vector<16xi32>], vector<16xf32>,
        %broadcast_in_dim3A_498 = arith.constant 18 : i32
        %broadcast_in_dim3A_499 = vector.broadcast %broadcast_in_dim3A_498 : i32 to vector<16xi32>
        %gather3A_500 = tpu.vector_load_idx %arg9[%broadcast_in_dim3A_499, %sub3A_399] : memref<32x1408xf32, #tpu.memory_space<vmem>>[vector<16xi32>, vector<16xi32>], vector<16xf32>,
        %broadcast_in_dim3A_501 = arith.constant 18 : i32
        %broadcast_in_dim3A_502 = vector.broadcast %broadcast_in_dim3A_501 : i32 to vector<16xi32>
        tpu.vector_store_idx %arg10[%iota3A, %broadcast_in_dim3A_502], %gather3A_500 : memref<16x128xf32, #tpu.memory_space<vmem>>[vector<16xi32>, vector<16xi32>], vector<16xf32>,
        %broadcast_in_dim3A_503 = arith.constant 19 : i32
        %broadcast_in_dim3A_504 = vector.broadcast %broadcast_in_dim3A_503 : i32 to vector<16xi32>
        %gather3A_505 = tpu.vector_load_idx %arg9[%broadcast_in_dim3A_504, %sub3A_399] : memref<32x1408xf32, #tpu.memory_space<vmem>>[vector<16xi32>, vector<16xi32>], vector<16xf32>,
        %broadcast_in_dim3A_506 = arith.constant 19 : i32
        %broadcast_in_dim3A_507 = vector.broadcast %broadcast_in_dim3A_506 : i32 to vector<16xi32>
        tpu.vector_store_idx %arg10[%iota3A, %broadcast_in_dim3A_507], %gather3A_505 : memref<16x128xf32, #tpu.memory_space<vmem>>[vector<16xi32>, vector<16xi32>], vector<16xf32>,
        %broadcast_in_dim3A_508 = arith.constant 20 : i32
        %broadcast_in_dim3A_509 = vector.broadcast %broadcast_in_dim3A_508 : i32 to vector<16xi32>
        %gather3A_510 = tpu.vector_load_idx %arg9[%broadcast_in_dim3A_509, %sub3A_399] : memref<32x1408xf32, #tpu.memory_space<vmem>>[vector<16xi32>, vector<16xi32>], vector<16xf32>,
        %broadcast_in_dim3A_511 = arith.constant 20 : i32
        %broadcast_in_dim3A_512 = vector.broadcast %broadcast_in_dim3A_511 : i32 to vector<16xi32>
        tpu.vector_store_idx %arg10[%iota3A, %broadcast_in_dim3A_512], %gather3A_510 : memref<16x128xf32, #tpu.memory_space<vmem>>[vector<16xi32>, vector<16xi32>], vector<16xf32>,
        %broadcast_in_dim3A_513 = arith.constant 21 : i32
        %broadcast_in_dim3A_514 = vector.broadcast %broadcast_in_dim3A_513 : i32 to vector<16xi32>
        %gather3A_515 = tpu.vector_load_idx %arg9[%broadcast_in_dim3A_514, %sub3A_399] : memref<32x1408xf32, #tpu.memory_space<vmem>>[vector<16xi32>, vector<16xi32>], vector<16xf32>,
        %broadcast_in_dim3A_516 = arith.constant 21 : i32
        %broadcast_in_dim3A_517 = vector.broadcast %broadcast_in_dim3A_516 : i32 to vector<16xi32>
        tpu.vector_store_idx %arg10[%iota3A, %broadcast_in_dim3A_517], %gather3A_515 : memref<16x128xf32, #tpu.memory_space<vmem>>[vector<16xi32>, vector<16xi32>], vector<16xf32>,
        %broadcast_in_dim3A_518 = arith.constant 22 : i32
        %broadcast_in_dim3A_519 = vector.broadcast %broadcast_in_dim3A_518 : i32 to vector<16xi32>
        %gather3A_520 = tpu.vector_load_idx %arg9[%broadcast_in_dim3A_519, %sub3A_399] : memref<32x1408xf32, #tpu.memory_space<vmem>>[vector<16xi32>, vector<16xi32>], vector<16xf32>,
        %broadcast_in_dim3A_521 = arith.constant 22 : i32
        %broadcast_in_dim3A_522 = vector.broadcast %broadcast_in_dim3A_521 : i32 to vector<16xi32>
        tpu.vector_store_idx %arg10[%iota3A, %broadcast_in_dim3A_522], %gather3A_520 : memref<16x128xf32, #tpu.memory_space<vmem>>[vector<16xi32>, vector<16xi32>], vector<16xf32>,
        %broadcast_in_dim3A_523 = arith.constant 23 : i32
        %broadcast_in_dim3A_524 = vector.broadcast %broadcast_in_dim3A_523 : i32 to vector<16xi32>
        %gather3A_525 = tpu.vector_load_idx %arg9[%broadcast_in_dim3A_524, %sub3A_399] : memref<32x1408xf32, #tpu.memory_space<vmem>>[vector<16xi32>, vector<16xi32>], vector<16xf32>,
        %broadcast_in_dim3A_526 = arith.constant 23 : i32
        %broadcast_in_dim3A_527 = vector.broadcast %broadcast_in_dim3A_526 : i32 to vector<16xi32>
        tpu.vector_store_idx %arg10[%iota3A, %broadcast_in_dim3A_527], %gather3A_525 : memref<16x128xf32, #tpu.memory_space<vmem>>[vector<16xi32>, vector<16xi32>], vector<16xf32>,
        %broadcast_in_dim3A_528 = arith.constant 24 : i32
        %broadcast_in_dim3A_529 = vector.broadcast %broadcast_in_dim3A_528 : i32 to vector<16xi32>
        %gather3A_530 = tpu.vector_load_idx %arg9[%broadcast_in_dim3A_529, %sub3A_399] : memref<32x1408xf32, #tpu.memory_space<vmem>>[vector<16xi32>, vector<16xi32>], vector<16xf32>,
        %broadcast_in_dim3A_531 = arith.constant 24 : i32
        %broadcast_in_dim3A_532 = vector.broadcast %broadcast_in_dim3A_531 : i32 to vector<16xi32>
        tpu.vector_store_idx %arg10[%iota3A, %broadcast_in_dim3A_532], %gather3A_530 : memref<16x128xf32, #tpu.memory_space<vmem>>[vector<16xi32>, vector<16xi32>], vector<16xf32>,
        %broadcast_in_dim3A_533 = arith.constant 25 : i32
        %broadcast_in_dim3A_534 = vector.broadcast %broadcast_in_dim3A_533 : i32 to vector<16xi32>
        %gather3A_535 = tpu.vector_load_idx %arg9[%broadcast_in_dim3A_534, %sub3A_399] : memref<32x1408xf32, #tpu.memory_space<vmem>>[vector<16xi32>, vector<16xi32>], vector<16xf32>,
        %broadcast_in_dim3A_536 = arith.constant 25 : i32
        %broadcast_in_dim3A_537 = vector.broadcast %broadcast_in_dim3A_536 : i32 to vector<16xi32>
        tpu.vector_store_idx %arg10[%iota3A, %broadcast_in_dim3A_537], %gather3A_535 : memref<16x128xf32, #tpu.memory_space<vmem>>[vector<16xi32>, vector<16xi32>], vector<16xf32>,
        %broadcast_in_dim3A_538 = arith.constant 26 : i32
        %broadcast_in_dim3A_539 = vector.broadcast %broadcast_in_dim3A_538 : i32 to vector<16xi32>
        %gather3A_540 = tpu.vector_load_idx %arg9[%broadcast_in_dim3A_539, %sub3A_399] : memref<32x1408xf32, #tpu.memory_space<vmem>>[vector<16xi32>, vector<16xi32>], vector<16xf32>,
        %broadcast_in_dim3A_541 = arith.constant 26 : i32
        %broadcast_in_dim3A_542 = vector.broadcast %broadcast_in_dim3A_541 : i32 to vector<16xi32>
        tpu.vector_store_idx %arg10[%iota3A, %broadcast_in_dim3A_542], %gather3A_540 : memref<16x128xf32, #tpu.memory_space<vmem>>[vector<16xi32>, vector<16xi32>], vector<16xf32>,
        %broadcast_in_dim3A_543 = arith.constant 27 : i32
        %broadcast_in_dim3A_544 = vector.broadcast %broadcast_in_dim3A_543 : i32 to vector<16xi32>
        %gather3A_545 = tpu.vector_load_idx %arg9[%broadcast_in_dim3A_544, %sub3A_399] : memref<32x1408xf32, #tpu.memory_space<vmem>>[vector<16xi32>, vector<16xi32>], vector<16xf32>,
        %broadcast_in_dim3A_546 = arith.constant 27 : i32
        %broadcast_in_dim3A_547 = vector.broadcast %broadcast_in_dim3A_546 : i32 to vector<16xi32>
        tpu.vector_store_idx %arg10[%iota3A, %broadcast_in_dim3A_547], %gather3A_545 : memref<16x128xf32, #tpu.memory_space<vmem>>[vector<16xi32>, vector<16xi32>], vector<16xf32>,
        %broadcast_in_dim3A_548 = arith.constant 28 : i32
        %broadcast_in_dim3A_549 = vector.broadcast %broadcast_in_dim3A_548 : i32 to vector<16xi32>
        %gather3A_550 = tpu.vector_load_idx %arg9[%broadcast_in_dim3A_549, %sub3A_399] : memref<32x1408xf32, #tpu.memory_space<vmem>>[vector<16xi32>, vector<16xi32>], vector<16xf32>,
        %broadcast_in_dim3A_551 = arith.constant 28 : i32
        %broadcast_in_dim3A_552 = vector.broadcast %broadcast_in_dim3A_551 : i32 to vector<16xi32>
        tpu.vector_store_idx %arg10[%iota3A, %broadcast_in_dim3A_552], %gather3A_550 : memref<16x128xf32, #tpu.memory_space<vmem>>[vector<16xi32>, vector<16xi32>], vector<16xf32>,
        %broadcast_in_dim3A_553 = arith.constant 29 : i32
        %broadcast_in_dim3A_554 = vector.broadcast %broadcast_in_dim3A_553 : i32 to vector<16xi32>
        %gather3A_555 = tpu.vector_load_idx %arg9[%broadcast_in_dim3A_554, %sub3A_399] : memref<32x1408xf32, #tpu.memory_space<vmem>>[vector<16xi32>, vector<16xi32>], vector<16xf32>,
        %broadcast_in_dim3A_556 = arith.constant 29 : i32
        %broadcast_in_dim3A_557 = vector.broadcast %broadcast_in_dim3A_556 : i32 to vector<16xi32>
        tpu.vector_store_idx %arg10[%iota3A, %broadcast_in_dim3A_557], %gather3A_555 : memref<16x128xf32, #tpu.memory_space<vmem>>[vector<16xi32>, vector<16xi32>], vector<16xf32>,
        %broadcast_in_dim3A_558 = arith.constant 30 : i32
        %broadcast_in_dim3A_559 = vector.broadcast %broadcast_in_dim3A_558 : i32 to vector<16xi32>
        %gather3A_560 = tpu.vector_load_idx %arg9[%broadcast_in_dim3A_559, %sub3A_399] : memref<32x1408xf32, #tpu.memory_space<vmem>>[vector<16xi32>, vector<16xi32>], vector<16xf32>,
        %broadcast_in_dim3A_561 = arith.constant 30 : i32
        %broadcast_in_dim3A_562 = vector.broadcast %broadcast_in_dim3A_561 : i32 to vector<16xi32>
        tpu.vector_store_idx %arg10[%iota3A, %broadcast_in_dim3A_562], %gather3A_560 : memref<16x128xf32, #tpu.memory_space<vmem>>[vector<16xi32>, vector<16xi32>], vector<16xf32>,
        %broadcast_in_dim3A_563 = arith.constant 31 : i32
        %broadcast_in_dim3A_564 = vector.broadcast %broadcast_in_dim3A_563 : i32 to vector<16xi32>
        %gather3A_565 = tpu.vector_load_idx %arg9[%broadcast_in_dim3A_564, %sub3A_399] : memref<32x1408xf32, #tpu.memory_space<vmem>>[vector<16xi32>, vector<16xi32>], vector<16xf32>,
        %broadcast_in_dim3A_566 = arith.constant 31 : i32
        %broadcast_in_dim3A_567 = vector.broadcast %broadcast_in_dim3A_566 : i32 to vector<16xi32>
        tpu.vector_store_idx %arg10[%iota3A, %broadcast_in_dim3A_567], %gather3A_565 : memref<16x128xf32, #tpu.memory_space<vmem>>[vector<16xi32>, vector<16xi32>], vector<16xf32>,
        %dma_start3A_568 = arith.constant 0 : i32
        %dma_start3A_569 = arith.constant 0 : i32
        %dma_start3A_570 = tpu.memref_slice %arg4[%dma_start3A_568, %dma_start3A_569] : memref<16400x128xf32, #tpu.memory_space<hbm>> -> memref<16400x128xf32, #tpu.memory_space<hbm>>
        tpu.enqueue_indirect_dma source(%arg10 : memref<16x128xf32, #tpu.memory_space<vmem>>) target(%dma_start3A_570 : memref<16400x128xf32, #tpu.memory_space<hbm>>) offsets(%arg11 : memref<16xi32, #tpu.memory_space<vmem>>) semaphore(%arg14 : memref<!tpu.dma_semaphore, #tpu.memory_space<semaphore_mem>>)
      }
      %while3A_390 = arith.constant 1 : i32
      scf.for %while3A_391 = %while3A_388 to %while3A_384 step %while3A_390  : i32 {
        %mul3A_392 = arith.constant 16 : i32
        %mul3A_393 = arith.muli %while3A_391, %mul3A_392 : i32
        %get3A = arith.index_cast %mul3A_393 : i32 to index
        %get3A_394 = tpu.vector_load %arg7[%get3A] {strides = array<i32>} : memref<16448xi32, #tpu.memory_space<vmem>>, vector<16xi32>,
        %and3A_395 = arith.constant 32767 : i32
        %and3A_396 = vector.broadcast %and3A_395 : i32 to vector<16xi32>
        %and3A_397 = arith.andi %get3A_394, %and3A_396 : vector<16xi32>
        %sub3A_398 = vector.broadcast %sub3A_332 : i32 to vector<16xi32>
        %sub3A_399 = arith.subi %and3A_397, %sub3A_398 : vector<16xi32>
        %dma_wait3A_400 = arith.constant 0 : i32
        %dma_wait3A_401 = arith.constant 0 : i32
        %dma_wait3A_402 = tpu.memref_slice %arg4[%dma_wait3A_400, %dma_wait3A_401] : memref<16400x128xf32, #tpu.memory_space<hbm>> -> memref<16x128xf32, #tpu.memory_space<hbm>>
        %dma_wait3A_403 = arith.constant 0 : i32
        %dma_wait3A_404 = arith.constant 0 : i32
        %dma_wait3A_405 = tpu.memref_slice %arg4[%dma_wait3A_403, %dma_wait3A_404] : memref<16400x128xf32, #tpu.memory_space<hbm>> -> memref<16x128xf32, #tpu.memory_space<hbm>>
        tpu.wait_dma2 semaphore(%arg14 : memref<!tpu.dma_semaphore, #tpu.memory_space<semaphore_mem>>) src(%dma_wait3A_405 : memref<16x128xf32, #tpu.memory_space<hbm>>) dst(%arg10 : memref<16x128xf32, #tpu.memory_space<vmem>>)
        %shift_right_arithmetic3A = arith.constant 15 : i32
        %shift_right_arithmetic3A_406 = vector.broadcast %shift_right_arithmetic3A : i32 to vector<16xi32>
        %shift_right_arithmetic3A_407 = arith.shrsi %get3A_394, %shift_right_arithmetic3A_406 : vector<16xi32>
        %swap3A_408 = arith.constant 0 : index
        %swap3A_409 = tpu.vector_load %arg11[%swap3A_408] {strides = array<i32>} : memref<16xi32, #tpu.memory_space<vmem>>, vector<16xi32>,
        tpu.vector_store %arg11[%swap3A_408], %shift_right_arithmetic3A_407 {strides = array<i32>} : memref<16xi32, #tpu.memory_space<vmem>>, vector<16xi32>,
        %broadcast_in_dim3A = arith.constant 0 : i32
        %broadcast_in_dim3A_410 = vector.broadcast %broadcast_in_dim3A : i32 to vector<16xi32>
        %gather3A = tpu.vector_load_idx %arg9[%broadcast_in_dim3A_410, %sub3A_399] : memref<32x1408xf32, #tpu.memory_space<vmem>>[vector<16xi32>, vector<16xi32>], vector<16xf32>,
        %broadcast_in_dim3A_411 = arith.constant 0 : i32
        %broadcast_in_dim3A_412 = vector.broadcast %broadcast_in_dim3A_411 : i32 to vector<16xi32>
        tpu.vector_store_idx %arg10[%iota3A, %broadcast_in_dim3A_412], %gather3A : memref<16x128xf32, #tpu.memory_space<vmem>>[vector<16xi32>, vector<16xi32>], vector<16xf32>,
        %broadcast_in_dim3A_413 = arith.constant 1 : i32
        %broadcast_in_dim3A_414 = vector.broadcast %broadcast_in_dim3A_413 : i32 to vector<16xi32>
        %gather3A_415 = tpu.vector_load_idx %arg9[%broadcast_in_dim3A_414, %sub3A_399] : memref<32x1408xf32, #tpu.memory_space<vmem>>[vector<16xi32>, vector<16xi32>], vector<16xf32>,
        %broadcast_in_dim3A_416 = arith.constant 1 : i32
        %broadcast_in_dim3A_417 = vector.broadcast %broadcast_in_dim3A_416 : i32 to vector<16xi32>
        tpu.vector_store_idx %arg10[%iota3A, %broadcast_in_dim3A_417], %gather3A_415 : memref<16x128xf32, #tpu.memory_space<vmem>>[vector<16xi32>, vector<16xi32>], vector<16xf32>,
        %broadcast_in_dim3A_418 = arith.constant 2 : i32
        %broadcast_in_dim3A_419 = vector.broadcast %broadcast_in_dim3A_418 : i32 to vector<16xi32>
        %gather3A_420 = tpu.vector_load_idx %arg9[%broadcast_in_dim3A_419, %sub3A_399] : memref<32x1408xf32, #tpu.memory_space<vmem>>[vector<16xi32>, vector<16xi32>], vector<16xf32>,
        %broadcast_in_dim3A_421 = arith.constant 2 : i32
        %broadcast_in_dim3A_422 = vector.broadcast %broadcast_in_dim3A_421 : i32 to vector<16xi32>
        tpu.vector_store_idx %arg10[%iota3A, %broadcast_in_dim3A_422], %gather3A_420 : memref<16x128xf32, #tpu.memory_space<vmem>>[vector<16xi32>, vector<16xi32>], vector<16xf32>,
        %broadcast_in_dim3A_423 = arith.constant 3 : i32
        %broadcast_in_dim3A_424 = vector.broadcast %broadcast_in_dim3A_423 : i32 to vector<16xi32>
        %gather3A_425 = tpu.vector_load_idx %arg9[%broadcast_in_dim3A_424, %sub3A_399] : memref<32x1408xf32, #tpu.memory_space<vmem>>[vector<16xi32>, vector<16xi32>], vector<16xf32>,
        %broadcast_in_dim3A_426 = arith.constant 3 : i32
        %broadcast_in_dim3A_427 = vector.broadcast %broadcast_in_dim3A_426 : i32 to vector<16xi32>
        tpu.vector_store_idx %arg10[%iota3A, %broadcast_in_dim3A_427], %gather3A_425 : memref<16x128xf32, #tpu.memory_space<vmem>>[vector<16xi32>, vector<16xi32>], vector<16xf32>,
        %broadcast_in_dim3A_428 = arith.constant 4 : i32
        %broadcast_in_dim3A_429 = vector.broadcast %broadcast_in_dim3A_428 : i32 to vector<16xi32>
        %gather3A_430 = tpu.vector_load_idx %arg9[%broadcast_in_dim3A_429, %sub3A_399] : memref<32x1408xf32, #tpu.memory_space<vmem>>[vector<16xi32>, vector<16xi32>], vector<16xf32>,
        %broadcast_in_dim3A_431 = arith.constant 4 : i32
        %broadcast_in_dim3A_432 = vector.broadcast %broadcast_in_dim3A_431 : i32 to vector<16xi32>
        tpu.vector_store_idx %arg10[%iota3A, %broadcast_in_dim3A_432], %gather3A_430 : memref<16x128xf32, #tpu.memory_space<vmem>>[vector<16xi32>, vector<16xi32>], vector<16xf32>,
        %broadcast_in_dim3A_433 = arith.constant 5 : i32
        %broadcast_in_dim3A_434 = vector.broadcast %broadcast_in_dim3A_433 : i32 to vector<16xi32>
        %gather3A_435 = tpu.vector_load_idx %arg9[%broadcast_in_dim3A_434, %sub3A_399] : memref<32x1408xf32, #tpu.memory_space<vmem>>[vector<16xi32>, vector<16xi32>], vector<16xf32>,
        %broadcast_in_dim3A_436 = arith.constant 5 : i32
        %broadcast_in_dim3A_437 = vector.broadcast %broadcast_in_dim3A_436 : i32 to vector<16xi32>
        tpu.vector_store_idx %arg10[%iota3A, %broadcast_in_dim3A_437], %gather3A_435 : memref<16x128xf32, #tpu.memory_space<vmem>>[vector<16xi32>, vector<16xi32>], vector<16xf32>,
        %broadcast_in_dim3A_438 = arith.constant 6 : i32
        %broadcast_in_dim3A_439 = vector.broadcast %broadcast_in_dim3A_438 : i32 to vector<16xi32>
        %gather3A_440 = tpu.vector_load_idx %arg9[%broadcast_in_dim3A_439, %sub3A_399] : memref<32x1408xf32, #tpu.memory_space<vmem>>[vector<16xi32>, vector<16xi32>], vector<16xf32>,
        %broadcast_in_dim3A_441 = arith.constant 6 : i32
        %broadcast_in_dim3A_442 = vector.broadcast %broadcast_in_dim3A_441 : i32 to vector<16xi32>
        tpu.vector_store_idx %arg10[%iota3A, %broadcast_in_dim3A_442], %gather3A_440 : memref<16x128xf32, #tpu.memory_space<vmem>>[vector<16xi32>, vector<16xi32>], vector<16xf32>,
        %broadcast_in_dim3A_443 = arith.constant 7 : i32
        %broadcast_in_dim3A_444 = vector.broadcast %broadcast_in_dim3A_443 : i32 to vector<16xi32>
        %gather3A_445 = tpu.vector_load_idx %arg9[%broadcast_in_dim3A_444, %sub3A_399] : memref<32x1408xf32, #tpu.memory_space<vmem>>[vector<16xi32>, vector<16xi32>], vector<16xf32>,
        %broadcast_in_dim3A_446 = arith.constant 7 : i32
        %broadcast_in_dim3A_447 = vector.broadcast %broadcast_in_dim3A_446 : i32 to vector<16xi32>
        tpu.vector_store_idx %arg10[%iota3A, %broadcast_in_dim3A_447], %gather3A_445 : memref<16x128xf32, #tpu.memory_space<vmem>>[vector<16xi32>, vector<16xi32>], vector<16xf32>,
        %broadcast_in_dim3A_448 = arith.constant 8 : i32
        %broadcast_in_dim3A_449 = vector.broadcast %broadcast_in_dim3A_448 : i32 to vector<16xi32>
        %gather3A_450 = tpu.vector_load_idx %arg9[%broadcast_in_dim3A_449, %sub3A_399] : memref<32x1408xf32, #tpu.memory_space<vmem>>[vector<16xi32>, vector<16xi32>], vector<16xf32>,
        %broadcast_in_dim3A_451 = arith.constant 8 : i32
        %broadcast_in_dim3A_452 = vector.broadcast %broadcast_in_dim3A_451 : i32 to vector<16xi32>
        tpu.vector_store_idx %arg10[%iota3A, %broadcast_in_dim3A_452], %gather3A_450 : memref<16x128xf32, #tpu.memory_space<vmem>>[vector<16xi32>, vector<16xi32>], vector<16xf32>,
        %broadcast_in_dim3A_453 = arith.constant 9 : i32
        %broadcast_in_dim3A_454 = vector.broadcast %broadcast_in_dim3A_453 : i32 to vector<16xi32>
        %gather3A_455 = tpu.vector_load_idx %arg9[%broadcast_in_dim3A_454, %sub3A_399] : memref<32x1408xf32, #tpu.memory_space<vmem>>[vector<16xi32>, vector<16xi32>], vector<16xf32>,
        %broadcast_in_dim3A_456 = arith.constant 9 : i32
        %broadcast_in_dim3A_457 = vector.broadcast %broadcast_in_dim3A_456 : i32 to vector<16xi32>
        tpu.vector_store_idx %arg10[%iota3A, %broadcast_in_dim3A_457], %gather3A_455 : memref<16x128xf32, #tpu.memory_space<vmem>>[vector<16xi32>, vector<16xi32>], vector<16xf32>,
        %broadcast_in_dim3A_458 = arith.constant 10 : i32
        %broadcast_in_dim3A_459 = vector.broadcast %broadcast_in_dim3A_458 : i32 to vector<16xi32>
        %gather3A_460 = tpu.vector_load_idx %arg9[%broadcast_in_dim3A_459, %sub3A_399] : memref<32x1408xf32, #tpu.memory_space<vmem>>[vector<16xi32>, vector<16xi32>], vector<16xf32>,
        %broadcast_in_dim3A_461 = arith.constant 10 : i32
        %broadcast_in_dim3A_462 = vector.broadcast %broadcast_in_dim3A_461 : i32 to vector<16xi32>
        tpu.vector_store_idx %arg10[%iota3A, %broadcast_in_dim3A_462], %gather3A_460 : memref<16x128xf32, #tpu.memory_space<vmem>>[vector<16xi32>, vector<16xi32>], vector<16xf32>,
        %broadcast_in_dim3A_463 = arith.constant 11 : i32
        %broadcast_in_dim3A_464 = vector.broadcast %broadcast_in_dim3A_463 : i32 to vector<16xi32>
        %gather3A_465 = tpu.vector_load_idx %arg9[%broadcast_in_dim3A_464, %sub3A_399] : memref<32x1408xf32, #tpu.memory_space<vmem>>[vector<16xi32>, vector<16xi32>], vector<16xf32>,
        %broadcast_in_dim3A_466 = arith.constant 11 : i32
        %broadcast_in_dim3A_467 = vector.broadcast %broadcast_in_dim3A_466 : i32 to vector<16xi32>
        tpu.vector_store_idx %arg10[%iota3A, %broadcast_in_dim3A_467], %gather3A_465 : memref<16x128xf32, #tpu.memory_space<vmem>>[vector<16xi32>, vector<16xi32>], vector<16xf32>,
        %broadcast_in_dim3A_468 = arith.constant 12 : i32
        %broadcast_in_dim3A_469 = vector.broadcast %broadcast_in_dim3A_468 : i32 to vector<16xi32>
        %gather3A_470 = tpu.vector_load_idx %arg9[%broadcast_in_dim3A_469, %sub3A_399] : memref<32x1408xf32, #tpu.memory_space<vmem>>[vector<16xi32>, vector<16xi32>], vector<16xf32>,
        %broadcast_in_dim3A_471 = arith.constant 12 : i32
        %broadcast_in_dim3A_472 = vector.broadcast %broadcast_in_dim3A_471 : i32 to vector<16xi32>
        tpu.vector_store_idx %arg10[%iota3A, %broadcast_in_dim3A_472], %gather3A_470 : memref<16x128xf32, #tpu.memory_space<vmem>>[vector<16xi32>, vector<16xi32>], vector<16xf32>,
        %broadcast_in_dim3A_473 = arith.constant 13 : i32
        %broadcast_in_dim3A_474 = vector.broadcast %broadcast_in_dim3A_473 : i32 to vector<16xi32>
        %gather3A_475 = tpu.vector_load_idx %arg9[%broadcast_in_dim3A_474, %sub3A_399] : memref<32x1408xf32, #tpu.memory_space<vmem>>[vector<16xi32>, vector<16xi32>], vector<16xf32>,
        %broadcast_in_dim3A_476 = arith.constant 13 : i32
        %broadcast_in_dim3A_477 = vector.broadcast %broadcast_in_dim3A_476 : i32 to vector<16xi32>
        tpu.vector_store_idx %arg10[%iota3A, %broadcast_in_dim3A_477], %gather3A_475 : memref<16x128xf32, #tpu.memory_space<vmem>>[vector<16xi32>, vector<16xi32>], vector<16xf32>,
        %broadcast_in_dim3A_478 = arith.constant 14 : i32
        %broadcast_in_dim3A_479 = vector.broadcast %broadcast_in_dim3A_478 : i32 to vector<16xi32>
        %gather3A_480 = tpu.vector_load_idx %arg9[%broadcast_in_dim3A_479, %sub3A_399] : memref<32x1408xf32, #tpu.memory_space<vmem>>[vector<16xi32>, vector<16xi32>], vector<16xf32>,
        %broadcast_in_dim3A_481 = arith.constant 14 : i32
        %broadcast_in_dim3A_482 = vector.broadcast %broadcast_in_dim3A_481 : i32 to vector<16xi32>
        tpu.vector_store_idx %arg10[%iota3A, %broadcast_in_dim3A_482], %gather3A_480 : memref<16x128xf32, #tpu.memory_space<vmem>>[vector<16xi32>, vector<16xi32>], vector<16xf32>,
        %broadcast_in_dim3A_483 = arith.constant 15 : i32
        %broadcast_in_dim3A_484 = vector.broadcast %broadcast_in_dim3A_483 : i32 to vector<16xi32>
        %gather3A_485 = tpu.vector_load_idx %arg9[%broadcast_in_dim3A_484, %sub3A_399] : memref<32x1408xf32, #tpu.memory_space<vmem>>[vector<16xi32>, vector<16xi32>], vector<16xf32>,
        %broadcast_in_dim3A_486 = arith.constant 15 : i32
        %broadcast_in_dim3A_487 = vector.broadcast %broadcast_in_dim3A_486 : i32 to vector<16xi32>
        tpu.vector_store_idx %arg10[%iota3A, %broadcast_in_dim3A_487], %gather3A_485 : memref<16x128xf32, #tpu.memory_space<vmem>>[vector<16xi32>, vector<16xi32>], vector<16xf32>,
        %broadcast_in_dim3A_488 = arith.constant 16 : i32
        %broadcast_in_dim3A_489 = vector.broadcast %broadcast_in_dim3A_488 : i32 to vector<16xi32>
        %gather3A_490 = tpu.vector_load_idx %arg9[%broadcast_in_dim3A_489, %sub3A_399] : memref<32x1408xf32, #tpu.memory_space<vmem>>[vector<16xi32>, vector<16xi32>], vector<16xf32>,
        %broadcast_in_dim3A_491 = arith.constant 16 : i32
        %broadcast_in_dim3A_492 = vector.broadcast %broadcast_in_dim3A_491 : i32 to vector<16xi32>
        tpu.vector_store_idx %arg10[%iota3A, %broadcast_in_dim3A_492], %gather3A_490 : memref<16x128xf32, #tpu.memory_space<vmem>>[vector<16xi32>, vector<16xi32>], vector<16xf32>,
        %broadcast_in_dim3A_493 = arith.constant 17 : i32
        %broadcast_in_dim3A_494 = vector.broadcast %broadcast_in_dim3A_493 : i32 to vector<16xi32>
        %gather3A_495 = tpu.vector_load_idx %arg9[%broadcast_in_dim3A_494, %sub3A_399] : memref<32x1408xf32, #tpu.memory_space<vmem>>[vector<16xi32>, vector<16xi32>], vector<16xf32>,
        %broadcast_in_dim3A_496 = arith.constant 17 : i32
        %broadcast_in_dim3A_497 = vector.broadcast %broadcast_in_dim3A_496 : i32 to vector<16xi32>
        tpu.vector_store_idx %arg10[%iota3A, %broadcast_in_dim3A_497], %gather3A_495 : memref<16x128xf32, #tpu.memory_space<vmem>>[vector<16xi32>, vector<16xi32>], vector<16xf32>,
        %broadcast_in_dim3A_498 = arith.constant 18 : i32
        %broadcast_in_dim3A_499 = vector.broadcast %broadcast_in_dim3A_498 : i32 to vector<16xi32>
        %gather3A_500 = tpu.vector_load_idx %arg9[%broadcast_in_dim3A_499, %sub3A_399] : memref<32x1408xf32, #tpu.memory_space<vmem>>[vector<16xi32>, vector<16xi32>], vector<16xf32>,
        %broadcast_in_dim3A_501 = arith.constant 18 : i32
        %broadcast_in_dim3A_502 = vector.broadcast %broadcast_in_dim3A_501 : i32 to vector<16xi32>
        tpu.vector_store_idx %arg10[%iota3A, %broadcast_in_dim3A_502], %gather3A_500 : memref<16x128xf32, #tpu.memory_space<vmem>>[vector<16xi32>, vector<16xi32>], vector<16xf32>,
        %broadcast_in_dim3A_503 = arith.constant 19 : i32
        %broadcast_in_dim3A_504 = vector.broadcast %broadcast_in_dim3A_503 : i32 to vector<16xi32>
        %gather3A_505 = tpu.vector_load_idx %arg9[%broadcast_in_dim3A_504, %sub3A_399] : memref<32x1408xf32, #tpu.memory_space<vmem>>[vector<16xi32>, vector<16xi32>], vector<16xf32>,
        %broadcast_in_dim3A_506 = arith.constant 19 : i32
        %broadcast_in_dim3A_507 = vector.broadcast %broadcast_in_dim3A_506 : i32 to vector<16xi32>
        tpu.vector_store_idx %arg10[%iota3A, %broadcast_in_dim3A_507], %gather3A_505 : memref<16x128xf32, #tpu.memory_space<vmem>>[vector<16xi32>, vector<16xi32>], vector<16xf32>,
        %broadcast_in_dim3A_508 = arith.constant 20 : i32
        %broadcast_in_dim3A_509 = vector.broadcast %broadcast_in_dim3A_508 : i32 to vector<16xi32>
        %gather3A_510 = tpu.vector_load_idx %arg9[%broadcast_in_dim3A_509, %sub3A_399] : memref<32x1408xf32, #tpu.memory_space<vmem>>[vector<16xi32>, vector<16xi32>], vector<16xf32>,
        %broadcast_in_dim3A_511 = arith.constant 20 : i32
        %broadcast_in_dim3A_512 = vector.broadcast %broadcast_in_dim3A_511 : i32 to vector<16xi32>
        tpu.vector_store_idx %arg10[%iota3A, %broadcast_in_dim3A_512], %gather3A_510 : memref<16x128xf32, #tpu.memory_space<vmem>>[vector<16xi32>, vector<16xi32>], vector<16xf32>,
        %broadcast_in_dim3A_513 = arith.constant 21 : i32
        %broadcast_in_dim3A_514 = vector.broadcast %broadcast_in_dim3A_513 : i32 to vector<16xi32>
        %gather3A_515 = tpu.vector_load_idx %arg9[%broadcast_in_dim3A_514, %sub3A_399] : memref<32x1408xf32, #tpu.memory_space<vmem>>[vector<16xi32>, vector<16xi32>], vector<16xf32>,
        %broadcast_in_dim3A_516 = arith.constant 21 : i32
        %broadcast_in_dim3A_517 = vector.broadcast %broadcast_in_dim3A_516 : i32 to vector<16xi32>
        tpu.vector_store_idx %arg10[%iota3A, %broadcast_in_dim3A_517], %gather3A_515 : memref<16x128xf32, #tpu.memory_space<vmem>>[vector<16xi32>, vector<16xi32>], vector<16xf32>,
        %broadcast_in_dim3A_518 = arith.constant 22 : i32
        %broadcast_in_dim3A_519 = vector.broadcast %broadcast_in_dim3A_518 : i32 to vector<16xi32>
        %gather3A_520 = tpu.vector_load_idx %arg9[%broadcast_in_dim3A_519, %sub3A_399] : memref<32x1408xf32, #tpu.memory_space<vmem>>[vector<16xi32>, vector<16xi32>], vector<16xf32>,
        %broadcast_in_dim3A_521 = arith.constant 22 : i32
        %broadcast_in_dim3A_522 = vector.broadcast %broadcast_in_dim3A_521 : i32 to vector<16xi32>
        tpu.vector_store_idx %arg10[%iota3A, %broadcast_in_dim3A_522], %gather3A_520 : memref<16x128xf32, #tpu.memory_space<vmem>>[vector<16xi32>, vector<16xi32>], vector<16xf32>,
        %broadcast_in_dim3A_523 = arith.constant 23 : i32
        %broadcast_in_dim3A_524 = vector.broadcast %broadcast_in_dim3A_523 : i32 to vector<16xi32>
        %gather3A_525 = tpu.vector_load_idx %arg9[%broadcast_in_dim3A_524, %sub3A_399] : memref<32x1408xf32, #tpu.memory_space<vmem>>[vector<16xi32>, vector<16xi32>], vector<16xf32>,
        %broadcast_in_dim3A_526 = arith.constant 23 : i32
        %broadcast_in_dim3A_527 = vector.broadcast %broadcast_in_dim3A_526 : i32 to vector<16xi32>
        tpu.vector_store_idx %arg10[%iota3A, %broadcast_in_dim3A_527], %gather3A_525 : memref<16x128xf32, #tpu.memory_space<vmem>>[vector<16xi32>, vector<16xi32>], vector<16xf32>,
        %broadcast_in_dim3A_528 = arith.constant 24 : i32
        %broadcast_in_dim3A_529 = vector.broadcast %broadcast_in_dim3A_528 : i32 to vector<16xi32>
        %gather3A_530 = tpu.vector_load_idx %arg9[%broadcast_in_dim3A_529, %sub3A_399] : memref<32x1408xf32, #tpu.memory_space<vmem>>[vector<16xi32>, vector<16xi32>], vector<16xf32>,
        %broadcast_in_dim3A_531 = arith.constant 24 : i32
        %broadcast_in_dim3A_532 = vector.broadcast %broadcast_in_dim3A_531 : i32 to vector<16xi32>
        tpu.vector_store_idx %arg10[%iota3A, %broadcast_in_dim3A_532], %gather3A_530 : memref<16x128xf32, #tpu.memory_space<vmem>>[vector<16xi32>, vector<16xi32>], vector<16xf32>,
        %broadcast_in_dim3A_533 = arith.constant 25 : i32
        %broadcast_in_dim3A_534 = vector.broadcast %broadcast_in_dim3A_533 : i32 to vector<16xi32>
        %gather3A_535 = tpu.vector_load_idx %arg9[%broadcast_in_dim3A_534, %sub3A_399] : memref<32x1408xf32, #tpu.memory_space<vmem>>[vector<16xi32>, vector<16xi32>], vector<16xf32>,
        %broadcast_in_dim3A_536 = arith.constant 25 : i32
        %broadcast_in_dim3A_537 = vector.broadcast %broadcast_in_dim3A_536 : i32 to vector<16xi32>
        tpu.vector_store_idx %arg10[%iota3A, %broadcast_in_dim3A_537], %gather3A_535 : memref<16x128xf32, #tpu.memory_space<vmem>>[vector<16xi32>, vector<16xi32>], vector<16xf32>,
        %broadcast_in_dim3A_538 = arith.constant 26 : i32
        %broadcast_in_dim3A_539 = vector.broadcast %broadcast_in_dim3A_538 : i32 to vector<16xi32>
        %gather3A_540 = tpu.vector_load_idx %arg9[%broadcast_in_dim3A_539, %sub3A_399] : memref<32x1408xf32, #tpu.memory_space<vmem>>[vector<16xi32>, vector<16xi32>], vector<16xf32>,
        %broadcast_in_dim3A_541 = arith.constant 26 : i32
        %broadcast_in_dim3A_542 = vector.broadcast %broadcast_in_dim3A_541 : i32 to vector<16xi32>
        tpu.vector_store_idx %arg10[%iota3A, %broadcast_in_dim3A_542], %gather3A_540 : memref<16x128xf32, #tpu.memory_space<vmem>>[vector<16xi32>, vector<16xi32>], vector<16xf32>,
        %broadcast_in_dim3A_543 = arith.constant 27 : i32
        %broadcast_in_dim3A_544 = vector.broadcast %broadcast_in_dim3A_543 : i32 to vector<16xi32>
        %gather3A_545 = tpu.vector_load_idx %arg9[%broadcast_in_dim3A_544, %sub3A_399] : memref<32x1408xf32, #tpu.memory_space<vmem>>[vector<16xi32>, vector<16xi32>], vector<16xf32>,
        %broadcast_in_dim3A_546 = arith.constant 27 : i32
        %broadcast_in_dim3A_547 = vector.broadcast %broadcast_in_dim3A_546 : i32 to vector<16xi32>
        tpu.vector_store_idx %arg10[%iota3A, %broadcast_in_dim3A_547], %gather3A_545 : memref<16x128xf32, #tpu.memory_space<vmem>>[vector<16xi32>, vector<16xi32>], vector<16xf32>,
        %broadcast_in_dim3A_548 = arith.constant 28 : i32
        %broadcast_in_dim3A_549 = vector.broadcast %broadcast_in_dim3A_548 : i32 to vector<16xi32>
        %gather3A_550 = tpu.vector_load_idx %arg9[%broadcast_in_dim3A_549, %sub3A_399] : memref<32x1408xf32, #tpu.memory_space<vmem>>[vector<16xi32>, vector<16xi32>], vector<16xf32>,
        %broadcast_in_dim3A_551 = arith.constant 28 : i32
        %broadcast_in_dim3A_552 = vector.broadcast %broadcast_in_dim3A_551 : i32 to vector<16xi32>
        tpu.vector_store_idx %arg10[%iota3A, %broadcast_in_dim3A_552], %gather3A_550 : memref<16x128xf32, #tpu.memory_space<vmem>>[vector<16xi32>, vector<16xi32>], vector<16xf32>,
        %broadcast_in_dim3A_553 = arith.constant 29 : i32
        %broadcast_in_dim3A_554 = vector.broadcast %broadcast_in_dim3A_553 : i32 to vector<16xi32>
        %gather3A_555 = tpu.vector_load_idx %arg9[%broadcast_in_dim3A_554, %sub3A_399] : memref<32x1408xf32, #tpu.memory_space<vmem>>[vector<16xi32>, vector<16xi32>], vector<16xf32>,
        %broadcast_in_dim3A_556 = arith.constant 29 : i32
        %broadcast_in_dim3A_557 = vector.broadcast %broadcast_in_dim3A_556 : i32 to vector<16xi32>
        tpu.vector_store_idx %arg10[%iota3A, %broadcast_in_dim3A_557], %gather3A_555 : memref<16x128xf32, #tpu.memory_space<vmem>>[vector<16xi32>, vector<16xi32>], vector<16xf32>,
        %broadcast_in_dim3A_558 = arith.constant 30 : i32
        %broadcast_in_dim3A_559 = vector.broadcast %broadcast_in_dim3A_558 : i32 to vector<16xi32>
        %gather3A_560 = tpu.vector_load_idx %arg9[%broadcast_in_dim3A_559, %sub3A_399] : memref<32x1408xf32, #tpu.memory_space<vmem>>[vector<16xi32>, vector<16xi32>], vector<16xf32>,
        %broadcast_in_dim3A_561 = arith.constant 30 : i32
        %broadcast_in_dim3A_562 = vector.broadcast %broadcast_in_dim3A_561 : i32 to vector<16xi32>
        tpu.vector_store_idx %arg10[%iota3A, %broadcast_in_dim3A_562], %gather3A_560 : memref<16x128xf32, #tpu.memory_space<vmem>>[vector<16xi32>, vector<16xi32>], vector<16xf32>,
        %broadcast_in_dim3A_563 = arith.constant 31 : i32
        %broadcast_in_dim3A_564 = vector.broadcast %broadcast_in_dim3A_563 : i32 to vector<16xi32>
        %gather3A_565 = tpu.vector_load_idx %arg9[%broadcast_in_dim3A_564, %sub3A_399] : memref<32x1408xf32, #tpu.memory_space<vmem>>[vector<16xi32>, vector<16xi32>], vector<16xf32>,
        %broadcast_in_dim3A_566 = arith.constant 31 : i32
        %broadcast_in_dim3A_567 = vector.broadcast %broadcast_in_dim3A_566 : i32 to vector<16xi32>
        tpu.vector_store_idx %arg10[%iota3A, %broadcast_in_dim3A_567], %gather3A_565 : memref<16x128xf32, #tpu.memory_space<vmem>>[vector<16xi32>, vector<16xi32>], vector<16xf32>,
        %dma_start3A_568 = arith.constant 0 : i32
        %dma_start3A_569 = arith.constant 0 : i32
        %dma_start3A_570 = tpu.memref_slice %arg4[%dma_start3A_568, %dma_start3A_569] : memref<16400x128xf32, #tpu.memory_space<hbm>> -> memref<16400x128xf32, #tpu.memory_space<hbm>>
        tpu.enqueue_indirect_dma source(%arg10 : memref<16x128xf32, #tpu.memory_space<vmem>>) target(%dma_start3A_570 : memref<16400x128xf32, #tpu.memory_space<hbm>>) offsets(%arg11 : memref<16xi32, #tpu.memory_space<vmem>>) semaphore(%arg14 : memref<!tpu.dma_semaphore, #tpu.memory_space<semaphore_mem>>)
      }
    }
    %scan3A_123 = arith.constant 12 : i32
    %dma_wait3A = arith.constant 0 : i32
    %dma_wait3A_124 = arith.constant 0 : i32
    %dma_wait3A_125 = tpu.memref_slice %arg3[%dma_wait3A, %dma_wait3A_124] : memref<32x1000000xf32, #tpu.memory_space<hbm>> -> memref<32x1408xf32, #tpu.memory_space<hbm>>
    %dma_wait3A_126 = arith.constant 0 : i32
    %dma_wait3A_127 = arith.constant 0 : i32
    %dma_wait3A_128 = tpu.memref_slice %arg3[%dma_wait3A_126, %dma_wait3A_127] : memref<32x1000000xf32, #tpu.memory_space<hbm>> -> memref<32x1408xf32, #tpu.memory_space<hbm>>
    tpu.wait_dma2 semaphore(%arg12 : memref<!tpu.dma_semaphore, #tpu.memory_space<semaphore_mem>>) src(%dma_wait3A_128 : memref<32x1408xf32, #tpu.memory_space<hbm>>) dst(%arg8 : memref<32x1408xf32, #tpu.memory_space<vmem>>)
    %mul3A_129 = arith.constant 0 : i32
    %mul3A_130 = arith.muli %add3A, %mul3A_129 : i32
    %add3A_131 = arith.constant 999936 : i32
    %add3A_132 = arith.addi %mul3A_130, %add3A_131 : i32
    %multiple_of3A_133 = tpu.assume_multiple %add3A_132, 128 : i32
    "tpu.region"() ({
      %run_scoped3A = tpu.sem_alloc : memref<!tpu.dma_semaphore, #tpu.memory_space<semaphore_mem>>
      %dma_start3A_202 = arith.constant 0 : i32
      %dma_start3A_203 = arith.constant 0 : i32
      %dma_start3A_204 = tpu.memref_slice %arg8[%dma_start3A_202, %dma_start3A_203] : memref<32x1408xf32, #tpu.memory_space<vmem>> -> memref<32x128xf32, #tpu.memory_space<vmem>>
      %dma_start3A_205 = arith.constant 0 : i32
      %dma_start3A_206 = tpu.memref_slice %arg3[%dma_start3A_205, %multiple_of3A_133] : memref<32x1000000xf32, #tpu.memory_space<hbm>> -> memref<32x128xf32, #tpu.memory_space<hbm>>
      %dma_start3A_207 = arith.constant 0 : i32
      %dma_start3A_208 = arith.constant 0 : i32
      %dma_start3A_209 = tpu.memref_slice %arg8[%dma_start3A_207, %dma_start3A_208] : memref<32x1408xf32, #tpu.memory_space<vmem>> -> memref<32x128xf32, #tpu.memory_space<vmem>>
      %dma_start3A_210 = arith.constant 0 : i32
      %dma_start3A_211 = tpu.memref_slice %arg3[%dma_start3A_210, %multiple_of3A_133] : memref<32x1000000xf32, #tpu.memory_space<hbm>> -> memref<32x128xf32, #tpu.memory_space<hbm>>
      tpu.enqueue_dma source(%dma_start3A_211 : memref<32x128xf32, #tpu.memory_space<hbm>>) target(%dma_start3A_209 : memref<32x128xf32, #tpu.memory_space<vmem>>) target_semaphore(%run_scoped3A : memref<!tpu.dma_semaphore, #tpu.memory_space<semaphore_mem>>)
      %dma_wait3A_212 = arith.constant 0 : i32
      %dma_wait3A_213 = arith.constant 0 : i32
      %dma_wait3A_214 = tpu.memref_slice %arg8[%dma_wait3A_212, %dma_wait3A_213] : memref<32x1408xf32, #tpu.memory_space<vmem>> -> memref<32x128xf32, #tpu.memory_space<vmem>>
      %dma_wait3A_215 = arith.constant 0 : i32
      %dma_wait3A_216 = tpu.memref_slice %arg3[%dma_wait3A_215, %multiple_of3A_133] : memref<32x1000000xf32, #tpu.memory_space<hbm>> -> memref<32x128xf32, #tpu.memory_space<hbm>>
      %dma_wait3A_217 = arith.constant 0 : i32
      %dma_wait3A_218 = arith.constant 0 : i32
      %dma_wait3A_219 = tpu.memref_slice %arg8[%dma_wait3A_217, %dma_wait3A_218] : memref<32x1408xf32, #tpu.memory_space<vmem>> -> memref<32x128xf32, #tpu.memory_space<vmem>>
      %dma_wait3A_220 = arith.constant 0 : i32
      %dma_wait3A_221 = tpu.memref_slice %arg3[%dma_wait3A_220, %multiple_of3A_133] : memref<32x1000000xf32, #tpu.memory_space<hbm>> -> memref<32x128xf32, #tpu.memory_space<hbm>>
      tpu.wait_dma2 semaphore(%run_scoped3A : memref<!tpu.dma_semaphore, #tpu.memory_space<semaphore_mem>>) src(%dma_wait3A_221 : memref<32x128xf32, #tpu.memory_space<hbm>>) dst(%dma_wait3A_219 : memref<32x128xf32, #tpu.memory_space<vmem>>)
      tpu.yield
    }) : () -> ()
    %max3A = arith.maxsi %multiple_of3A_133, %mul3A_4 : i32
    %add3A_134 = arith.constant 128 : i32
    %add3A_135 = arith.addi %multiple_of3A_133, %add3A_134 : i32
    %sub3A_136 = arith.subi %max3A, %mul3A_4 : i32
    %sub3A_137 = arith.subi %add3A_135, %mul3A_4 : i32
    %sub3A_138 = arith.subi %multiple_of3A_133, %mul3A_4 : i32
    %while3A = arith.constant 0 : i32
    %while3A_139 = arith.constant 0 : i32
    %while3A_140 = arith.subi %select_n3A, %while3A : i32
    %while3A_141 = arith.addi %while3A, %while3A_140 : i32
    %while3A_142 = arith.constant 1 : i32
    %while3A_143 = arith.divsi %while3A_140, %while3A_142 : i32
    %while3A_144 = arith.muli %while3A_143, %while3A_142 : i32
    %while3A_145 = arith.addi %while3A, %while3A_144 : i32
    %while3A_146 = arith.constant 1 : i32
    %while3A_147 = scf.for %while3A_202 = %while3A to %while3A_145 step %while3A_146 iter_args(%while3A_203 = %while3A_139) -> (i32)  : i32 {
      %mul3A_204 = arith.constant 4 : i32
      %mul3A_205 = arith.muli %while3A_202, %mul3A_204 : i32
      %add3A_206 = arith.constant 0 : i32
      %add3A_207 = arith.addi %mul3A_205, %add3A_206 : i32
      %mul3A_208 = arith.constant 16 : i32
      %mul3A_209 = arith.muli %add3A_207, %mul3A_208 : i32
      %get3A = arith.index_cast %mul3A_209 : i32 to index
      %get3A_210 = tpu.vector_load %arg6[%get3A] {strides = array<i32>} : memref<16448xi32, #tpu.memory_space<vmem>>, vector<16xi32>,
      %and3A_211 = arith.constant 32767 : i32
      %and3A_212 = vector.broadcast %and3A_211 : i32 to vector<16xi32>
      %and3A_213 = arith.andi %get3A_210, %and3A_212 : vector<16xi32>
      %ge3A = vector.broadcast %sub3A_136 : i32 to vector<16xi32>
      %ge3A_214 = arith.cmpi sge, %and3A_213, %ge3A : vector<16xi32>
      %lt3A = vector.broadcast %sub3A_137 : i32 to vector<16xi32>
      %lt3A_215 = arith.cmpi slt, %and3A_213, %lt3A : vector<16xi32>
      %and3A_216 = arith.andi %ge3A_214, %lt3A_215 : vector<16xi1>
      %swap3A_217 = arith.index_cast %while3A_203 : i32 to index
      %swap3A_218 = tpu.vector_load %arg7[%swap3A_217] masked %and3A_216 {strides = array<i32>} : memref<16448xi32, #tpu.memory_space<vmem>>, vector<16xi32>, vector<16xi1>
      tpu.vector_store %arg7[%swap3A_217], %get3A_210 masked %and3A_216 {strides = array<i32>} : memref<16448xi32, #tpu.memory_space<vmem>>, vector<16xi32>, vector<16xi1>
      %all_reduce_population_count3A = tpu.all_reduce %and3A_216 {dim = 0 : i64, kind = #tpu.reduction_kind<sum>} : vector<16xi1> -> vector<16xi32>
      %reduce_max3A = arith.constant true
      %reduce_max3A_219 = vector.broadcast %reduce_max3A : i1 to vector<16xi1>
      %reduce_max3A_220 = arith.constant -2147483648 : i32
      %reduce_max3A_221 = vector.broadcast %reduce_max3A_220 : i32 to vector<16xi32>
      %reduce_max3A_222 = arith.xori %all_reduce_population_count3A, %reduce_max3A_221 : vector<16xi32>
      %reduce_max3A_223 = tpu.scan <max>, %reduce_max3A_222 masked %reduce_max3A_219 : vector<16xi32>, vector<16xi1> -> vector<16xi32>
      %reduce_max3A_224 = arith.xori %reduce_max3A_223, %reduce_max3A_221 : vector<16xi32>
      %reduce_max3A_225 = vector.extract %reduce_max3A_224[15] : i32 from vector<16xi32>
      %add3A_226 = arith.addi %while3A_203, %reduce_max3A_225 : i32
      %mul3A_227 = arith.constant 4 : i32
      %mul3A_228 = arith.muli %while3A_202, %mul3A_227 : i32
      %add3A_229 = arith.constant 1 : i32
      %add3A_230 = arith.addi %mul3A_228, %add3A_229 : i32
      %mul3A_231 = arith.constant 16 : i32
      %mul3A_232 = arith.muli %add3A_230, %mul3A_231 : i32
      %get3A_233 = arith.index_cast %mul3A_232 : i32 to index
      %get3A_234 = tpu.vector_load %arg6[%get3A_233] {strides = array<i32>} : memref<16448xi32, #tpu.memory_space<vmem>>, vector<16xi32>,
      %and3A_235 = arith.constant 32767 : i32
      %and3A_236 = vector.broadcast %and3A_235 : i32 to vector<16xi32>
      %and3A_237 = arith.andi %get3A_234, %and3A_236 : vector<16xi32>
      %ge3A_238 = vector.broadcast %sub3A_136 : i32 to vector<16xi32>
      %ge3A_239 = arith.cmpi sge, %and3A_237, %ge3A_238 : vector<16xi32>
      %lt3A_240 = vector.broadcast %sub3A_137 : i32 to vector<16xi32>
      %lt3A_241 = arith.cmpi slt, %and3A_237, %lt3A_240 : vector<16xi32>
      %and3A_242 = arith.andi %ge3A_239, %lt3A_241 : vector<16xi1>
      %swap3A_243 = arith.index_cast %add3A_226 : i32 to index
      %swap3A_244 = tpu.vector_load %arg7[%swap3A_243] masked %and3A_242 {strides = array<i32>} : memref<16448xi32, #tpu.memory_space<vmem>>, vector<16xi32>, vector<16xi1>
      tpu.vector_store %arg7[%swap3A_243], %get3A_234 masked %and3A_242 {strides = array<i32>} : memref<16448xi32, #tpu.memory_space<vmem>>, vector<16xi32>, vector<16xi1>
      %all_reduce_population_count3A_245 = tpu.all_reduce %and3A_242 {dim = 0 : i64, kind = #tpu.reduction_kind<sum>} : vector<16xi1> -> vector<16xi32>
      %reduce_max3A_246 = arith.constant true
      %reduce_max3A_247 = vector.broadcast %reduce_max3A_246 : i1 to vector<16xi1>
      %reduce_max3A_248 = arith.constant -2147483648 : i32
      %reduce_max3A_249 = vector.broadcast %reduce_max3A_248 : i32 to vector<16xi32>
      %reduce_max3A_250 = arith.xori %all_reduce_population_count3A_245, %reduce_max3A_249 : vector<16xi32>
      %reduce_max3A_251 = tpu.scan <max>, %reduce_max3A_250 masked %reduce_max3A_247 : vector<16xi32>, vector<16xi1> -> vector<16xi32>
      %reduce_max3A_252 = arith.xori %reduce_max3A_251, %reduce_max3A_249 : vector<16xi32>
      %reduce_max3A_253 = vector.extract %reduce_max3A_252[15] : i32 from vector<16xi32>
      %add3A_254 = arith.addi %add3A_226, %reduce_max3A_253 : i32
      %mul3A_255 = arith.constant 4 : i32
      %mul3A_256 = arith.muli %while3A_202, %mul3A_255 : i32
      %add3A_257 = arith.constant 2 : i32
      %add3A_258 = arith.addi %mul3A_256, %add3A_257 : i32
      %mul3A_259 = arith.constant 16 : i32
      %mul3A_260 = arith.muli %add3A_258, %mul3A_259 : i32
      %get3A_261 = arith.index_cast %mul3A_260 : i32 to index
      %get3A_262 = tpu.vector_load %arg6[%get3A_261] {strides = array<i32>} : memref<16448xi32, #tpu.memory_space<vmem>>, vector<16xi32>,
      %and3A_263 = arith.constant 32767 : i32
      %and3A_264 = vector.broadcast %and3A_263 : i32 to vector<16xi32>
      %and3A_265 = arith.andi %get3A_262, %and3A_264 : vector<16xi32>
      %ge3A_266 = vector.broadcast %sub3A_136 : i32 to vector<16xi32>
      %ge3A_267 = arith.cmpi sge, %and3A_265, %ge3A_266 : vector<16xi32>
      %lt3A_268 = vector.broadcast %sub3A_137 : i32 to vector<16xi32>
      %lt3A_269 = arith.cmpi slt, %and3A_265, %lt3A_268 : vector<16xi32>
      %and3A_270 = arith.andi %ge3A_267, %lt3A_269 : vector<16xi1>
      %swap3A_271 = arith.index_cast %add3A_254 : i32 to index
      %swap3A_272 = tpu.vector_load %arg7[%swap3A_271] masked %and3A_270 {strides = array<i32>} : memref<16448xi32, #tpu.memory_space<vmem>>, vector<16xi32>, vector<16xi1>
      tpu.vector_store %arg7[%swap3A_271], %get3A_262 masked %and3A_270 {strides = array<i32>} : memref<16448xi32, #tpu.memory_space<vmem>>, vector<16xi32>, vector<16xi1>
      %all_reduce_population_count3A_273 = tpu.all_reduce %and3A_270 {dim = 0 : i64, kind = #tpu.reduction_kind<sum>} : vector<16xi1> -> vector<16xi32>
      %reduce_max3A_274 = arith.constant true
      %reduce_max3A_275 = vector.broadcast %reduce_max3A_274 : i1 to vector<16xi1>
      %reduce_max3A_276 = arith.constant -2147483648 : i32
      %reduce_max3A_277 = vector.broadcast %reduce_max3A_276 : i32 to vector<16xi32>
      %reduce_max3A_278 = arith.xori %all_reduce_population_count3A_273, %reduce_max3A_277 : vector<16xi32>
      %reduce_max3A_279 = tpu.scan <max>, %reduce_max3A_278 masked %reduce_max3A_275 : vector<16xi32>, vector<16xi1> -> vector<16xi32>
      %reduce_max3A_280 = arith.xori %reduce_max3A_279, %reduce_max3A_277 : vector<16xi32>
      %reduce_max3A_281 = vector.extract %reduce_max3A_280[15] : i32 from vector<16xi32>
      %add3A_282 = arith.addi %add3A_254, %reduce_max3A_281 : i32
      %mul3A_283 = arith.constant 4 : i32
      %mul3A_284 = arith.muli %while3A_202, %mul3A_283 : i32
      %add3A_285 = arith.constant 3 : i32
      %add3A_286 = arith.addi %mul3A_284, %add3A_285 : i32
      %mul3A_287 = arith.constant 16 : i32
      %mul3A_288 = arith.muli %add3A_286, %mul3A_287 : i32
      %get3A_289 = arith.index_cast %mul3A_288 : i32 to index
      %get3A_290 = tpu.vector_load %arg6[%get3A_289] {strides = array<i32>} : memref<16448xi32, #tpu.memory_space<vmem>>, vector<16xi32>,
      %and3A_291 = arith.constant 32767 : i32
      %and3A_292 = vector.broadcast %and3A_291 : i32 to vector<16xi32>
      %and3A_293 = arith.andi %get3A_290, %and3A_292 : vector<16xi32>
      %ge3A_294 = vector.broadcast %sub3A_136 : i32 to vector<16xi32>
      %ge3A_295 = arith.cmpi sge, %and3A_293, %ge3A_294 : vector<16xi32>
      %lt3A_296 = vector.broadcast %sub3A_137 : i32 to vector<16xi32>
      %lt3A_297 = arith.cmpi slt, %and3A_293, %lt3A_296 : vector<16xi32>
      %and3A_298 = arith.andi %ge3A_295, %lt3A_297 : vector<16xi1>
      %swap3A_299 = arith.index_cast %add3A_282 : i32 to index
      %swap3A_300 = tpu.vector_load %arg7[%swap3A_299] masked %and3A_298 {strides = array<i32>} : memref<16448xi32, #tpu.memory_space<vmem>>, vector<16xi32>, vector<16xi1>
      tpu.vector_store %arg7[%swap3A_299], %get3A_290 masked %and3A_298 {strides = array<i32>} : memref<16448xi32, #tpu.memory_space<vmem>>, vector<16xi32>, vector<16xi1>
      %all_reduce_population_count3A_301 = tpu.all_reduce %and3A_298 {dim = 0 : i64, kind = #tpu.reduction_kind<sum>} : vector<16xi1> -> vector<16xi32>
      %reduce_max3A_302 = arith.constant true
      %reduce_max3A_303 = vector.broadcast %reduce_max3A_302 : i1 to vector<16xi1>
      %reduce_max3A_304 = arith.constant -2147483648 : i32
      %reduce_max3A_305 = vector.broadcast %reduce_max3A_304 : i32 to vector<16xi32>
      %reduce_max3A_306 = arith.xori %all_reduce_population_count3A_301, %reduce_max3A_305 : vector<16xi32>
      %reduce_max3A_307 = tpu.scan <max>, %reduce_max3A_306 masked %reduce_max3A_303 : vector<16xi32>, vector<16xi1> -> vector<16xi32>
      %reduce_max3A_308 = arith.xori %reduce_max3A_307, %reduce_max3A_305 : vector<16xi32>
      %reduce_max3A_309 = vector.extract %reduce_max3A_308[15] : i32 from vector<16xi32>
      %add3A_310 = arith.addi %add3A_282, %reduce_max3A_309 : i32
      scf.yield %add3A_310 : i32
    }
    %while3A_148 = arith.constant 1 : i32
    %while3A_149 = scf.for %while3A_202 = %while3A_145 to %while3A_141 step %while3A_148 iter_args(%while3A_203 = %while3A_147) -> (i32)  : i32 {
      %mul3A_204 = arith.constant 4 : i32
      %mul3A_205 = arith.muli %while3A_202, %mul3A_204 : i32
      %add3A_206 = arith.constant 0 : i32
      %add3A_207 = arith.addi %mul3A_205, %add3A_206 : i32
      %mul3A_208 = arith.constant 16 : i32
      %mul3A_209 = arith.muli %add3A_207, %mul3A_208 : i32
      %get3A = arith.index_cast %mul3A_209 : i32 to index
      %get3A_210 = tpu.vector_load %arg6[%get3A] {strides = array<i32>} : memref<16448xi32, #tpu.memory_space<vmem>>, vector<16xi32>,
      %and3A_211 = arith.constant 32767 : i32
      %and3A_212 = vector.broadcast %and3A_211 : i32 to vector<16xi32>
      %and3A_213 = arith.andi %get3A_210, %and3A_212 : vector<16xi32>
      %ge3A = vector.broadcast %sub3A_136 : i32 to vector<16xi32>
      %ge3A_214 = arith.cmpi sge, %and3A_213, %ge3A : vector<16xi32>
      %lt3A = vector.broadcast %sub3A_137 : i32 to vector<16xi32>
      %lt3A_215 = arith.cmpi slt, %and3A_213, %lt3A : vector<16xi32>
      %and3A_216 = arith.andi %ge3A_214, %lt3A_215 : vector<16xi1>
      %swap3A_217 = arith.index_cast %while3A_203 : i32 to index
      %swap3A_218 = tpu.vector_load %arg7[%swap3A_217] masked %and3A_216 {strides = array<i32>} : memref<16448xi32, #tpu.memory_space<vmem>>, vector<16xi32>, vector<16xi1>
      tpu.vector_store %arg7[%swap3A_217], %get3A_210 masked %and3A_216 {strides = array<i32>} : memref<16448xi32, #tpu.memory_space<vmem>>, vector<16xi32>, vector<16xi1>
      %all_reduce_population_count3A = tpu.all_reduce %and3A_216 {dim = 0 : i64, kind = #tpu.reduction_kind<sum>} : vector<16xi1> -> vector<16xi32>
      %reduce_max3A = arith.constant true
      %reduce_max3A_219 = vector.broadcast %reduce_max3A : i1 to vector<16xi1>
      %reduce_max3A_220 = arith.constant -2147483648 : i32
      %reduce_max3A_221 = vector.broadcast %reduce_max3A_220 : i32 to vector<16xi32>
      %reduce_max3A_222 = arith.xori %all_reduce_population_count3A, %reduce_max3A_221 : vector<16xi32>
      %reduce_max3A_223 = tpu.scan <max>, %reduce_max3A_222 masked %reduce_max3A_219 : vector<16xi32>, vector<16xi1> -> vector<16xi32>
      %reduce_max3A_224 = arith.xori %reduce_max3A_223, %reduce_max3A_221 : vector<16xi32>
      %reduce_max3A_225 = vector.extract %reduce_max3A_224[15] : i32 from vector<16xi32>
      %add3A_226 = arith.addi %while3A_203, %reduce_max3A_225 : i32
      %mul3A_227 = arith.constant 4 : i32
      %mul3A_228 = arith.muli %while3A_202, %mul3A_227 : i32
      %add3A_229 = arith.constant 1 : i32
      %add3A_230 = arith.addi %mul3A_228, %add3A_229 : i32
      %mul3A_231 = arith.constant 16 : i32
      %mul3A_232 = arith.muli %add3A_230, %mul3A_231 : i32
      %get3A_233 = arith.index_cast %mul3A_232 : i32 to index
      %get3A_234 = tpu.vector_load %arg6[%get3A_233] {strides = array<i32>} : memref<16448xi32, #tpu.memory_space<vmem>>, vector<16xi32>,
      %and3A_235 = arith.constant 32767 : i32
      %and3A_236 = vector.broadcast %and3A_235 : i32 to vector<16xi32>
      %and3A_237 = arith.andi %get3A_234, %and3A_236 : vector<16xi32>
      %ge3A_238 = vector.broadcast %sub3A_136 : i32 to vector<16xi32>
      %ge3A_239 = arith.cmpi sge, %and3A_237, %ge3A_238 : vector<16xi32>
      %lt3A_240 = vector.broadcast %sub3A_137 : i32 to vector<16xi32>
      %lt3A_241 = arith.cmpi slt, %and3A_237, %lt3A_240 : vector<16xi32>
      %and3A_242 = arith.andi %ge3A_239, %lt3A_241 : vector<16xi1>
      %swap3A_243 = arith.index_cast %add3A_226 : i32 to index
      %swap3A_244 = tpu.vector_load %arg7[%swap3A_243] masked %and3A_242 {strides = array<i32>} : memref<16448xi32, #tpu.memory_space<vmem>>, vector<16xi32>, vector<16xi1>
      tpu.vector_store %arg7[%swap3A_243], %get3A_234 masked %and3A_242 {strides = array<i32>} : memref<16448xi32, #tpu.memory_space<vmem>>, vector<16xi32>, vector<16xi1>
      %all_reduce_population_count3A_245 = tpu.all_reduce %and3A_242 {dim = 0 : i64, kind = #tpu.reduction_kind<sum>} : vector<16xi1> -> vector<16xi32>
      %reduce_max3A_246 = arith.constant true
      %reduce_max3A_247 = vector.broadcast %reduce_max3A_246 : i1 to vector<16xi1>
      %reduce_max3A_248 = arith.constant -2147483648 : i32
      %reduce_max3A_249 = vector.broadcast %reduce_max3A_248 : i32 to vector<16xi32>
      %reduce_max3A_250 = arith.xori %all_reduce_population_count3A_245, %reduce_max3A_249 : vector<16xi32>
      %reduce_max3A_251 = tpu.scan <max>, %reduce_max3A_250 masked %reduce_max3A_247 : vector<16xi32>, vector<16xi1> -> vector<16xi32>
      %reduce_max3A_252 = arith.xori %reduce_max3A_251, %reduce_max3A_249 : vector<16xi32>
      %reduce_max3A_253 = vector.extract %reduce_max3A_252[15] : i32 from vector<16xi32>
      %add3A_254 = arith.addi %add3A_226, %reduce_max3A_253 : i32
      %mul3A_255 = arith.constant 4 : i32
      %mul3A_256 = arith.muli %while3A_202, %mul3A_255 : i32
      %add3A_257 = arith.constant 2 : i32
      %add3A_258 = arith.addi %mul3A_256, %add3A_257 : i32
      %mul3A_259 = arith.constant 16 : i32
      %mul3A_260 = arith.muli %add3A_258, %mul3A_259 : i32
      %get3A_261 = arith.index_cast %mul3A_260 : i32 to index
      %get3A_262 = tpu.vector_load %arg6[%get3A_261] {strides = array<i32>} : memref<16448xi32, #tpu.memory_space<vmem>>, vector<16xi32>,
      %and3A_263 = arith.constant 32767 : i32
      %and3A_264 = vector.broadcast %and3A_263 : i32 to vector<16xi32>
      %and3A_265 = arith.andi %get3A_262, %and3A_264 : vector<16xi32>
      %ge3A_266 = vector.broadcast %sub3A_136 : i32 to vector<16xi32>
      %ge3A_267 = arith.cmpi sge, %and3A_265, %ge3A_266 : vector<16xi32>
      %lt3A_268 = vector.broadcast %sub3A_137 : i32 to vector<16xi32>
      %lt3A_269 = arith.cmpi slt, %and3A_265, %lt3A_268 : vector<16xi32>
      %and3A_270 = arith.andi %ge3A_267, %lt3A_269 : vector<16xi1>
      %swap3A_271 = arith.index_cast %add3A_254 : i32 to index
      %swap3A_272 = tpu.vector_load %arg7[%swap3A_271] masked %and3A_270 {strides = array<i32>} : memref<16448xi32, #tpu.memory_space<vmem>>, vector<16xi32>, vector<16xi1>
      tpu.vector_store %arg7[%swap3A_271], %get3A_262 masked %and3A_270 {strides = array<i32>} : memref<16448xi32, #tpu.memory_space<vmem>>, vector<16xi32>, vector<16xi1>
      %all_reduce_population_count3A_273 = tpu.all_reduce %and3A_270 {dim = 0 : i64, kind = #tpu.reduction_kind<sum>} : vector<16xi1> -> vector<16xi32>
      %reduce_max3A_274 = arith.constant true
      %reduce_max3A_275 = vector.broadcast %reduce_max3A_274 : i1 to vector<16xi1>
      %reduce_max3A_276 = arith.constant -2147483648 : i32
      %reduce_max3A_277 = vector.broadcast %reduce_max3A_276 : i32 to vector<16xi32>
      %reduce_max3A_278 = arith.xori %all_reduce_population_count3A_273, %reduce_max3A_277 : vector<16xi32>
      %reduce_max3A_279 = tpu.scan <max>, %reduce_max3A_278 masked %reduce_max3A_275 : vector<16xi32>, vector<16xi1> -> vector<16xi32>
      %reduce_max3A_280 = arith.xori %reduce_max3A_279, %reduce_max3A_277 : vector<16xi32>
      %reduce_max3A_281 = vector.extract %reduce_max3A_280[15] : i32 from vector<16xi32>
      %add3A_282 = arith.addi %add3A_254, %reduce_max3A_281 : i32
      %mul3A_283 = arith.constant 4 : i32
      %mul3A_284 = arith.muli %while3A_202, %mul3A_283 : i32
      %add3A_285 = arith.constant 3 : i32
      %add3A_286 = arith.addi %mul3A_284, %add3A_285 : i32
      %mul3A_287 = arith.constant 16 : i32
      %mul3A_288 = arith.muli %add3A_286, %mul3A_287 : i32
      %get3A_289 = arith.index_cast %mul3A_288 : i32 to index
      %get3A_290 = tpu.vector_load %arg6[%get3A_289] {strides = array<i32>} : memref<16448xi32, #tpu.memory_space<vmem>>, vector<16xi32>,
      %and3A_291 = arith.constant 32767 : i32
      %and3A_292 = vector.broadcast %and3A_291 : i32 to vector<16xi32>
      %and3A_293 = arith.andi %get3A_290, %and3A_292 : vector<16xi32>
      %ge3A_294 = vector.broadcast %sub3A_136 : i32 to vector<16xi32>
      %ge3A_295 = arith.cmpi sge, %and3A_293, %ge3A_294 : vector<16xi32>
      %lt3A_296 = vector.broadcast %sub3A_137 : i32 to vector<16xi32>
      %lt3A_297 = arith.cmpi slt, %and3A_293, %lt3A_296 : vector<16xi32>
      %and3A_298 = arith.andi %ge3A_295, %lt3A_297 : vector<16xi1>
      %swap3A_299 = arith.index_cast %add3A_282 : i32 to index
      %swap3A_300 = tpu.vector_load %arg7[%swap3A_299] masked %and3A_298 {strides = array<i32>} : memref<16448xi32, #tpu.memory_space<vmem>>, vector<16xi32>, vector<16xi1>
      tpu.vector_store %arg7[%swap3A_299], %get3A_290 masked %and3A_298 {strides = array<i32>} : memref<16448xi32, #tpu.memory_space<vmem>>, vector<16xi32>, vector<16xi1>
      %all_reduce_population_count3A_301 = tpu.all_reduce %and3A_298 {dim = 0 : i64, kind = #tpu.reduction_kind<sum>} : vector<16xi1> -> vector<16xi32>
      %reduce_max3A_302 = arith.constant true
      %reduce_max3A_303 = vector.broadcast %reduce_max3A_302 : i1 to vector<16xi1>
      %reduce_max3A_304 = arith.constant -2147483648 : i32
      %reduce_max3A_305 = vector.broadcast %reduce_max3A_304 : i32 to vector<16xi32>
      %reduce_max3A_306 = arith.xori %all_reduce_population_count3A_301, %reduce_max3A_305 : vector<16xi32>
      %reduce_max3A_307 = tpu.scan <max>, %reduce_max3A_306 masked %reduce_max3A_303 : vector<16xi32>, vector<16xi1> -> vector<16xi32>
      %reduce_max3A_308 = arith.xori %reduce_max3A_307, %reduce_max3A_305 : vector<16xi32>
      %reduce_max3A_309 = vector.extract %reduce_max3A_308[15] : i32 from vector<16xi32>
      %add3A_310 = arith.addi %add3A_282, %reduce_max3A_309 : i32
      scf.yield %add3A_310 : i32
    }
    %add3A_150 = arith.constant 16384 : i32
    %add3A_151 = vector.broadcast %add3A_150 : i32 to vector<16xi32>
    %add3A_152 = arith.addi %add3A_151, %iota3A : vector<16xi32>
    %shift_left3A_153 = arith.constant 15 : i32
    %shift_left3A_154 = vector.broadcast %shift_left3A_153 : i32 to vector<16xi32>
    %shift_left3A_155 = arith.shli %add3A_152, %shift_left3A_154 : vector<16xi32>
    %or3A_156 = vector.broadcast %sub3A_138 : i32 to vector<16xi32>
    %or3A_157 = arith.ori %shift_left3A_155, %or3A_156 : vector<16xi32>
    %swap3A_158 = arith.index_cast %while3A_149 : i32 to index
    %swap3A_159 = tpu.vector_load %arg7[%swap3A_158] {strides = array<i32>} : memref<16448xi32, #tpu.memory_space<vmem>>, vector<16xi32>,
    tpu.vector_store %arg7[%swap3A_158], %or3A_157 {strides = array<i32>} : memref<16448xi32, #tpu.memory_space<vmem>>, vector<16xi32>,
    %add3A_160 = arith.constant 15 : i32
    %add3A_161 = arith.addi %while3A_149, %add3A_160 : i32
    %jit3A_162 = arith.constant 16 : i32
    %div3A_163 = arith.divsi %add3A_161, %jit3A_162 : i32
    %sign3A_164 = arith.constant 0 : i32
    %sign3A_165 = arith.cmpi sgt, %add3A_161, %sign3A_164 : i32
    %sign3A_166 = arith.extui %sign3A_165 : i1 to i32
    %sign3A_167 = arith.constant 0 : i32
    %sign3A_168 = arith.cmpi slt, %add3A_161, %sign3A_167 : i32
    %sign3A_169 = arith.extui %sign3A_168 : i1 to i32
    %sign3A_170 = arith.subi %sign3A_166, %sign3A_169 : i32
    %sign3A_171 = arith.constant 0 : i32
    %sign3A_172 = arith.cmpi sgt, %jit3A_162, %sign3A_171 : i32
    %sign3A_173 = arith.extui %sign3A_172 : i1 to i32
    %sign3A_174 = arith.constant 0 : i32
    %sign3A_175 = arith.cmpi slt, %jit3A_162, %sign3A_174 : i32
    %sign3A_176 = arith.extui %sign3A_175 : i1 to i32
    %sign3A_177 = arith.subi %sign3A_173, %sign3A_176 : i32
    %ne3A_178 = arith.cmpi ne, %sign3A_170, %sign3A_177 : i32
    %rem3A_179 = arith.remsi %add3A_161, %jit3A_162 : i32
    %ne3A_180 = arith.constant 0 : i32
    %ne3A_181 = arith.cmpi ne, %rem3A_179, %ne3A_180 : i32
    %and3A_182 = arith.andi %ne3A_178, %ne3A_181 : i1
    %sub3A_183 = arith.constant 1 : i32
    %sub3A_184 = arith.subi %div3A_163, %sub3A_183 : i32
    %select_n3A_185 = arith.select %and3A_182, %sub3A_184, %div3A_163 : i32
    %while3A_186 = arith.constant 0 : i32
    %while3A_187 = arith.constant 0 : i32
    %while3A_188 = arith.subi %select_n3A_185, %while3A_187 : i32
    %while3A_189 = arith.addi %while3A_187, %while3A_188 : i32
    %while3A_190 = arith.constant 1 : i32
    %while3A_191 = arith.divsi %while3A_188, %while3A_190 : i32
    %while3A_192 = arith.muli %while3A_191, %while3A_190 : i32
    %while3A_193 = arith.addi %while3A_187, %while3A_192 : i32
    %while3A_194 = arith.constant 1 : i32
    scf.for %while3A_202 = %while3A_187 to %while3A_193 step %while3A_194  : i32 {
      %mul3A_203 = arith.constant 16 : i32
      %mul3A_204 = arith.muli %while3A_202, %mul3A_203 : i32
      %get3A = arith.index_cast %mul3A_204 : i32 to index
      %get3A_205 = tpu.vector_load %arg7[%get3A] {strides = array<i32>} : memref<16448xi32, #tpu.memory_space<vmem>>, vector<16xi32>,
      %and3A_206 = arith.constant 32767 : i32
      %and3A_207 = vector.broadcast %and3A_206 : i32 to vector<16xi32>
      %and3A_208 = arith.andi %get3A_205, %and3A_207 : vector<16xi32>
      %sub3A_209 = vector.broadcast %sub3A_138 : i32 to vector<16xi32>
      %sub3A_210 = arith.subi %and3A_208, %sub3A_209 : vector<16xi32>
      %dma_wait3A_211 = arith.constant 0 : i32
      %dma_wait3A_212 = arith.constant 0 : i32
      %dma_wait3A_213 = tpu.memref_slice %arg4[%dma_wait3A_211, %dma_wait3A_212] : memref<16400x128xf32, #tpu.memory_space<hbm>> -> memref<16x128xf32, #tpu.memory_space<hbm>>
      %dma_wait3A_214 = arith.constant 0 : i32
      %dma_wait3A_215 = arith.constant 0 : i32
      %dma_wait3A_216 = tpu.memref_slice %arg4[%dma_wait3A_214, %dma_wait3A_215] : memref<16400x128xf32, #tpu.memory_space<hbm>> -> memref<16x128xf32, #tpu.memory_space<hbm>>
      tpu.wait_dma2 semaphore(%arg14 : memref<!tpu.dma_semaphore, #tpu.memory_space<semaphore_mem>>) src(%dma_wait3A_216 : memref<16x128xf32, #tpu.memory_space<hbm>>) dst(%arg10 : memref<16x128xf32, #tpu.memory_space<vmem>>)
      %shift_right_arithmetic3A = arith.constant 15 : i32
      %shift_right_arithmetic3A_217 = vector.broadcast %shift_right_arithmetic3A : i32 to vector<16xi32>
      %shift_right_arithmetic3A_218 = arith.shrsi %get3A_205, %shift_right_arithmetic3A_217 : vector<16xi32>
      %swap3A_219 = arith.constant 0 : index
      %swap3A_220 = tpu.vector_load %arg11[%swap3A_219] {strides = array<i32>} : memref<16xi32, #tpu.memory_space<vmem>>, vector<16xi32>,
      tpu.vector_store %arg11[%swap3A_219], %shift_right_arithmetic3A_218 {strides = array<i32>} : memref<16xi32, #tpu.memory_space<vmem>>, vector<16xi32>,
      %broadcast_in_dim3A = arith.constant 0 : i32
      %broadcast_in_dim3A_221 = vector.broadcast %broadcast_in_dim3A : i32 to vector<16xi32>
      %gather3A = tpu.vector_load_idx %arg8[%broadcast_in_dim3A_221, %sub3A_210] : memref<32x1408xf32, #tpu.memory_space<vmem>>[vector<16xi32>, vector<16xi32>], vector<16xf32>,
      %broadcast_in_dim3A_222 = arith.constant 0 : i32
      %broadcast_in_dim3A_223 = vector.broadcast %broadcast_in_dim3A_222 : i32 to vector<16xi32>
      tpu.vector_store_idx %arg10[%iota3A, %broadcast_in_dim3A_223], %gather3A : memref<16x128xf32, #tpu.memory_space<vmem>>[vector<16xi32>, vector<16xi32>], vector<16xf32>,
      %broadcast_in_dim3A_224 = arith.constant 1 : i32
      %broadcast_in_dim3A_225 = vector.broadcast %broadcast_in_dim3A_224 : i32 to vector<16xi32>
      %gather3A_226 = tpu.vector_load_idx %arg8[%broadcast_in_dim3A_225, %sub3A_210] : memref<32x1408xf32, #tpu.memory_space<vmem>>[vector<16xi32>, vector<16xi32>], vector<16xf32>,
      %broadcast_in_dim3A_227 = arith.constant 1 : i32
      %broadcast_in_dim3A_228 = vector.broadcast %broadcast_in_dim3A_227 : i32 to vector<16xi32>
      tpu.vector_store_idx %arg10[%iota3A, %broadcast_in_dim3A_228], %gather3A_226 : memref<16x128xf32, #tpu.memory_space<vmem>>[vector<16xi32>, vector<16xi32>], vector<16xf32>,
      %broadcast_in_dim3A_229 = arith.constant 2 : i32
      %broadcast_in_dim3A_230 = vector.broadcast %broadcast_in_dim3A_229 : i32 to vector<16xi32>
      %gather3A_231 = tpu.vector_load_idx %arg8[%broadcast_in_dim3A_230, %sub3A_210] : memref<32x1408xf32, #tpu.memory_space<vmem>>[vector<16xi32>, vector<16xi32>], vector<16xf32>,
      %broadcast_in_dim3A_232 = arith.constant 2 : i32
      %broadcast_in_dim3A_233 = vector.broadcast %broadcast_in_dim3A_232 : i32 to vector<16xi32>
      tpu.vector_store_idx %arg10[%iota3A, %broadcast_in_dim3A_233], %gather3A_231 : memref<16x128xf32, #tpu.memory_space<vmem>>[vector<16xi32>, vector<16xi32>], vector<16xf32>,
      %broadcast_in_dim3A_234 = arith.constant 3 : i32
      %broadcast_in_dim3A_235 = vector.broadcast %broadcast_in_dim3A_234 : i32 to vector<16xi32>
      %gather3A_236 = tpu.vector_load_idx %arg8[%broadcast_in_dim3A_235, %sub3A_210] : memref<32x1408xf32, #tpu.memory_space<vmem>>[vector<16xi32>, vector<16xi32>], vector<16xf32>,
      %broadcast_in_dim3A_237 = arith.constant 3 : i32
      %broadcast_in_dim3A_238 = vector.broadcast %broadcast_in_dim3A_237 : i32 to vector<16xi32>
      tpu.vector_store_idx %arg10[%iota3A, %broadcast_in_dim3A_238], %gather3A_236 : memref<16x128xf32, #tpu.memory_space<vmem>>[vector<16xi32>, vector<16xi32>], vector<16xf32>,
      %broadcast_in_dim3A_239 = arith.constant 4 : i32
      %broadcast_in_dim3A_240 = vector.broadcast %broadcast_in_dim3A_239 : i32 to vector<16xi32>
      %gather3A_241 = tpu.vector_load_idx %arg8[%broadcast_in_dim3A_240, %sub3A_210] : memref<32x1408xf32, #tpu.memory_space<vmem>>[vector<16xi32>, vector<16xi32>], vector<16xf32>,
      %broadcast_in_dim3A_242 = arith.constant 4 : i32
      %broadcast_in_dim3A_243 = vector.broadcast %broadcast_in_dim3A_242 : i32 to vector<16xi32>
      tpu.vector_store_idx %arg10[%iota3A, %broadcast_in_dim3A_243], %gather3A_241 : memref<16x128xf32, #tpu.memory_space<vmem>>[vector<16xi32>, vector<16xi32>], vector<16xf32>,
      %broadcast_in_dim3A_244 = arith.constant 5 : i32
      %broadcast_in_dim3A_245 = vector.broadcast %broadcast_in_dim3A_244 : i32 to vector<16xi32>
      %gather3A_246 = tpu.vector_load_idx %arg8[%broadcast_in_dim3A_245, %sub3A_210] : memref<32x1408xf32, #tpu.memory_space<vmem>>[vector<16xi32>, vector<16xi32>], vector<16xf32>,
      %broadcast_in_dim3A_247 = arith.constant 5 : i32
      %broadcast_in_dim3A_248 = vector.broadcast %broadcast_in_dim3A_247 : i32 to vector<16xi32>
      tpu.vector_store_idx %arg10[%iota3A, %broadcast_in_dim3A_248], %gather3A_246 : memref<16x128xf32, #tpu.memory_space<vmem>>[vector<16xi32>, vector<16xi32>], vector<16xf32>,
      %broadcast_in_dim3A_249 = arith.constant 6 : i32
      %broadcast_in_dim3A_250 = vector.broadcast %broadcast_in_dim3A_249 : i32 to vector<16xi32>
      %gather3A_251 = tpu.vector_load_idx %arg8[%broadcast_in_dim3A_250, %sub3A_210] : memref<32x1408xf32, #tpu.memory_space<vmem>>[vector<16xi32>, vector<16xi32>], vector<16xf32>,
      %broadcast_in_dim3A_252 = arith.constant 6 : i32
      %broadcast_in_dim3A_253 = vector.broadcast %broadcast_in_dim3A_252 : i32 to vector<16xi32>
      tpu.vector_store_idx %arg10[%iota3A, %broadcast_in_dim3A_253], %gather3A_251 : memref<16x128xf32, #tpu.memory_space<vmem>>[vector<16xi32>, vector<16xi32>], vector<16xf32>,
      %broadcast_in_dim3A_254 = arith.constant 7 : i32
      %broadcast_in_dim3A_255 = vector.broadcast %broadcast_in_dim3A_254 : i32 to vector<16xi32>
      %gather3A_256 = tpu.vector_load_idx %arg8[%broadcast_in_dim3A_255, %sub3A_210] : memref<32x1408xf32, #tpu.memory_space<vmem>>[vector<16xi32>, vector<16xi32>], vector<16xf32>,
      %broadcast_in_dim3A_257 = arith.constant 7 : i32
      %broadcast_in_dim3A_258 = vector.broadcast %broadcast_in_dim3A_257 : i32 to vector<16xi32>
      tpu.vector_store_idx %arg10[%iota3A, %broadcast_in_dim3A_258], %gather3A_256 : memref<16x128xf32, #tpu.memory_space<vmem>>[vector<16xi32>, vector<16xi32>], vector<16xf32>,
      %broadcast_in_dim3A_259 = arith.constant 8 : i32
      %broadcast_in_dim3A_260 = vector.broadcast %broadcast_in_dim3A_259 : i32 to vector<16xi32>
      %gather3A_261 = tpu.vector_load_idx %arg8[%broadcast_in_dim3A_260, %sub3A_210] : memref<32x1408xf32, #tpu.memory_space<vmem>>[vector<16xi32>, vector<16xi32>], vector<16xf32>,
      %broadcast_in_dim3A_262 = arith.constant 8 : i32
      %broadcast_in_dim3A_263 = vector.broadcast %broadcast_in_dim3A_262 : i32 to vector<16xi32>
      tpu.vector_store_idx %arg10[%iota3A, %broadcast_in_dim3A_263], %gather3A_261 : memref<16x128xf32, #tpu.memory_space<vmem>>[vector<16xi32>, vector<16xi32>], vector<16xf32>,
      %broadcast_in_dim3A_264 = arith.constant 9 : i32
      %broadcast_in_dim3A_265 = vector.broadcast %broadcast_in_dim3A_264 : i32 to vector<16xi32>
      %gather3A_266 = tpu.vector_load_idx %arg8[%broadcast_in_dim3A_265, %sub3A_210] : memref<32x1408xf32, #tpu.memory_space<vmem>>[vector<16xi32>, vector<16xi32>], vector<16xf32>,
      %broadcast_in_dim3A_267 = arith.constant 9 : i32
      %broadcast_in_dim3A_268 = vector.broadcast %broadcast_in_dim3A_267 : i32 to vector<16xi32>
      tpu.vector_store_idx %arg10[%iota3A, %broadcast_in_dim3A_268], %gather3A_266 : memref<16x128xf32, #tpu.memory_space<vmem>>[vector<16xi32>, vector<16xi32>], vector<16xf32>,
      %broadcast_in_dim3A_269 = arith.constant 10 : i32
      %broadcast_in_dim3A_270 = vector.broadcast %broadcast_in_dim3A_269 : i32 to vector<16xi32>
      %gather3A_271 = tpu.vector_load_idx %arg8[%broadcast_in_dim3A_270, %sub3A_210] : memref<32x1408xf32, #tpu.memory_space<vmem>>[vector<16xi32>, vector<16xi32>], vector<16xf32>,
      %broadcast_in_dim3A_272 = arith.constant 10 : i32
      %broadcast_in_dim3A_273 = vector.broadcast %broadcast_in_dim3A_272 : i32 to vector<16xi32>
      tpu.vector_store_idx %arg10[%iota3A, %broadcast_in_dim3A_273], %gather3A_271 : memref<16x128xf32, #tpu.memory_space<vmem>>[vector<16xi32>, vector<16xi32>], vector<16xf32>,
      %broadcast_in_dim3A_274 = arith.constant 11 : i32
      %broadcast_in_dim3A_275 = vector.broadcast %broadcast_in_dim3A_274 : i32 to vector<16xi32>
      %gather3A_276 = tpu.vector_load_idx %arg8[%broadcast_in_dim3A_275, %sub3A_210] : memref<32x1408xf32, #tpu.memory_space<vmem>>[vector<16xi32>, vector<16xi32>], vector<16xf32>,
      %broadcast_in_dim3A_277 = arith.constant 11 : i32
      %broadcast_in_dim3A_278 = vector.broadcast %broadcast_in_dim3A_277 : i32 to vector<16xi32>
      tpu.vector_store_idx %arg10[%iota3A, %broadcast_in_dim3A_278], %gather3A_276 : memref<16x128xf32, #tpu.memory_space<vmem>>[vector<16xi32>, vector<16xi32>], vector<16xf32>,
      %broadcast_in_dim3A_279 = arith.constant 12 : i32
      %broadcast_in_dim3A_280 = vector.broadcast %broadcast_in_dim3A_279 : i32 to vector<16xi32>
      %gather3A_281 = tpu.vector_load_idx %arg8[%broadcast_in_dim3A_280, %sub3A_210] : memref<32x1408xf32, #tpu.memory_space<vmem>>[vector<16xi32>, vector<16xi32>], vector<16xf32>,
      %broadcast_in_dim3A_282 = arith.constant 12 : i32
      %broadcast_in_dim3A_283 = vector.broadcast %broadcast_in_dim3A_282 : i32 to vector<16xi32>
      tpu.vector_store_idx %arg10[%iota3A, %broadcast_in_dim3A_283], %gather3A_281 : memref<16x128xf32, #tpu.memory_space<vmem>>[vector<16xi32>, vector<16xi32>], vector<16xf32>,
      %broadcast_in_dim3A_284 = arith.constant 13 : i32
      %broadcast_in_dim3A_285 = vector.broadcast %broadcast_in_dim3A_284 : i32 to vector<16xi32>
      %gather3A_286 = tpu.vector_load_idx %arg8[%broadcast_in_dim3A_285, %sub3A_210] : memref<32x1408xf32, #tpu.memory_space<vmem>>[vector<16xi32>, vector<16xi32>], vector<16xf32>,
      %broadcast_in_dim3A_287 = arith.constant 13 : i32
      %broadcast_in_dim3A_288 = vector.broadcast %broadcast_in_dim3A_287 : i32 to vector<16xi32>
      tpu.vector_store_idx %arg10[%iota3A, %broadcast_in_dim3A_288], %gather3A_286 : memref<16x128xf32, #tpu.memory_space<vmem>>[vector<16xi32>, vector<16xi32>], vector<16xf32>,
      %broadcast_in_dim3A_289 = arith.constant 14 : i32
      %broadcast_in_dim3A_290 = vector.broadcast %broadcast_in_dim3A_289 : i32 to vector<16xi32>
      %gather3A_291 = tpu.vector_load_idx %arg8[%broadcast_in_dim3A_290, %sub3A_210] : memref<32x1408xf32, #tpu.memory_space<vmem>>[vector<16xi32>, vector<16xi32>], vector<16xf32>,
      %broadcast_in_dim3A_292 = arith.constant 14 : i32
      %broadcast_in_dim3A_293 = vector.broadcast %broadcast_in_dim3A_292 : i32 to vector<16xi32>
      tpu.vector_store_idx %arg10[%iota3A, %broadcast_in_dim3A_293], %gather3A_291 : memref<16x128xf32, #tpu.memory_space<vmem>>[vector<16xi32>, vector<16xi32>], vector<16xf32>,
      %broadcast_in_dim3A_294 = arith.constant 15 : i32
      %broadcast_in_dim3A_295 = vector.broadcast %broadcast_in_dim3A_294 : i32 to vector<16xi32>
      %gather3A_296 = tpu.vector_load_idx %arg8[%broadcast_in_dim3A_295, %sub3A_210] : memref<32x1408xf32, #tpu.memory_space<vmem>>[vector<16xi32>, vector<16xi32>], vector<16xf32>,
      %broadcast_in_dim3A_297 = arith.constant 15 : i32
      %broadcast_in_dim3A_298 = vector.broadcast %broadcast_in_dim3A_297 : i32 to vector<16xi32>
      tpu.vector_store_idx %arg10[%iota3A, %broadcast_in_dim3A_298], %gather3A_296 : memref<16x128xf32, #tpu.memory_space<vmem>>[vector<16xi32>, vector<16xi32>], vector<16xf32>,
      %broadcast_in_dim3A_299 = arith.constant 16 : i32
      %broadcast_in_dim3A_300 = vector.broadcast %broadcast_in_dim3A_299 : i32 to vector<16xi32>
      %gather3A_301 = tpu.vector_load_idx %arg8[%broadcast_in_dim3A_300, %sub3A_210] : memref<32x1408xf32, #tpu.memory_space<vmem>>[vector<16xi32>, vector<16xi32>], vector<16xf32>,
      %broadcast_in_dim3A_302 = arith.constant 16 : i32
      %broadcast_in_dim3A_303 = vector.broadcast %broadcast_in_dim3A_302 : i32 to vector<16xi32>
      tpu.vector_store_idx %arg10[%iota3A, %broadcast_in_dim3A_303], %gather3A_301 : memref<16x128xf32, #tpu.memory_space<vmem>>[vector<16xi32>, vector<16xi32>], vector<16xf32>,
      %broadcast_in_dim3A_304 = arith.constant 17 : i32
      %broadcast_in_dim3A_305 = vector.broadcast %broadcast_in_dim3A_304 : i32 to vector<16xi32>
      %gather3A_306 = tpu.vector_load_idx %arg8[%broadcast_in_dim3A_305, %sub3A_210] : memref<32x1408xf32, #tpu.memory_space<vmem>>[vector<16xi32>, vector<16xi32>], vector<16xf32>,
      %broadcast_in_dim3A_307 = arith.constant 17 : i32
      %broadcast_in_dim3A_308 = vector.broadcast %broadcast_in_dim3A_307 : i32 to vector<16xi32>
      tpu.vector_store_idx %arg10[%iota3A, %broadcast_in_dim3A_308], %gather3A_306 : memref<16x128xf32, #tpu.memory_space<vmem>>[vector<16xi32>, vector<16xi32>], vector<16xf32>,
      %broadcast_in_dim3A_309 = arith.constant 18 : i32
      %broadcast_in_dim3A_310 = vector.broadcast %broadcast_in_dim3A_309 : i32 to vector<16xi32>
      %gather3A_311 = tpu.vector_load_idx %arg8[%broadcast_in_dim3A_310, %sub3A_210] : memref<32x1408xf32, #tpu.memory_space<vmem>>[vector<16xi32>, vector<16xi32>], vector<16xf32>,
      %broadcast_in_dim3A_312 = arith.constant 18 : i32
      %broadcast_in_dim3A_313 = vector.broadcast %broadcast_in_dim3A_312 : i32 to vector<16xi32>
      tpu.vector_store_idx %arg10[%iota3A, %broadcast_in_dim3A_313], %gather3A_311 : memref<16x128xf32, #tpu.memory_space<vmem>>[vector<16xi32>, vector<16xi32>], vector<16xf32>,
      %broadcast_in_dim3A_314 = arith.constant 19 : i32
      %broadcast_in_dim3A_315 = vector.broadcast %broadcast_in_dim3A_314 : i32 to vector<16xi32>
      %gather3A_316 = tpu.vector_load_idx %arg8[%broadcast_in_dim3A_315, %sub3A_210] : memref<32x1408xf32, #tpu.memory_space<vmem>>[vector<16xi32>, vector<16xi32>], vector<16xf32>,
      %broadcast_in_dim3A_317 = arith.constant 19 : i32
      %broadcast_in_dim3A_318 = vector.broadcast %broadcast_in_dim3A_317 : i32 to vector<16xi32>
      tpu.vector_store_idx %arg10[%iota3A, %broadcast_in_dim3A_318], %gather3A_316 : memref<16x128xf32, #tpu.memory_space<vmem>>[vector<16xi32>, vector<16xi32>], vector<16xf32>,
      %broadcast_in_dim3A_319 = arith.constant 20 : i32
      %broadcast_in_dim3A_320 = vector.broadcast %broadcast_in_dim3A_319 : i32 to vector<16xi32>
      %gather3A_321 = tpu.vector_load_idx %arg8[%broadcast_in_dim3A_320, %sub3A_210] : memref<32x1408xf32, #tpu.memory_space<vmem>>[vector<16xi32>, vector<16xi32>], vector<16xf32>,
      %broadcast_in_dim3A_322 = arith.constant 20 : i32
      %broadcast_in_dim3A_323 = vector.broadcast %broadcast_in_dim3A_322 : i32 to vector<16xi32>
      tpu.vector_store_idx %arg10[%iota3A, %broadcast_in_dim3A_323], %gather3A_321 : memref<16x128xf32, #tpu.memory_space<vmem>>[vector<16xi32>, vector<16xi32>], vector<16xf32>,
      %broadcast_in_dim3A_324 = arith.constant 21 : i32
      %broadcast_in_dim3A_325 = vector.broadcast %broadcast_in_dim3A_324 : i32 to vector<16xi32>
      %gather3A_326 = tpu.vector_load_idx %arg8[%broadcast_in_dim3A_325, %sub3A_210] : memref<32x1408xf32, #tpu.memory_space<vmem>>[vector<16xi32>, vector<16xi32>], vector<16xf32>,
      %broadcast_in_dim3A_327 = arith.constant 21 : i32
      %broadcast_in_dim3A_328 = vector.broadcast %broadcast_in_dim3A_327 : i32 to vector<16xi32>
      tpu.vector_store_idx %arg10[%iota3A, %broadcast_in_dim3A_328], %gather3A_326 : memref<16x128xf32, #tpu.memory_space<vmem>>[vector<16xi32>, vector<16xi32>], vector<16xf32>,
      %broadcast_in_dim3A_329 = arith.constant 22 : i32
      %broadcast_in_dim3A_330 = vector.broadcast %broadcast_in_dim3A_329 : i32 to vector<16xi32>
      %gather3A_331 = tpu.vector_load_idx %arg8[%broadcast_in_dim3A_330, %sub3A_210] : memref<32x1408xf32, #tpu.memory_space<vmem>>[vector<16xi32>, vector<16xi32>], vector<16xf32>,
      %broadcast_in_dim3A_332 = arith.constant 22 : i32
      %broadcast_in_dim3A_333 = vector.broadcast %broadcast_in_dim3A_332 : i32 to vector<16xi32>
      tpu.vector_store_idx %arg10[%iota3A, %broadcast_in_dim3A_333], %gather3A_331 : memref<16x128xf32, #tpu.memory_space<vmem>>[vector<16xi32>, vector<16xi32>], vector<16xf32>,
      %broadcast_in_dim3A_334 = arith.constant 23 : i32
      %broadcast_in_dim3A_335 = vector.broadcast %broadcast_in_dim3A_334 : i32 to vector<16xi32>
      %gather3A_336 = tpu.vector_load_idx %arg8[%broadcast_in_dim3A_335, %sub3A_210] : memref<32x1408xf32, #tpu.memory_space<vmem>>[vector<16xi32>, vector<16xi32>], vector<16xf32>,
      %broadcast_in_dim3A_337 = arith.constant 23 : i32
      %broadcast_in_dim3A_338 = vector.broadcast %broadcast_in_dim3A_337 : i32 to vector<16xi32>
      tpu.vector_store_idx %arg10[%iota3A, %broadcast_in_dim3A_338], %gather3A_336 : memref<16x128xf32, #tpu.memory_space<vmem>>[vector<16xi32>, vector<16xi32>], vector<16xf32>,
      %broadcast_in_dim3A_339 = arith.constant 24 : i32
      %broadcast_in_dim3A_340 = vector.broadcast %broadcast_in_dim3A_339 : i32 to vector<16xi32>
      %gather3A_341 = tpu.vector_load_idx %arg8[%broadcast_in_dim3A_340, %sub3A_210] : memref<32x1408xf32, #tpu.memory_space<vmem>>[vector<16xi32>, vector<16xi32>], vector<16xf32>,
      %broadcast_in_dim3A_342 = arith.constant 24 : i32
      %broadcast_in_dim3A_343 = vector.broadcast %broadcast_in_dim3A_342 : i32 to vector<16xi32>
      tpu.vector_store_idx %arg10[%iota3A, %broadcast_in_dim3A_343], %gather3A_341 : memref<16x128xf32, #tpu.memory_space<vmem>>[vector<16xi32>, vector<16xi32>], vector<16xf32>,
      %broadcast_in_dim3A_344 = arith.constant 25 : i32
      %broadcast_in_dim3A_345 = vector.broadcast %broadcast_in_dim3A_344 : i32 to vector<16xi32>
      %gather3A_346 = tpu.vector_load_idx %arg8[%broadcast_in_dim3A_345, %sub3A_210] : memref<32x1408xf32, #tpu.memory_space<vmem>>[vector<16xi32>, vector<16xi32>], vector<16xf32>,
      %broadcast_in_dim3A_347 = arith.constant 25 : i32
      %broadcast_in_dim3A_348 = vector.broadcast %broadcast_in_dim3A_347 : i32 to vector<16xi32>
      tpu.vector_store_idx %arg10[%iota3A, %broadcast_in_dim3A_348], %gather3A_346 : memref<16x128xf32, #tpu.memory_space<vmem>>[vector<16xi32>, vector<16xi32>], vector<16xf32>,
      %broadcast_in_dim3A_349 = arith.constant 26 : i32
      %broadcast_in_dim3A_350 = vector.broadcast %broadcast_in_dim3A_349 : i32 to vector<16xi32>
      %gather3A_351 = tpu.vector_load_idx %arg8[%broadcast_in_dim3A_350, %sub3A_210] : memref<32x1408xf32, #tpu.memory_space<vmem>>[vector<16xi32>, vector<16xi32>], vector<16xf32>,
      %broadcast_in_dim3A_352 = arith.constant 26 : i32
      %broadcast_in_dim3A_353 = vector.broadcast %broadcast_in_dim3A_352 : i32 to vector<16xi32>
      tpu.vector_store_idx %arg10[%iota3A, %broadcast_in_dim3A_353], %gather3A_351 : memref<16x128xf32, #tpu.memory_space<vmem>>[vector<16xi32>, vector<16xi32>], vector<16xf32>,
      %broadcast_in_dim3A_354 = arith.constant 27 : i32
      %broadcast_in_dim3A_355 = vector.broadcast %broadcast_in_dim3A_354 : i32 to vector<16xi32>
      %gather3A_356 = tpu.vector_load_idx %arg8[%broadcast_in_dim3A_355, %sub3A_210] : memref<32x1408xf32, #tpu.memory_space<vmem>>[vector<16xi32>, vector<16xi32>], vector<16xf32>,
      %broadcast_in_dim3A_357 = arith.constant 27 : i32
      %broadcast_in_dim3A_358 = vector.broadcast %broadcast_in_dim3A_357 : i32 to vector<16xi32>
      tpu.vector_store_idx %arg10[%iota3A, %broadcast_in_dim3A_358], %gather3A_356 : memref<16x128xf32, #tpu.memory_space<vmem>>[vector<16xi32>, vector<16xi32>], vector<16xf32>,
      %broadcast_in_dim3A_359 = arith.constant 28 : i32
      %broadcast_in_dim3A_360 = vector.broadcast %broadcast_in_dim3A_359 : i32 to vector<16xi32>
      %gather3A_361 = tpu.vector_load_idx %arg8[%broadcast_in_dim3A_360, %sub3A_210] : memref<32x1408xf32, #tpu.memory_space<vmem>>[vector<16xi32>, vector<16xi32>], vector<16xf32>,
      %broadcast_in_dim3A_362 = arith.constant 28 : i32
      %broadcast_in_dim3A_363 = vector.broadcast %broadcast_in_dim3A_362 : i32 to vector<16xi32>
      tpu.vector_store_idx %arg10[%iota3A, %broadcast_in_dim3A_363], %gather3A_361 : memref<16x128xf32, #tpu.memory_space<vmem>>[vector<16xi32>, vector<16xi32>], vector<16xf32>,
      %broadcast_in_dim3A_364 = arith.constant 29 : i32
      %broadcast_in_dim3A_365 = vector.broadcast %broadcast_in_dim3A_364 : i32 to vector<16xi32>
      %gather3A_366 = tpu.vector_load_idx %arg8[%broadcast_in_dim3A_365, %sub3A_210] : memref<32x1408xf32, #tpu.memory_space<vmem>>[vector<16xi32>, vector<16xi32>], vector<16xf32>,
      %broadcast_in_dim3A_367 = arith.constant 29 : i32
      %broadcast_in_dim3A_368 = vector.broadcast %broadcast_in_dim3A_367 : i32 to vector<16xi32>
      tpu.vector_store_idx %arg10[%iota3A, %broadcast_in_dim3A_368], %gather3A_366 : memref<16x128xf32, #tpu.memory_space<vmem>>[vector<16xi32>, vector<16xi32>], vector<16xf32>,
      %broadcast_in_dim3A_369 = arith.constant 30 : i32
      %broadcast_in_dim3A_370 = vector.broadcast %broadcast_in_dim3A_369 : i32 to vector<16xi32>
      %gather3A_371 = tpu.vector_load_idx %arg8[%broadcast_in_dim3A_370, %sub3A_210] : memref<32x1408xf32, #tpu.memory_space<vmem>>[vector<16xi32>, vector<16xi32>], vector<16xf32>,
      %broadcast_in_dim3A_372 = arith.constant 30 : i32
      %broadcast_in_dim3A_373 = vector.broadcast %broadcast_in_dim3A_372 : i32 to vector<16xi32>
      tpu.vector_store_idx %arg10[%iota3A, %broadcast_in_dim3A_373], %gather3A_371 : memref<16x128xf32, #tpu.memory_space<vmem>>[vector<16xi32>, vector<16xi32>], vector<16xf32>,
      %broadcast_in_dim3A_374 = arith.constant 31 : i32
      %broadcast_in_dim3A_375 = vector.broadcast %broadcast_in_dim3A_374 : i32 to vector<16xi32>
      %gather3A_376 = tpu.vector_load_idx %arg8[%broadcast_in_dim3A_375, %sub3A_210] : memref<32x1408xf32, #tpu.memory_space<vmem>>[vector<16xi32>, vector<16xi32>], vector<16xf32>,
      %broadcast_in_dim3A_377 = arith.constant 31 : i32
      %broadcast_in_dim3A_378 = vector.broadcast %broadcast_in_dim3A_377 : i32 to vector<16xi32>
      tpu.vector_store_idx %arg10[%iota3A, %broadcast_in_dim3A_378], %gather3A_376 : memref<16x128xf32, #tpu.memory_space<vmem>>[vector<16xi32>, vector<16xi32>], vector<16xf32>,
      %dma_start3A_379 = arith.constant 0 : i32
      %dma_start3A_380 = arith.constant 0 : i32
      %dma_start3A_381 = tpu.memref_slice %arg4[%dma_start3A_379, %dma_start3A_380] : memref<16400x128xf32, #tpu.memory_space<hbm>> -> memref<16400x128xf32, #tpu.memory_space<hbm>>
      tpu.enqueue_indirect_dma source(%arg10 : memref<16x128xf32, #tpu.memory_space<vmem>>) target(%dma_start3A_381 : memref<16400x128xf32, #tpu.memory_space<hbm>>) offsets(%arg11 : memref<16xi32, #tpu.memory_space<vmem>>) semaphore(%arg14 : memref<!tpu.dma_semaphore, #tpu.memory_space<semaphore_mem>>)
    }
    %while3A_195 = arith.constant 1 : i32
    scf.for %while3A_202 = %while3A_193 to %while3A_189 step %while3A_195  : i32 {
      %mul3A_203 = arith.constant 16 : i32
      %mul3A_204 = arith.muli %while3A_202, %mul3A_203 : i32
      %get3A = arith.index_cast %mul3A_204 : i32 to index
      %get3A_205 = tpu.vector_load %arg7[%get3A] {strides = array<i32>} : memref<16448xi32, #tpu.memory_space<vmem>>, vector<16xi32>,
      %and3A_206 = arith.constant 32767 : i32
      %and3A_207 = vector.broadcast %and3A_206 : i32 to vector<16xi32>
      %and3A_208 = arith.andi %get3A_205, %and3A_207 : vector<16xi32>
      %sub3A_209 = vector.broadcast %sub3A_138 : i32 to vector<16xi32>
      %sub3A_210 = arith.subi %and3A_208, %sub3A_209 : vector<16xi32>
      %dma_wait3A_211 = arith.constant 0 : i32
      %dma_wait3A_212 = arith.constant 0 : i32
      %dma_wait3A_213 = tpu.memref_slice %arg4[%dma_wait3A_211, %dma_wait3A_212] : memref<16400x128xf32, #tpu.memory_space<hbm>> -> memref<16x128xf32, #tpu.memory_space<hbm>>
      %dma_wait3A_214 = arith.constant 0 : i32
      %dma_wait3A_215 = arith.constant 0 : i32
      %dma_wait3A_216 = tpu.memref_slice %arg4[%dma_wait3A_214, %dma_wait3A_215] : memref<16400x128xf32, #tpu.memory_space<hbm>> -> memref<16x128xf32, #tpu.memory_space<hbm>>
      tpu.wait_dma2 semaphore(%arg14 : memref<!tpu.dma_semaphore, #tpu.memory_space<semaphore_mem>>) src(%dma_wait3A_216 : memref<16x128xf32, #tpu.memory_space<hbm>>) dst(%arg10 : memref<16x128xf32, #tpu.memory_space<vmem>>)
      %shift_right_arithmetic3A = arith.constant 15 : i32
      %shift_right_arithmetic3A_217 = vector.broadcast %shift_right_arithmetic3A : i32 to vector<16xi32>
      %shift_right_arithmetic3A_218 = arith.shrsi %get3A_205, %shift_right_arithmetic3A_217 : vector<16xi32>
      %swap3A_219 = arith.constant 0 : index
      %swap3A_220 = tpu.vector_load %arg11[%swap3A_219] {strides = array<i32>} : memref<16xi32, #tpu.memory_space<vmem>>, vector<16xi32>,
      tpu.vector_store %arg11[%swap3A_219], %shift_right_arithmetic3A_218 {strides = array<i32>} : memref<16xi32, #tpu.memory_space<vmem>>, vector<16xi32>,
      %broadcast_in_dim3A = arith.constant 0 : i32
      %broadcast_in_dim3A_221 = vector.broadcast %broadcast_in_dim3A : i32 to vector<16xi32>
      %gather3A = tpu.vector_load_idx %arg8[%broadcast_in_dim3A_221, %sub3A_210] : memref<32x1408xf32, #tpu.memory_space<vmem>>[vector<16xi32>, vector<16xi32>], vector<16xf32>,
      %broadcast_in_dim3A_222 = arith.constant 0 : i32
      %broadcast_in_dim3A_223 = vector.broadcast %broadcast_in_dim3A_222 : i32 to vector<16xi32>
      tpu.vector_store_idx %arg10[%iota3A, %broadcast_in_dim3A_223], %gather3A : memref<16x128xf32, #tpu.memory_space<vmem>>[vector<16xi32>, vector<16xi32>], vector<16xf32>,
      %broadcast_in_dim3A_224 = arith.constant 1 : i32
      %broadcast_in_dim3A_225 = vector.broadcast %broadcast_in_dim3A_224 : i32 to vector<16xi32>
      %gather3A_226 = tpu.vector_load_idx %arg8[%broadcast_in_dim3A_225, %sub3A_210] : memref<32x1408xf32, #tpu.memory_space<vmem>>[vector<16xi32>, vector<16xi32>], vector<16xf32>,
      %broadcast_in_dim3A_227 = arith.constant 1 : i32
      %broadcast_in_dim3A_228 = vector.broadcast %broadcast_in_dim3A_227 : i32 to vector<16xi32>
      tpu.vector_store_idx %arg10[%iota3A, %broadcast_in_dim3A_228], %gather3A_226 : memref<16x128xf32, #tpu.memory_space<vmem>>[vector<16xi32>, vector<16xi32>], vector<16xf32>,
      %broadcast_in_dim3A_229 = arith.constant 2 : i32
      %broadcast_in_dim3A_230 = vector.broadcast %broadcast_in_dim3A_229 : i32 to vector<16xi32>
      %gather3A_231 = tpu.vector_load_idx %arg8[%broadcast_in_dim3A_230, %sub3A_210] : memref<32x1408xf32, #tpu.memory_space<vmem>>[vector<16xi32>, vector<16xi32>], vector<16xf32>,
      %broadcast_in_dim3A_232 = arith.constant 2 : i32
      %broadcast_in_dim3A_233 = vector.broadcast %broadcast_in_dim3A_232 : i32 to vector<16xi32>
      tpu.vector_store_idx %arg10[%iota3A, %broadcast_in_dim3A_233], %gather3A_231 : memref<16x128xf32, #tpu.memory_space<vmem>>[vector<16xi32>, vector<16xi32>], vector<16xf32>,
      %broadcast_in_dim3A_234 = arith.constant 3 : i32
      %broadcast_in_dim3A_235 = vector.broadcast %broadcast_in_dim3A_234 : i32 to vector<16xi32>
      %gather3A_236 = tpu.vector_load_idx %arg8[%broadcast_in_dim3A_235, %sub3A_210] : memref<32x1408xf32, #tpu.memory_space<vmem>>[vector<16xi32>, vector<16xi32>], vector<16xf32>,
      %broadcast_in_dim3A_237 = arith.constant 3 : i32
      %broadcast_in_dim3A_238 = vector.broadcast %broadcast_in_dim3A_237 : i32 to vector<16xi32>
      tpu.vector_store_idx %arg10[%iota3A, %broadcast_in_dim3A_238], %gather3A_236 : memref<16x128xf32, #tpu.memory_space<vmem>>[vector<16xi32>, vector<16xi32>], vector<16xf32>,
      %broadcast_in_dim3A_239 = arith.constant 4 : i32
      %broadcast_in_dim3A_240 = vector.broadcast %broadcast_in_dim3A_239 : i32 to vector<16xi32>
      %gather3A_241 = tpu.vector_load_idx %arg8[%broadcast_in_dim3A_240, %sub3A_210] : memref<32x1408xf32, #tpu.memory_space<vmem>>[vector<16xi32>, vector<16xi32>], vector<16xf32>,
      %broadcast_in_dim3A_242 = arith.constant 4 : i32
      %broadcast_in_dim3A_243 = vector.broadcast %broadcast_in_dim3A_242 : i32 to vector<16xi32>
      tpu.vector_store_idx %arg10[%iota3A, %broadcast_in_dim3A_243], %gather3A_241 : memref<16x128xf32, #tpu.memory_space<vmem>>[vector<16xi32>, vector<16xi32>], vector<16xf32>,
      %broadcast_in_dim3A_244 = arith.constant 5 : i32
      %broadcast_in_dim3A_245 = vector.broadcast %broadcast_in_dim3A_244 : i32 to vector<16xi32>
      %gather3A_246 = tpu.vector_load_idx %arg8[%broadcast_in_dim3A_245, %sub3A_210] : memref<32x1408xf32, #tpu.memory_space<vmem>>[vector<16xi32>, vector<16xi32>], vector<16xf32>,
      %broadcast_in_dim3A_247 = arith.constant 5 : i32
      %broadcast_in_dim3A_248 = vector.broadcast %broadcast_in_dim3A_247 : i32 to vector<16xi32>
      tpu.vector_store_idx %arg10[%iota3A, %broadcast_in_dim3A_248], %gather3A_246 : memref<16x128xf32, #tpu.memory_space<vmem>>[vector<16xi32>, vector<16xi32>], vector<16xf32>,
      %broadcast_in_dim3A_249 = arith.constant 6 : i32
      %broadcast_in_dim3A_250 = vector.broadcast %broadcast_in_dim3A_249 : i32 to vector<16xi32>
      %gather3A_251 = tpu.vector_load_idx %arg8[%broadcast_in_dim3A_250, %sub3A_210] : memref<32x1408xf32, #tpu.memory_space<vmem>>[vector<16xi32>, vector<16xi32>], vector<16xf32>,
      %broadcast_in_dim3A_252 = arith.constant 6 : i32
      %broadcast_in_dim3A_253 = vector.broadcast %broadcast_in_dim3A_252 : i32 to vector<16xi32>
      tpu.vector_store_idx %arg10[%iota3A, %broadcast_in_dim3A_253], %gather3A_251 : memref<16x128xf32, #tpu.memory_space<vmem>>[vector<16xi32>, vector<16xi32>], vector<16xf32>,
      %broadcast_in_dim3A_254 = arith.constant 7 : i32
      %broadcast_in_dim3A_255 = vector.broadcast %broadcast_in_dim3A_254 : i32 to vector<16xi32>
      %gather3A_256 = tpu.vector_load_idx %arg8[%broadcast_in_dim3A_255, %sub3A_210] : memref<32x1408xf32, #tpu.memory_space<vmem>>[vector<16xi32>, vector<16xi32>], vector<16xf32>,
      %broadcast_in_dim3A_257 = arith.constant 7 : i32
      %broadcast_in_dim3A_258 = vector.broadcast %broadcast_in_dim3A_257 : i32 to vector<16xi32>
      tpu.vector_store_idx %arg10[%iota3A, %broadcast_in_dim3A_258], %gather3A_256 : memref<16x128xf32, #tpu.memory_space<vmem>>[vector<16xi32>, vector<16xi32>], vector<16xf32>,
      %broadcast_in_dim3A_259 = arith.constant 8 : i32
      %broadcast_in_dim3A_260 = vector.broadcast %broadcast_in_dim3A_259 : i32 to vector<16xi32>
      %gather3A_261 = tpu.vector_load_idx %arg8[%broadcast_in_dim3A_260, %sub3A_210] : memref<32x1408xf32, #tpu.memory_space<vmem>>[vector<16xi32>, vector<16xi32>], vector<16xf32>,
      %broadcast_in_dim3A_262 = arith.constant 8 : i32
      %broadcast_in_dim3A_263 = vector.broadcast %broadcast_in_dim3A_262 : i32 to vector<16xi32>
      tpu.vector_store_idx %arg10[%iota3A, %broadcast_in_dim3A_263], %gather3A_261 : memref<16x128xf32, #tpu.memory_space<vmem>>[vector<16xi32>, vector<16xi32>], vector<16xf32>,
      %broadcast_in_dim3A_264 = arith.constant 9 : i32
      %broadcast_in_dim3A_265 = vector.broadcast %broadcast_in_dim3A_264 : i32 to vector<16xi32>
      %gather3A_266 = tpu.vector_load_idx %arg8[%broadcast_in_dim3A_265, %sub3A_210] : memref<32x1408xf32, #tpu.memory_space<vmem>>[vector<16xi32>, vector<16xi32>], vector<16xf32>,
      %broadcast_in_dim3A_267 = arith.constant 9 : i32
      %broadcast_in_dim3A_268 = vector.broadcast %broadcast_in_dim3A_267 : i32 to vector<16xi32>
      tpu.vector_store_idx %arg10[%iota3A, %broadcast_in_dim3A_268], %gather3A_266 : memref<16x128xf32, #tpu.memory_space<vmem>>[vector<16xi32>, vector<16xi32>], vector<16xf32>,
      %broadcast_in_dim3A_269 = arith.constant 10 : i32
      %broadcast_in_dim3A_270 = vector.broadcast %broadcast_in_dim3A_269 : i32 to vector<16xi32>
      %gather3A_271 = tpu.vector_load_idx %arg8[%broadcast_in_dim3A_270, %sub3A_210] : memref<32x1408xf32, #tpu.memory_space<vmem>>[vector<16xi32>, vector<16xi32>], vector<16xf32>,
      %broadcast_in_dim3A_272 = arith.constant 10 : i32
      %broadcast_in_dim3A_273 = vector.broadcast %broadcast_in_dim3A_272 : i32 to vector<16xi32>
      tpu.vector_store_idx %arg10[%iota3A, %broadcast_in_dim3A_273], %gather3A_271 : memref<16x128xf32, #tpu.memory_space<vmem>>[vector<16xi32>, vector<16xi32>], vector<16xf32>,
      %broadcast_in_dim3A_274 = arith.constant 11 : i32
      %broadcast_in_dim3A_275 = vector.broadcast %broadcast_in_dim3A_274 : i32 to vector<16xi32>
      %gather3A_276 = tpu.vector_load_idx %arg8[%broadcast_in_dim3A_275, %sub3A_210] : memref<32x1408xf32, #tpu.memory_space<vmem>>[vector<16xi32>, vector<16xi32>], vector<16xf32>,
      %broadcast_in_dim3A_277 = arith.constant 11 : i32
      %broadcast_in_dim3A_278 = vector.broadcast %broadcast_in_dim3A_277 : i32 to vector<16xi32>
      tpu.vector_store_idx %arg10[%iota3A, %broadcast_in_dim3A_278], %gather3A_276 : memref<16x128xf32, #tpu.memory_space<vmem>>[vector<16xi32>, vector<16xi32>], vector<16xf32>,
      %broadcast_in_dim3A_279 = arith.constant 12 : i32
      %broadcast_in_dim3A_280 = vector.broadcast %broadcast_in_dim3A_279 : i32 to vector<16xi32>
      %gather3A_281 = tpu.vector_load_idx %arg8[%broadcast_in_dim3A_280, %sub3A_210] : memref<32x1408xf32, #tpu.memory_space<vmem>>[vector<16xi32>, vector<16xi32>], vector<16xf32>,
      %broadcast_in_dim3A_282 = arith.constant 12 : i32
      %broadcast_in_dim3A_283 = vector.broadcast %broadcast_in_dim3A_282 : i32 to vector<16xi32>
      tpu.vector_store_idx %arg10[%iota3A, %broadcast_in_dim3A_283], %gather3A_281 : memref<16x128xf32, #tpu.memory_space<vmem>>[vector<16xi32>, vector<16xi32>], vector<16xf32>,
      %broadcast_in_dim3A_284 = arith.constant 13 : i32
      %broadcast_in_dim3A_285 = vector.broadcast %broadcast_in_dim3A_284 : i32 to vector<16xi32>
      %gather3A_286 = tpu.vector_load_idx %arg8[%broadcast_in_dim3A_285, %sub3A_210] : memref<32x1408xf32, #tpu.memory_space<vmem>>[vector<16xi32>, vector<16xi32>], vector<16xf32>,
      %broadcast_in_dim3A_287 = arith.constant 13 : i32
      %broadcast_in_dim3A_288 = vector.broadcast %broadcast_in_dim3A_287 : i32 to vector<16xi32>
      tpu.vector_store_idx %arg10[%iota3A, %broadcast_in_dim3A_288], %gather3A_286 : memref<16x128xf32, #tpu.memory_space<vmem>>[vector<16xi32>, vector<16xi32>], vector<16xf32>,
      %broadcast_in_dim3A_289 = arith.constant 14 : i32
      %broadcast_in_dim3A_290 = vector.broadcast %broadcast_in_dim3A_289 : i32 to vector<16xi32>
      %gather3A_291 = tpu.vector_load_idx %arg8[%broadcast_in_dim3A_290, %sub3A_210] : memref<32x1408xf32, #tpu.memory_space<vmem>>[vector<16xi32>, vector<16xi32>], vector<16xf32>,
      %broadcast_in_dim3A_292 = arith.constant 14 : i32
      %broadcast_in_dim3A_293 = vector.broadcast %broadcast_in_dim3A_292 : i32 to vector<16xi32>
      tpu.vector_store_idx %arg10[%iota3A, %broadcast_in_dim3A_293], %gather3A_291 : memref<16x128xf32, #tpu.memory_space<vmem>>[vector<16xi32>, vector<16xi32>], vector<16xf32>,
      %broadcast_in_dim3A_294 = arith.constant 15 : i32
      %broadcast_in_dim3A_295 = vector.broadcast %broadcast_in_dim3A_294 : i32 to vector<16xi32>
      %gather3A_296 = tpu.vector_load_idx %arg8[%broadcast_in_dim3A_295, %sub3A_210] : memref<32x1408xf32, #tpu.memory_space<vmem>>[vector<16xi32>, vector<16xi32>], vector<16xf32>,
      %broadcast_in_dim3A_297 = arith.constant 15 : i32
      %broadcast_in_dim3A_298 = vector.broadcast %broadcast_in_dim3A_297 : i32 to vector<16xi32>
      tpu.vector_store_idx %arg10[%iota3A, %broadcast_in_dim3A_298], %gather3A_296 : memref<16x128xf32, #tpu.memory_space<vmem>>[vector<16xi32>, vector<16xi32>], vector<16xf32>,
      %broadcast_in_dim3A_299 = arith.constant 16 : i32
      %broadcast_in_dim3A_300 = vector.broadcast %broadcast_in_dim3A_299 : i32 to vector<16xi32>
      %gather3A_301 = tpu.vector_load_idx %arg8[%broadcast_in_dim3A_300, %sub3A_210] : memref<32x1408xf32, #tpu.memory_space<vmem>>[vector<16xi32>, vector<16xi32>], vector<16xf32>,
      %broadcast_in_dim3A_302 = arith.constant 16 : i32
      %broadcast_in_dim3A_303 = vector.broadcast %broadcast_in_dim3A_302 : i32 to vector<16xi32>
      tpu.vector_store_idx %arg10[%iota3A, %broadcast_in_dim3A_303], %gather3A_301 : memref<16x128xf32, #tpu.memory_space<vmem>>[vector<16xi32>, vector<16xi32>], vector<16xf32>,
      %broadcast_in_dim3A_304 = arith.constant 17 : i32
      %broadcast_in_dim3A_305 = vector.broadcast %broadcast_in_dim3A_304 : i32 to vector<16xi32>
      %gather3A_306 = tpu.vector_load_idx %arg8[%broadcast_in_dim3A_305, %sub3A_210] : memref<32x1408xf32, #tpu.memory_space<vmem>>[vector<16xi32>, vector<16xi32>], vector<16xf32>,
      %broadcast_in_dim3A_307 = arith.constant 17 : i32
      %broadcast_in_dim3A_308 = vector.broadcast %broadcast_in_dim3A_307 : i32 to vector<16xi32>
      tpu.vector_store_idx %arg10[%iota3A, %broadcast_in_dim3A_308], %gather3A_306 : memref<16x128xf32, #tpu.memory_space<vmem>>[vector<16xi32>, vector<16xi32>], vector<16xf32>,
      %broadcast_in_dim3A_309 = arith.constant 18 : i32
      %broadcast_in_dim3A_310 = vector.broadcast %broadcast_in_dim3A_309 : i32 to vector<16xi32>
      %gather3A_311 = tpu.vector_load_idx %arg8[%broadcast_in_dim3A_310, %sub3A_210] : memref<32x1408xf32, #tpu.memory_space<vmem>>[vector<16xi32>, vector<16xi32>], vector<16xf32>,
      %broadcast_in_dim3A_312 = arith.constant 18 : i32
      %broadcast_in_dim3A_313 = vector.broadcast %broadcast_in_dim3A_312 : i32 to vector<16xi32>
      tpu.vector_store_idx %arg10[%iota3A, %broadcast_in_dim3A_313], %gather3A_311 : memref<16x128xf32, #tpu.memory_space<vmem>>[vector<16xi32>, vector<16xi32>], vector<16xf32>,
      %broadcast_in_dim3A_314 = arith.constant 19 : i32
      %broadcast_in_dim3A_315 = vector.broadcast %broadcast_in_dim3A_314 : i32 to vector<16xi32>
      %gather3A_316 = tpu.vector_load_idx %arg8[%broadcast_in_dim3A_315, %sub3A_210] : memref<32x1408xf32, #tpu.memory_space<vmem>>[vector<16xi32>, vector<16xi32>], vector<16xf32>,
      %broadcast_in_dim3A_317 = arith.constant 19 : i32
      %broadcast_in_dim3A_318 = vector.broadcast %broadcast_in_dim3A_317 : i32 to vector<16xi32>
      tpu.vector_store_idx %arg10[%iota3A, %broadcast_in_dim3A_318], %gather3A_316 : memref<16x128xf32, #tpu.memory_space<vmem>>[vector<16xi32>, vector<16xi32>], vector<16xf32>,
      %broadcast_in_dim3A_319 = arith.constant 20 : i32
      %broadcast_in_dim3A_320 = vector.broadcast %broadcast_in_dim3A_319 : i32 to vector<16xi32>
      %gather3A_321 = tpu.vector_load_idx %arg8[%broadcast_in_dim3A_320, %sub3A_210] : memref<32x1408xf32, #tpu.memory_space<vmem>>[vector<16xi32>, vector<16xi32>], vector<16xf32>,
      %broadcast_in_dim3A_322 = arith.constant 20 : i32
      %broadcast_in_dim3A_323 = vector.broadcast %broadcast_in_dim3A_322 : i32 to vector<16xi32>
      tpu.vector_store_idx %arg10[%iota3A, %broadcast_in_dim3A_323], %gather3A_321 : memref<16x128xf32, #tpu.memory_space<vmem>>[vector<16xi32>, vector<16xi32>], vector<16xf32>,
      %broadcast_in_dim3A_324 = arith.constant 21 : i32
      %broadcast_in_dim3A_325 = vector.broadcast %broadcast_in_dim3A_324 : i32 to vector<16xi32>
      %gather3A_326 = tpu.vector_load_idx %arg8[%broadcast_in_dim3A_325, %sub3A_210] : memref<32x1408xf32, #tpu.memory_space<vmem>>[vector<16xi32>, vector<16xi32>], vector<16xf32>,
      %broadcast_in_dim3A_327 = arith.constant 21 : i32
      %broadcast_in_dim3A_328 = vector.broadcast %broadcast_in_dim3A_327 : i32 to vector<16xi32>
      tpu.vector_store_idx %arg10[%iota3A, %broadcast_in_dim3A_328], %gather3A_326 : memref<16x128xf32, #tpu.memory_space<vmem>>[vector<16xi32>, vector<16xi32>], vector<16xf32>,
      %broadcast_in_dim3A_329 = arith.constant 22 : i32
      %broadcast_in_dim3A_330 = vector.broadcast %broadcast_in_dim3A_329 : i32 to vector<16xi32>
      %gather3A_331 = tpu.vector_load_idx %arg8[%broadcast_in_dim3A_330, %sub3A_210] : memref<32x1408xf32, #tpu.memory_space<vmem>>[vector<16xi32>, vector<16xi32>], vector<16xf32>,
      %broadcast_in_dim3A_332 = arith.constant 22 : i32
      %broadcast_in_dim3A_333 = vector.broadcast %broadcast_in_dim3A_332 : i32 to vector<16xi32>
      tpu.vector_store_idx %arg10[%iota3A, %broadcast_in_dim3A_333], %gather3A_331 : memref<16x128xf32, #tpu.memory_space<vmem>>[vector<16xi32>, vector<16xi32>], vector<16xf32>,
      %broadcast_in_dim3A_334 = arith.constant 23 : i32
      %broadcast_in_dim3A_335 = vector.broadcast %broadcast_in_dim3A_334 : i32 to vector<16xi32>
      %gather3A_336 = tpu.vector_load_idx %arg8[%broadcast_in_dim3A_335, %sub3A_210] : memref<32x1408xf32, #tpu.memory_space<vmem>>[vector<16xi32>, vector<16xi32>], vector<16xf32>,
      %broadcast_in_dim3A_337 = arith.constant 23 : i32
      %broadcast_in_dim3A_338 = vector.broadcast %broadcast_in_dim3A_337 : i32 to vector<16xi32>
      tpu.vector_store_idx %arg10[%iota3A, %broadcast_in_dim3A_338], %gather3A_336 : memref<16x128xf32, #tpu.memory_space<vmem>>[vector<16xi32>, vector<16xi32>], vector<16xf32>,
      %broadcast_in_dim3A_339 = arith.constant 24 : i32
      %broadcast_in_dim3A_340 = vector.broadcast %broadcast_in_dim3A_339 : i32 to vector<16xi32>
      %gather3A_341 = tpu.vector_load_idx %arg8[%broadcast_in_dim3A_340, %sub3A_210] : memref<32x1408xf32, #tpu.memory_space<vmem>>[vector<16xi32>, vector<16xi32>], vector<16xf32>,
      %broadcast_in_dim3A_342 = arith.constant 24 : i32
      %broadcast_in_dim3A_343 = vector.broadcast %broadcast_in_dim3A_342 : i32 to vector<16xi32>
      tpu.vector_store_idx %arg10[%iota3A, %broadcast_in_dim3A_343], %gather3A_341 : memref<16x128xf32, #tpu.memory_space<vmem>>[vector<16xi32>, vector<16xi32>], vector<16xf32>,
      %broadcast_in_dim3A_344 = arith.constant 25 : i32
      %broadcast_in_dim3A_345 = vector.broadcast %broadcast_in_dim3A_344 : i32 to vector<16xi32>
      %gather3A_346 = tpu.vector_load_idx %arg8[%broadcast_in_dim3A_345, %sub3A_210] : memref<32x1408xf32, #tpu.memory_space<vmem>>[vector<16xi32>, vector<16xi32>], vector<16xf32>,
      %broadcast_in_dim3A_347 = arith.constant 25 : i32
      %broadcast_in_dim3A_348 = vector.broadcast %broadcast_in_dim3A_347 : i32 to vector<16xi32>
      tpu.vector_store_idx %arg10[%iota3A, %broadcast_in_dim3A_348], %gather3A_346 : memref<16x128xf32, #tpu.memory_space<vmem>>[vector<16xi32>, vector<16xi32>], vector<16xf32>,
      %broadcast_in_dim3A_349 = arith.constant 26 : i32
      %broadcast_in_dim3A_350 = vector.broadcast %broadcast_in_dim3A_349 : i32 to vector<16xi32>
      %gather3A_351 = tpu.vector_load_idx %arg8[%broadcast_in_dim3A_350, %sub3A_210] : memref<32x1408xf32, #tpu.memory_space<vmem>>[vector<16xi32>, vector<16xi32>], vector<16xf32>,
      %broadcast_in_dim3A_352 = arith.constant 26 : i32
      %broadcast_in_dim3A_353 = vector.broadcast %broadcast_in_dim3A_352 : i32 to vector<16xi32>
      tpu.vector_store_idx %arg10[%iota3A, %broadcast_in_dim3A_353], %gather3A_351 : memref<16x128xf32, #tpu.memory_space<vmem>>[vector<16xi32>, vector<16xi32>], vector<16xf32>,
      %broadcast_in_dim3A_354 = arith.constant 27 : i32
      %broadcast_in_dim3A_355 = vector.broadcast %broadcast_in_dim3A_354 : i32 to vector<16xi32>
      %gather3A_356 = tpu.vector_load_idx %arg8[%broadcast_in_dim3A_355, %sub3A_210] : memref<32x1408xf32, #tpu.memory_space<vmem>>[vector<16xi32>, vector<16xi32>], vector<16xf32>,
      %broadcast_in_dim3A_357 = arith.constant 27 : i32
      %broadcast_in_dim3A_358 = vector.broadcast %broadcast_in_dim3A_357 : i32 to vector<16xi32>
      tpu.vector_store_idx %arg10[%iota3A, %broadcast_in_dim3A_358], %gather3A_356 : memref<16x128xf32, #tpu.memory_space<vmem>>[vector<16xi32>, vector<16xi32>], vector<16xf32>,
      %broadcast_in_dim3A_359 = arith.constant 28 : i32
      %broadcast_in_dim3A_360 = vector.broadcast %broadcast_in_dim3A_359 : i32 to vector<16xi32>
      %gather3A_361 = tpu.vector_load_idx %arg8[%broadcast_in_dim3A_360, %sub3A_210] : memref<32x1408xf32, #tpu.memory_space<vmem>>[vector<16xi32>, vector<16xi32>], vector<16xf32>,
      %broadcast_in_dim3A_362 = arith.constant 28 : i32
      %broadcast_in_dim3A_363 = vector.broadcast %broadcast_in_dim3A_362 : i32 to vector<16xi32>
      tpu.vector_store_idx %arg10[%iota3A, %broadcast_in_dim3A_363], %gather3A_361 : memref<16x128xf32, #tpu.memory_space<vmem>>[vector<16xi32>, vector<16xi32>], vector<16xf32>,
      %broadcast_in_dim3A_364 = arith.constant 29 : i32
      %broadcast_in_dim3A_365 = vector.broadcast %broadcast_in_dim3A_364 : i32 to vector<16xi32>
      %gather3A_366 = tpu.vector_load_idx %arg8[%broadcast_in_dim3A_365, %sub3A_210] : memref<32x1408xf32, #tpu.memory_space<vmem>>[vector<16xi32>, vector<16xi32>], vector<16xf32>,
      %broadcast_in_dim3A_367 = arith.constant 29 : i32
      %broadcast_in_dim3A_368 = vector.broadcast %broadcast_in_dim3A_367 : i32 to vector<16xi32>
      tpu.vector_store_idx %arg10[%iota3A, %broadcast_in_dim3A_368], %gather3A_366 : memref<16x128xf32, #tpu.memory_space<vmem>>[vector<16xi32>, vector<16xi32>], vector<16xf32>,
      %broadcast_in_dim3A_369 = arith.constant 30 : i32
      %broadcast_in_dim3A_370 = vector.broadcast %broadcast_in_dim3A_369 : i32 to vector<16xi32>
      %gather3A_371 = tpu.vector_load_idx %arg8[%broadcast_in_dim3A_370, %sub3A_210] : memref<32x1408xf32, #tpu.memory_space<vmem>>[vector<16xi32>, vector<16xi32>], vector<16xf32>,
      %broadcast_in_dim3A_372 = arith.constant 30 : i32
      %broadcast_in_dim3A_373 = vector.broadcast %broadcast_in_dim3A_372 : i32 to vector<16xi32>
      tpu.vector_store_idx %arg10[%iota3A, %broadcast_in_dim3A_373], %gather3A_371 : memref<16x128xf32, #tpu.memory_space<vmem>>[vector<16xi32>, vector<16xi32>], vector<16xf32>,
      %broadcast_in_dim3A_374 = arith.constant 31 : i32
      %broadcast_in_dim3A_375 = vector.broadcast %broadcast_in_dim3A_374 : i32 to vector<16xi32>
      %gather3A_376 = tpu.vector_load_idx %arg8[%broadcast_in_dim3A_375, %sub3A_210] : memref<32x1408xf32, #tpu.memory_space<vmem>>[vector<16xi32>, vector<16xi32>], vector<16xf32>,
      %broadcast_in_dim3A_377 = arith.constant 31 : i32
      %broadcast_in_dim3A_378 = vector.broadcast %broadcast_in_dim3A_377 : i32 to vector<16xi32>
      tpu.vector_store_idx %arg10[%iota3A, %broadcast_in_dim3A_378], %gather3A_376 : memref<16x128xf32, #tpu.memory_space<vmem>>[vector<16xi32>, vector<16xi32>], vector<16xf32>,
      %dma_start3A_379 = arith.constant 0 : i32
      %dma_start3A_380 = arith.constant 0 : i32
      %dma_start3A_381 = tpu.memref_slice %arg4[%dma_start3A_379, %dma_start3A_380] : memref<16400x128xf32, #tpu.memory_space<hbm>> -> memref<16400x128xf32, #tpu.memory_space<hbm>>
      tpu.enqueue_indirect_dma source(%arg10 : memref<16x128xf32, #tpu.memory_space<vmem>>) target(%dma_start3A_381 : memref<16400x128xf32, #tpu.memory_space<hbm>>) offsets(%arg11 : memref<16xi32, #tpu.memory_space<vmem>>) semaphore(%arg14 : memref<!tpu.dma_semaphore, #tpu.memory_space<semaphore_mem>>)
    }
    %dma_wait3A_196 = arith.constant 0 : i32
    %dma_wait3A_197 = arith.constant 0 : i32
    %dma_wait3A_198 = tpu.memref_slice %arg4[%dma_wait3A_196, %dma_wait3A_197] : memref<16400x128xf32, #tpu.memory_space<hbm>> -> memref<16x128xf32, #tpu.memory_space<hbm>>
    %dma_wait3A_199 = arith.constant 0 : i32
    %dma_wait3A_200 = arith.constant 0 : i32
    %dma_wait3A_201 = tpu.memref_slice %arg4[%dma_wait3A_199, %dma_wait3A_200] : memref<16400x128xf32, #tpu.memory_space<hbm>> -> memref<16x128xf32, #tpu.memory_space<hbm>>
    tpu.wait_dma2 semaphore(%arg14 : memref<!tpu.dma_semaphore, #tpu.memory_space<semaphore_mem>>) src(%dma_wait3A_201 : memref<16x128xf32, #tpu.memory_space<hbm>>) dst(%arg10 : memref<16x128xf32, #tpu.memory_space<vmem>>)
    return
  }
}

</mosaic_0001>

<sc_bundles>
// kernel: _stream_gather.3.cloned.1.call-start
scs
__scs_entry_jumppad:
0x0: {  	(pc) =	sbr.rel $0x88, $3  }
0x1: {  	(tag) =	ssettag $0x0;
	lr =	simm.s32 $0x1  }
0x2: {  	[smem:$0x3F9F] =	sst lr;
	_ =	strace $0xD0000000  }
0x3: {  	_ = 	snop  }
0x4: {  	_ = 	snop  }
0x5: {  	_ = 	snop  }
0x6: {  	_ = 	snop  }
0x7: {  	_ = 	snop  }
__scs_overlays_trampoline_lowered:
0x8: {  	[smem:$0x3FAE] =	sst s0  }
0x9: {  	[smem:$0x3FAF] =	sst s1  }
0xa: {  	[smem:$0x3FB0] =	sst s2  }
0xb: {  	[smem:$0x3FB1] =	sst s3  }
0xc: {  	[smem:$0x3FB2] =	sst s4  }
0xd: {  	[smem:$0x3FB3] =	sst s5  }
0xe: {  	[smem:$0x3FB4] =	sst s6  }
0xf: {  	[smem:$0x3FB5] =	sst s7  }
0x10: {  	[smem:$0x3FB6] =	sst s8  }
0x11: {  	[smem:$0x3FB7] =	sst s9;
	s0 =	simm.s32 @!p0 $0x0  }
0x12: {  	s1 =	sld [smem:$0x3F9D];
	s0 =	simm.s32 @p0 $0x1  }
0x13: {  	[smem:$0x3FB8] =	sst s0;
	s0 =	simm.s32 @!p1 $0x0  }
0x14: {  	s2 =	sld [smem:$0x3F9C];
	s0 =	simm.s32 @p1 $0x1  }
0x15: {  	[smem:$0x3FB9] =	sst s0;
	s0 =	simm.s32 @!p2 $0x0  }
0x16: {  	s3 =	sld [smem:$0x3FDB];
	s0 =	simm.s32 @p2 $0x1  }
0x17: {  	s4 =	simm.s32 $0x1BF5;
	[smem:$0x3FBB] =	sst s0  }
0x18: {  	s0 =	sld [smem:$0x3F9E];
	_ =	swait.ge [sflag:s4], $0x0  }
0x19: {  	s7 =	sld [smem:$0x3F9F]  }
0x1a: {  	s8 =	sadd.s32 $0xFFFFE003, lr  }
0x1b: {  	s9 =	sadd.s32 $0xFFFFFEF7, lr;
	s5 =	simm.s32 $0xFFFFFFFF;
	p2 =	slt.u32 s8, $0xFFFFF086  }
0x1c: {  	p1 =	slt.u32 s9, $0xF7A;
	s5 =	simm.s32 @!p2 $0x0  }
0x1d: {  	s5 =	simm.s32 @p1 $0x1;
	p0 =	seq.s32 s7, s2  }
0x1e: {  	s7 =	smul.u32 @!p0 $0xF7A, s2;
	p2 =	seq.s32 @!p0 s5, $0x0  }
0x1f: {  	s9 =	smul.u32 $0xF7A, s1;
	s8 =	simm.s32 @!p0 $0x1BF5;
	p2 =	por !p2, p0  }
0x20: {  	[sflag:s8] =	ssyncset.s32 @!p0 $0xFFFFF086;
	s6 =	sadd.s32 @!p0 s3, s7;
	s7 =	simm.s32 @!p0 $0x108  }
0x21: {  	s3 =	sadd.s32 s3, s9;
	s6 =	sadd.s32 @!p0 $0x88, s6;
	s7 =	simm.s32 @p2 $0x1082  }
0x22: {  	[simem:s7], [sflag:s8] =	dma.local @!p0 [hbm:s6], $0xF7A  }
0x23: {  	s9 =	sor.u32 $0xD0000000, s2;
	s6 =	simm.s32 $0x108;
	_ =	swait.ge @!p0 [sflag:s8], $0x0  }
0x24: {  	s3 =	sadd.s32 $0x88, s3;
	s6 =	simm.s32 @!p1 $0x1082;
	[sflag:s4] =	ssyncset.s32 $0xFFFFF086  }
0x25: {  	[simem:s6], [sflag:s4] =	dma.local [hbm:s3], $0xF7A  }
0x26: {  	[smem:$0x3F9F] =	sst s1;
	(tag) =	ssettag s2;
	_ =	strace s9  }
0x27: {  	s1 =	sld [smem:$0x3FAF]  }
0x28: {  	s2 =	sld [smem:$0x3FB0]  }
0x29: {  	s4 =	sld [smem:$0x3FB2]  }
0x2a: {  	p0 =	seq.s32 s5, $0x0;
	s5 =	sld [smem:$0x3FB3]  }
0x2b: {  	s6 =	sld [smem:$0x3FB4]  }
0x2c: {  	s7 =	sld [smem:$0x3FB5]  }
0x2d: {  	s3 =	simm.s32 $0x108;
	s8 =	sld [smem:$0x3FB6]  }
0x2e: {  	s3 =	simm.s32 @!p0 $0x1082;
	s9 =	sld [smem:$0x3FB7]  }
0x2f: {  	lr =	sadd.s32 s0, s3;
	s0 =	sld [smem:$0x3FAE]  }
0x30: {  	s3 =	sld [smem:$0x3FB1]  }
0x31: {  	[smem:$0x3FBA] =	sst s10  }
0x32: {  	s10 =	sld [smem:$0x3FB8];
	_ =	sdelay $0x3  }
0x33: {  	p0 =	seq.s32 s10, $0x1;
	s10 =	sld [smem:$0x3FBA];
	_ =	sdelay $0x3  }
0x34: {  	[smem:$0x3FBA] =	sst s10  }
0x35: {  	s10 =	sld [smem:$0x3FB9];
	_ =	sdelay $0x3  }
0x36: {  	p1 =	seq.s32 s10, $0x1;
	s10 =	sld [smem:$0x3FBA];
	_ =	sdelay $0x3  }
0x37: {  	[smem:$0x3FBA] =	sst s10  }
0x38: {  	s10 =	sld [smem:$0x3FBB]  }
0x39: {  	_ = 	snop;
	(pc) =	sbr.ind lr, $3  }
0x3a: {  	_ = 	snop  }
0x3b: {  	_ = 	snop  }
0x3c: {  	p2 =	seq.s32 s10, $0x1;
	s10 =	sld [smem:$0x3FBA]  }
0x3d: {  	_ =	shalt  }
0x3e: {  	_ =	shalt  }
0x3f: {  	_ =	shalt  }
0x40: {  	_ =	shalt  }
0x41: {  	_ =	shalt  }
0x42: {  	_ =	shalt  }
0x43: {  	_ =	shalt  }
0x44: {  	_ =	shalt  }
0x45: {  	_ =	shalt  }
0x46: {  	_ =	shalt  }
0x47: {  	_ =	shalt  }
0x48: {  	_ =	shalt  }
0x49: {  	_ =	shalt  }
0x4a: {  	_ =	shalt  }
0x4b: {  	_ =	shalt  }
0x4c: {  	_ =	shalt  }
0x4d: {  	_ =	shalt  }
0x4e: {  	_ =	shalt  }
0x4f: {  	_ =	shalt  }
0x50: {  	_ =	shalt  }
0x51: {  	_ =	shalt  }
0x52: {  	_ =	shalt  }
0x53: {  	_ =	shalt  }
0x54: {  	_ =	shalt  }
0x55: {  	_ =	shalt  }
0x56: {  	_ =	shalt  }
0x57: {  	_ =	shalt  }
0x58: {  	_ =	shalt  }
0x59: {  	_ =	shalt  }
0x5a: {  	_ =	shalt  }
0x5b: {  	_ =	shalt  }
0x5c: {  	_ =	shalt  }
0x5d: {  	_ =	shalt  }
0x5e: {  	_ =	shalt  }
0x5f: {  	_ =	shalt  }
0x60: {  	_ =	shalt  }
0x61: {  	_ =	shalt  }
0x62: {  	_ =	shalt  }
0x63: {  	_ =	shalt  }
0x64: {  	_ =	shalt  }
0x65: {  	_ =	shalt  }
0x66: {  	_ =	shalt  }
0x67: {  	_ =	shalt  }
0x68: {  	_ =	shalt  }
0x69: {  	_ =	shalt  }
0x6a: {  	_ =	shalt  }
0x6b: {  	_ =	shalt  }
0x6c: {  	_ =	shalt  }
0x6d: {  	_ =	shalt  }
0x6e: {  	_ =	shalt  }
0x6f: {  	_ =	shalt  }
0x70: {  	_ =	shalt  }
0x71: {  	_ =	shalt  }
0x72: {  	_ =	shalt  }
0x73: {  	_ =	shalt  }
0x74: {  	_ =	shalt  }
0x75: {  	_ =	shalt  }
0x76: {  	_ =	shalt  }
0x77: {  	_ =	shalt  }
0x78: {  	_ =	shalt  }
0x79: {  	_ =	shalt  }
0x7a: {  	_ =	shalt  }
0x7b: {  	_ =	shalt  }
0x7c: {  	_ =	shalt  }
0x7d: {  	_ =	shalt  }
0x7e: {  	_ =	shalt  }
0x7f: {  	_ =	shalt  }
0x80: {  	_ =	shalt  }
0x81: {  	_ =	shalt  }
0x82: {  	_ =	shalt  }
0x83: {  	_ =	shalt  }
0x84: {  	_ =	shalt  }
0x85: {  	_ =	shalt  }
0x86: {  	_ =	shalt  }
0x87: {  	_ =	shalt  }
.Lfunc_end0:
.L_simem_size_0:
called_computation_lowered:
.L_overlay_start_0:
0x88: {  	s2 =	sld [smem:$0x3FD9]  }
0x89: {  	s3 =	sld [smem:$0x3FFE];
	_ =	sdelay $0x1  }
0x8a: {  	s1 =	srdreg.scid  }
0x8b: {  	s0 =	sand.u32 $0x1, s1  }
0x8c: {  	s18 =	sshll.u32 s0, $0xA;
	s2 =	sadd.s32 s3, s2  }
0x8d: {  	s2 =	sadd.s32 s2, s18  }
0x8e: {  	[smem:$0x3FC6] =	sst s2  }
0x8f: {  	_ = 	snop  }
0x90: {  	s2 =	sld [smem:$0x3FC9]  }
0x91: {  	s19 =	sld [smem:$0x3FC8]  }
0x92: {  	s4 =	sld [smem:$0x3FD0];
	(tm) =	ssettm $0x1  }
0x93: {  	s5 =	sld [smem:$0x3FFB];
	_ =	sdelay $0x3  }
0x94: {  	_ =	strace s5  }
0x95: {  	s5 =	sld [smem:$0x3FFC];
	_ =	sdelay $0x3  }
0x96: {  	_ =	strace s5  }
0x97: {  	s5 =	sld [smem:$0x3FFD];
	_ =	sdelay $0x3  }
0x98: {  	_ =	strace s5  }
0x99: {  	_ =	strace $0x8FFFFFFF  }
0x9a: {  	s20 =	sld [smem:$0x3FDB];
	_ =	sdelay $0x1  }
0x9b: {  	s6 =	simm.s32 $_scs_section_size  }
0x9c: {  	s7 =	simm.s32 $_size__tile_overlayer_lowered;
	s8 =	simm.s32 $_tile_overlayer_lowered  }
0x9d: {  	s23 =	simm.s32 $0x1BFF;
	s22 =	sshll.u32 s8, $0x1;
	s5 =	sadd.s32 s6, s20  }
0x9e: {  	s9 =	simm.s32 $0x0;
	s21 =	sshll.u32 s7, $0x1;
	s7 =	sadd.s32 s22, s5  }
0x9f: {  	[timem:s9], [sflag:s23] =	dma.local [hbm:s7], s21  }
0xa0: {  	_ =	swait.ge [sflag:s23], s21  }
0xa1: {  	s6 =	ssub.s32 $0x0, s21;
	[sflag:s23] =	ssyncset.done $0x0  }
0xa2: {  	[sflag:s23] =	ssyncadd.s32 s6;
	_ =	sdelay $0x1  }
0xa3: {  	s24 =	simm.s32 $0x1B8B  }
0xa4: {  	_ =	swait.ge [sflag:s24], $0x1  }
0xa5: {  	[sflag:s24] =	ssyncset.done $0x0  }
0xa6: {  	s25 =	simm.s32 $0x1B8E;
	[sflag:s24] =	ssyncadd.s32 $0xFFFFFFFF  }
0xa7: {  	s26 =	simm.s32 $execute0_lowered;
	[smem:$0x3FD2] =	sst s25  }
0xa8: {  	s6 =	sshll.u32 s26, $0x1;
	_ =	strace $0x80000046;
	[dreg:$0x1] =	wrdreg $0xFFFFFFFF  }
0xa9: {  	s28 =	simm.s32 $_size_execute0_lowered;
	s5 =	sadd.s32 s5, s6;
	[dreg:$0x0] =	wrdreg $0x0  }
0xaa: {  	s6 =	sshll.u32 s28, $0x1;
	[dreg:$0x2] =	wrdreg s5  }
0xab: {  	[dreg:$0x3] =	wrdreg s6  }
0xac: {  	[dreg:$0x4] =	wrdreg $0xC0  }
0xad: {  	_ =	task [dreg:s9], $0x5FFFF  }
0xae: {  	[dreg:$0x1] =	wrdreg $0xFFFFFFFF  }
0xaf: {  	[dreg:$0x0] =	wrdreg $0x60  }
0xb0: {  	[dreg:$0x2] =	wrdreg s2  }
0xb1: {  	[dreg:$0x3] =	wrdreg s19  }
0xb2: {  	[dreg:$0x4] =	wrdreg s4  }
0xb3: {  	[dreg:$0x5] =	wrdreg $0x9  }
0xb4: {  	_ =	task.clear_ibuf [dreg:s9], $0x6FFFF;
	_ =	strace $0x90000046  }
0xb5: {  	s29 =	simm.s32 $0x9;
	_ =	strace $0x80000048  }
0xb6: {  	_ =	swait.ge [sflag:s29], $0x1  }
0xb7: {  	[sflag:s29] =	ssyncadd.s32 $0xFFFFFFFF  }
0xb8: {  	_ =	strace $0x90000048  }
0xb9: {  	_ =	sfence  }
0xba: {  	s30 =	sld [smem:$0x0];
	_ =	sdelay $0x2  }
0xbb: {  	s31 =	sshll.u32 s1, $0xD;
	s1 =	sshrl.u32 s1, $0x2  }
0xbc: {  	s3 =	sand.u32 $0x4000, s31;
	s1 =	sadd.s32 s1, s30  }
0xbd: {  	s0 =	sor.u32 s3, s0;
	s1 =	sshll.u32 s1, $0x11  }
0xbe: {  	s0 =	sor.u32 s1, s0  }
0xbf: {  	s0 =	sadd.s32 $0x8F2B, s0  }
0xc0: {  	[sflag:s0] =	ssyncadd.remote.s32 $0x1  }
0xc1: {  	_ =	sfence.sel $0xFFFF  }
0xc2: {  	[dreg:$0x0] =	wrdreg $0xFFFFFFFF;
	(pc) =	sbr.abs _section_cstart, $3  }
0xc3: {  	[dreg:$0x1] =	wrdreg $0xFFFFFFFF  }
0xc4: {  	_ =	task.clear_ibuf [dreg:s9], $0x2FFFF;
	_ =	strace $0x9FFFFFFF  }
0xc5: {  	(tm) =	ssettm $0x7FFFFFFF  }
tec
execute0_lowered:
.L_overlay_start_1:
0x0: {  	(tag) =	ssettag $0x1  }
0x1: {  	s8 =	rddreg [dreg:$0x0]  }
0x2: {  	s3 =	rddreg [dreg:$0x1];
	s0 =	srdreg.scid  }
0x3: {  	s1 =	stileid.u32;
	s4 =	rddreg [dreg:$0x2];
	s5 =	simm.s32 $0x0  }
0x4: {  	s16 =	simm.s32 $0x4;
	s17 =	simm.s32 $0x1;
	s18 =	simm.s32 $0x10  }
0x5: {  	s19 =	simm.s32 $0x1F900;
	s20 =	simm.s32 $0x1F100;
	s21 =	simm.s32 $0x2C00  }
0x6: {  	s31 =	simm.s32 $0x0;
	s0 =	sand.u32 $0x1, s0;
	s1 =	sshll.u32 s1, $0x1  }
0x7: {  	[smem:$0x7FF] =	sst s5;
	s24 =	sadd.s32 $0x200, s8;
	s25 =	sadd.s32 $0x400, s8  }
0x8: {  	s26 =	sadd.s32 $0x600, s8;
	_ =	strace $0x80000047;
	[dreg:$0x4] =	wrdreg s24  }
0x9: {  	s14 =	sadd.s32 $0xF4200, s3;
	s1 =	sor.u32 s0, s1;
	[dreg:$0x5] =	wrdreg s25  }
0xa: {  	s0 =	ssub.s32 $0x2, s0;
	[dreg:$0x6] =	wrdreg s26;
	s6 =	smul.u32 $0x7A80, s1  }
0xb: {  	v9 =	vlaneseq.u32;
	s24 =	simm.s32 $0x14100;
	s25 =	simm.s32 $0x3;
	s7 =	smul.u32 $0xF5, s1  }
.Ltmp0:
0xc: {  	v0 =	vmul.u32 $0x8000, v9;
	v5 =	vmul.u32 $0x80, v9;
	s26 =	simm.s32 $0x2;
	s2 =	sshrl.u32 s0, $0x1;
	(pc) =	sbr.rel .LBB2_1-.Ltmp0, $4  }
0xd: {  	v9 =	vor.u32 $0x4000, v9;
	s0 =	ssub.s32 s0, s2;
	s22 =	smin.u32 s6, $0xEC7C0;
	s28 =	sadd.s32 s3, s6  }
0xe: {  	v4 =	vor.u32 $0x20000000, v0;
	v8 =	vor.u32 $0x20007FFF, v0;
	v10 =	vor.u32 $0x1, v5;
	s12 =	sadd.s32 $0xB, s7;
	s13 =	sadd.s32 $0x16, s7;
	s30 =	ssub.s32 $0xF4280, s6  }
0xf: {  	v11 =	vor.u32 $0x2, v5;
	s29 =	ssub.s32 $0xF4200, s6;
	s15 =	smax.u32 s0, $0x1;
	v1 =	vmov s6;
	s23 =	sadd.s32 $0x7A80, s22;
	v3 =	vmov s30  }
0x10: {  	[dreg:$0x7] =	wrdreg s28;
	s22 =	simm.s32 $0x7A1400;
	v6 =	vmov s29;
	v7 =	vor.u32 s29, v4;
	v2 =	vmov s23;
	s23 =	simm.s32 $0x9100  }
.LBB2_41:
0x11: {  	[hbm4b:s4+s18] =	stream.indirect.scatter [tilespmem:s20], [sflag:$0x3], $0x80, s19, s18, $0xb8;
	[tilespmem:$0x1F980] =	vst v63  }
.LBB2_42:
0x12: {  	s31 =	sadd.s32 $0x1, s31  }
0x13: {  	p0 =	sne.s32 s31, s15  }
.Ltmp1:
0x14: {  	_ = 	snop;
	(pc) =	sbr.rel @!p0 .LBB2_43-.Ltmp1, $4  }
0x15: {  	_ = 	snop  }
0x16: {  	_ =	swait.ge [sflag:s25], $0x800  }
0x17: {  	[sflag:s25] =	ssyncset.done $0x0  }
0x18: {  	[sflag:s25] =	ssyncadd.s32 $0xFFFFF800  }
.LBB2_1:
0x19: {  	s0 =	rddreg [dreg:$0x0]  }
0x1a: {  	[tilespmem:s5], [sflag:$0x4] =	stream.linear.gather [hbm4b:s0+s5], $0x1000, $0x38;
	[tilespmem:$0x1F980] =	vst v63  }
0x1b: {  	_ =	swait.ge [sflag:s16], $0x1000  }
0x1c: {  	[sflag:s16] =	ssyncset.done $0x0  }
0x1d: {  	s10 =	simm.s32 $0x20;
	[sflag:s16] =	ssyncadd.s32 $0xFFFFF000  }
0x1e: {  	v12 =	vld [tilespmem:s10+$0xFFFFFFE0];
	_ =	sdelay $0x3  }
0x1f: {  	v13 =	vmov s5  }
0x20: {  	v13 =	vshll.u32 v13, $0xF;
	vm0 =	vge.s32 v12, v1;
	vm1 =	vlt.s32 v12, v2  }
0x21: {  	v13 =	vor.u32 v0, v13;
	v12 =	vsub.s32 v12, v1;
	vm0 =	vmand vm0, vm1  }
0x22: {  	v12 =	vor.u32 v13, v12;
	v13 =	vmpcnt.ones.xlane vm0  }
0x23: {  	[tilespmem:s5+$0x1000] =	vst.msk vm0, v12  }
0x24: {  	v12 =	vxor.u32 $0x80000000, v13;
	v13 =	vld [tilespmem:s10+$0xFFFFFFF0]  }
0x25: {  	(xrf0) =	vmax.scan.msk.u32 $0xffff, v12;
	_ =	sdelay $0x3  }
0x26: {  	vm0 =	vge.s32 v13, v1;
	vm1 =	vlt.s32 v13, v2  }
0x27: {  	vm0 =	vmand vm0, vm1  }
0x28: {  	v12 =	vmpcnt.ones.xlane vm0;
	v14, _, _ =	vpop (xrf0)  }
0x29: {  	(v2sf) =	vpush v14, $0xF  }
0x2a: {  	v12 =	vxor.u32 $0x80000000, v12  }
0x2b: {  	(xrf0) =	vmax.scan.msk.u32 $0xffff, v12;
	_ =	sdelay $0x5  }
0x2c: {  	v12, _, _ =	vpop (xrf0)  }
0x2d: {  	(v2sf) =	vpush v12, $0xF;
	_ =	sdelay $0x3  }
0x2e: {  	s1 =	simm.s32 $0x10  }
0x2f: {  	v12 =	vmov s1  }
0x30: {  	v12 =	vshll.u32 v12, $0xF;
	s11 =	spop (v2sf)  }
0x31: {  	v13 =	vsub.s32 v13, v1;
	v12 =	vor.u32 v0, v12;
	s1 =	sadd.s32 $0x0, s11  }
0x32: {  	v12 =	vor.u32 v12, v13;
	s1 =	sadd.s32 $0x80000000, s1  }
0x33: {  	[tilespmem:s1+$0x1000] =	vst.msk vm0, v12  }
0x34: {  	v12 =	vld [tilespmem:s10+$0x0];
	_ =	sdelay $0x2  }
0x35: {  	s2 =	simm.s32 $0x20  }
0x36: {  	v13 =	vmov s2  }
0x37: {  	v13 =	vshll.u32 v13, $0xF;
	vm0 =	vge.s32 v12, v1;
	vm1 =	vlt.s32 v12, v2;
	s28 =	spop (v2sf)  }
0x38: {  	v13 =	vor.u32 v0, v13;
	v12 =	vsub.s32 v12, v1;
	s1 =	sadd.s32 s28, s1;
	vm0 =	vmand vm0, vm1  }
0x39: {  	v12 =	vor.u32 v13, v12;
	s1 =	sadd.s32 $0x80000000, s1;
	v13 =	vmpcnt.ones.xlane vm0  }
0x3a: {  	[tilespmem:s1+$0x1000] =	vst.msk vm0, v12  }
0x3b: {  	v12 =	vxor.u32 $0x80000000, v13;
	v13 =	vld [tilespmem:s10+$0x10]  }
0x3c: {  	(xrf0) =	vmax.scan.msk.u32 $0xffff, v12;
	_ =	sdelay $0x3  }
0x3d: {  	vm0 =	vge.s32 v13, v1;
	vm1 =	vlt.s32 v13, v2  }
0x3e: {  	vm0 =	vmand vm0, vm1  }
0x3f: {  	v12 =	vmpcnt.ones.xlane vm0;
	v14, _, _ =	vpop (xrf0)  }
0x40: {  	(v2sf) =	vpush v14, $0xF  }
0x41: {  	v12 =	vxor.u32 $0x80000000, v12  }
0x42: {  	(xrf0) =	vmax.scan.msk.u32 $0xffff, v12;
	_ =	sdelay $0x5  }
0x43: {  	v12, _, _ =	vpop (xrf0)  }
0x44: {  	(v2sf) =	vpush v12, $0xF;
	_ =	sdelay $0x3  }
0x45: {  	s29 =	simm.s32 $0x30  }
0x46: {  	v12 =	vmov s29  }
0x47: {  	v12 =	vshll.u32 v12, $0xF;
	s30 =	spop (v2sf)  }
0x48: {  	v13 =	vsub.s32 v13, v1;
	v12 =	vor.u32 v0, v12;
	s0 =	sadd.s32 s30, s1  }
0x49: {  	v12 =	vor.u32 v12, v13;
	s8 =	sadd.s32 $0x80000000, s0  }
0x4a: {  	s1 =	simm.s32 $0x60;
	[tilespmem:s8+$0x1000] =	vst.msk vm0, v12  }
0x4b: {  	v13 =	vld [tilespmem:s1+$0xFFFFFFE0];
	_ =	sdelay $0x1  }
0x4c: {  	s0 =	simm.s32 $0x40  }
0x4d: {  	v12 =	vmov s0  }
0x4e: {  	v12 =	vshll.u32 v12, $0xF  }
0x4f: {  	s2 =	simm.s32 $0x80;
	vm0 =	vge.s32 v13, v1;
	vm1 =	vlt.s32 v13, v2;
	v13 =	vsub.s32 v13, v1;
	s9 =	spop (v2sf)  }
.LBB2_2:
0x50: {  	p0 =	sne.s32 s2, $0xFC0  }
0x51: {  	vm0 =	vmand vm0, vm1;
	v12 =	vor.u32 v0, v12;
	s9 =	sadd.s32 s9, s8;
	s8 =	smov.u32 s2;
	s2 =	sadd.s32 $0x40, s2  }
0x52: {  	v12 =	vor.u32 v12, v13;
	v13 =	vmpcnt.ones.xlane vm0;
	s9 =	sadd.s32 $0x80000000, s9  }
0x53: {  	[tilespmem:s9+$0x1000] =	vst.msk vm0, v12  }
0x54: {  	v12 =	vxor.u32 $0x80000000, v13;
	v13 =	vld [tilespmem:s1+$0xFFFFFFF0]  }
0x55: {  	(xrf0) =	vmax.scan.msk.u32 $0xffff, v12;
	_ =	sdelay $0x3  }
0x56: {  	vm0 =	vge.s32 v13, v1;
	vm1 =	vlt.s32 v13, v2;
	v12 =	vsub.s32 v13, v1  }
0x57: {  	vm0 =	vmand vm0, vm1  }
0x58: {  	v13 =	vmpcnt.ones.xlane vm0;
	v14, _, _ =	vpop (xrf0)  }
0x59: {  	(v2sf) =	vpush v14, $0xF  }
0x5a: {  	v13 =	vxor.u32 $0x80000000, v13  }
0x5b: {  	(xrf0) =	vmax.scan.msk.u32 $0xffff, v13;
	_ =	sdelay $0x5  }
0x5c: {  	v13, _, _ =	vpop (xrf0)  }
0x5d: {  	(v2sf) =	vpush v13, $0xF;
	_ =	sdelay $0x3  }
0x5e: {  	s10 =	sadd.s32 $0x10, s0  }
0x5f: {  	v13 =	vmov s10  }
0x60: {  	v13 =	vshll.u32 v13, $0xF;
	s10 =	spop (v2sf)  }
0x61: {  	v13 =	vor.u32 v0, v13;
	s9 =	sadd.s32 s10, s9  }
0x62: {  	v12 =	vor.u32 v13, v12;
	s9 =	sadd.s32 $0x80000000, s9  }
0x63: {  	[tilespmem:s9+$0x1000] =	vst.msk vm0, v12  }
0x64: {  	v12 =	vld [tilespmem:s1+$0x0];
	_ =	sdelay $0x1  }
0x65: {  	s10 =	sadd.s32 $0x20, s0  }
0x66: {  	v13 =	vmov s10  }
0x67: {  	v13 =	vshll.u32 v13, $0xF  }
0x68: {  	vm0 =	vge.s32 v12, v1;
	vm1 =	vlt.s32 v12, v2;
	v12 =	vsub.s32 v12, v1;
	s10 =	spop (v2sf)  }
0x69: {  	v13 =	vor.u32 v0, v13;
	s9 =	sadd.s32 s10, s9;
	vm0 =	vmand vm0, vm1  }
0x6a: {  	v12 =	vor.u32 v13, v12;
	s9 =	sadd.s32 $0x80000000, s9;
	v13 =	vmpcnt.ones.xlane vm0  }
0x6b: {  	[tilespmem:s9+$0x1000] =	vst.msk vm0, v12  }
0x6c: {  	v12 =	vxor.u32 $0x80000000, v13;
	v13 =	vld [tilespmem:s1+$0x10]  }
0x6d: {  	(xrf0) =	vmax.scan.msk.u32 $0xffff, v12;
	_ =	sdelay $0x3  }
0x6e: {  	vm0 =	vge.s32 v13, v1;
	vm1 =	vlt.s32 v13, v2;
	v12 =	vsub.s32 v13, v1  }
0x6f: {  	vm0 =	vmand vm0, vm1  }
0x70: {  	v13 =	vmpcnt.ones.xlane vm0;
	v14, _, _ =	vpop (xrf0)  }
0x71: {  	(v2sf) =	vpush v14, $0xF  }
0x72: {  	v13 =	vxor.u32 $0x80000000, v13  }
0x73: {  	(xrf0) =	vmax.scan.msk.u32 $0xffff, v13;
	_ =	sdelay $0x5  }
0x74: {  	v13, _, _ =	vpop (xrf0)  }
0x75: {  	(v2sf) =	vpush v13, $0xF;
	_ =	sdelay $0x3  }
0x76: {  	s10 =	sadd.s32 $0x30, s0;
	s0 =	smov.u32 s8  }
0x77: {  	v13 =	vmov s10  }
0x78: {  	v13 =	vshll.u32 v13, $0xF;
	s8 =	spop (v2sf)  }
0x79: {  	v13 =	vor.u32 v0, v13;
	s8 =	sadd.s32 s8, s9  }
0x7a: {  	v12 =	vor.u32 v13, v12;
	s8 =	sadd.s32 $0x80000000, s8  }
0x7b: {  	s1 =	sadd.s32 $0x40, s1;
	[tilespmem:s8+$0x1000] =	vst.msk vm0, v12  }
0x7c: {  	v13 =	vld [tilespmem:s1+$0xFFFFFFE0]  }
.Ltmp2:
0x7d: {  	(pc) =	sbr.rel @p0 .LBB2_2-.Ltmp2, $4  }
0x7e: {  	_ = 	snop  }
0x7f: {  	v12 =	vmov s0  }
0x80: {  	v12 =	vshll.u32 v12, $0xF  }
0x81: {  	vm0 =	vge.s32 v13, v1;
	vm1 =	vlt.s32 v13, v2;
	v13 =	vsub.s32 v13, v1;
	s9 =	spop (v2sf)  }
0x82: {  	vm0 =	vmand vm0, vm1;
	v12 =	vor.u32 v0, v12;
	s2 =	sadd.s32 s9, s8  }
0x83: {  	v12 =	vor.u32 v12, v13;
	v13 =	vmpcnt.ones.xlane vm0;
	s2 =	sadd.s32 $0x80000000, s2  }
0x84: {  	[tilespmem:s2+$0x1000] =	vst.msk vm0, v12  }
0x85: {  	v12 =	vxor.u32 $0x80000000, v13;
	v13 =	vld [tilespmem:s1+$0xFFFFFFF0];
	_ =	sdelay $0x1  }
0x86: {  	(xrf0) =	vmax.scan.msk.u32 $0xffff, v12;
	_ =	sdelay $0x2  }
0x87: {  	vm0 =	vge.s32 v13, v1;
	vm1 =	vlt.s32 v13, v2  }
0x88: {  	vm0 =	vmand vm0, vm1  }
0x89: {  	v12 =	vmpcnt.ones.xlane vm0  }
0x8a: {  	v14, _, _ =	vpop (xrf0)  }
0x8b: {  	(v2sf) =	vpush v14, $0xF;
	v12 =	vxor.u32 $0x80000000, v12  }
0x8c: {  	(xrf0) =	vmax.scan.msk.u32 $0xffff, v12;
	_ =	sdelay $0x5  }
0x8d: {  	v12, _, _ =	vpop (xrf0)  }
0x8e: {  	(v2sf) =	vpush v12, $0xF;
	_ =	sdelay $0x4  }
0x8f: {  	s11 =	sadd.s32 $0x10, s0  }
0x90: {  	v12 =	vmov s11  }
0x91: {  	v12 =	vshll.u32 v12, $0xF;
	s28 =	spop (v2sf)  }
0x92: {  	v13 =	vsub.s32 v13, v1;
	v12 =	vor.u32 v0, v12;
	s2 =	sadd.s32 s28, s2  }
0x93: {  	v12 =	vor.u32 v12, v13;
	s2 =	sadd.s32 $0x80000000, s2  }
0x94: {  	[tilespmem:s2+$0x1000] =	vst.msk vm0, v12  }
0x95: {  	v12 =	vld [tilespmem:s1+$0x0]  }
0x96: {  	s29 =	sadd.s32 $0x20, s0  }
0x97: {  	v13 =	vmov s29  }
0x98: {  	v13 =	vshll.u32 v13, $0xF  }
0x99: {  	v13 =	vor.u32 v0, v13;
	s30 =	spop (v2sf)  }
0x9a: {  	vm0 =	vge.s32 v12, v1;
	vm1 =	vlt.s32 v12, v2;
	v12 =	vsub.s32 v12, v1;
	s2 =	sadd.s32 s30, s2  }
0x9b: {  	vm0 =	vmand vm0, vm1;
	v12 =	vor.u32 v13, v12;
	s2 =	sadd.s32 $0x80000000, s2  }
0x9c: {  	[tilespmem:s2+$0x1000] =	vst.msk vm0, v12  }
0x9d: {  	v12 =	vld [tilespmem:s1+$0x10];
	_ =	sdelay $0x3  }
0x9e: {  	v13 =	vmpcnt.ones.xlane vm0  }
0x9f: {  	vm0 =	vge.s32 v12, v1;
	vm1 =	vlt.s32 v12, v2  }
0xa0: {  	v13 =	vxor.u32 $0x80000000, v13;
	vm0 =	vmand vm0, vm1  }
0xa1: {  	(xrf0) =	vmax.scan.msk.u32 $0xffff, v13;
	v13 =	vmpcnt.ones.xlane vm0;
	_ =	sdelay $0x1  }
0xa2: {  	v13 =	vxor.u32 $0x80000000, v13  }
0xa3: {  	(xrf0) =	vmax.scan.msk.u32 $0xffff, v13;
	_ =	sdelay $0x2  }
0xa4: {  	v13, _, _ =	vpop (xrf0)  }
0xa5: {  	(v2sf) =	vpush v13, $0xF;
	_ =	sdelay $0x1  }
0xa6: {  	v13, _, _ =	vpop (xrf0)  }
0xa7: {  	(v2sf) =	vpush v13, $0xF;
	_ =	sdelay $0x9  }
0xa8: {  	s9 =	sadd.s32 $0x30, s0  }
0xa9: {  	v13 =	vmov s9  }
0xaa: {  	v13 =	vshll.u32 v13, $0xF;
	s10 =	spop (v2sf)  }
0xab: {  	v12 =	vsub.s32 v12, v1;
	v13 =	vor.u32 v0, v13;
	s0 =	sadd.s32 s10, s2  }
0xac: {  	v12 =	vor.u32 v13, v12;
	s0 =	sadd.s32 $0x80000000, s0  }
0xad: {  	s28 =	rddreg [dreg:$0x4];
	[tilespmem:s0+$0x1000] =	vst.msk vm0, v12;
	s11 =	spop (v2sf)  }
0xae: {  	[tilespmem:s5], [sflag:$0x4] =	stream.linear.gather [hbm4b:s28+s5], $0x1000, $0x38;
	[tilespmem:$0x1F980] =	vst v63  }
0xaf: {  	_ =	swait.ge [sflag:s16], $0x1000  }
0xb0: {  	[sflag:s16] =	ssyncset.done $0x0  }
0xb1: {  	s29 =	simm.s32 $0x20;
	[sflag:s16] =	ssyncadd.s32 $0xFFFFF000  }
0xb2: {  	v12 =	vld [tilespmem:s29+$0xFFFFFFE0];
	_ =	sdelay $0x2  }
0xb3: {  	s30 =	simm.s32 $0x1000  }
0xb4: {  	v13 =	vmov s30  }
0xb5: {  	v13 =	vshll.u32 v13, $0xF;
	vm0 =	vge.s32 v12, v1;
	vm1 =	vlt.s32 v12, v2  }
0xb6: {  	v13 =	vor.u32 v0, v13;
	s0 =	sadd.s32 s11, s0;
	v12 =	vsub.s32 v12, v1;
	vm0 =	vmand vm0, vm1  }
0xb7: {  	s0 =	sadd.s32 $0x80000000, s0;
	v12 =	vor.u32 v13, v12;
	v13 =	vmpcnt.ones.xlane vm0  }
0xb8: {  	[tilespmem:s0+$0x1000] =	vst.msk vm0, v12  }
0xb9: {  	v12 =	vxor.u32 $0x80000000, v13;
	v13 =	vld [tilespmem:s29+$0xFFFFFFF0]  }
0xba: {  	(xrf0) =	vmax.scan.msk.u32 $0xffff, v12;
	_ =	sdelay $0x3  }
0xbb: {  	vm0 =	vge.s32 v13, v1;
	vm1 =	vlt.s32 v13, v2  }
0xbc: {  	vm0 =	vmand vm0, vm1  }
0xbd: {  	v12 =	vmpcnt.ones.xlane vm0;
	v14, _, _ =	vpop (xrf0)  }
0xbe: {  	(v2sf) =	vpush v14, $0xF  }
0xbf: {  	v12 =	vxor.u32 $0x80000000, v12  }
0xc0: {  	(xrf0) =	vmax.scan.msk.u32 $0xffff, v12;
	_ =	sdelay $0x5  }
0xc1: {  	v12, _, _ =	vpop (xrf0)  }
0xc2: {  	(v2sf) =	vpush v12, $0xF;
	_ =	sdelay $0x3  }
0xc3: {  	s9 =	simm.s32 $0x1010  }
0xc4: {  	v12 =	vmov s9  }
0xc5: {  	v12 =	vshll.u32 v12, $0xF;
	s10 =	spop (v2sf)  }
0xc6: {  	v13 =	vsub.s32 v13, v1;
	v12 =	vor.u32 v0, v12;
	s0 =	sadd.s32 s10, s0  }
0xc7: {  	v12 =	vor.u32 v12, v13;
	s0 =	sadd.s32 $0x80000000, s0  }
0xc8: {  	[tilespmem:s0+$0x1000] =	vst.msk vm0, v12  }
0xc9: {  	v12 =	vld [tilespmem:s29+$0x0];
	_ =	sdelay $0x2  }
0xca: {  	s11 =	simm.s32 $0x1020  }
0xcb: {  	v13 =	vmov s11  }
0xcc: {  	v13 =	vshll.u32 v13, $0xF;
	vm0 =	vge.s32 v12, v1;
	vm1 =	vlt.s32 v12, v2;
	s28 =	spop (v2sf)  }
0xcd: {  	v13 =	vor.u32 v0, v13;
	v12 =	vsub.s32 v12, v1;
	s0 =	sadd.s32 s28, s0;
	vm0 =	vmand vm0, vm1  }
0xce: {  	v12 =	vor.u32 v13, v12;
	s0 =	sadd.s32 $0x80000000, s0;
	v13 =	vmpcnt.ones.xlane vm0  }
0xcf: {  	[tilespmem:s0+$0x1000] =	vst.msk vm0, v12  }
0xd0: {  	v12 =	vxor.u32 $0x80000000, v13;
	v13 =	vld [tilespmem:s29+$0x10]  }
0xd1: {  	(xrf0) =	vmax.scan.msk.u32 $0xffff, v12;
	_ =	sdelay $0x3  }
0xd2: {  	vm0 =	vge.s32 v13, v1;
	vm1 =	vlt.s32 v13, v2  }
0xd3: {  	vm0 =	vmand vm0, vm1  }
0xd4: {  	v12 =	vmpcnt.ones.xlane vm0;
	v14, _, _ =	vpop (xrf0)  }
0xd5: {  	(v2sf) =	vpush v14, $0xF  }
0xd6: {  	v12 =	vxor.u32 $0x80000000, v12  }
0xd7: {  	(xrf0) =	vmax.scan.msk.u32 $0xffff, v12;
	_ =	sdelay $0x5  }
0xd8: {  	v12, _, _ =	vpop (xrf0)  }
0xd9: {  	(v2sf) =	vpush v12, $0xF;
	_ =	sdelay $0x3  }
0xda: {  	s29 =	simm.s32 $0x1030  }
0xdb: {  	v12 =	vmov s29  }
0xdc: {  	v12 =	vshll.u32 v12, $0xF;
	s30 =	spop (v2sf)  }
0xdd: {  	v13 =	vsub.s32 v13, v1;
	v12 =	vor.u32 v0, v12;
	s0 =	sadd.s32 s30, s0  }
0xde: {  	v12 =	vor.u32 v12, v13;
	s8 =	sadd.s32 $0x80000000, s0  }
0xdf: {  	s1 =	simm.s32 $0x60;
	[tilespmem:s8+$0x1000] =	vst.msk vm0, v12  }
0xe0: {  	v13 =	vld [tilespmem:s1+$0xFFFFFFE0];
	_ =	sdelay $0x1  }
0xe1: {  	s0 =	simm.s32 $0x1040  }
0xe2: {  	v12 =	vmov s0  }
0xe3: {  	v12 =	vshll.u32 v12, $0xF  }
0xe4: {  	s2 =	simm.s32 $0x1080;
	vm0 =	vge.s32 v13, v1;
	vm1 =	vlt.s32 v13, v2;
	v13 =	vsub.s32 v13, v1;
	s9 =	spop (v2sf)  }
.LBB2_4:
0xe5: {  	p0 =	sne.s32 s2, $0x1FC0  }
0xe6: {  	vm0 =	vmand vm0, vm1;
	v12 =	vor.u32 v0, v12;
	s9 =	sadd.s32 s9, s8;
	s8 =	smov.u32 s2;
	s2 =	sadd.s32 $0x40, s2  }
0xe7: {  	v12 =	vor.u32 v12, v13;
	v13 =	vmpcnt.ones.xlane vm0;
	s9 =	sadd.s32 $0x80000000, s9  }
0xe8: {  	[tilespmem:s9+$0x1000] =	vst.msk vm0, v12  }
0xe9: {  	v12 =	vxor.u32 $0x80000000, v13;
	v13 =	vld [tilespmem:s1+$0xFFFFFFF0]  }
0xea: {  	(xrf0) =	vmax.scan.msk.u32 $0xffff, v12;
	_ =	sdelay $0x3  }
0xeb: {  	vm0 =	vge.s32 v13, v1;
	vm1 =	vlt.s32 v13, v2;
	v12 =	vsub.s32 v13, v1  }
0xec: {  	vm0 =	vmand vm0, vm1  }
0xed: {  	v13 =	vmpcnt.ones.xlane vm0;
	v14, _, _ =	vpop (xrf0)  }
0xee: {  	(v2sf) =	vpush v14, $0xF  }
0xef: {  	v13 =	vxor.u32 $0x80000000, v13  }
0xf0: {  	(xrf0) =	vmax.scan.msk.u32 $0xffff, v13;
	_ =	sdelay $0x5  }
0xf1: {  	v13, _, _ =	vpop (xrf0)  }
0xf2: {  	(v2sf) =	vpush v13, $0xF;
	_ =	sdelay $0x3  }
0xf3: {  	s10 =	sadd.s32 $0x10, s0  }
0xf4: {  	v13 =	vmov s10  }
0xf5: {  	v13 =	vshll.u32 v13, $0xF;
	s10 =	spop (v2sf)  }
0xf6: {  	v13 =	vor.u32 v0, v13;
	s9 =	sadd.s32 s10, s9  }
0xf7: {  	v12 =	vor.u32 v13, v12;
	s9 =	sadd.s32 $0x80000000, s9  }
0xf8: {  	[tilespmem:s9+$0x1000] =	vst.msk vm0, v12  }
0xf9: {  	v12 =	vld [tilespmem:s1+$0x0];
	_ =	sdelay $0x1  }
0xfa: {  	s10 =	sadd.s32 $0x20, s0  }
0xfb: {  	v13 =	vmov s10  }
0xfc: {  	v13 =	vshll.u32 v13, $0xF  }
0xfd: {  	vm0 =	vge.s32 v12, v1;
	vm1 =	vlt.s32 v12, v2;
	v12 =	vsub.s32 v12, v1;
	s10 =	spop (v2sf)  }
0xfe: {  	v13 =	vor.u32 v0, v13;
	s9 =	sadd.s32 s10, s9;
	vm0 =	vmand vm0, vm1  }
0xff: {  	v12 =	vor.u32 v13, v12;
	s9 =	sadd.s32 $0x80000000, s9;
	v13 =	vmpcnt.ones.xlane vm0  }
0x100: {  	[tilespmem:s9+$0x1000] =	vst.msk vm0, v12  }
0x101: {  	v12 =	vxor.u32 $0x80000000, v13;
	v13 =	vld [tilespmem:s1+$0x10]  }
0x102: {  	(xrf0) =	vmax.scan.msk.u32 $0xffff, v12;
	_ =	sdelay $0x3  }
0x103: {  	vm0 =	vge.s32 v13, v1;
	vm1 =	vlt.s32 v13, v2;
	v12 =	vsub.s32 v13, v1  }
0x104: {  	vm0 =	vmand vm0, vm1  }
0x105: {  	v13 =	vmpcnt.ones.xlane vm0;
	v14, _, _ =	vpop (xrf0)  }
0x106: {  	(v2sf) =	vpush v14, $0xF  }
0x107: {  	v13 =	vxor.u32 $0x80000000, v13  }
0x108: {  	(xrf0) =	vmax.scan.msk.u32 $0xffff, v13;
	_ =	sdelay $0x5  }
0x109: {  	v13, _, _ =	vpop (xrf0)  }
0x10a: {  	(v2sf) =	vpush v13, $0xF;
	_ =	sdelay $0x3  }
0x10b: {  	s10 =	sadd.s32 $0x30, s0;
	s0 =	smov.u32 s8  }
0x10c: {  	v13 =	vmov s10  }
0x10d: {  	v13 =	vshll.u32 v13, $0xF;
	s8 =	spop (v2sf)  }
0x10e: {  	v13 =	vor.u32 v0, v13;
	s8 =	sadd.s32 s8, s9  }
0x10f: {  	v12 =	vor.u32 v13, v12;
	s8 =	sadd.s32 $0x80000000, s8  }
0x110: {  	s1 =	sadd.s32 $0x40, s1;
	[tilespmem:s8+$0x1000] =	vst.msk vm0, v12  }
0x111: {  	v13 =	vld [tilespmem:s1+$0xFFFFFFE0]  }
.Ltmp3:
0x112: {  	(pc) =	sbr.rel @p0 .LBB2_4-.Ltmp3, $4  }
0x113: {  	_ = 	snop  }
0x114: {  	v12 =	vmov s0  }
0x115: {  	v12 =	vshll.u32 v12, $0xF  }
0x116: {  	vm0 =	vge.s32 v13, v1;
	vm1 =	vlt.s32 v13, v2;
	v13 =	vsub.s32 v13, v1;
	s9 =	spop (v2sf)  }
0x117: {  	vm0 =	vmand vm0, vm1;
	v12 =	vor.u32 v0, v12;
	s2 =	sadd.s32 s9, s8  }
0x118: {  	v12 =	vor.u32 v12, v13;
	v13 =	vmpcnt.ones.xlane vm0;
	s2 =	sadd.s32 $0x80000000, s2  }
0x119: {  	[tilespmem:s2+$0x1000] =	vst.msk vm0, v12  }
0x11a: {  	v12 =	vxor.u32 $0x80000000, v13;
	v13 =	vld [tilespmem:s1+$0xFFFFFFF0];
	_ =	sdelay $0x1  }
0x11b: {  	(xrf0) =	vmax.scan.msk.u32 $0xffff, v12;
	_ =	sdelay $0x2  }
0x11c: {  	vm0 =	vge.s32 v13, v1;
	vm1 =	vlt.s32 v13, v2  }
0x11d: {  	vm0 =	vmand vm0, vm1  }
0x11e: {  	v12 =	vmpcnt.ones.xlane vm0  }
0x11f: {  	v14, _, _ =	vpop (xrf0)  }
0x120: {  	(v2sf) =	vpush v14, $0xF;
	v12 =	vxor.u32 $0x80000000, v12  }
0x121: {  	(xrf0) =	vmax.scan.msk.u32 $0xffff, v12;
	_ =	sdelay $0x5  }
0x122: {  	v12, _, _ =	vpop (xrf0)  }
0x123: {  	(v2sf) =	vpush v12, $0xF;
	_ =	sdelay $0x4  }
0x124: {  	s11 =	sadd.s32 $0x10, s0  }
0x125: {  	v12 =	vmov s11  }
0x126: {  	v12 =	vshll.u32 v12, $0xF;
	s28 =	spop (v2sf)  }
0x127: {  	v13 =	vsub.s32 v13, v1;
	v12 =	vor.u32 v0, v12;
	s2 =	sadd.s32 s28, s2  }
0x128: {  	v12 =	vor.u32 v12, v13;
	s2 =	sadd.s32 $0x80000000, s2  }
0x129: {  	[tilespmem:s2+$0x1000] =	vst.msk vm0, v12  }
0x12a: {  	v12 =	vld [tilespmem:s1+$0x0]  }
0x12b: {  	s29 =	sadd.s32 $0x20, s0  }
0x12c: {  	v13 =	vmov s29  }
0x12d: {  	v13 =	vshll.u32 v13, $0xF  }
0x12e: {  	v13 =	vor.u32 v0, v13;
	s30 =	spop (v2sf)  }
0x12f: {  	vm0 =	vge.s32 v12, v1;
	vm1 =	vlt.s32 v12, v2;
	v12 =	vsub.s32 v12, v1;
	s2 =	sadd.s32 s30, s2  }
0x130: {  	vm0 =	vmand vm0, vm1;
	v12 =	vor.u32 v13, v12;
	s2 =	sadd.s32 $0x80000000, s2  }
0x131: {  	[tilespmem:s2+$0x1000] =	vst.msk vm0, v12  }
0x132: {  	v12 =	vld [tilespmem:s1+$0x10];
	_ =	sdelay $0x3  }
0x133: {  	v13 =	vmpcnt.ones.xlane vm0  }
0x134: {  	vm0 =	vge.s32 v12, v1;
	vm1 =	vlt.s32 v12, v2  }
0x135: {  	v13 =	vxor.u32 $0x80000000, v13;
	vm0 =	vmand vm0, vm1  }
0x136: {  	(xrf0) =	vmax.scan.msk.u32 $0xffff, v13;
	v13 =	vmpcnt.ones.xlane vm0;
	_ =	sdelay $0x1  }
0x137: {  	v13 =	vxor.u32 $0x80000000, v13  }
0x138: {  	(xrf0) =	vmax.scan.msk.u32 $0xffff, v13;
	_ =	sdelay $0x2  }
0x139: {  	v13, _, _ =	vpop (xrf0)  }
0x13a: {  	(v2sf) =	vpush v13, $0xF;
	_ =	sdelay $0x1  }
0x13b: {  	v13, _, _ =	vpop (xrf0)  }
0x13c: {  	(v2sf) =	vpush v13, $0xF;
	_ =	sdelay $0x9  }
0x13d: {  	s9 =	sadd.s32 $0x30, s0  }
0x13e: {  	v13 =	vmov s9  }
0x13f: {  	v13 =	vshll.u32 v13, $0xF;
	s10 =	spop (v2sf)  }
0x140: {  	v12 =	vsub.s32 v12, v1;
	v13 =	vor.u32 v0, v13;
	s0 =	sadd.s32 s10, s2  }
0x141: {  	v12 =	vor.u32 v13, v12;
	s0 =	sadd.s32 $0x80000000, s0  }
0x142: {  	s28 =	rddreg [dreg:$0x5];
	[tilespmem:s0+$0x1000] =	vst.msk vm0, v12;
	s11 =	spop (v2sf)  }
0x143: {  	[tilespmem:s5], [sflag:$0x4] =	stream.linear.gather [hbm4b:s28+s5], $0x1000, $0x38;
	[tilespmem:$0x1F980] =	vst v63  }
0x144: {  	_ =	swait.ge [sflag:s16], $0x1000  }
0x145: {  	[sflag:s16] =	ssyncset.done $0x0  }
0x146: {  	s29 =	simm.s32 $0x20;
	[sflag:s16] =	ssyncadd.s32 $0xFFFFF000  }
0x147: {  	v12 =	vld [tilespmem:s29+$0xFFFFFFE0];
	_ =	sdelay $0x2  }
0x148: {  	s30 =	simm.s32 $0x2000  }
0x149: {  	v13 =	vmov s30  }
0x14a: {  	v13 =	vshll.u32 v13, $0xF;
	vm0 =	vge.s32 v12, v1;
	vm1 =	vlt.s32 v12, v2  }
0x14b: {  	v13 =	vor.u32 v0, v13;
	s0 =	sadd.s32 s11, s0;
	v12 =	vsub.s32 v12, v1;
	vm0 =	vmand vm0, vm1  }
0x14c: {  	s0 =	sadd.s32 $0x80000000, s0;
	v12 =	vor.u32 v13, v12;
	v13 =	vmpcnt.ones.xlane vm0  }
0x14d: {  	[tilespmem:s0+$0x1000] =	vst.msk vm0, v12  }
0x14e: {  	v12 =	vxor.u32 $0x80000000, v13;
	v13 =	vld [tilespmem:s29+$0xFFFFFFF0]  }
0x14f: {  	(xrf0) =	vmax.scan.msk.u32 $0xffff, v12;
	_ =	sdelay $0x3  }
0x150: {  	vm0 =	vge.s32 v13, v1;
	vm1 =	vlt.s32 v13, v2  }
0x151: {  	vm0 =	vmand vm0, vm1  }
0x152: {  	v12 =	vmpcnt.ones.xlane vm0;
	v14, _, _ =	vpop (xrf0)  }
0x153: {  	(v2sf) =	vpush v14, $0xF  }
0x154: {  	v12 =	vxor.u32 $0x80000000, v12  }
0x155: {  	(xrf0) =	vmax.scan.msk.u32 $0xffff, v12;
	_ =	sdelay $0x5  }
0x156: {  	v12, _, _ =	vpop (xrf0)  }
0x157: {  	(v2sf) =	vpush v12, $0xF;
	_ =	sdelay $0x3  }
0x158: {  	s9 =	simm.s32 $0x2010  }
0x159: {  	v12 =	vmov s9  }
0x15a: {  	v12 =	vshll.u32 v12, $0xF;
	s10 =	spop (v2sf)  }
0x15b: {  	v13 =	vsub.s32 v13, v1;
	v12 =	vor.u32 v0, v12;
	s0 =	sadd.s32 s10, s0  }
0x15c: {  	v12 =	vor.u32 v12, v13;
	s0 =	sadd.s32 $0x80000000, s0  }
0x15d: {  	[tilespmem:s0+$0x1000] =	vst.msk vm0, v12  }
0x15e: {  	v12 =	vld [tilespmem:s29+$0x0];
	_ =	sdelay $0x2  }
0x15f: {  	s11 =	simm.s32 $0x2020  }
0x160: {  	v13 =	vmov s11  }
0x161: {  	v13 =	vshll.u32 v13, $0xF;
	vm0 =	vge.s32 v12, v1;
	vm1 =	vlt.s32 v12, v2;
	s28 =	spop (v2sf)  }
0x162: {  	v13 =	vor.u32 v0, v13;
	v12 =	vsub.s32 v12, v1;
	s0 =	sadd.s32 s28, s0;
	vm0 =	vmand vm0, vm1  }
0x163: {  	v12 =	vor.u32 v13, v12;
	s0 =	sadd.s32 $0x80000000, s0;
	v13 =	vmpcnt.ones.xlane vm0  }
0x164: {  	[tilespmem:s0+$0x1000] =	vst.msk vm0, v12  }
0x165: {  	v12 =	vxor.u32 $0x80000000, v13;
	v13 =	vld [tilespmem:s29+$0x10]  }
0x166: {  	(xrf0) =	vmax.scan.msk.u32 $0xffff, v12;
	_ =	sdelay $0x3  }
0x167: {  	vm0 =	vge.s32 v13, v1;
	vm1 =	vlt.s32 v13, v2  }
0x168: {  	vm0 =	vmand vm0, vm1  }
0x169: {  	v12 =	vmpcnt.ones.xlane vm0;
	v14, _, _ =	vpop (xrf0)  }
0x16a: {  	(v2sf) =	vpush v14, $0xF  }
0x16b: {  	v12 =	vxor.u32 $0x80000000, v12  }
0x16c: {  	(xrf0) =	vmax.scan.msk.u32 $0xffff, v12;
	_ =	sdelay $0x5  }
0x16d: {  	v12, _, _ =	vpop (xrf0)  }
0x16e: {  	(v2sf) =	vpush v12, $0xF;
	_ =	sdelay $0x3  }
0x16f: {  	s29 =	simm.s32 $0x2030  }
0x170: {  	v12 =	vmov s29  }
0x171: {  	v12 =	vshll.u32 v12, $0xF;
	s30 =	spop (v2sf)  }
0x172: {  	v13 =	vsub.s32 v13, v1;
	v12 =	vor.u32 v0, v12;
	s0 =	sadd.s32 s30, s0  }
0x173: {  	v12 =	vor.u32 v12, v13;
	s8 =	sadd.s32 $0x80000000, s0  }
0x174: {  	s1 =	simm.s32 $0x60;
	[tilespmem:s8+$0x1000] =	vst.msk vm0, v12  }
0x175: {  	v13 =	vld [tilespmem:s1+$0xFFFFFFE0];
	_ =	sdelay $0x1  }
0x176: {  	s0 =	simm.s32 $0x2040  }
0x177: {  	v12 =	vmov s0  }
0x178: {  	v12 =	vshll.u32 v12, $0xF  }
0x179: {  	s2 =	simm.s32 $0x2080;
	vm0 =	vge.s32 v13, v1;
	vm1 =	vlt.s32 v13, v2;
	v13 =	vsub.s32 v13, v1;
	s9 =	spop (v2sf)  }
.LBB2_6:
0x17a: {  	p0 =	sne.s32 s2, $0x2FC0  }
0x17b: {  	vm0 =	vmand vm0, vm1;
	v12 =	vor.u32 v0, v12;
	s9 =	sadd.s32 s9, s8;
	s8 =	smov.u32 s2;
	s2 =	sadd.s32 $0x40, s2  }
0x17c: {  	v12 =	vor.u32 v12, v13;
	v13 =	vmpcnt.ones.xlane vm0;
	s9 =	sadd.s32 $0x80000000, s9  }
0x17d: {  	[tilespmem:s9+$0x1000] =	vst.msk vm0, v12  }
0x17e: {  	v12 =	vxor.u32 $0x80000000, v13;
	v13 =	vld [tilespmem:s1+$0xFFFFFFF0]  }
0x17f: {  	(xrf0) =	vmax.scan.msk.u32 $0xffff, v12;
	_ =	sdelay $0x3  }
0x180: {  	vm0 =	vge.s32 v13, v1;
	vm1 =	vlt.s32 v13, v2;
	v12 =	vsub.s32 v13, v1  }
0x181: {  	vm0 =	vmand vm0, vm1  }
0x182: {  	v13 =	vmpcnt.ones.xlane vm0;
	v14, _, _ =	vpop (xrf0)  }
0x183: {  	(v2sf) =	vpush v14, $0xF  }
0x184: {  	v13 =	vxor.u32 $0x80000000, v13  }
0x185: {  	(xrf0) =	vmax.scan.msk.u32 $0xffff, v13;
	_ =	sdelay $0x5  }
0x186: {  	v13, _, _ =	vpop (xrf0)  }
0x187: {  	(v2sf) =	vpush v13, $0xF;
	_ =	sdelay $0x3  }
0x188: {  	s10 =	sadd.s32 $0x10, s0  }
0x189: {  	v13 =	vmov s10  }
0x18a: {  	v13 =	vshll.u32 v13, $0xF;
	s10 =	spop (v2sf)  }
0x18b: {  	v13 =	vor.u32 v0, v13;
	s9 =	sadd.s32 s10, s9  }
0x18c: {  	v12 =	vor.u32 v13, v12;
	s9 =	sadd.s32 $0x80000000, s9  }
0x18d: {  	[tilespmem:s9+$0x1000] =	vst.msk vm0, v12  }
0x18e: {  	v12 =	vld [tilespmem:s1+$0x0];
	_ =	sdelay $0x1  }
0x18f: {  	s10 =	sadd.s32 $0x20, s0  }
0x190: {  	v13 =	vmov s10  }
0x191: {  	v13 =	vshll.u32 v13, $0xF  }
0x192: {  	vm0 =	vge.s32 v12, v1;
	vm1 =	vlt.s32 v12, v2;
	v12 =	vsub.s32 v12, v1;
	s10 =	spop (v2sf)  }
0x193: {  	v13 =	vor.u32 v0, v13;
	s9 =	sadd.s32 s10, s9;
	vm0 =	vmand vm0, vm1  }
0x194: {  	v12 =	vor.u32 v13, v12;
	s9 =	sadd.s32 $0x80000000, s9;
	v13 =	vmpcnt.ones.xlane vm0  }
0x195: {  	[tilespmem:s9+$0x1000] =	vst.msk vm0, v12  }
0x196: {  	v12 =	vxor.u32 $0x80000000, v13;
	v13 =	vld [tilespmem:s1+$0x10]  }
0x197: {  	(xrf0) =	vmax.scan.msk.u32 $0xffff, v12;
	_ =	sdelay $0x3  }
0x198: {  	vm0 =	vge.s32 v13, v1;
	vm1 =	vlt.s32 v13, v2;
	v12 =	vsub.s32 v13, v1  }
0x199: {  	vm0 =	vmand vm0, vm1  }
0x19a: {  	v13 =	vmpcnt.ones.xlane vm0;
	v14, _, _ =	vpop (xrf0)  }
0x19b: {  	(v2sf) =	vpush v14, $0xF  }
0x19c: {  	v13 =	vxor.u32 $0x80000000, v13  }
0x19d: {  	(xrf0) =	vmax.scan.msk.u32 $0xffff, v13;
	_ =	sdelay $0x5  }
0x19e: {  	v13, _, _ =	vpop (xrf0)  }
0x19f: {  	(v2sf) =	vpush v13, $0xF;
	_ =	sdelay $0x3  }
0x1a0: {  	s10 =	sadd.s32 $0x30, s0;
	s0 =	smov.u32 s8  }
0x1a1: {  	v13 =	vmov s10  }
0x1a2: {  	v13 =	vshll.u32 v13, $0xF;
	s8 =	spop (v2sf)  }
0x1a3: {  	v13 =	vor.u32 v0, v13;
	s8 =	sadd.s32 s8, s9  }
0x1a4: {  	v12 =	vor.u32 v13, v12;
	s8 =	sadd.s32 $0x80000000, s8  }
0x1a5: {  	s1 =	sadd.s32 $0x40, s1;
	[tilespmem:s8+$0x1000] =	vst.msk vm0, v12  }
0x1a6: {  	v13 =	vld [tilespmem:s1+$0xFFFFFFE0]  }
.Ltmp4:
0x1a7: {  	(pc) =	sbr.rel @p0 .LBB2_6-.Ltmp4, $4  }
0x1a8: {  	_ = 	snop  }
0x1a9: {  	v12 =	vmov s0  }
0x1aa: {  	v12 =	vshll.u32 v12, $0xF  }
0x1ab: {  	vm0 =	vge.s32 v13, v1;
	vm1 =	vlt.s32 v13, v2;
	v13 =	vsub.s32 v13, v1;
	s9 =	spop (v2sf)  }
0x1ac: {  	vm0 =	vmand vm0, vm1;
	v12 =	vor.u32 v0, v12;
	s2 =	sadd.s32 s9, s8  }
0x1ad: {  	v12 =	vor.u32 v12, v13;
	v13 =	vmpcnt.ones.xlane vm0;
	s2 =	sadd.s32 $0x80000000, s2  }
0x1ae: {  	[tilespmem:s2+$0x1000] =	vst.msk vm0, v12  }
0x1af: {  	v12 =	vxor.u32 $0x80000000, v13;
	v13 =	vld [tilespmem:s1+$0xFFFFFFF0];
	_ =	sdelay $0x1  }
0x1b0: {  	(xrf0) =	vmax.scan.msk.u32 $0xffff, v12;
	_ =	sdelay $0x2  }
0x1b1: {  	vm0 =	vge.s32 v13, v1;
	vm1 =	vlt.s32 v13, v2  }
0x1b2: {  	vm0 =	vmand vm0, vm1  }
0x1b3: {  	v12 =	vmpcnt.ones.xlane vm0  }
0x1b4: {  	v14, _, _ =	vpop (xrf0)  }
0x1b5: {  	(v2sf) =	vpush v14, $0xF;
	v12 =	vxor.u32 $0x80000000, v12  }
0x1b6: {  	(xrf0) =	vmax.scan.msk.u32 $0xffff, v12;
	_ =	sdelay $0x5  }
0x1b7: {  	v12, _, _ =	vpop (xrf0)  }
0x1b8: {  	(v2sf) =	vpush v12, $0xF;
	_ =	sdelay $0x4  }
0x1b9: {  	s11 =	sadd.s32 $0x10, s0  }
0x1ba: {  	v12 =	vmov s11  }
0x1bb: {  	v12 =	vshll.u32 v12, $0xF;
	s28 =	spop (v2sf)  }
0x1bc: {  	v13 =	vsub.s32 v13, v1;
	v12 =	vor.u32 v0, v12;
	s2 =	sadd.s32 s28, s2  }
0x1bd: {  	v12 =	vor.u32 v12, v13;
	s2 =	sadd.s32 $0x80000000, s2  }
0x1be: {  	[tilespmem:s2+$0x1000] =	vst.msk vm0, v12  }
0x1bf: {  	v12 =	vld [tilespmem:s1+$0x0]  }
0x1c0: {  	s29 =	sadd.s32 $0x20, s0  }
0x1c1: {  	v13 =	vmov s29  }
0x1c2: {  	v13 =	vshll.u32 v13, $0xF  }
0x1c3: {  	v13 =	vor.u32 v0, v13;
	s30 =	spop (v2sf)  }
0x1c4: {  	vm0 =	vge.s32 v12, v1;
	vm1 =	vlt.s32 v12, v2;
	v12 =	vsub.s32 v12, v1;
	s2 =	sadd.s32 s30, s2  }
0x1c5: {  	vm0 =	vmand vm0, vm1;
	v12 =	vor.u32 v13, v12;
	s2 =	sadd.s32 $0x80000000, s2  }
0x1c6: {  	[tilespmem:s2+$0x1000] =	vst.msk vm0, v12  }
0x1c7: {  	v12 =	vld [tilespmem:s1+$0x10];
	_ =	sdelay $0x3  }
0x1c8: {  	v13 =	vmpcnt.ones.xlane vm0  }
0x1c9: {  	vm0 =	vge.s32 v12, v1;
	vm1 =	vlt.s32 v12, v2  }
0x1ca: {  	v13 =	vxor.u32 $0x80000000, v13;
	vm0 =	vmand vm0, vm1  }
0x1cb: {  	(xrf0) =	vmax.scan.msk.u32 $0xffff, v13;
	v13 =	vmpcnt.ones.xlane vm0;
	_ =	sdelay $0x1  }
0x1cc: {  	v13 =	vxor.u32 $0x80000000, v13  }
0x1cd: {  	(xrf0) =	vmax.scan.msk.u32 $0xffff, v13;
	_ =	sdelay $0x2  }
0x1ce: {  	v13, _, _ =	vpop (xrf0)  }
0x1cf: {  	(v2sf) =	vpush v13, $0xF;
	_ =	sdelay $0x1  }
0x1d0: {  	v13, _, _ =	vpop (xrf0)  }
0x1d1: {  	(v2sf) =	vpush v13, $0xF;
	_ =	sdelay $0x9  }
0x1d2: {  	s9 =	sadd.s32 $0x30, s0  }
0x1d3: {  	v13 =	vmov s9  }
0x1d4: {  	v13 =	vshll.u32 v13, $0xF;
	s10 =	spop (v2sf)  }
0x1d5: {  	v12 =	vsub.s32 v12, v1;
	v13 =	vor.u32 v0, v13;
	s0 =	sadd.s32 s10, s2  }
0x1d6: {  	v12 =	vor.u32 v13, v12;
	s0 =	sadd.s32 $0x80000000, s0  }
0x1d7: {  	s28 =	rddreg [dreg:$0x6];
	[tilespmem:s0+$0x1000] =	vst.msk vm0, v12;
	s11 =	spop (v2sf)  }
0x1d8: {  	[tilespmem:s5], [sflag:$0x4] =	stream.linear.gather [hbm4b:s28+s5], $0x1000, $0x38;
	[tilespmem:$0x1F980] =	vst v63  }
0x1d9: {  	_ =	swait.ge [sflag:s16], $0x1000  }
0x1da: {  	[sflag:s16] =	ssyncset.done $0x0  }
0x1db: {  	s29 =	simm.s32 $0x20;
	[sflag:s16] =	ssyncadd.s32 $0xFFFFF000  }
0x1dc: {  	v12 =	vld [tilespmem:s29+$0xFFFFFFE0];
	_ =	sdelay $0x2  }
0x1dd: {  	s30 =	simm.s32 $0x3000  }
0x1de: {  	v13 =	vmov s30  }
0x1df: {  	v13 =	vshll.u32 v13, $0xF;
	vm0 =	vge.s32 v12, v1;
	vm1 =	vlt.s32 v12, v2  }
0x1e0: {  	v13 =	vor.u32 v0, v13;
	s0 =	sadd.s32 s11, s0;
	v12 =	vsub.s32 v12, v1;
	vm0 =	vmand vm0, vm1  }
0x1e1: {  	s0 =	sadd.s32 $0x80000000, s0;
	v12 =	vor.u32 v13, v12;
	v13 =	vmpcnt.ones.xlane vm0  }
0x1e2: {  	[tilespmem:s0+$0x1000] =	vst.msk vm0, v12  }
0x1e3: {  	v12 =	vxor.u32 $0x80000000, v13;
	v13 =	vld [tilespmem:s29+$0xFFFFFFF0]  }
0x1e4: {  	(xrf0) =	vmax.scan.msk.u32 $0xffff, v12;
	_ =	sdelay $0x3  }
0x1e5: {  	vm0 =	vge.s32 v13, v1;
	vm1 =	vlt.s32 v13, v2  }
0x1e6: {  	vm0 =	vmand vm0, vm1  }
0x1e7: {  	v12 =	vmpcnt.ones.xlane vm0;
	v14, _, _ =	vpop (xrf0)  }
0x1e8: {  	(v2sf) =	vpush v14, $0xF  }
0x1e9: {  	v12 =	vxor.u32 $0x80000000, v12  }
0x1ea: {  	(xrf0) =	vmax.scan.msk.u32 $0xffff, v12;
	_ =	sdelay $0x5  }
0x1eb: {  	v12, _, _ =	vpop (xrf0)  }
0x1ec: {  	(v2sf) =	vpush v12, $0xF;
	_ =	sdelay $0x3  }
0x1ed: {  	s9 =	simm.s32 $0x3010  }
0x1ee: {  	v12 =	vmov s9  }
0x1ef: {  	v12 =	vshll.u32 v12, $0xF;
	s10 =	spop (v2sf)  }
0x1f0: {  	v13 =	vsub.s32 v13, v1;
	v12 =	vor.u32 v0, v12;
	s0 =	sadd.s32 s10, s0  }
0x1f1: {  	v12 =	vor.u32 v12, v13;
	s0 =	sadd.s32 $0x80000000, s0  }
0x1f2: {  	[tilespmem:s0+$0x1000] =	vst.msk vm0, v12  }
0x1f3: {  	v12 =	vld [tilespmem:s29+$0x0];
	_ =	sdelay $0x2  }
0x1f4: {  	s11 =	simm.s32 $0x3020  }
0x1f5: {  	v13 =	vmov s11  }
0x1f6: {  	v13 =	vshll.u32 v13, $0xF;
	vm0 =	vge.s32 v12, v1;
	vm1 =	vlt.s32 v12, v2;
	s28 =	spop (v2sf)  }
0x1f7: {  	v13 =	vor.u32 v0, v13;
	v12 =	vsub.s32 v12, v1;
	s0 =	sadd.s32 s28, s0;
	vm0 =	vmand vm0, vm1  }
0x1f8: {  	v12 =	vor.u32 v13, v12;
	s0 =	sadd.s32 $0x80000000, s0;
	v13 =	vmpcnt.ones.xlane vm0  }
0x1f9: {  	[tilespmem:s0+$0x1000] =	vst.msk vm0, v12  }
0x1fa: {  	v12 =	vxor.u32 $0x80000000, v13;
	v13 =	vld [tilespmem:s29+$0x10]  }
0x1fb: {  	(xrf0) =	vmax.scan.msk.u32 $0xffff, v12;
	_ =	sdelay $0x3  }
0x1fc: {  	vm0 =	vge.s32 v13, v1;
	vm1 =	vlt.s32 v13, v2  }
0x1fd: {  	vm0 =	vmand vm0, vm1  }
0x1fe: {  	v12 =	vmpcnt.ones.xlane vm0;
	v14, _, _ =	vpop (xrf0)  }
0x1ff: {  	(v2sf) =	vpush v14, $0xF  }
0x200: {  	v12 =	vxor.u32 $0x80000000, v12  }
0x201: {  	(xrf0) =	vmax.scan.msk.u32 $0xffff, v12;
	_ =	sdelay $0x5  }
0x202: {  	v12, _, _ =	vpop (xrf0)  }
0x203: {  	(v2sf) =	vpush v12, $0xF;
	_ =	sdelay $0x3  }
0x204: {  	s29 =	simm.s32 $0x3030  }
0x205: {  	v12 =	vmov s29  }
0x206: {  	v12 =	vshll.u32 v12, $0xF;
	s30 =	spop (v2sf)  }
0x207: {  	v13 =	vsub.s32 v13, v1;
	v12 =	vor.u32 v0, v12;
	s0 =	sadd.s32 s30, s0  }
0x208: {  	v12 =	vor.u32 v12, v13;
	s8 =	sadd.s32 $0x80000000, s0  }
0x209: {  	s1 =	simm.s32 $0x60;
	[tilespmem:s8+$0x1000] =	vst.msk vm0, v12  }
0x20a: {  	v13 =	vld [tilespmem:s1+$0xFFFFFFE0];
	_ =	sdelay $0x1  }
0x20b: {  	s0 =	simm.s32 $0x3040  }
0x20c: {  	v12 =	vmov s0  }
0x20d: {  	v12 =	vshll.u32 v12, $0xF  }
0x20e: {  	s2 =	simm.s32 $0x3080;
	vm0 =	vge.s32 v13, v1;
	vm1 =	vlt.s32 v13, v2;
	v13 =	vsub.s32 v13, v1;
	s9 =	spop (v2sf)  }
.LBB2_8:
0x20f: {  	p0 =	sne.s32 s2, $0x3FC0  }
0x210: {  	vm0 =	vmand vm0, vm1;
	v12 =	vor.u32 v0, v12;
	s9 =	sadd.s32 s9, s8;
	s8 =	smov.u32 s2;
	s2 =	sadd.s32 $0x40, s2  }
0x211: {  	v12 =	vor.u32 v12, v13;
	v13 =	vmpcnt.ones.xlane vm0;
	s9 =	sadd.s32 $0x80000000, s9  }
0x212: {  	[tilespmem:s9+$0x1000] =	vst.msk vm0, v12  }
0x213: {  	v12 =	vxor.u32 $0x80000000, v13;
	v13 =	vld [tilespmem:s1+$0xFFFFFFF0]  }
0x214: {  	(xrf0) =	vmax.scan.msk.u32 $0xffff, v12;
	_ =	sdelay $0x3  }
0x215: {  	vm0 =	vge.s32 v13, v1;
	vm1 =	vlt.s32 v13, v2;
	v12 =	vsub.s32 v13, v1  }
0x216: {  	vm0 =	vmand vm0, vm1  }
0x217: {  	v13 =	vmpcnt.ones.xlane vm0;
	v14, _, _ =	vpop (xrf0)  }
0x218: {  	(v2sf) =	vpush v14, $0xF  }
0x219: {  	v13 =	vxor.u32 $0x80000000, v13  }
0x21a: {  	(xrf0) =	vmax.scan.msk.u32 $0xffff, v13;
	_ =	sdelay $0x5  }
0x21b: {  	v13, _, _ =	vpop (xrf0)  }
0x21c: {  	(v2sf) =	vpush v13, $0xF;
	_ =	sdelay $0x3  }
0x21d: {  	s10 =	sadd.s32 $0x10, s0  }
0x21e: {  	v13 =	vmov s10  }
0x21f: {  	v13 =	vshll.u32 v13, $0xF;
	s10 =	spop (v2sf)  }
0x220: {  	v13 =	vor.u32 v0, v13;
	s9 =	sadd.s32 s10, s9  }
0x221: {  	v12 =	vor.u32 v13, v12;
	s9 =	sadd.s32 $0x80000000, s9  }
0x222: {  	[tilespmem:s9+$0x1000] =	vst.msk vm0, v12  }
0x223: {  	v12 =	vld [tilespmem:s1+$0x0];
	_ =	sdelay $0x1  }
0x224: {  	s10 =	sadd.s32 $0x20, s0  }
0x225: {  	v13 =	vmov s10  }
0x226: {  	v13 =	vshll.u32 v13, $0xF  }
0x227: {  	vm0 =	vge.s32 v12, v1;
	vm1 =	vlt.s32 v12, v2;
	v12 =	vsub.s32 v12, v1;
	s10 =	spop (v2sf)  }
0x228: {  	v13 =	vor.u32 v0, v13;
	s9 =	sadd.s32 s10, s9;
	vm0 =	vmand vm0, vm1  }
0x229: {  	v12 =	vor.u32 v13, v12;
	s9 =	sadd.s32 $0x80000000, s9;
	v13 =	vmpcnt.ones.xlane vm0  }
0x22a: {  	[tilespmem:s9+$0x1000] =	vst.msk vm0, v12  }
0x22b: {  	v12 =	vxor.u32 $0x80000000, v13;
	v13 =	vld [tilespmem:s1+$0x10]  }
0x22c: {  	(xrf0) =	vmax.scan.msk.u32 $0xffff, v12;
	_ =	sdelay $0x3  }
0x22d: {  	vm0 =	vge.s32 v13, v1;
	vm1 =	vlt.s32 v13, v2;
	v12 =	vsub.s32 v13, v1  }
0x22e: {  	vm0 =	vmand vm0, vm1  }
0x22f: {  	v13 =	vmpcnt.ones.xlane vm0;
	v14, _, _ =	vpop (xrf0)  }
0x230: {  	(v2sf) =	vpush v14, $0xF  }
0x231: {  	v13 =	vxor.u32 $0x80000000, v13  }
0x232: {  	(xrf0) =	vmax.scan.msk.u32 $0xffff, v13;
	_ =	sdelay $0x5  }
0x233: {  	v13, _, _ =	vpop (xrf0)  }
0x234: {  	(v2sf) =	vpush v13, $0xF;
	_ =	sdelay $0x3  }
0x235: {  	s10 =	sadd.s32 $0x30, s0;
	s0 =	smov.u32 s8  }
0x236: {  	v13 =	vmov s10  }
0x237: {  	v13 =	vshll.u32 v13, $0xF;
	s8 =	spop (v2sf)  }
0x238: {  	v13 =	vor.u32 v0, v13;
	s8 =	sadd.s32 s8, s9  }
0x239: {  	v12 =	vor.u32 v13, v12;
	s8 =	sadd.s32 $0x80000000, s8  }
0x23a: {  	s1 =	sadd.s32 $0x40, s1;
	[tilespmem:s8+$0x1000] =	vst.msk vm0, v12  }
0x23b: {  	v13 =	vld [tilespmem:s1+$0xFFFFFFE0]  }
.Ltmp5:
0x23c: {  	(pc) =	sbr.rel @p0 .LBB2_8-.Ltmp5, $4  }
0x23d: {  	_ = 	snop  }
0x23e: {  	v12 =	vmov s0  }
0x23f: {  	v12 =	vshll.u32 v12, $0xF  }
0x240: {  	vm0 =	vge.s32 v13, v1;
	vm1 =	vlt.s32 v13, v2;
	v13 =	vsub.s32 v13, v1;
	s9 =	spop (v2sf)  }
0x241: {  	v12 =	vor.u32 v0, v12;
	s2 =	sadd.s32 s9, s8  }
0x242: {  	vm0 =	vmand vm0, vm1;
	v12 =	vor.u32 v12, v13;
	s2 =	sadd.s32 $0x80000000, s2  }
0x243: {  	v52 =	vmpcnt.ones.xlane vm0;
	[tilespmem:s2+$0x1000] =	vst.msk vm0, v12  }
0x244: {  	v54 =	vld [tilespmem:s1+$0xFFFFFFF0]  }
0x245: {  	v53 =	vxor.u32 $0x80000000, v52  }
0x246: {  	(xrf0) =	vmax.scan.msk.u32 $0xffff, v53;
	_ =	sdelay $0x2  }
0x247: {  	vm10 =	vge.s32 v54, v1;
	vm11 =	vlt.s32 v54, v2  }
0x248: {  	vm0 =	vmand vm10, vm11  }
0x249: {  	v55 =	vmpcnt.ones.xlane vm0  }
0x24a: {  	v14, _, _ =	vpop (xrf0)  }
0x24b: {  	(v2sf) =	vpush v14, $0xF;
	v12 =	vxor.u32 $0x80000000, v55  }
0x24c: {  	(xrf0) =	vmax.scan.msk.u32 $0xffff, v12;
	_ =	sdelay $0x5  }
0x24d: {  	v12, _, _ =	vpop (xrf0)  }
0x24e: {  	(v2sf) =	vpush v12, $0xF;
	_ =	sdelay $0x4  }
0x24f: {  	s11 =	sadd.s32 $0x10, s0  }
0x250: {  	v56 =	vmov s11  }
0x251: {  	v12 =	vshll.u32 v56, $0xF;
	s28 =	spop (v2sf)  }
0x252: {  	v13 =	vsub.s32 v54, v1;
	v12 =	vor.u32 v0, v12;
	s2 =	sadd.s32 s28, s2  }
0x253: {  	v12 =	vor.u32 v12, v13;
	s2 =	sadd.s32 $0x80000000, s2  }
0x254: {  	[tilespmem:s2+$0x1000] =	vst.msk vm0, v12  }
0x255: {  	v12 =	vld [tilespmem:s1+$0x0]  }
0x256: {  	s29 =	sadd.s32 $0x20, s0  }
0x257: {  	v57 =	vmov s29  }
0x258: {  	v13 =	vshll.u32 v57, $0xF  }
0x259: {  	v13 =	vor.u32 v0, v13;
	s30 =	spop (v2sf)  }
0x25a: {  	vm12 =	vge.s32 v12, v1;
	vm13 =	vlt.s32 v12, v2;
	v12 =	vsub.s32 v12, v1;
	s2 =	sadd.s32 s30, s2  }
0x25b: {  	vm0 =	vmand vm12, vm13;
	v12 =	vor.u32 v13, v12;
	s2 =	sadd.s32 $0x80000000, s2  }
0x25c: {  	[tilespmem:s2+$0x1000] =	vst.msk vm0, v12  }
0x25d: {  	v12 =	vld [tilespmem:s1+$0x10];
	_ =	sdelay $0x4  }
0x25e: {  	v58 =	vmpcnt.ones.xlane vm0;
	vm14 =	vge.s32 v12, v1;
	vm15 =	vlt.s32 v12, v2  }
0x25f: {  	vm0 =	vmand vm14, vm15  }
0x260: {  	v13 =	vxor.u32 $0x80000000, v58;
	v59 =	vmpcnt.ones.xlane vm0  }
0x261: {  	(xrf0) =	vmax.scan.msk.u32 $0xffff, v13  }
0x262: {  	v60 =	vxor.u32 $0x80000000, v59  }
0x263: {  	(xrf0) =	vmax.scan.msk.u32 $0xffff, v60;
	_ =	sdelay $0x3  }
0x264: {  	v61, _, _ =	vpop (xrf0)  }
0x265: {  	(v2sf) =	vpush v61, $0xF  }
0x266: {  	v62, _, _ =	vpop (xrf0)  }
0x267: {  	(v2sf) =	vpush v62, $0xF;
	_ =	sdelay $0xb  }
0x268: {  	s1 =	sadd.s32 $0x30, s0  }
0x269: {  	v63 =	vmov s1;
	s8 =	spop (v2sf)  }
0x26a: {  	v13 =	vshll.u32 v63, $0xF;
	s0 =	sadd.s32 s8, s2  }
0x26b: {  	v13 =	vor.u32 v0, v13;
	v12 =	vsub.s32 v12, v1;
	s0 =	sadd.s32 $0x80000000, s0;
	s9 =	spop (v2sf)  }
0x26c: {  	v12 =	vor.u32 v13, v12;
	s1 =	sadd.s32 s9, s0  }
0x26d: {  	[tilespmem:s0+$0x1000] =	vst.msk vm0, v12;
	s10 =	sadd.s32 $0x80000000, s1  }
0x26e: {  	[tilespmem:s10+$0x1000] =	vst v8  }
0x26f: {  	[tilespmem:s10+$0x1010] =	vst v8  }
0x270: {  	s1 =	sadd.s32 $0x3F, s10;
	[tilespmem:s10+$0x1020] =	vst v8  }
0x271: {  	[tilespmem:s10+$0x1030] =	vst v8;
	s11 =	sand.u32 $0x3F, s1;
	s28 =	sshra.s32 s1, $0x1F  }
0x272: {  	p0 =	slt.s32 s1, $0x1;
	[tilespmem:$0x1F900] =	vst v9;
	p1 =	sne.s32 s11, $0x0;
	s29 =	sshrl.u32 s28, $0x1A  }
0x273: {  	[hbm4b:s4+s18] =	stream.indirect.scatter [tilespmem:s20], [sflag:$0x3], $0x80, s19, s18, $0xb8;
	[tilespmem:$0x1F980] =	vst v63  }
0x274: {  	s30 =	rddreg [dreg:$0x7];
	p0 =	por !p0, !p1;
	s0 =	sadd.s32 s29, s1  }
.Ltmp6:
0x275: {  	s1 =	simm.s32 $0x1;
	p0 =	por !p0, !p0;
	(pc) =	sbr.rel .LBB2_10-.Ltmp6, $4  }
0x276: {  	[tilespmem:s23], [sflag:$0x1] =	stream.strided.gather [hbm4b:s30+s21], $0xB000, s22, s21, $0x38;
	[tilespmem:$0x1F980] =	vst v63  }
0x277: {  	s0 =	sshra.s32 s0, $0x6;
	s1 =	simm.s32 @!p0 $0x0  }
0x278: {  	s2 =	ssub.s32 s0, s1  }
0x279: {  	s0 =	simm.s32 $0x0;
	p0 =	slt.s32 s2, $0x1  }
.LBB2_30:
0x27a: {  	[hbm4b:s4+s18] =	stream.indirect.scatter [tilespmem:s20], [sflag:$0x3], $0x80, s19, s18, $0xb8;
	[tilespmem:$0x1F980] =	vst v63  }
.LBB2_31:
0x27b: {  	s0 =	sadd.s32 $0x1, s0  }
0x27c: {  	p1 =	sne.s32 s0, $0xC  }
.Ltmp7:
0x27d: {  	_ = 	snop;
	(pc) =	sbr.rel @!p1 .LBB2_32-.Ltmp7, $1  }
0x27e: {  	_ =	sdelay $0x3  }
.LBB2_10:
0x27f: {  	s29 =	smul.u32 $0x16, s0;
	_ =	sdelay $0x1  }
0x280: {  	s1 =	sadd.s32 s29, s12  }
0x281: {  	s1 =	sshll.u32 s1, $0x7  }
0x282: {  	s28 =	smin.u32 s1, $0xF3C80  }
.Ltmp8:
0x283: {  	s30 =	sadd.s32 s7, s29;
	s1 =	sadd.s32 s3, s28;
	(pc) =	sbr.rel @p0 .LBB2_16-.Ltmp8, $4  }
0x284: {  	[tilespmem:s24], [sflag:$0x2] =	stream.strided.gather [hbm4b:s1+s21], $0xB000, s22, s21, $0x38;
	[tilespmem:$0x1F980] =	vst v63  }
0x285: {  	s1 =	sshll.u32 s30, $0x7;
	_ =	swait.ge [sflag:s17], $0xB000  }
0x286: {  	s8 =	smin.u32 s1, $0xF3C80;
	[sflag:s17] =	ssyncset.done $0x0  }
0x287: {  	s9 =	simm.s32 $0x0;
	s1 =	ssub.s32 s8, s6;
	[sflag:s17] =	ssyncadd.s32 $0xFFFF5000  }
0x288: {  	s30 =	simm.s32 $0x1020  }
0x289: {  	v14 =	vld [tilespmem:s30+$0xFFFFFFE0]  }
0x28a: {  	p2 =	sne.s32 s2, $0x1  }
.Ltmp9:
0x28b: {  	_ = 	snop;
	(pc) =	sbr.rel @!p2 .LBB2_12-.Ltmp9, $4  }
0x28c: {  	s8 =	smax.u32 s8, s6  }
0x28d: {  	s9 =	sadd.s32 $0x580, s1;
	s8 =	ssub.s32 s8, s6  }
0x28e: {  	v13 =	vmov s9;
	v12 =	vmov s8;
	v15 =	vand.u32 $0x7FFF, v14  }
0x28f: {  	p1 =	por $0x0, $0x0;
	s9 =	sadd.s32 $0xFFFFFFFF, s2;
	s8 =	simm.s32 $0x0;
	vm0 =	vge.s32 v15, v12;
	vm1 =	vlt.s32 v15, v13  }
0x290: {  	vm0 =	vmand vm0, vm1  }
0x291: {  	[tilespmem:s8+$0x5080] =	vst.msk vm0, v14;
	v14 =	vmpcnt.ones.xlane vm0  }
0x292: {  	v15 =	vld [tilespmem:s30+$0xFFFFFFF0]  }
0x293: {  	v14 =	vxor.u32 $0x80000000, v14  }
0x294: {  	(xrf0) =	vmax.scan.msk.u32 $0xffff, v14;
	_ =	sdelay $0x2  }
0x295: {  	v14 =	vand.u32 $0x7FFF, v15  }
0x296: {  	vm0 =	vge.s32 v14, v12;
	vm1 =	vlt.s32 v14, v13  }
0x297: {  	vm0 =	vmand vm0, vm1  }
0x298: {  	v14 =	vmpcnt.ones.xlane vm0;
	v16, _, _ =	vpop (xrf0)  }
0x299: {  	(v2sf) =	vpush v16, $0xF  }
0x29a: {  	v14 =	vxor.u32 $0x80000000, v14  }
0x29b: {  	(xrf0) =	vmax.scan.msk.u32 $0xffff, v14;
	_ =	sdelay $0x5  }
0x29c: {  	v14, _, _ =	vpop (xrf0)  }
0x29d: {  	(v2sf) =	vpush v14, $0xF;
	_ =	sdelay $0x5  }
0x29e: {  	s10 =	spop (v2sf)  }
0x29f: {  	s10 =	sadd.s32 $0x0, s10  }
0x2a0: {  	s10 =	sadd.s32 $0x80000000, s10  }
0x2a1: {  	[tilespmem:s10+$0x5080] =	vst.msk vm0, v15  }
0x2a2: {  	v14 =	vld [tilespmem:s30+$0x0];
	_ =	sdelay $0x4  }
0x2a3: {  	v15 =	vand.u32 $0x7FFF, v14;
	s11 =	spop (v2sf)  }
0x2a4: {  	s10 =	sadd.s32 s11, s10;
	vm0 =	vge.s32 v15, v12;
	vm1 =	vlt.s32 v15, v13  }
0x2a5: {  	s10 =	sadd.s32 $0x80000000, s10;
	vm0 =	vmand vm0, vm1  }
0x2a6: {  	[tilespmem:s10+$0x5080] =	vst.msk vm0, v14;
	v14 =	vmpcnt.ones.xlane vm0  }
0x2a7: {  	v15 =	vld [tilespmem:s30+$0x10]  }
0x2a8: {  	v14 =	vxor.u32 $0x80000000, v14  }
0x2a9: {  	(xrf0) =	vmax.scan.msk.u32 $0xffff, v14;
	_ =	sdelay $0x2  }
0x2aa: {  	v14 =	vand.u32 $0x7FFF, v15  }
0x2ab: {  	vm0 =	vge.s32 v14, v12;
	vm1 =	vlt.s32 v14, v13  }
0x2ac: {  	vm0 =	vmand vm0, vm1  }
0x2ad: {  	v14 =	vmpcnt.ones.xlane vm0;
	v63, _, _ =	vpop (xrf0)  }
0x2ae: {  	(v2sf) =	vpush v63, $0xF  }
0x2af: {  	v14 =	vxor.u32 $0x80000000, v14  }
0x2b0: {  	(xrf0) =	vmax.scan.msk.u32 $0xffff, v14;
	_ =	sdelay $0x5  }
0x2b1: {  	v14, _, _ =	vpop (xrf0)  }
0x2b2: {  	(v2sf) =	vpush v14, $0xF;
	_ =	sdelay $0x5  }
0x2b3: {  	s11 =	spop (v2sf)  }
0x2b4: {  	s10 =	sadd.s32 s11, s10  }
0x2b5: {  	s10 =	sadd.s32 $0x80000000, s10  }
0x2b6: {  	s30 =	simm.s32 $0x1060;
	[tilespmem:s10+$0x5080] =	vst.msk vm0, v15  }
0x2b7: {  	v14 =	vld [tilespmem:s30+$0xFFFFFFE0]  }
0x2b8: {  	p2 =	sne.s32 s9, $0x1  }
.Ltmp10:
0x2b9: {  	_ = 	snop;
	(pc) =	sbr.rel @!p2 .LBB2_15-.Ltmp10, $3  }
0x2ba: {  	_ =	sdelay $0x1  }
0x2bb: {  	v15 =	vand.u32 $0x7FFF, v14;
	s11 =	spop (v2sf)  }
0x2bc: {  	s9 =	sadd.s32 $0xFFFFFFFF, s9;
	p1 =	por $0x1, $0x1;
	vm0 =	vge.s32 v15, v12;
	vm1 =	vlt.s32 v15, v13;
	s10 =	sadd.s32 s11, s10  }
.LBB2_14:
0x2bd: {  	p2 =	sne.s32 s9, $0x1;
	s9 =	sadd.s32 $0xFFFFFFFF, s9;
	vm0 =	vmand vm0, vm1;
	s10 =	sadd.s32 $0x80000000, s10  }
0x2be: {  	[tilespmem:s10+$0x5080] =	vst.msk vm0, v14;
	v14 =	vmpcnt.ones.xlane vm0  }
0x2bf: {  	v15 =	vld [tilespmem:s30+$0xFFFFFFF0]  }
0x2c0: {  	v14 =	vxor.u32 $0x80000000, v14  }
0x2c1: {  	(xrf0) =	vmax.scan.msk.u32 $0xffff, v14;
	_ =	sdelay $0x2  }
0x2c2: {  	v14 =	vand.u32 $0x7FFF, v15  }
0x2c3: {  	vm0 =	vge.s32 v14, v12;
	vm1 =	vlt.s32 v14, v13  }
0x2c4: {  	vm0 =	vmand vm0, vm1  }
0x2c5: {  	v14 =	vmpcnt.ones.xlane vm0;
	v16, _, _ =	vpop (xrf0)  }
0x2c6: {  	(v2sf) =	vpush v16, $0xF  }
0x2c7: {  	v14 =	vxor.u32 $0x80000000, v14  }
0x2c8: {  	(xrf0) =	vmax.scan.msk.u32 $0xffff, v14;
	_ =	sdelay $0x5  }
0x2c9: {  	v14, _, _ =	vpop (xrf0)  }
0x2ca: {  	(v2sf) =	vpush v14, $0xF;
	_ =	sdelay $0x5  }
0x2cb: {  	s11 =	spop (v2sf)  }
0x2cc: {  	s10 =	sadd.s32 s11, s10  }
0x2cd: {  	s10 =	sadd.s32 $0x80000000, s10  }
0x2ce: {  	[tilespmem:s10+$0x5080] =	vst.msk vm0, v15  }
0x2cf: {  	v14 =	vld [tilespmem:s30+$0x0];
	_ =	sdelay $0x4  }
0x2d0: {  	v15 =	vand.u32 $0x7FFF, v14;
	s11 =	spop (v2sf)  }
0x2d1: {  	s10 =	sadd.s32 s11, s10;
	vm0 =	vge.s32 v15, v12;
	vm1 =	vlt.s32 v15, v13  }
0x2d2: {  	s10 =	sadd.s32 $0x80000000, s10;
	vm0 =	vmand vm0, vm1  }
0x2d3: {  	[tilespmem:s10+$0x5080] =	vst.msk vm0, v14;
	v14 =	vmpcnt.ones.xlane vm0  }
0x2d4: {  	v15 =	vld [tilespmem:s30+$0x10]  }
0x2d5: {  	v14 =	vxor.u32 $0x80000000, v14  }
0x2d6: {  	(xrf0) =	vmax.scan.msk.u32 $0xffff, v14;
	_ =	sdelay $0x2  }
0x2d7: {  	v14 =	vand.u32 $0x7FFF, v15  }
0x2d8: {  	vm0 =	vge.s32 v14, v12;
	vm1 =	vlt.s32 v14, v13  }
0x2d9: {  	vm0 =	vmand vm0, vm1  }
0x2da: {  	v14 =	vmpcnt.ones.xlane vm0;
	v16, _, _ =	vpop (xrf0)  }
0x2db: {  	(v2sf) =	vpush v16, $0xF  }
0x2dc: {  	v14 =	vxor.u32 $0x80000000, v14  }
0x2dd: {  	(xrf0) =	vmax.scan.msk.u32 $0xffff, v14;
	_ =	sdelay $0x5  }
0x2de: {  	v14, _, _ =	vpop (xrf0)  }
0x2df: {  	(v2sf) =	vpush v14, $0xF;
	_ =	sdelay $0x5  }
0x2e0: {  	s11 =	spop (v2sf)  }
0x2e1: {  	s10 =	sadd.s32 s11, s10  }
0x2e2: {  	s10 =	sadd.s32 $0x80000000, s10  }
0x2e3: {  	s30 =	sadd.s32 $0x40, s30;
	[tilespmem:s10+$0x5080] =	vst.msk vm0, v15  }
0x2e4: {  	v14 =	vld [tilespmem:s30+$0xFFFFFFE0];
	_ =	sdelay $0x1  }
.Ltmp11:
0x2e5: {  	(pc) =	sbr.rel @p2 .LBB2_14-.Ltmp11, $3  }
0x2e6: {  	_ =	sdelay $0x1  }
0x2e7: {  	v15 =	vand.u32 $0x7FFF, v14;
	s11 =	spop (v2sf)  }
0x2e8: {  	vm0 =	vge.s32 v15, v12;
	vm1 =	vlt.s32 v15, v13;
	s10 =	sadd.s32 s11, s10  }
.LBB2_15:
0x2e9: {  	s9 =	sadd.s32 @p1 $0x80000000, s10  }
0x2ea: {  	vm0 =	vmand vm0, vm1;
	s8 =	smov.u32 @p1 s9  }
0x2eb: {  	v52 =	vmpcnt.ones.xlane vm0;
	[tilespmem:s8+$0x5080] =	vst.msk vm0, v14  }
0x2ec: {  	v15 =	vld [tilespmem:s30+$0xFFFFFFF0]  }
0x2ed: {  	v14 =	vxor.u32 $0x80000000, v52  }
0x2ee: {  	(xrf0) =	vmax.scan.msk.u32 $0xffff, v14;
	_ =	sdelay $0x2  }
0x2ef: {  	v53 =	vand.u32 $0x7FFF, v15  }
0x2f0: {  	vm10 =	vge.s32 v53, v12;
	vm11 =	vlt.s32 v53, v13  }
0x2f1: {  	vm0 =	vmand vm10, vm11  }
0x2f2: {  	v16, _, _ =	vpop (xrf0);
	v54 =	vmpcnt.ones.xlane vm0  }
0x2f3: {  	(v2sf) =	vpush v16, $0xF  }
0x2f4: {  	v14 =	vxor.u32 $0x80000000, v54  }
0x2f5: {  	(xrf0) =	vmax.scan.msk.u32 $0xffff, v14;
	_ =	sdelay $0x5  }
0x2f6: {  	v14, _, _ =	vpop (xrf0)  }
0x2f7: {  	(v2sf) =	vpush v14, $0xF;
	_ =	sdelay $0x5  }
0x2f8: {  	s11 =	spop (v2sf)  }
0x2f9: {  	s8 =	sadd.s32 s11, s8  }
0x2fa: {  	s8 =	sadd.s32 $0x80000000, s8  }
0x2fb: {  	[tilespmem:s8+$0x5080] =	vst.msk vm0, v15  }
0x2fc: {  	v55 =	vld [tilespmem:s30+$0x0];
	_ =	sdelay $0x4  }
0x2fd: {  	v56 =	vand.u32 $0x7FFF, v55;
	s10 =	spop (v2sf)  }
0x2fe: {  	vm12 =	vge.s32 v56, v12;
	vm13 =	vlt.s32 v56, v13;
	s8 =	sadd.s32 s10, s8  }
0x2ff: {  	vm0 =	vmand vm12, vm13;
	s8 =	sadd.s32 $0x80000000, s8  }
0x300: {  	[tilespmem:s8+$0x5080] =	vst.msk vm0, v55  }
0x301: {  	v14 =	vld [tilespmem:s30+$0x10];
	_ =	sdelay $0x4  }
0x302: {  	v57 =	vand.u32 $0x7FFF, v14  }
0x303: {  	v58 =	vmpcnt.ones.xlane vm0;
	vm14 =	vge.s32 v57, v12;
	vm15 =	vlt.s32 v57, v13  }
0x304: {  	vm0 =	vmand vm14, vm15  }
0x305: {  	v59 =	vxor.u32 $0x80000000, v58;
	v60 =	vmpcnt.ones.xlane vm0  }
0x306: {  	(xrf0) =	vmax.scan.msk.u32 $0xffff, v59  }
0x307: {  	v61 =	vxor.u32 $0x80000000, v60  }
0x308: {  	(xrf0) =	vmax.scan.msk.u32 $0xffff, v61;
	_ =	sdelay $0x3  }
0x309: {  	v62, _, _ =	vpop (xrf0)  }
0x30a: {  	(v2sf) =	vpush v62, $0xF  }
0x30b: {  	v63, _, _ =	vpop (xrf0)  }
0x30c: {  	(v2sf) =	vpush v63, $0xF;
	_ =	sdelay $0xc  }
0x30d: {  	s11 =	spop (v2sf)  }
0x30e: {  	s8 =	sadd.s32 s11, s8  }
0x30f: {  	s8 =	sadd.s32 $0x80000000, s8;
	s30 =	spop (v2sf)  }
0x310: {  	s9 =	sadd.s32 s30, s8  }
0x311: {  	[tilespmem:s8+$0x5080] =	vst.msk vm0, v14;
	s9 =	sadd.s32 $0x80000000, s9  }
.LBB2_16:
0x312: {  	s8 =	sadd.s32 $0xF, s9  }
0x313: {  	s10 =	sand.u32 $0xF, s8  }
0x314: {  	s30 =	sshra.s32 s8, $0x1F;
	p2 =	slt.s32 s8, $0x1;
	p1 =	sne.s32 s10, $0x0  }
0x315: {  	s10 =	sshrl.u32 s30, $0x1C;
	p1 =	por !p2, !p1  }
0x316: {  	s8 =	sadd.s32 s10, s8;
	s10 =	simm.s32 $0x1;
	p1 =	por !p1, !p1  }
0x317: {  	s8 =	sshra.s32 s8, $0x4;
	s10 =	simm.s32 @!p1 $0x0  }
0x318: {  	s8 =	ssub.s32 s8, s10  }
0x319: {  	p1 =	slt.s32 s8, $0x1  }
.Ltmp12:
0x31a: {  	_ = 	snop;
	(pc) =	sbr.rel @p1 .LBB2_20-.Ltmp12, $3  }
0x31b: {  	_ =	sdelay $0x1  }
0x31c: {  	v12 =	vor.u32 s1, v4  }
0x31d: {  	[tilespmem:s9+$0x5080] =	vst v12  }
0x31e: {  	s9 =	simm.s32 $0x5080  }
0x31f: {  	v13 =	vld [tilespmem:s9+$0x0];
	_ =	sdelay $0x4  }
0x320: {  	v12 =	vmov s1;
	v14 =	vand.u32 $0x7F80, v13  }
0x321: {  	v14 =	vsub.s32 v14, v12  }
0x322: {  	v15 =	vand.u32 $0x7F, v13;
	v14 =	vshll.u32 v14, $0x3  }
0x323: {  	v41 =	vor.u32 v15, v14  }
0x324: {  	_ =	swait.ge [sflag:s25], $0x800  }
0x325: {  	[sflag:s25] =	ssyncset.done $0x0  }
0x326: {  	[sflag:s25] =	ssyncadd.s32 $0xFFFFF800;
	v13 =	vshra.s32 v13, $0xF  }
0x327: {  	[tilespmem:$0x1F900] =	vst v13  }
0x328: {  	v13 =	vld.idx.msk [tilespmem:v41+s23+$0x0], $0xffff  }
0x329: {  	v14 =	vadd.s32 $0x80, v41;
	_ =	sdelay $0x3  }
0x32a: {  	[tilespmem:v5+s20+$0x0] =	vst.idx.msk $0xffff, v13  }
0x32b: {  	v13 =	vld.idx.msk [tilespmem:v14+s23+$0x0], $0xffff  }
0x32c: {  	v14 =	vadd.s32 $0x100, v41;
	_ =	sdelay $0x3  }
0x32d: {  	[tilespmem:v10+s20+$0x0] =	vst.idx.msk $0xffff, v13  }
0x32e: {  	v13 =	vld.idx.msk [tilespmem:v14+s23+$0x0], $0xffff  }
0x32f: {  	v14 =	vadd.s32 $0x180, v41;
	_ =	sdelay $0x3  }
0x330: {  	[tilespmem:v11+s20+$0x0] =	vst.idx.msk $0xffff, v13  }
0x331: {  	v13 =	vor.u32 $0x3, v5;
	v14 =	vld.idx.msk [tilespmem:v14+s23+$0x0], $0xffff  }
0x332: {  	v15 =	vadd.s32 $0x200, v41;
	_ =	sdelay $0x3  }
0x333: {  	[tilespmem:v13+s20+$0x0] =	vst.idx.msk $0xffff, v14  }
0x334: {  	v14 =	vor.u32 $0x4, v5;
	v15 =	vld.idx.msk [tilespmem:v15+s23+$0x0], $0xffff  }
0x335: {  	v16 =	vadd.s32 $0x280, v41;
	_ =	sdelay $0x3  }
0x336: {  	[tilespmem:v14+s20+$0x0] =	vst.idx.msk $0xffff, v15  }
0x337: {  	v15 =	vor.u32 $0x5, v5;
	v16 =	vld.idx.msk [tilespmem:v16+s23+$0x0], $0xffff  }
0x338: {  	v17 =	vadd.s32 $0x300, v41;
	_ =	sdelay $0x3  }
0x339: {  	[tilespmem:v15+s20+$0x0] =	vst.idx.msk $0xffff, v16  }
0x33a: {  	v16 =	vor.u32 $0x6, v5;
	v17 =	vld.idx.msk [tilespmem:v17+s23+$0x0], $0xffff  }
0x33b: {  	v18 =	vadd.s32 $0x380, v41;
	_ =	sdelay $0x3  }
0x33c: {  	[tilespmem:v16+s20+$0x0] =	vst.idx.msk $0xffff, v17  }
0x33d: {  	v17 =	vor.u32 $0x7, v5;
	v18 =	vld.idx.msk [tilespmem:v18+s23+$0x0], $0xffff  }
0x33e: {  	v19 =	vadd.s32 $0x2C00, v41;
	_ =	sdelay $0x3  }
0x33f: {  	[tilespmem:v17+s20+$0x0] =	vst.idx.msk $0xffff, v18  }
0x340: {  	v18 =	vor.u32 $0x8, v5;
	v19 =	vld.idx.msk [tilespmem:v19+s23+$0x0], $0xffff  }
0x341: {  	v20 =	vadd.s32 $0x2C80, v41;
	_ =	sdelay $0x3  }
0x342: {  	[tilespmem:v18+s20+$0x0] =	vst.idx.msk $0xffff, v19  }
0x343: {  	v19 =	vor.u32 $0x9, v5;
	v20 =	vld.idx.msk [tilespmem:v20+s23+$0x0], $0xffff  }
0x344: {  	v21 =	vadd.s32 $0x2D00, v41;
	_ =	sdelay $0x3  }
0x345: {  	[tilespmem:v19+s20+$0x0] =	vst.idx.msk $0xffff, v20  }
0x346: {  	v20 =	vor.u32 $0xA, v5;
	v21 =	vld.idx.msk [tilespmem:v21+s23+$0x0], $0xffff  }
0x347: {  	v22 =	vadd.s32 $0x2D80, v41;
	_ =	sdelay $0x3  }
0x348: {  	[tilespmem:v20+s20+$0x0] =	vst.idx.msk $0xffff, v21  }
0x349: {  	v21 =	vor.u32 $0xB, v5;
	v22 =	vld.idx.msk [tilespmem:v22+s23+$0x0], $0xffff  }
0x34a: {  	v23 =	vadd.s32 $0x2E00, v41;
	_ =	sdelay $0x3  }
0x34b: {  	[tilespmem:v21+s20+$0x0] =	vst.idx.msk $0xffff, v22  }
0x34c: {  	v22 =	vor.u32 $0xC, v5;
	v23 =	vld.idx.msk [tilespmem:v23+s23+$0x0], $0xffff  }
0x34d: {  	v24 =	vadd.s32 $0x2E80, v41;
	_ =	sdelay $0x3  }
0x34e: {  	[tilespmem:v22+s20+$0x0] =	vst.idx.msk $0xffff, v23  }
0x34f: {  	v23 =	vor.u32 $0xD, v5;
	v24 =	vld.idx.msk [tilespmem:v24+s23+$0x0], $0xffff  }
0x350: {  	v25 =	vadd.s32 $0x2F00, v41;
	_ =	sdelay $0x3  }
0x351: {  	[tilespmem:v23+s20+$0x0] =	vst.idx.msk $0xffff, v24  }
0x352: {  	v24 =	vor.u32 $0xE, v5;
	v25 =	vld.idx.msk [tilespmem:v25+s23+$0x0], $0xffff  }
0x353: {  	v26 =	vadd.s32 $0x2F80, v41;
	_ =	sdelay $0x3  }
0x354: {  	[tilespmem:v24+s20+$0x0] =	vst.idx.msk $0xffff, v25  }
0x355: {  	v25 =	vor.u32 $0xF, v5;
	v26 =	vld.idx.msk [tilespmem:v26+s23+$0x0], $0xffff  }
0x356: {  	v27 =	vadd.s32 $0x5800, v41;
	_ =	sdelay $0x3  }
0x357: {  	[tilespmem:v25+s20+$0x0] =	vst.idx.msk $0xffff, v26  }
0x358: {  	v26 =	vor.u32 $0x10, v5;
	v27 =	vld.idx.msk [tilespmem:v27+s23+$0x0], $0xffff  }
0x359: {  	v28 =	vadd.s32 $0x5880, v41;
	_ =	sdelay $0x3  }
0x35a: {  	[tilespmem:v26+s20+$0x0] =	vst.idx.msk $0xffff, v27  }
0x35b: {  	v27 =	vor.u32 $0x11, v5;
	v28 =	vld.idx.msk [tilespmem:v28+s23+$0x0], $0xffff  }
0x35c: {  	v29 =	vadd.s32 $0x5900, v41;
	_ =	sdelay $0x3  }
0x35d: {  	[tilespmem:v27+s20+$0x0] =	vst.idx.msk $0xffff, v28  }
0x35e: {  	v28 =	vor.u32 $0x12, v5;
	v29 =	vld.idx.msk [tilespmem:v29+s23+$0x0], $0xffff  }
0x35f: {  	v30 =	vadd.s32 $0x5980, v41;
	_ =	sdelay $0x3  }
0x360: {  	[tilespmem:v28+s20+$0x0] =	vst.idx.msk $0xffff, v29  }
0x361: {  	v29 =	vor.u32 $0x13, v5;
	v30 =	vld.idx.msk [tilespmem:v30+s23+$0x0], $0xffff  }
0x362: {  	v31 =	vadd.s32 $0x5A00, v41;
	_ =	sdelay $0x3  }
0x363: {  	[tilespmem:v29+s20+$0x0] =	vst.idx.msk $0xffff, v30  }
0x364: {  	v30 =	vor.u32 $0x14, v5;
	v31 =	vld.idx.msk [tilespmem:v31+s23+$0x0], $0xffff  }
0x365: {  	v32 =	vadd.s32 $0x5A80, v41;
	_ =	sdelay $0x3  }
0x366: {  	[tilespmem:v30+s20+$0x0] =	vst.idx.msk $0xffff, v31  }
0x367: {  	v31 =	vor.u32 $0x15, v5;
	v32 =	vld.idx.msk [tilespmem:v32+s23+$0x0], $0xffff  }
0x368: {  	v33 =	vadd.s32 $0x5B00, v41;
	_ =	sdelay $0x3  }
0x369: {  	[tilespmem:v31+s20+$0x0] =	vst.idx.msk $0xffff, v32  }
0x36a: {  	v32 =	vor.u32 $0x16, v5;
	v33 =	vld.idx.msk [tilespmem:v33+s23+$0x0], $0xffff  }
0x36b: {  	v34 =	vadd.s32 $0x5B80, v41;
	_ =	sdelay $0x3  }
0x36c: {  	[tilespmem:v32+s20+$0x0] =	vst.idx.msk $0xffff, v33  }
0x36d: {  	v33 =	vor.u32 $0x17, v5;
	v34 =	vld.idx.msk [tilespmem:v34+s23+$0x0], $0xffff  }
0x36e: {  	v35 =	vadd.s32 $0x8400, v41;
	_ =	sdelay $0x3  }
0x36f: {  	[tilespmem:v33+s20+$0x0] =	vst.idx.msk $0xffff, v34  }
0x370: {  	v34 =	vor.u32 $0x18, v5;
	v35 =	vld.idx.msk [tilespmem:v35+s23+$0x0], $0xffff  }
0x371: {  	v36 =	vadd.s32 $0x8480, v41;
	_ =	sdelay $0x3  }
0x372: {  	[tilespmem:v34+s20+$0x0] =	vst.idx.msk $0xffff, v35  }
0x373: {  	v35 =	vor.u32 $0x19, v5;
	v36 =	vld.idx.msk [tilespmem:v36+s23+$0x0], $0xffff  }
0x374: {  	v37 =	vadd.s32 $0x8500, v41;
	_ =	sdelay $0x3  }
0x375: {  	[tilespmem:v35+s20+$0x0] =	vst.idx.msk $0xffff, v36  }
0x376: {  	v36 =	vor.u32 $0x1A, v5;
	v37 =	vld.idx.msk [tilespmem:v37+s23+$0x0], $0xffff  }
0x377: {  	v38 =	vadd.s32 $0x8580, v41;
	_ =	sdelay $0x3  }
0x378: {  	[tilespmem:v36+s20+$0x0] =	vst.idx.msk $0xffff, v37  }
0x379: {  	v37 =	vor.u32 $0x1B, v5;
	v38 =	vld.idx.msk [tilespmem:v38+s23+$0x0], $0xffff  }
0x37a: {  	v39 =	vadd.s32 $0x8600, v41;
	_ =	sdelay $0x3  }
0x37b: {  	[tilespmem:v37+s20+$0x0] =	vst.idx.msk $0xffff, v38  }
0x37c: {  	v38 =	vor.u32 $0x1C, v5;
	v39 =	vld.idx.msk [tilespmem:v39+s23+$0x0], $0xffff  }
0x37d: {  	v40 =	vadd.s32 $0x8680, v41;
	_ =	sdelay $0x3  }
0x37e: {  	[tilespmem:v38+s20+$0x0] =	vst.idx.msk $0xffff, v39  }
0x37f: {  	v39 =	vor.u32 $0x1D, v5;
	v40 =	vld.idx.msk [tilespmem:v40+s23+$0x0], $0xffff  }
0x380: {  	v42 =	vadd.s32 $0x8700, v41;
	_ =	sdelay $0x3  }
0x381: {  	[tilespmem:v39+s20+$0x0] =	vst.idx.msk $0xffff, v40  }
0x382: {  	v40 =	vor.u32 $0x1E, v5;
	v42 =	vld.idx.msk [tilespmem:v42+s23+$0x0], $0xffff  }
0x383: {  	v41 =	vadd.s32 $0x8780, v41;
	_ =	sdelay $0x3  }
0x384: {  	[tilespmem:v40+s20+$0x0] =	vst.idx.msk $0xffff, v42  }
0x385: {  	p1 =	sne.s32 s8, $0x1;
	v42 =	vld.idx.msk [tilespmem:v41+s23+$0x0], $0xffff;
	v41 =	vor.u32 $0x1F, v5  }
.Ltmp13:
0x386: {  	_ = 	snop;
	(pc) =	sbr.rel @!p1 .LBB2_19-.Ltmp13, $2  }
0x387: {  	_ =	sdelay $0x2  }
0x388: {  	s30 =	sadd.s32 $0xFFFFFFFF, s8;
	s1 =	simm.s32 $0x5090;
	[tilespmem:v41+s20+$0x0] =	vst.idx.msk $0xffff, v42  }
.LBB2_18:
0x389: {  	[hbm4b:s4+s18] =	stream.indirect.scatter [tilespmem:s20], [sflag:$0x3], $0x80, s19, s18, $0xb8;
	[tilespmem:$0x1F980] =	vst v63  }
0x38a: {  	p1 =	sne.s32 s30, $0x1;
	s30 =	sadd.s32 $0xFFFFFFFF, s30;
	v42 =	vld [tilespmem:s1+$0x0];
	_ =	sdelay $0x4  }
0x38b: {  	v43 =	vand.u32 $0x7F80, v42;
	v44 =	vshra.s32 v42, $0xF  }
0x38c: {  	v43 =	vsub.s32 v43, v12  }
0x38d: {  	v42 =	vand.u32 $0x7F, v42;
	v43 =	vshll.u32 v43, $0x3  }
0x38e: {  	v42 =	vor.u32 v42, v43  }
0x38f: {  	_ =	swait.ge [sflag:s25], $0x800  }
0x390: {  	[sflag:s25] =	ssyncset.done $0x0  }
0x391: {  	[sflag:s25] =	ssyncadd.s32 $0xFFFFF800  }
0x392: {  	[tilespmem:$0x1F900] =	vst v44  }
0x393: {  	v43 =	vld.idx.msk [tilespmem:v42+s23+$0x0], $0xffff;
	_ =	sdelay $0x1  }
0x394: {  	v44 =	vadd.s32 $0x80, v42;
	_ =	sdelay $0x3  }
0x395: {  	[tilespmem:v5+s20+$0x0] =	vst.idx.msk $0xffff, v43  }
0x396: {  	v43 =	vld.idx.msk [tilespmem:v44+s23+$0x0], $0xffff;
	_ =	sdelay $0x1  }
0x397: {  	v44 =	vadd.s32 $0x100, v42;
	_ =	sdelay $0x3  }
0x398: {  	[tilespmem:v10+s20+$0x0] =	vst.idx.msk $0xffff, v43  }
0x399: {  	v43 =	vld.idx.msk [tilespmem:v44+s23+$0x0], $0xffff;
	_ =	sdelay $0x1  }
0x39a: {  	v44 =	vadd.s32 $0x180, v42;
	_ =	sdelay $0x3  }
0x39b: {  	[tilespmem:v11+s20+$0x0] =	vst.idx.msk $0xffff, v43  }
0x39c: {  	v43 =	vld.idx.msk [tilespmem:v44+s23+$0x0], $0xffff;
	_ =	sdelay $0x1  }
0x39d: {  	v44 =	vadd.s32 $0x200, v42;
	_ =	sdelay $0x3  }
0x39e: {  	[tilespmem:v13+s20+$0x0] =	vst.idx.msk $0xffff, v43  }
0x39f: {  	v43 =	vld.idx.msk [tilespmem:v44+s23+$0x0], $0xffff;
	_ =	sdelay $0x1  }
0x3a0: {  	v44 =	vadd.s32 $0x280, v42;
	_ =	sdelay $0x3  }
0x3a1: {  	[tilespmem:v14+s20+$0x0] =	vst.idx.msk $0xffff, v43  }
0x3a2: {  	v43 =	vld.idx.msk [tilespmem:v44+s23+$0x0], $0xffff;
	_ =	sdelay $0x1  }
0x3a3: {  	v44 =	vadd.s32 $0x300, v42;
	_ =	sdelay $0x3  }
0x3a4: {  	[tilespmem:v15+s20+$0x0] =	vst.idx.msk $0xffff, v43  }
0x3a5: {  	v43 =	vld.idx.msk [tilespmem:v44+s23+$0x0], $0xffff;
	_ =	sdelay $0x1  }
0x3a6: {  	v44 =	vadd.s32 $0x380, v42;
	_ =	sdelay $0x3  }
0x3a7: {  	[tilespmem:v16+s20+$0x0] =	vst.idx.msk $0xffff, v43  }
0x3a8: {  	v43 =	vld.idx.msk [tilespmem:v44+s23+$0x0], $0xffff;
	_ =	sdelay $0x1  }
0x3a9: {  	v44 =	vadd.s32 $0x2C00, v42;
	_ =	sdelay $0x3  }
0x3aa: {  	[tilespmem:v17+s20+$0x0] =	vst.idx.msk $0xffff, v43  }
0x3ab: {  	v43 =	vld.idx.msk [tilespmem:v44+s23+$0x0], $0xffff;
	_ =	sdelay $0x1  }
0x3ac: {  	v44 =	vadd.s32 $0x2C80, v42;
	_ =	sdelay $0x3  }
0x3ad: {  	[tilespmem:v18+s20+$0x0] =	vst.idx.msk $0xffff, v43  }
0x3ae: {  	v43 =	vld.idx.msk [tilespmem:v44+s23+$0x0], $0xffff;
	_ =	sdelay $0x1  }
0x3af: {  	v44 =	vadd.s32 $0x2D00, v42;
	_ =	sdelay $0x3  }
0x3b0: {  	[tilespmem:v19+s20+$0x0] =	vst.idx.msk $0xffff, v43  }
0x3b1: {  	v43 =	vld.idx.msk [tilespmem:v44+s23+$0x0], $0xffff;
	_ =	sdelay $0x1  }
0x3b2: {  	v44 =	vadd.s32 $0x2D80, v42;
	_ =	sdelay $0x3  }
0x3b3: {  	[tilespmem:v20+s20+$0x0] =	vst.idx.msk $0xffff, v43  }
0x3b4: {  	v43 =	vld.idx.msk [tilespmem:v44+s23+$0x0], $0xffff;
	_ =	sdelay $0x1  }
0x3b5: {  	v44 =	vadd.s32 $0x2E00, v42;
	_ =	sdelay $0x3  }
0x3b6: {  	[tilespmem:v21+s20+$0x0] =	vst.idx.msk $0xffff, v43  }
0x3b7: {  	v43 =	vld.idx.msk [tilespmem:v44+s23+$0x0], $0xffff;
	_ =	sdelay $0x1  }
0x3b8: {  	v44 =	vadd.s32 $0x2E80, v42;
	_ =	sdelay $0x3  }
0x3b9: {  	[tilespmem:v22+s20+$0x0] =	vst.idx.msk $0xffff, v43  }
0x3ba: {  	v43 =	vld.idx.msk [tilespmem:v44+s23+$0x0], $0xffff;
	_ =	sdelay $0x1  }
0x3bb: {  	v44 =	vadd.s32 $0x2F00, v42;
	_ =	sdelay $0x3  }
0x3bc: {  	[tilespmem:v23+s20+$0x0] =	vst.idx.msk $0xffff, v43  }
0x3bd: {  	v43 =	vld.idx.msk [tilespmem:v44+s23+$0x0], $0xffff;
	_ =	sdelay $0x1  }
0x3be: {  	v44 =	vadd.s32 $0x2F80, v42;
	_ =	sdelay $0x3  }
0x3bf: {  	[tilespmem:v24+s20+$0x0] =	vst.idx.msk $0xffff, v43  }
0x3c0: {  	v43 =	vld.idx.msk [tilespmem:v44+s23+$0x0], $0xffff;
	_ =	sdelay $0x1  }
0x3c1: {  	v44 =	vadd.s32 $0x5800, v42;
	_ =	sdelay $0x3  }
0x3c2: {  	[tilespmem:v25+s20+$0x0] =	vst.idx.msk $0xffff, v43  }
0x3c3: {  	v43 =	vld.idx.msk [tilespmem:v44+s23+$0x0], $0xffff;
	_ =	sdelay $0x1  }
0x3c4: {  	v44 =	vadd.s32 $0x5880, v42;
	_ =	sdelay $0x3  }
0x3c5: {  	[tilespmem:v26+s20+$0x0] =	vst.idx.msk $0xffff, v43  }
0x3c6: {  	v43 =	vld.idx.msk [tilespmem:v44+s23+$0x0], $0xffff;
	_ =	sdelay $0x1  }
0x3c7: {  	v44 =	vadd.s32 $0x5900, v42;
	_ =	sdelay $0x3  }
0x3c8: {  	[tilespmem:v27+s20+$0x0] =	vst.idx.msk $0xffff, v43  }
0x3c9: {  	v43 =	vld.idx.msk [tilespmem:v44+s23+$0x0], $0xffff;
	_ =	sdelay $0x1  }
0x3ca: {  	v44 =	vadd.s32 $0x5980, v42;
	_ =	sdelay $0x3  }
0x3cb: {  	[tilespmem:v28+s20+$0x0] =	vst.idx.msk $0xffff, v43  }
0x3cc: {  	v43 =	vld.idx.msk [tilespmem:v44+s23+$0x0], $0xffff;
	_ =	sdelay $0x1  }
0x3cd: {  	v44 =	vadd.s32 $0x5A00, v42;
	_ =	sdelay $0x3  }
0x3ce: {  	[tilespmem:v29+s20+$0x0] =	vst.idx.msk $0xffff, v43  }
0x3cf: {  	v43 =	vld.idx.msk [tilespmem:v44+s23+$0x0], $0xffff;
	_ =	sdelay $0x1  }
0x3d0: {  	v44 =	vadd.s32 $0x5A80, v42;
	_ =	sdelay $0x3  }
0x3d1: {  	[tilespmem:v30+s20+$0x0] =	vst.idx.msk $0xffff, v43  }
0x3d2: {  	v43 =	vld.idx.msk [tilespmem:v44+s23+$0x0], $0xffff;
	_ =	sdelay $0x1  }
0x3d3: {  	v44 =	vadd.s32 $0x5B00, v42;
	_ =	sdelay $0x3  }
0x3d4: {  	[tilespmem:v31+s20+$0x0] =	vst.idx.msk $0xffff, v43  }
0x3d5: {  	v43 =	vld.idx.msk [tilespmem:v44+s23+$0x0], $0xffff;
	_ =	sdelay $0x1  }
0x3d6: {  	v44 =	vadd.s32 $0x5B80, v42;
	_ =	sdelay $0x3  }
0x3d7: {  	[tilespmem:v32+s20+$0x0] =	vst.idx.msk $0xffff, v43  }
0x3d8: {  	v43 =	vld.idx.msk [tilespmem:v44+s23+$0x0], $0xffff;
	_ =	sdelay $0x1  }
0x3d9: {  	v44 =	vadd.s32 $0x8400, v42;
	_ =	sdelay $0x3  }
0x3da: {  	[tilespmem:v33+s20+$0x0] =	vst.idx.msk $0xffff, v43  }
0x3db: {  	v43 =	vld.idx.msk [tilespmem:v44+s23+$0x0], $0xffff;
	_ =	sdelay $0x1  }
0x3dc: {  	v44 =	vadd.s32 $0x8480, v42;
	_ =	sdelay $0x3  }
0x3dd: {  	[tilespmem:v34+s20+$0x0] =	vst.idx.msk $0xffff, v43  }
0x3de: {  	v43 =	vld.idx.msk [tilespmem:v44+s23+$0x0], $0xffff;
	_ =	sdelay $0x1  }
0x3df: {  	v44 =	vadd.s32 $0x8500, v42;
	_ =	sdelay $0x3  }
0x3e0: {  	[tilespmem:v35+s20+$0x0] =	vst.idx.msk $0xffff, v43  }
0x3e1: {  	v43 =	vld.idx.msk [tilespmem:v44+s23+$0x0], $0xffff;
	_ =	sdelay $0x1  }
0x3e2: {  	v44 =	vadd.s32 $0x8580, v42;
	_ =	sdelay $0x3  }
0x3e3: {  	[tilespmem:v36+s20+$0x0] =	vst.idx.msk $0xffff, v43  }
0x3e4: {  	v43 =	vld.idx.msk [tilespmem:v44+s23+$0x0], $0xffff;
	_ =	sdelay $0x1  }
0x3e5: {  	v44 =	vadd.s32 $0x8600, v42;
	_ =	sdelay $0x3  }
0x3e6: {  	[tilespmem:v37+s20+$0x0] =	vst.idx.msk $0xffff, v43  }
0x3e7: {  	v43 =	vld.idx.msk [tilespmem:v44+s23+$0x0], $0xffff;
	_ =	sdelay $0x1  }
0x3e8: {  	v44 =	vadd.s32 $0x8680, v42;
	_ =	sdelay $0x3  }
0x3e9: {  	[tilespmem:v38+s20+$0x0] =	vst.idx.msk $0xffff, v43  }
0x3ea: {  	v43 =	vld.idx.msk [tilespmem:v44+s23+$0x0], $0xffff;
	_ =	sdelay $0x1  }
0x3eb: {  	v44 =	vadd.s32 $0x8700, v42;
	_ =	sdelay $0x3  }
0x3ec: {  	[tilespmem:v39+s20+$0x0] =	vst.idx.msk $0xffff, v43  }
0x3ed: {  	v43 =	vld.idx.msk [tilespmem:v44+s23+$0x0], $0xffff;
	_ =	sdelay $0x1  }
0x3ee: {  	v42 =	vadd.s32 $0x8780, v42;
	_ =	sdelay $0x3  }
0x3ef: {  	[tilespmem:v40+s20+$0x0] =	vst.idx.msk $0xffff, v43  }
0x3f0: {  	v42 =	vld.idx.msk [tilespmem:v42+s23+$0x0], $0xffff;
	_ =	sdelay $0x1  }
.Ltmp14:
0x3f1: {  	(pc) =	sbr.rel @p1 .LBB2_18-.Ltmp14, $2  }
0x3f2: {  	_ =	sdelay $0x2  }
0x3f3: {  	s1 =	sadd.s32 $0x10, s1;
	[tilespmem:v41+s20+$0x0] =	vst.idx.msk $0xffff, v42  }
.LBB2_19:
0x3f4: {  	[hbm4b:s4+s18] =	stream.indirect.scatter [tilespmem:s20], [sflag:$0x3], $0x80, s19, s18, $0xb8;
	[tilespmem:$0x1F980] =	vst v63  }
.LBB2_20:
0x3f5: {  	s1 =	sadd.s32 s29, s13  }
0x3f6: {  	s1 =	sshll.u32 s1, $0x7  }
0x3f7: {  	s1 =	smin.u32 s1, $0xF3C80  }
.Ltmp15:
0x3f8: {  	s1 =	sadd.s32 s3, s1;
	(pc) =	sbr.rel @p0 .LBB2_21-.Ltmp15, $4  }
0x3f9: {  	[tilespmem:s23], [sflag:$0x1] =	stream.strided.gather [hbm4b:s1+s21], $0xB000, s22, s21, $0x38;
	[tilespmem:$0x1F980] =	vst v63  }
0x3fa: {  	_ =	swait.ge [sflag:s26], $0xB000  }
0x3fb: {  	[sflag:s26] =	ssyncset.done $0x0  }
0x3fc: {  	s1 =	ssub.s32 s28, s6;
	[sflag:s26] =	ssyncadd.s32 $0xFFFF5000  }
0x3fd: {  	s29 =	simm.s32 $0x1020  }
0x3fe: {  	v14 =	vld [tilespmem:s29+$0xFFFFFFE0]  }
0x3ff: {  	p2 =	sne.s32 s2, $0x1  }
.Ltmp16:
0x400: {  	_ = 	snop;
	(pc) =	sbr.rel @!p2 .LBB2_23-.Ltmp16, $4  }
0x401: {  	s8 =	smax.u32 s28, s6  }
0x402: {  	s9 =	sadd.s32 $0x580, s1;
	s8 =	ssub.s32 s8, s6  }
0x403: {  	v13 =	vmov s9;
	v12 =	vmov s8;
	v15 =	vand.u32 $0x7FFF, v14  }
0x404: {  	p1 =	por $0x0, $0x0;
	s9 =	sadd.s32 $0xFFFFFFFF, s2;
	s8 =	simm.s32 $0x0;
	vm0 =	vge.s32 v15, v12;
	vm1 =	vlt.s32 v15, v13  }
0x405: {  	vm0 =	vmand vm0, vm1  }
0x406: {  	[tilespmem:s8+$0x5080] =	vst.msk vm0, v14;
	v14 =	vmpcnt.ones.xlane vm0  }
0x407: {  	v15 =	vld [tilespmem:s29+$0xFFFFFFF0]  }
0x408: {  	v14 =	vxor.u32 $0x80000000, v14  }
0x409: {  	(xrf0) =	vmax.scan.msk.u32 $0xffff, v14;
	_ =	sdelay $0x2  }
0x40a: {  	v14 =	vand.u32 $0x7FFF, v15  }
0x40b: {  	vm0 =	vge.s32 v14, v12;
	vm1 =	vlt.s32 v14, v13  }
0x40c: {  	vm0 =	vmand vm0, vm1  }
0x40d: {  	v14 =	vmpcnt.ones.xlane vm0;
	v16, _, _ =	vpop (xrf0)  }
0x40e: {  	(v2sf) =	vpush v16, $0xF  }
0x40f: {  	v14 =	vxor.u32 $0x80000000, v14  }
0x410: {  	(xrf0) =	vmax.scan.msk.u32 $0xffff, v14;
	_ =	sdelay $0x5  }
0x411: {  	v14, _, _ =	vpop (xrf0)  }
0x412: {  	(v2sf) =	vpush v14, $0xF;
	_ =	sdelay $0x5  }
0x413: {  	s10 =	spop (v2sf)  }
0x414: {  	s10 =	sadd.s32 $0x0, s10  }
0x415: {  	s10 =	sadd.s32 $0x80000000, s10  }
0x416: {  	[tilespmem:s10+$0x5080] =	vst.msk vm0, v15  }
0x417: {  	v14 =	vld [tilespmem:s29+$0x0];
	_ =	sdelay $0x4  }
0x418: {  	v15 =	vand.u32 $0x7FFF, v14;
	s11 =	spop (v2sf)  }
0x419: {  	s10 =	sadd.s32 s11, s10;
	vm0 =	vge.s32 v15, v12;
	vm1 =	vlt.s32 v15, v13  }
0x41a: {  	s10 =	sadd.s32 $0x80000000, s10;
	vm0 =	vmand vm0, vm1  }
0x41b: {  	[tilespmem:s10+$0x5080] =	vst.msk vm0, v14;
	v14 =	vmpcnt.ones.xlane vm0  }
0x41c: {  	v15 =	vld [tilespmem:s29+$0x10]  }
0x41d: {  	v14 =	vxor.u32 $0x80000000, v14  }
0x41e: {  	(xrf0) =	vmax.scan.msk.u32 $0xffff, v14;
	_ =	sdelay $0x2  }
0x41f: {  	v14 =	vand.u32 $0x7FFF, v15  }
0x420: {  	vm0 =	vge.s32 v14, v12;
	vm1 =	vlt.s32 v14, v13  }
0x421: {  	vm0 =	vmand vm0, vm1  }
0x422: {  	v14 =	vmpcnt.ones.xlane vm0;
	v63, _, _ =	vpop (xrf0)  }
0x423: {  	(v2sf) =	vpush v63, $0xF  }
0x424: {  	v14 =	vxor.u32 $0x80000000, v14  }
0x425: {  	(xrf0) =	vmax.scan.msk.u32 $0xffff, v14;
	_ =	sdelay $0x5  }
0x426: {  	v14, _, _ =	vpop (xrf0)  }
0x427: {  	(v2sf) =	vpush v14, $0xF;
	_ =	sdelay $0x5  }
0x428: {  	s28 =	spop (v2sf)  }
0x429: {  	s10 =	sadd.s32 s28, s10  }
0x42a: {  	s10 =	sadd.s32 $0x80000000, s10  }
0x42b: {  	s29 =	simm.s32 $0x1060;
	[tilespmem:s10+$0x5080] =	vst.msk vm0, v15  }
0x42c: {  	v14 =	vld [tilespmem:s29+$0xFFFFFFE0]  }
0x42d: {  	p2 =	sne.s32 s9, $0x1  }
.Ltmp17:
0x42e: {  	_ = 	snop;
	(pc) =	sbr.rel @!p2 .LBB2_26-.Ltmp17, $3  }
0x42f: {  	_ =	sdelay $0x1  }
0x430: {  	v15 =	vand.u32 $0x7FFF, v14;
	s30 =	spop (v2sf)  }
0x431: {  	s9 =	sadd.s32 $0xFFFFFFFF, s9;
	p1 =	por $0x1, $0x1;
	vm0 =	vge.s32 v15, v12;
	vm1 =	vlt.s32 v15, v13;
	s10 =	sadd.s32 s30, s10  }
.LBB2_25:
0x432: {  	p2 =	sne.s32 s9, $0x1;
	s9 =	sadd.s32 $0xFFFFFFFF, s9;
	vm0 =	vmand vm0, vm1;
	s10 =	sadd.s32 $0x80000000, s10  }
0x433: {  	[tilespmem:s10+$0x5080] =	vst.msk vm0, v14;
	v14 =	vmpcnt.ones.xlane vm0  }
0x434: {  	v15 =	vld [tilespmem:s29+$0xFFFFFFF0]  }
0x435: {  	v14 =	vxor.u32 $0x80000000, v14  }
0x436: {  	(xrf0) =	vmax.scan.msk.u32 $0xffff, v14;
	_ =	sdelay $0x2  }
0x437: {  	v14 =	vand.u32 $0x7FFF, v15  }
0x438: {  	vm0 =	vge.s32 v14, v12;
	vm1 =	vlt.s32 v14, v13  }
0x439: {  	vm0 =	vmand vm0, vm1  }
0x43a: {  	v14 =	vmpcnt.ones.xlane vm0;
	v16, _, _ =	vpop (xrf0)  }
0x43b: {  	(v2sf) =	vpush v16, $0xF  }
0x43c: {  	v14 =	vxor.u32 $0x80000000, v14  }
0x43d: {  	(xrf0) =	vmax.scan.msk.u32 $0xffff, v14;
	_ =	sdelay $0x5  }
0x43e: {  	v14, _, _ =	vpop (xrf0)  }
0x43f: {  	(v2sf) =	vpush v14, $0xF;
	_ =	sdelay $0x5  }
0x440: {  	s11 =	spop (v2sf)  }
0x441: {  	s10 =	sadd.s32 s11, s10  }
0x442: {  	s10 =	sadd.s32 $0x80000000, s10  }
0x443: {  	[tilespmem:s10+$0x5080] =	vst.msk vm0, v15  }
0x444: {  	v14 =	vld [tilespmem:s29+$0x0];
	_ =	sdelay $0x4  }
0x445: {  	v15 =	vand.u32 $0x7FFF, v14;
	s11 =	spop (v2sf)  }
0x446: {  	s10 =	sadd.s32 s11, s10;
	vm0 =	vge.s32 v15, v12;
	vm1 =	vlt.s32 v15, v13  }
0x447: {  	s10 =	sadd.s32 $0x80000000, s10;
	vm0 =	vmand vm0, vm1  }
0x448: {  	[tilespmem:s10+$0x5080] =	vst.msk vm0, v14;
	v14 =	vmpcnt.ones.xlane vm0  }
0x449: {  	v15 =	vld [tilespmem:s29+$0x10]  }
0x44a: {  	v14 =	vxor.u32 $0x80000000, v14  }
0x44b: {  	(xrf0) =	vmax.scan.msk.u32 $0xffff, v14;
	_ =	sdelay $0x2  }
0x44c: {  	v14 =	vand.u32 $0x7FFF, v15  }
0x44d: {  	vm0 =	vge.s32 v14, v12;
	vm1 =	vlt.s32 v14, v13  }
0x44e: {  	vm0 =	vmand vm0, vm1  }
0x44f: {  	v14 =	vmpcnt.ones.xlane vm0;
	v16, _, _ =	vpop (xrf0)  }
0x450: {  	(v2sf) =	vpush v16, $0xF  }
0x451: {  	v14 =	vxor.u32 $0x80000000, v14  }
0x452: {  	(xrf0) =	vmax.scan.msk.u32 $0xffff, v14;
	_ =	sdelay $0x5  }
0x453: {  	v14, _, _ =	vpop (xrf0)  }
0x454: {  	(v2sf) =	vpush v14, $0xF;
	_ =	sdelay $0x5  }
0x455: {  	s11 =	spop (v2sf)  }
0x456: {  	s10 =	sadd.s32 s11, s10  }
0x457: {  	s10 =	sadd.s32 $0x80000000, s10  }
0x458: {  	s29 =	sadd.s32 $0x40, s29;
	[tilespmem:s10+$0x5080] =	vst.msk vm0, v15  }
0x459: {  	v14 =	vld [tilespmem:s29+$0xFFFFFFE0];
	_ =	sdelay $0x1  }
.Ltmp18:
0x45a: {  	(pc) =	sbr.rel @p2 .LBB2_25-.Ltmp18, $3  }
0x45b: {  	_ =	sdelay $0x1  }
0x45c: {  	v15 =	vand.u32 $0x7FFF, v14;
	s11 =	spop (v2sf)  }
0x45d: {  	vm0 =	vge.s32 v15, v12;
	vm1 =	vlt.s32 v15, v13;
	s10 =	sadd.s32 s11, s10  }
.LBB2_26:
0x45e: {  	s9 =	sadd.s32 @p1 $0x80000000, s10  }
0x45f: {  	vm0 =	vmand vm0, vm1;
	s8 =	smov.u32 @p1 s9  }
0x460: {  	v52 =	vmpcnt.ones.xlane vm0;
	[tilespmem:s8+$0x5080] =	vst.msk vm0, v14  }
0x461: {  	v15 =	vld [tilespmem:s29+$0xFFFFFFF0]  }
0x462: {  	v14 =	vxor.u32 $0x80000000, v52  }
0x463: {  	(xrf0) =	vmax.scan.msk.u32 $0xffff, v14;
	_ =	sdelay $0x2  }
0x464: {  	v53 =	vand.u32 $0x7FFF, v15  }
0x465: {  	vm10 =	vge.s32 v53, v12;
	vm11 =	vlt.s32 v53, v13  }
0x466: {  	vm0 =	vmand vm10, vm11  }
0x467: {  	v16, _, _ =	vpop (xrf0);
	v54 =	vmpcnt.ones.xlane vm0  }
0x468: {  	(v2sf) =	vpush v16, $0xF  }
0x469: {  	v14 =	vxor.u32 $0x80000000, v54  }
0x46a: {  	(xrf0) =	vmax.scan.msk.u32 $0xffff, v14;
	_ =	sdelay $0x5  }
0x46b: {  	v14, _, _ =	vpop (xrf0)  }
0x46c: {  	(v2sf) =	vpush v14, $0xF;
	_ =	sdelay $0x5  }
0x46d: {  	s11 =	spop (v2sf)  }
0x46e: {  	s8 =	sadd.s32 s11, s8  }
0x46f: {  	s8 =	sadd.s32 $0x80000000, s8  }
0x470: {  	[tilespmem:s8+$0x5080] =	vst.msk vm0, v15  }
0x471: {  	v55 =	vld [tilespmem:s29+$0x0];
	_ =	sdelay $0x4  }
0x472: {  	v56 =	vand.u32 $0x7FFF, v55;
	s28 =	spop (v2sf)  }
0x473: {  	vm12 =	vge.s32 v56, v12;
	vm13 =	vlt.s32 v56, v13;
	s8 =	sadd.s32 s28, s8  }
0x474: {  	vm0 =	vmand vm12, vm13;
	s8 =	sadd.s32 $0x80000000, s8  }
0x475: {  	[tilespmem:s8+$0x5080] =	vst.msk vm0, v55  }
0x476: {  	v14 =	vld [tilespmem:s29+$0x10];
	_ =	sdelay $0x4  }
0x477: {  	v57 =	vand.u32 $0x7FFF, v14  }
0x478: {  	v58 =	vmpcnt.ones.xlane vm0;
	vm14 =	vge.s32 v57, v12;
	vm15 =	vlt.s32 v57, v13  }
0x479: {  	vm0 =	vmand vm14, vm15  }
0x47a: {  	v59 =	vxor.u32 $0x80000000, v58;
	v60 =	vmpcnt.ones.xlane vm0  }
0x47b: {  	(xrf0) =	vmax.scan.msk.u32 $0xffff, v59  }
0x47c: {  	v61 =	vxor.u32 $0x80000000, v60  }
0x47d: {  	(xrf0) =	vmax.scan.msk.u32 $0xffff, v61;
	_ =	sdelay $0x3  }
0x47e: {  	v62, _, _ =	vpop (xrf0)  }
0x47f: {  	(v2sf) =	vpush v62, $0xF  }
0x480: {  	v63, _, _ =	vpop (xrf0)  }
0x481: {  	(v2sf) =	vpush v63, $0xF;
	_ =	sdelay $0xc  }
.Ltmp19:
0x482: {  	s29 =	spop (v2sf);
	(pc) =	sbr.rel .LBB2_27-.Ltmp19, $4  }
0x483: {  	s8 =	sadd.s32 s29, s8  }
0x484: {  	s8 =	sadd.s32 $0x80000000, s8;
	s30 =	spop (v2sf)  }
0x485: {  	s9 =	sadd.s32 s30, s8  }
0x486: {  	[tilespmem:s8+$0x5080] =	vst.msk vm0, v14;
	s9 =	sadd.s32 $0x80000000, s9  }
.LBB2_21:
0x487: {  	s9 =	simm.s32 $0x0  }
.LBB2_27:
0x488: {  	s8 =	sadd.s32 $0xF, s9  }
0x489: {  	s10 =	sand.u32 $0xF, s8  }
0x48a: {  	s30 =	sshra.s32 s8, $0x1F;
	p2 =	slt.s32 s8, $0x1;
	p1 =	sne.s32 s10, $0x0  }
0x48b: {  	s10 =	sshrl.u32 s30, $0x1C;
	p1 =	por !p2, !p1  }
0x48c: {  	s8 =	sadd.s32 s10, s8;
	s10 =	simm.s32 $0x1;
	p1 =	por !p1, !p1  }
0x48d: {  	s8 =	sshra.s32 s8, $0x4;
	s10 =	simm.s32 @!p1 $0x0  }
0x48e: {  	s8 =	ssub.s32 s8, s10  }
0x48f: {  	p1 =	slt.s32 s8, $0x1  }
.Ltmp20:
0x490: {  	_ = 	snop;
	(pc) =	sbr.rel @p1 .LBB2_31-.Ltmp20, $3  }
0x491: {  	_ =	sdelay $0x1  }
0x492: {  	v12 =	vor.u32 s1, v4  }
0x493: {  	[tilespmem:s9+$0x5080] =	vst v12  }
0x494: {  	s9 =	simm.s32 $0x5080  }
0x495: {  	v13 =	vld [tilespmem:s9+$0x0];
	_ =	sdelay $0x4  }
0x496: {  	v12 =	vmov s1;
	v14 =	vand.u32 $0x7F80, v13  }
0x497: {  	v14 =	vsub.s32 v14, v12  }
0x498: {  	v15 =	vand.u32 $0x7F, v13;
	v14 =	vshll.u32 v14, $0x3  }
0x499: {  	v41 =	vor.u32 v15, v14  }
0x49a: {  	_ =	swait.ge [sflag:s25], $0x800  }
0x49b: {  	[sflag:s25] =	ssyncset.done $0x0  }
0x49c: {  	[sflag:s25] =	ssyncadd.s32 $0xFFFFF800;
	v13 =	vshra.s32 v13, $0xF  }
0x49d: {  	[tilespmem:$0x1F900] =	vst v13  }
0x49e: {  	v13 =	vld.idx.msk [tilespmem:v41+s24+$0x0], $0xffff  }
0x49f: {  	v14 =	vadd.s32 $0x80, v41;
	_ =	sdelay $0x3  }
0x4a0: {  	[tilespmem:v5+s20+$0x0] =	vst.idx.msk $0xffff, v13  }
0x4a1: {  	v13 =	vld.idx.msk [tilespmem:v14+s24+$0x0], $0xffff  }
0x4a2: {  	v14 =	vadd.s32 $0x100, v41;
	_ =	sdelay $0x3  }
0x4a3: {  	[tilespmem:v10+s20+$0x0] =	vst.idx.msk $0xffff, v13  }
0x4a4: {  	v13 =	vld.idx.msk [tilespmem:v14+s24+$0x0], $0xffff  }
0x4a5: {  	v14 =	vadd.s32 $0x180, v41;
	_ =	sdelay $0x3  }
0x4a6: {  	[tilespmem:v11+s20+$0x0] =	vst.idx.msk $0xffff, v13  }
0x4a7: {  	v13 =	vor.u32 $0x3, v5;
	v14 =	vld.idx.msk [tilespmem:v14+s24+$0x0], $0xffff  }
0x4a8: {  	v15 =	vadd.s32 $0x200, v41;
	_ =	sdelay $0x3  }
0x4a9: {  	[tilespmem:v13+s20+$0x0] =	vst.idx.msk $0xffff, v14  }
0x4aa: {  	v14 =	vor.u32 $0x4, v5;
	v15 =	vld.idx.msk [tilespmem:v15+s24+$0x0], $0xffff  }
0x4ab: {  	v16 =	vadd.s32 $0x280, v41;
	_ =	sdelay $0x3  }
0x4ac: {  	[tilespmem:v14+s20+$0x0] =	vst.idx.msk $0xffff, v15  }
0x4ad: {  	v15 =	vor.u32 $0x5, v5;
	v16 =	vld.idx.msk [tilespmem:v16+s24+$0x0], $0xffff  }
0x4ae: {  	v17 =	vadd.s32 $0x300, v41;
	_ =	sdelay $0x3  }
0x4af: {  	[tilespmem:v15+s20+$0x0] =	vst.idx.msk $0xffff, v16  }
0x4b0: {  	v16 =	vor.u32 $0x6, v5;
	v17 =	vld.idx.msk [tilespmem:v17+s24+$0x0], $0xffff  }
0x4b1: {  	v18 =	vadd.s32 $0x380, v41;
	_ =	sdelay $0x3  }
0x4b2: {  	[tilespmem:v16+s20+$0x0] =	vst.idx.msk $0xffff, v17  }
0x4b3: {  	v17 =	vor.u32 $0x7, v5;
	v18 =	vld.idx.msk [tilespmem:v18+s24+$0x0], $0xffff  }
0x4b4: {  	v19 =	vadd.s32 $0x2C00, v41;
	_ =	sdelay $0x3  }
0x4b5: {  	[tilespmem:v17+s20+$0x0] =	vst.idx.msk $0xffff, v18  }
0x4b6: {  	v18 =	vor.u32 $0x8, v5;
	v19 =	vld.idx.msk [tilespmem:v19+s24+$0x0], $0xffff  }
0x4b7: {  	v20 =	vadd.s32 $0x2C80, v41;
	_ =	sdelay $0x3  }
0x4b8: {  	[tilespmem:v18+s20+$0x0] =	vst.idx.msk $0xffff, v19  }
0x4b9: {  	v19 =	vor.u32 $0x9, v5;
	v20 =	vld.idx.msk [tilespmem:v20+s24+$0x0], $0xffff  }
0x4ba: {  	v21 =	vadd.s32 $0x2D00, v41;
	_ =	sdelay $0x3  }
0x4bb: {  	[tilespmem:v19+s20+$0x0] =	vst.idx.msk $0xffff, v20  }
0x4bc: {  	v20 =	vor.u32 $0xA, v5;
	v21 =	vld.idx.msk [tilespmem:v21+s24+$0x0], $0xffff  }
0x4bd: {  	v22 =	vadd.s32 $0x2D80, v41;
	_ =	sdelay $0x3  }
0x4be: {  	[tilespmem:v20+s20+$0x0] =	vst.idx.msk $0xffff, v21  }
0x4bf: {  	v21 =	vor.u32 $0xB, v5;
	v22 =	vld.idx.msk [tilespmem:v22+s24+$0x0], $0xffff  }
0x4c0: {  	v23 =	vadd.s32 $0x2E00, v41;
	_ =	sdelay $0x3  }
0x4c1: {  	[tilespmem:v21+s20+$0x0] =	vst.idx.msk $0xffff, v22  }
0x4c2: {  	v22 =	vor.u32 $0xC, v5;
	v23 =	vld.idx.msk [tilespmem:v23+s24+$0x0], $0xffff  }
0x4c3: {  	v24 =	vadd.s32 $0x2E80, v41;
	_ =	sdelay $0x3  }
0x4c4: {  	[tilespmem:v22+s20+$0x0] =	vst.idx.msk $0xffff, v23  }
0x4c5: {  	v23 =	vor.u32 $0xD, v5;
	v24 =	vld.idx.msk [tilespmem:v24+s24+$0x0], $0xffff  }
0x4c6: {  	v25 =	vadd.s32 $0x2F00, v41;
	_ =	sdelay $0x3  }
0x4c7: {  	[tilespmem:v23+s20+$0x0] =	vst.idx.msk $0xffff, v24  }
0x4c8: {  	v24 =	vor.u32 $0xE, v5;
	v25 =	vld.idx.msk [tilespmem:v25+s24+$0x0], $0xffff  }
0x4c9: {  	v26 =	vadd.s32 $0x2F80, v41;
	_ =	sdelay $0x3  }
0x4ca: {  	[tilespmem:v24+s20+$0x0] =	vst.idx.msk $0xffff, v25  }
0x4cb: {  	v25 =	vor.u32 $0xF, v5;
	v26 =	vld.idx.msk [tilespmem:v26+s24+$0x0], $0xffff  }
0x4cc: {  	v27 =	vadd.s32 $0x5800, v41;
	_ =	sdelay $0x3  }
0x4cd: {  	[tilespmem:v25+s20+$0x0] =	vst.idx.msk $0xffff, v26  }
0x4ce: {  	v26 =	vor.u32 $0x10, v5;
	v27 =	vld.idx.msk [tilespmem:v27+s24+$0x0], $0xffff  }
0x4cf: {  	v28 =	vadd.s32 $0x5880, v41;
	_ =	sdelay $0x3  }
0x4d0: {  	[tilespmem:v26+s20+$0x0] =	vst.idx.msk $0xffff, v27  }
0x4d1: {  	v27 =	vor.u32 $0x11, v5;
	v28 =	vld.idx.msk [tilespmem:v28+s24+$0x0], $0xffff  }
0x4d2: {  	v29 =	vadd.s32 $0x5900, v41;
	_ =	sdelay $0x3  }
0x4d3: {  	[tilespmem:v27+s20+$0x0] =	vst.idx.msk $0xffff, v28  }
0x4d4: {  	v28 =	vor.u32 $0x12, v5;
	v29 =	vld.idx.msk [tilespmem:v29+s24+$0x0], $0xffff  }
0x4d5: {  	v30 =	vadd.s32 $0x5980, v41;
	_ =	sdelay $0x3  }
0x4d6: {  	[tilespmem:v28+s20+$0x0] =	vst.idx.msk $0xffff, v29  }
0x4d7: {  	v29 =	vor.u32 $0x13, v5;
	v30 =	vld.idx.msk [tilespmem:v30+s24+$0x0], $0xffff  }
0x4d8: {  	v31 =	vadd.s32 $0x5A00, v41;
	_ =	sdelay $0x3  }
0x4d9: {  	[tilespmem:v29+s20+$0x0] =	vst.idx.msk $0xffff, v30  }
0x4da: {  	v30 =	vor.u32 $0x14, v5;
	v31 =	vld.idx.msk [tilespmem:v31+s24+$0x0], $0xffff  }
0x4db: {  	v32 =	vadd.s32 $0x5A80, v41;
	_ =	sdelay $0x3  }
0x4dc: {  	[tilespmem:v30+s20+$0x0] =	vst.idx.msk $0xffff, v31  }
0x4dd: {  	v31 =	vor.u32 $0x15, v5;
	v32 =	vld.idx.msk [tilespmem:v32+s24+$0x0], $0xffff  }
0x4de: {  	v33 =	vadd.s32 $0x5B00, v41;
	_ =	sdelay $0x3  }
0x4df: {  	[tilespmem:v31+s20+$0x0] =	vst.idx.msk $0xffff, v32  }
0x4e0: {  	v32 =	vor.u32 $0x16, v5;
	v33 =	vld.idx.msk [tilespmem:v33+s24+$0x0], $0xffff  }
0x4e1: {  	v34 =	vadd.s32 $0x5B80, v41;
	_ =	sdelay $0x3  }
0x4e2: {  	[tilespmem:v32+s20+$0x0] =	vst.idx.msk $0xffff, v33  }
0x4e3: {  	v33 =	vor.u32 $0x17, v5;
	v34 =	vld.idx.msk [tilespmem:v34+s24+$0x0], $0xffff  }
0x4e4: {  	v35 =	vadd.s32 $0x8400, v41;
	_ =	sdelay $0x3  }
0x4e5: {  	[tilespmem:v33+s20+$0x0] =	vst.idx.msk $0xffff, v34  }
0x4e6: {  	v34 =	vor.u32 $0x18, v5;
	v35 =	vld.idx.msk [tilespmem:v35+s24+$0x0], $0xffff  }
0x4e7: {  	v36 =	vadd.s32 $0x8480, v41;
	_ =	sdelay $0x3  }
0x4e8: {  	[tilespmem:v34+s20+$0x0] =	vst.idx.msk $0xffff, v35  }
0x4e9: {  	v35 =	vor.u32 $0x19, v5;
	v36 =	vld.idx.msk [tilespmem:v36+s24+$0x0], $0xffff  }
0x4ea: {  	v37 =	vadd.s32 $0x8500, v41;
	_ =	sdelay $0x3  }
0x4eb: {  	[tilespmem:v35+s20+$0x0] =	vst.idx.msk $0xffff, v36  }
0x4ec: {  	v36 =	vor.u32 $0x1A, v5;
	v37 =	vld.idx.msk [tilespmem:v37+s24+$0x0], $0xffff  }
0x4ed: {  	v38 =	vadd.s32 $0x8580, v41;
	_ =	sdelay $0x3  }
0x4ee: {  	[tilespmem:v36+s20+$0x0] =	vst.idx.msk $0xffff, v37  }
0x4ef: {  	v37 =	vor.u32 $0x1B, v5;
	v38 =	vld.idx.msk [tilespmem:v38+s24+$0x0], $0xffff  }
0x4f0: {  	v39 =	vadd.s32 $0x8600, v41;
	_ =	sdelay $0x3  }
0x4f1: {  	[tilespmem:v37+s20+$0x0] =	vst.idx.msk $0xffff, v38  }
0x4f2: {  	v38 =	vor.u32 $0x1C, v5;
	v39 =	vld.idx.msk [tilespmem:v39+s24+$0x0], $0xffff  }
0x4f3: {  	v40 =	vadd.s32 $0x8680, v41;
	_ =	sdelay $0x3  }
0x4f4: {  	[tilespmem:v38+s20+$0x0] =	vst.idx.msk $0xffff, v39  }
0x4f5: {  	v39 =	vor.u32 $0x1D, v5;
	v40 =	vld.idx.msk [tilespmem:v40+s24+$0x0], $0xffff  }
0x4f6: {  	v42 =	vadd.s32 $0x8700, v41;
	_ =	sdelay $0x3  }
0x4f7: {  	[tilespmem:v39+s20+$0x0] =	vst.idx.msk $0xffff, v40  }
0x4f8: {  	v40 =	vor.u32 $0x1E, v5;
	v42 =	vld.idx.msk [tilespmem:v42+s24+$0x0], $0xffff  }
0x4f9: {  	v41 =	vadd.s32 $0x8780, v41;
	_ =	sdelay $0x3  }
0x4fa: {  	[tilespmem:v40+s20+$0x0] =	vst.idx.msk $0xffff, v42  }
0x4fb: {  	p1 =	sne.s32 s8, $0x1;
	v42 =	vld.idx.msk [tilespmem:v41+s24+$0x0], $0xffff;
	v41 =	vor.u32 $0x1F, v5  }
.Ltmp21:
0x4fc: {  	_ = 	snop;
	(pc) =	sbr.rel @!p1 .LBB2_30-.Ltmp21, $2  }
0x4fd: {  	_ =	sdelay $0x2  }
0x4fe: {  	s28 =	sadd.s32 $0xFFFFFFFF, s8;
	s1 =	simm.s32 $0x5090;
	[tilespmem:v41+s20+$0x0] =	vst.idx.msk $0xffff, v42  }
.LBB2_29:
0x4ff: {  	[hbm4b:s4+s18] =	stream.indirect.scatter [tilespmem:s20], [sflag:$0x3], $0x80, s19, s18, $0xb8;
	[tilespmem:$0x1F980] =	vst v63  }
0x500: {  	p1 =	sne.s32 s28, $0x1;
	s28 =	sadd.s32 $0xFFFFFFFF, s28;
	v42 =	vld [tilespmem:s1+$0x0];
	_ =	sdelay $0x4  }
0x501: {  	v43 =	vand.u32 $0x7F80, v42;
	v44 =	vshra.s32 v42, $0xF  }
0x502: {  	v43 =	vsub.s32 v43, v12  }
0x503: {  	v42 =	vand.u32 $0x7F, v42;
	v43 =	vshll.u32 v43, $0x3  }
0x504: {  	v42 =	vor.u32 v42, v43  }
0x505: {  	_ =	swait.ge [sflag:s25], $0x800  }
0x506: {  	[sflag:s25] =	ssyncset.done $0x0  }
0x507: {  	[sflag:s25] =	ssyncadd.s32 $0xFFFFF800  }
0x508: {  	[tilespmem:$0x1F900] =	vst v44  }
0x509: {  	v43 =	vld.idx.msk [tilespmem:v42+s24+$0x0], $0xffff;
	_ =	sdelay $0x1  }
0x50a: {  	v44 =	vadd.s32 $0x80, v42;
	_ =	sdelay $0x3  }
0x50b: {  	[tilespmem:v5+s20+$0x0] =	vst.idx.msk $0xffff, v43  }
0x50c: {  	v43 =	vld.idx.msk [tilespmem:v44+s24+$0x0], $0xffff;
	_ =	sdelay $0x1  }
0x50d: {  	v44 =	vadd.s32 $0x100, v42;
	_ =	sdelay $0x3  }
0x50e: {  	[tilespmem:v10+s20+$0x0] =	vst.idx.msk $0xffff, v43  }
0x50f: {  	v43 =	vld.idx.msk [tilespmem:v44+s24+$0x0], $0xffff;
	_ =	sdelay $0x1  }
0x510: {  	v44 =	vadd.s32 $0x180, v42;
	_ =	sdelay $0x3  }
0x511: {  	[tilespmem:v11+s20+$0x0] =	vst.idx.msk $0xffff, v43  }
0x512: {  	v43 =	vld.idx.msk [tilespmem:v44+s24+$0x0], $0xffff;
	_ =	sdelay $0x1  }
0x513: {  	v44 =	vadd.s32 $0x200, v42;
	_ =	sdelay $0x3  }
0x514: {  	[tilespmem:v13+s20+$0x0] =	vst.idx.msk $0xffff, v43  }
0x515: {  	v43 =	vld.idx.msk [tilespmem:v44+s24+$0x0], $0xffff;
	_ =	sdelay $0x1  }
0x516: {  	v44 =	vadd.s32 $0x280, v42;
	_ =	sdelay $0x3  }
0x517: {  	[tilespmem:v14+s20+$0x0] =	vst.idx.msk $0xffff, v43  }
0x518: {  	v43 =	vld.idx.msk [tilespmem:v44+s24+$0x0], $0xffff;
	_ =	sdelay $0x1  }
0x519: {  	v44 =	vadd.s32 $0x300, v42;
	_ =	sdelay $0x3  }
0x51a: {  	[tilespmem:v15+s20+$0x0] =	vst.idx.msk $0xffff, v43  }
0x51b: {  	v43 =	vld.idx.msk [tilespmem:v44+s24+$0x0], $0xffff;
	_ =	sdelay $0x1  }
0x51c: {  	v44 =	vadd.s32 $0x380, v42;
	_ =	sdelay $0x3  }
0x51d: {  	[tilespmem:v16+s20+$0x0] =	vst.idx.msk $0xffff, v43  }
0x51e: {  	v43 =	vld.idx.msk [tilespmem:v44+s24+$0x0], $0xffff;
	_ =	sdelay $0x1  }
0x51f: {  	v44 =	vadd.s32 $0x2C00, v42;
	_ =	sdelay $0x3  }
0x520: {  	[tilespmem:v17+s20+$0x0] =	vst.idx.msk $0xffff, v43  }
0x521: {  	v43 =	vld.idx.msk [tilespmem:v44+s24+$0x0], $0xffff;
	_ =	sdelay $0x1  }
0x522: {  	v44 =	vadd.s32 $0x2C80, v42;
	_ =	sdelay $0x3  }
0x523: {  	[tilespmem:v18+s20+$0x0] =	vst.idx.msk $0xffff, v43  }
0x524: {  	v43 =	vld.idx.msk [tilespmem:v44+s24+$0x0], $0xffff;
	_ =	sdelay $0x1  }
0x525: {  	v44 =	vadd.s32 $0x2D00, v42;
	_ =	sdelay $0x3  }
0x526: {  	[tilespmem:v19+s20+$0x0] =	vst.idx.msk $0xffff, v43  }
0x527: {  	v43 =	vld.idx.msk [tilespmem:v44+s24+$0x0], $0xffff;
	_ =	sdelay $0x1  }
0x528: {  	v44 =	vadd.s32 $0x2D80, v42;
	_ =	sdelay $0x3  }
0x529: {  	[tilespmem:v20+s20+$0x0] =	vst.idx.msk $0xffff, v43  }
0x52a: {  	v43 =	vld.idx.msk [tilespmem:v44+s24+$0x0], $0xffff;
	_ =	sdelay $0x1  }
0x52b: {  	v44 =	vadd.s32 $0x2E00, v42;
	_ =	sdelay $0x3  }
0x52c: {  	[tilespmem:v21+s20+$0x0] =	vst.idx.msk $0xffff, v43  }
0x52d: {  	v43 =	vld.idx.msk [tilespmem:v44+s24+$0x0], $0xffff;
	_ =	sdelay $0x1  }
0x52e: {  	v44 =	vadd.s32 $0x2E80, v42;
	_ =	sdelay $0x3  }
0x52f: {  	[tilespmem:v22+s20+$0x0] =	vst.idx.msk $0xffff, v43  }
0x530: {  	v43 =	vld.idx.msk [tilespmem:v44+s24+$0x0], $0xffff;
	_ =	sdelay $0x1  }
0x531: {  	v44 =	vadd.s32 $0x2F00, v42;
	_ =	sdelay $0x3  }
0x532: {  	[tilespmem:v23+s20+$0x0] =	vst.idx.msk $0xffff, v43  }
0x533: {  	v43 =	vld.idx.msk [tilespmem:v44+s24+$0x0], $0xffff;
	_ =	sdelay $0x1  }
0x534: {  	v44 =	vadd.s32 $0x2F80, v42;
	_ =	sdelay $0x3  }
0x535: {  	[tilespmem:v24+s20+$0x0] =	vst.idx.msk $0xffff, v43  }
0x536: {  	v43 =	vld.idx.msk [tilespmem:v44+s24+$0x0], $0xffff;
	_ =	sdelay $0x1  }
0x537: {  	v44 =	vadd.s32 $0x5800, v42;
	_ =	sdelay $0x3  }
0x538: {  	[tilespmem:v25+s20+$0x0] =	vst.idx.msk $0xffff, v43  }
0x539: {  	v43 =	vld.idx.msk [tilespmem:v44+s24+$0x0], $0xffff;
	_ =	sdelay $0x1  }
0x53a: {  	v44 =	vadd.s32 $0x5880, v42;
	_ =	sdelay $0x3  }
0x53b: {  	[tilespmem:v26+s20+$0x0] =	vst.idx.msk $0xffff, v43  }
0x53c: {  	v43 =	vld.idx.msk [tilespmem:v44+s24+$0x0], $0xffff;
	_ =	sdelay $0x1  }
0x53d: {  	v44 =	vadd.s32 $0x5900, v42;
	_ =	sdelay $0x3  }
0x53e: {  	[tilespmem:v27+s20+$0x0] =	vst.idx.msk $0xffff, v43  }
0x53f: {  	v43 =	vld.idx.msk [tilespmem:v44+s24+$0x0], $0xffff;
	_ =	sdelay $0x1  }
0x540: {  	v44 =	vadd.s32 $0x5980, v42;
	_ =	sdelay $0x3  }
0x541: {  	[tilespmem:v28+s20+$0x0] =	vst.idx.msk $0xffff, v43  }
0x542: {  	v43 =	vld.idx.msk [tilespmem:v44+s24+$0x0], $0xffff;
	_ =	sdelay $0x1  }
0x543: {  	v44 =	vadd.s32 $0x5A00, v42;
	_ =	sdelay $0x3  }
0x544: {  	[tilespmem:v29+s20+$0x0] =	vst.idx.msk $0xffff, v43  }
0x545: {  	v43 =	vld.idx.msk [tilespmem:v44+s24+$0x0], $0xffff;
	_ =	sdelay $0x1  }
0x546: {  	v44 =	vadd.s32 $0x5A80, v42;
	_ =	sdelay $0x3  }
0x547: {  	[tilespmem:v30+s20+$0x0] =	vst.idx.msk $0xffff, v43  }
0x548: {  	v43 =	vld.idx.msk [tilespmem:v44+s24+$0x0], $0xffff;
	_ =	sdelay $0x1  }
0x549: {  	v44 =	vadd.s32 $0x5B00, v42;
	_ =	sdelay $0x3  }
0x54a: {  	[tilespmem:v31+s20+$0x0] =	vst.idx.msk $0xffff, v43  }
0x54b: {  	v43 =	vld.idx.msk [tilespmem:v44+s24+$0x0], $0xffff;
	_ =	sdelay $0x1  }
0x54c: {  	v44 =	vadd.s32 $0x5B80, v42;
	_ =	sdelay $0x3  }
0x54d: {  	[tilespmem:v32+s20+$0x0] =	vst.idx.msk $0xffff, v43  }
0x54e: {  	v43 =	vld.idx.msk [tilespmem:v44+s24+$0x0], $0xffff;
	_ =	sdelay $0x1  }
0x54f: {  	v44 =	vadd.s32 $0x8400, v42;
	_ =	sdelay $0x3  }
0x550: {  	[tilespmem:v33+s20+$0x0] =	vst.idx.msk $0xffff, v43  }
0x551: {  	v43 =	vld.idx.msk [tilespmem:v44+s24+$0x0], $0xffff;
	_ =	sdelay $0x1  }
0x552: {  	v44 =	vadd.s32 $0x8480, v42;
	_ =	sdelay $0x3  }
0x553: {  	[tilespmem:v34+s20+$0x0] =	vst.idx.msk $0xffff, v43  }
0x554: {  	v43 =	vld.idx.msk [tilespmem:v44+s24+$0x0], $0xffff;
	_ =	sdelay $0x1  }
0x555: {  	v44 =	vadd.s32 $0x8500, v42;
	_ =	sdelay $0x3  }
0x556: {  	[tilespmem:v35+s20+$0x0] =	vst.idx.msk $0xffff, v43  }
0x557: {  	v43 =	vld.idx.msk [tilespmem:v44+s24+$0x0], $0xffff;
	_ =	sdelay $0x1  }
0x558: {  	v44 =	vadd.s32 $0x8580, v42;
	_ =	sdelay $0x3  }
0x559: {  	[tilespmem:v36+s20+$0x0] =	vst.idx.msk $0xffff, v43  }
0x55a: {  	v43 =	vld.idx.msk [tilespmem:v44+s24+$0x0], $0xffff;
	_ =	sdelay $0x1  }
0x55b: {  	v44 =	vadd.s32 $0x8600, v42;
	_ =	sdelay $0x3  }
0x55c: {  	[tilespmem:v37+s20+$0x0] =	vst.idx.msk $0xffff, v43  }
0x55d: {  	v43 =	vld.idx.msk [tilespmem:v44+s24+$0x0], $0xffff;
	_ =	sdelay $0x1  }
0x55e: {  	v44 =	vadd.s32 $0x8680, v42;
	_ =	sdelay $0x3  }
0x55f: {  	[tilespmem:v38+s20+$0x0] =	vst.idx.msk $0xffff, v43  }
0x560: {  	v43 =	vld.idx.msk [tilespmem:v44+s24+$0x0], $0xffff;
	_ =	sdelay $0x1  }
0x561: {  	v44 =	vadd.s32 $0x8700, v42;
	_ =	sdelay $0x3  }
0x562: {  	[tilespmem:v39+s20+$0x0] =	vst.idx.msk $0xffff, v43  }
0x563: {  	v43 =	vld.idx.msk [tilespmem:v44+s24+$0x0], $0xffff;
	_ =	sdelay $0x1  }
0x564: {  	v42 =	vadd.s32 $0x8780, v42;
	_ =	sdelay $0x3  }
0x565: {  	[tilespmem:v40+s20+$0x0] =	vst.idx.msk $0xffff, v43  }
0x566: {  	v42 =	vld.idx.msk [tilespmem:v42+s24+$0x0], $0xffff;
	_ =	sdelay $0x1  }
.Ltmp22:
0x567: {  	(pc) =	sbr.rel @p1 .LBB2_29-.Ltmp22, $2  }
0x568: {  	_ =	sdelay $0x2  }
0x569: {  	s1 =	sadd.s32 $0x10, s1;
	[tilespmem:v41+s20+$0x0] =	vst.idx.msk $0xffff, v42  }
.Ltmp23:
0x56a: {  	_ = 	snop;
	(pc) =	sbr.rel .LBB2_30-.Ltmp23, $1  }
0x56b: {  	_ =	sdelay $0x3  }
.LBB2_12:
.Ltmp24:
0x56c: {  	(pc) =	sbr.rel .LBB2_15-.Ltmp24, $2  }
0x56d: {  	_ =	sdelay $0x2  }
0x56e: {  	_ = 	snop  }
.LBB2_23:
.Ltmp25:
0x56f: {  	(pc) =	sbr.rel .LBB2_26-.Ltmp25, $2  }
0x570: {  	_ =	sdelay $0x2  }
0x571: {  	_ = 	snop  }
.LBB2_32:
0x572: {  	_ =	swait.ge [sflag:s17], $0xB000  }
0x573: {  	[sflag:s17] =	ssyncset.done $0x0  }
0x574: {  	s0 =	simm.s32 $0x0;
	[sflag:s17] =	ssyncadd.s32 $0xFFFF5000  }
0x575: {  	[tilespmem:s23], [sflag:$0x4] =	stream.linear.gather [hbm4b:s14+s0], $0x400, $0x38;
	[tilespmem:$0x1F980] =	vst v63  }
0x576: {  	s1 =	sadd.s32 $0xF4280, s14;
	s8 =	simm.s32 $0xBD00  }
0x577: {  	[tilespmem:s8], [sflag:$0x4] =	stream.linear.gather [hbm4b:s1+s0], $0x400, $0x38;
	[tilespmem:$0x1F980] =	vst v63  }
0x578: {  	s11 =	sadd.s32 $0x1E8500, s14;
	s28 =	simm.s32 $0xE900  }
0x579: {  	[tilespmem:s28], [sflag:$0x4] =	stream.linear.gather [hbm4b:s11+s0], $0x400, $0x38;
	[tilespmem:$0x1F980] =	vst v63  }
.Ltmp26:
0x57a: {  	s29 =	sadd.s32 $0x2DC780, s14;
	s30 =	simm.s32 $0x11500;
	(pc) =	sbr.rel @p0 .LBB2_38-.Ltmp26, $4  }
0x57b: {  	[tilespmem:s30], [sflag:$0x4] =	stream.linear.gather [hbm4b:s29+s0], $0x400, $0x38;
	[tilespmem:$0x1F980] =	vst v63  }
0x57c: {  	_ =	swait.ge [sflag:s16], $0x1000  }
0x57d: {  	[sflag:s16] =	ssyncset.done $0x0  }
0x57e: {  	s1 =	simm.s32 $0x1020;
	[sflag:s16] =	ssyncadd.s32 $0xFFFFF000  }
0x57f: {  	v12 =	vld [tilespmem:s1+$0xFFFFFFE0]  }
0x580: {  	p1 =	sne.s32 s2, $0x1  }
.Ltmp27:
0x581: {  	_ = 	snop;
	(pc) =	sbr.rel @!p1 .LBB2_34-.Ltmp27, $3  }
0x582: {  	_ =	sdelay $0x1  }
0x583: {  	v13 =	vand.u32 $0x7FFF, v12  }
0x584: {  	s2 =	sadd.s32 $0xFFFFFFFF, s2;
	p0 =	por $0x0, $0x0;
	vm0 =	vge.u32 v13, v6;
	vm1 =	vlt.u32 v13, v3  }
0x585: {  	vm0 =	vmand vm0, vm1  }
0x586: {  	[tilespmem:s0+$0x5080] =	vst.msk vm0, v12;
	v12 =	vmpcnt.ones.xlane vm0  }
0x587: {  	v13 =	vld [tilespmem:s1+$0xFFFFFFF0]  }
0x588: {  	v12 =	vxor.u32 $0x80000000, v12  }
0x589: {  	(xrf0) =	vmax.scan.msk.u32 $0xffff, v12;
	_ =	sdelay $0x2  }
0x58a: {  	v12 =	vand.u32 $0x7FFF, v13  }
0x58b: {  	vm0 =	vge.u32 v12, v6;
	vm1 =	vlt.u32 v12, v3  }
0x58c: {  	vm0 =	vmand vm0, vm1  }
0x58d: {  	v12 =	vmpcnt.ones.xlane vm0;
	v14, _, _ =	vpop (xrf0)  }
0x58e: {  	(v2sf) =	vpush v14, $0xF  }
0x58f: {  	v12 =	vxor.u32 $0x80000000, v12  }
0x590: {  	(xrf0) =	vmax.scan.msk.u32 $0xffff, v12;
	_ =	sdelay $0x5  }
0x591: {  	v12, _, _ =	vpop (xrf0)  }
0x592: {  	(v2sf) =	vpush v12, $0xF;
	_ =	sdelay $0x5  }
0x593: {  	s8 =	spop (v2sf)  }
0x594: {  	s8 =	sadd.s32 s8, s0  }
0x595: {  	s8 =	sadd.s32 $0x80000000, s8  }
0x596: {  	[tilespmem:s8+$0x5080] =	vst.msk vm0, v13  }
0x597: {  	v12 =	vld [tilespmem:s1+$0x0];
	_ =	sdelay $0x4  }
0x598: {  	v13 =	vand.u32 $0x7FFF, v12;
	s9 =	spop (v2sf)  }
0x599: {  	s8 =	sadd.s32 s9, s8;
	vm0 =	vge.u32 v13, v6;
	vm1 =	vlt.u32 v13, v3  }
0x59a: {  	s8 =	sadd.s32 $0x80000000, s8;
	vm0 =	vmand vm0, vm1  }
0x59b: {  	[tilespmem:s8+$0x5080] =	vst.msk vm0, v12;
	v12 =	vmpcnt.ones.xlane vm0  }
0x59c: {  	v13 =	vld [tilespmem:s1+$0x10]  }
0x59d: {  	v12 =	vxor.u32 $0x80000000, v12  }
0x59e: {  	(xrf0) =	vmax.scan.msk.u32 $0xffff, v12;
	_ =	sdelay $0x2  }
0x59f: {  	v12 =	vand.u32 $0x7FFF, v13  }
0x5a0: {  	vm0 =	vge.u32 v12, v6;
	vm1 =	vlt.u32 v12, v3  }
0x5a1: {  	vm0 =	vmand vm0, vm1  }
0x5a2: {  	v12 =	vmpcnt.ones.xlane vm0;
	v14, _, _ =	vpop (xrf0)  }
0x5a3: {  	(v2sf) =	vpush v14, $0xF  }
0x5a4: {  	v12 =	vxor.u32 $0x80000000, v12  }
0x5a5: {  	(xrf0) =	vmax.scan.msk.u32 $0xffff, v12;
	_ =	sdelay $0x5  }
0x5a6: {  	v12, _, _ =	vpop (xrf0)  }
0x5a7: {  	(v2sf) =	vpush v12, $0xF;
	_ =	sdelay $0x5  }
0x5a8: {  	s29 =	spop (v2sf)  }
0x5a9: {  	s8 =	sadd.s32 s29, s8  }
0x5aa: {  	s8 =	sadd.s32 $0x80000000, s8  }
0x5ab: {  	s1 =	sadd.s32 $0x40, s1;
	[tilespmem:s8+$0x5080] =	vst.msk vm0, v13  }
0x5ac: {  	v12 =	vld [tilespmem:s1+$0xFFFFFFE0]  }
0x5ad: {  	p1 =	sne.s32 s2, $0x1  }
.Ltmp28:
0x5ae: {  	_ = 	snop;
	(pc) =	sbr.rel @!p1 .LBB2_37-.Ltmp28, $3  }
0x5af: {  	_ =	sdelay $0x1  }
0x5b0: {  	v13 =	vand.u32 $0x7FFF, v12;
	s30 =	spop (v2sf)  }
0x5b1: {  	s2 =	sadd.s32 $0xFFFFFFFF, s2;
	p0 =	por $0x1, $0x1;
	vm0 =	vge.u32 v13, v6;
	vm1 =	vlt.u32 v13, v3;
	s8 =	sadd.s32 s30, s8  }
.LBB2_36:
0x5b2: {  	p1 =	sne.s32 s2, $0x1;
	s2 =	sadd.s32 $0xFFFFFFFF, s2;
	vm0 =	vmand vm0, vm1;
	s8 =	sadd.s32 $0x80000000, s8  }
0x5b3: {  	[tilespmem:s8+$0x5080] =	vst.msk vm0, v12;
	v12 =	vmpcnt.ones.xlane vm0  }
0x5b4: {  	v13 =	vld [tilespmem:s1+$0xFFFFFFF0]  }
0x5b5: {  	v12 =	vxor.u32 $0x80000000, v12  }
0x5b6: {  	(xrf0) =	vmax.scan.msk.u32 $0xffff, v12;
	_ =	sdelay $0x2  }
0x5b7: {  	v12 =	vand.u32 $0x7FFF, v13  }
0x5b8: {  	vm0 =	vge.u32 v12, v6;
	vm1 =	vlt.u32 v12, v3  }
0x5b9: {  	vm0 =	vmand vm0, vm1  }
0x5ba: {  	v12 =	vmpcnt.ones.xlane vm0;
	v14, _, _ =	vpop (xrf0)  }
0x5bb: {  	(v2sf) =	vpush v14, $0xF  }
0x5bc: {  	v12 =	vxor.u32 $0x80000000, v12  }
0x5bd: {  	(xrf0) =	vmax.scan.msk.u32 $0xffff, v12;
	_ =	sdelay $0x5  }
0x5be: {  	v12, _, _ =	vpop (xrf0)  }
0x5bf: {  	(v2sf) =	vpush v12, $0xF;
	_ =	sdelay $0x5  }
0x5c0: {  	s9 =	spop (v2sf)  }
0x5c1: {  	s8 =	sadd.s32 s9, s8  }
0x5c2: {  	s8 =	sadd.s32 $0x80000000, s8  }
0x5c3: {  	[tilespmem:s8+$0x5080] =	vst.msk vm0, v13  }
0x5c4: {  	v12 =	vld [tilespmem:s1+$0x0];
	_ =	sdelay $0x4  }
0x5c5: {  	v13 =	vand.u32 $0x7FFF, v12;
	s9 =	spop (v2sf)  }
0x5c6: {  	s8 =	sadd.s32 s9, s8;
	vm0 =	vge.u32 v13, v6;
	vm1 =	vlt.u32 v13, v3  }
0x5c7: {  	s8 =	sadd.s32 $0x80000000, s8;
	vm0 =	vmand vm0, vm1  }
0x5c8: {  	[tilespmem:s8+$0x5080] =	vst.msk vm0, v12;
	v12 =	vmpcnt.ones.xlane vm0  }
0x5c9: {  	v13 =	vld [tilespmem:s1+$0x10]  }
0x5ca: {  	v12 =	vxor.u32 $0x80000000, v12  }
0x5cb: {  	(xrf0) =	vmax.scan.msk.u32 $0xffff, v12;
	_ =	sdelay $0x2  }
0x5cc: {  	v12 =	vand.u32 $0x7FFF, v13  }
0x5cd: {  	vm0 =	vge.u32 v12, v6;
	vm1 =	vlt.u32 v12, v3  }
0x5ce: {  	vm0 =	vmand vm0, vm1  }
0x5cf: {  	v12 =	vmpcnt.ones.xlane vm0;
	v14, _, _ =	vpop (xrf0)  }
0x5d0: {  	(v2sf) =	vpush v14, $0xF  }
0x5d1: {  	v12 =	vxor.u32 $0x80000000, v12  }
0x5d2: {  	(xrf0) =	vmax.scan.msk.u32 $0xffff, v12;
	_ =	sdelay $0x5  }
0x5d3: {  	v12, _, _ =	vpop (xrf0)  }
0x5d4: {  	(v2sf) =	vpush v12, $0xF;
	_ =	sdelay $0x5  }
0x5d5: {  	s9 =	spop (v2sf)  }
0x5d6: {  	s8 =	sadd.s32 s9, s8  }
0x5d7: {  	s8 =	sadd.s32 $0x80000000, s8  }
0x5d8: {  	s1 =	sadd.s32 $0x40, s1;
	[tilespmem:s8+$0x5080] =	vst.msk vm0, v13  }
0x5d9: {  	v12 =	vld [tilespmem:s1+$0xFFFFFFE0];
	_ =	sdelay $0x1  }
.Ltmp29:
0x5da: {  	(pc) =	sbr.rel @p1 .LBB2_36-.Ltmp29, $3  }
0x5db: {  	_ =	sdelay $0x1  }
0x5dc: {  	v13 =	vand.u32 $0x7FFF, v12;
	s9 =	spop (v2sf)  }
0x5dd: {  	vm0 =	vge.u32 v13, v6;
	vm1 =	vlt.u32 v13, v3;
	s8 =	sadd.s32 s9, s8  }
.LBB2_37:
0x5de: {  	s2 =	sadd.s32 @p0 $0x80000000, s8  }
0x5df: {  	vm0 =	vmand vm0, vm1;
	s0 =	smov.u32 @p0 s2  }
0x5e0: {  	v52 =	vmpcnt.ones.xlane vm0;
	[tilespmem:s0+$0x5080] =	vst.msk vm0, v12  }
0x5e1: {  	v13 =	vld [tilespmem:s1+$0xFFFFFFF0]  }
0x5e2: {  	v12 =	vxor.u32 $0x80000000, v52  }
0x5e3: {  	(xrf0) =	vmax.scan.msk.u32 $0xffff, v12;
	_ =	sdelay $0x2  }
0x5e4: {  	v53 =	vand.u32 $0x7FFF, v13  }
0x5e5: {  	vm10 =	vge.u32 v53, v6;
	vm11 =	vlt.u32 v53, v3  }
0x5e6: {  	vm0 =	vmand vm10, vm11  }
0x5e7: {  	v14, _, _ =	vpop (xrf0);
	v54 =	vmpcnt.ones.xlane vm0  }
0x5e8: {  	(v2sf) =	vpush v14, $0xF  }
0x5e9: {  	v12 =	vxor.u32 $0x80000000, v54  }
0x5ea: {  	(xrf0) =	vmax.scan.msk.u32 $0xffff, v12;
	_ =	sdelay $0x5  }
0x5eb: {  	v12, _, _ =	vpop (xrf0)  }
0x5ec: {  	(v2sf) =	vpush v12, $0xF;
	_ =	sdelay $0x5  }
0x5ed: {  	s11 =	spop (v2sf)  }
0x5ee: {  	s0 =	sadd.s32 s11, s0  }
0x5ef: {  	s0 =	sadd.s32 $0x80000000, s0  }
0x5f0: {  	[tilespmem:s0+$0x5080] =	vst.msk vm0, v13  }
0x5f1: {  	v55 =	vld [tilespmem:s1+$0x0];
	_ =	sdelay $0x4  }
0x5f2: {  	v56 =	vand.u32 $0x7FFF, v55;
	s28 =	spop (v2sf)  }
0x5f3: {  	vm12 =	vge.u32 v56, v6;
	vm13 =	vlt.u32 v56, v3;
	s0 =	sadd.s32 s28, s0  }
0x5f4: {  	vm0 =	vmand vm12, vm13;
	s0 =	sadd.s32 $0x80000000, s0  }
0x5f5: {  	[tilespmem:s0+$0x5080] =	vst.msk vm0, v55  }
0x5f6: {  	v12 =	vld [tilespmem:s1+$0x10];
	_ =	sdelay $0x4  }
0x5f7: {  	v57 =	vand.u32 $0x7FFF, v12  }
0x5f8: {  	v58 =	vmpcnt.ones.xlane vm0;
	vm14 =	vge.u32 v57, v6;
	vm15 =	vlt.u32 v57, v3  }
0x5f9: {  	vm0 =	vmand vm14, vm15  }
0x5fa: {  	v59 =	vxor.u32 $0x80000000, v58;
	v60 =	vmpcnt.ones.xlane vm0  }
0x5fb: {  	(xrf0) =	vmax.scan.msk.u32 $0xffff, v59  }
0x5fc: {  	v61 =	vxor.u32 $0x80000000, v60  }
0x5fd: {  	(xrf0) =	vmax.scan.msk.u32 $0xffff, v61;
	_ =	sdelay $0x3  }
0x5fe: {  	v62, _, _ =	vpop (xrf0)  }
0x5ff: {  	(v2sf) =	vpush v62, $0xF  }
0x600: {  	v63, _, _ =	vpop (xrf0)  }
0x601: {  	(v2sf) =	vpush v63, $0xF;
	_ =	sdelay $0xc  }
0x602: {  	s29 =	spop (v2sf)  }
0x603: {  	s0 =	sadd.s32 s29, s0  }
0x604: {  	s0 =	sadd.s32 $0x80000000, s0;
	s30 =	spop (v2sf)  }
0x605: {  	s1 =	sadd.s32 s30, s0  }
0x606: {  	[tilespmem:s0+$0x5080] =	vst.msk vm0, v12;
	s0 =	sadd.s32 $0x80000000, s1  }
.LBB2_38:
0x607: {  	s1 =	sadd.s32 $0xF, s0  }
0x608: {  	s2 =	sand.u32 $0xF, s1  }
0x609: {  	s30 =	sshra.s32 s1, $0x1F;
	p1 =	slt.s32 s1, $0x1;
	p0 =	sne.s32 s2, $0x0  }
0x60a: {  	s2 =	sshrl.u32 s30, $0x1C;
	p0 =	por !p1, !p0  }
0x60b: {  	s1 =	sadd.s32 s2, s1;
	s2 =	simm.s32 $0x1;
	p0 =	por !p0, !p0  }
0x60c: {  	s1 =	sshra.s32 s1, $0x4;
	s2 =	simm.s32 @!p0 $0x0  }
0x60d: {  	s1 =	ssub.s32 s1, s2  }
0x60e: {  	p0 =	slt.s32 s1, $0x1  }
.Ltmp30:
0x60f: {  	_ = 	snop;
	(pc) =	sbr.rel @p0 .LBB2_42-.Ltmp30, $2  }
0x610: {  	_ =	sdelay $0x2  }
0x611: {  	[tilespmem:s0+$0x5080] =	vst v7;
	s2 =	simm.s32 $0x5080  }
0x612: {  	v12 =	vld [tilespmem:s2+$0x0];
	_ =	sdelay $0x4  }
0x613: {  	v13 =	vand.u32 $0x7F80, v12  }
0x614: {  	v13 =	vsub.s32 v13, v6  }
0x615: {  	v16 =	vand.u32 $0x7F, v12;
	v17 =	vshll.u32 v13, $0x3  }
0x616: {  	v18 =	vor.u32 v16, v17  }
0x617: {  	_ =	swait.ge [sflag:s25], $0x800  }
0x618: {  	[sflag:s25] =	ssyncset.done $0x0  }
0x619: {  	[sflag:s25] =	ssyncadd.s32 $0xFFFFF800;
	v12 =	vshra.s32 v12, $0xF  }
0x61a: {  	[tilespmem:$0x1F900] =	vst v12  }
0x61b: {  	v12 =	vld.idx.msk [tilespmem:v18+s23+$0x0], $0xffff  }
0x61c: {  	v13 =	vor.u32 $0x80, v18;
	_ =	sdelay $0x3  }
0x61d: {  	[tilespmem:v5+s20+$0x0] =	vst.idx.msk $0xffff, v12  }
0x61e: {  	v12 =	vld.idx.msk [tilespmem:v13+s23+$0x0], $0xffff  }
0x61f: {  	v13 =	vor.u32 $0x100, v18;
	_ =	sdelay $0x3  }
0x620: {  	[tilespmem:v10+s20+$0x0] =	vst.idx.msk $0xffff, v12  }
0x621: {  	v12 =	vld.idx.msk [tilespmem:v13+s23+$0x0], $0xffff  }
0x622: {  	v13 =	vor.u32 $0x180, v18;
	_ =	sdelay $0x3  }
0x623: {  	[tilespmem:v11+s20+$0x0] =	vst.idx.msk $0xffff, v12  }
0x624: {  	v12 =	vor.u32 $0x3, v5;
	v13 =	vld.idx.msk [tilespmem:v13+s23+$0x0], $0xffff  }
0x625: {  	v14 =	vor.u32 $0x200, v18;
	_ =	sdelay $0x3  }
0x626: {  	[tilespmem:v12+s20+$0x0] =	vst.idx.msk $0xffff, v13  }
0x627: {  	v13 =	vor.u32 $0x4, v5;
	v14 =	vld.idx.msk [tilespmem:v14+s23+$0x0], $0xffff  }
0x628: {  	v15 =	vor.u32 $0x280, v18;
	_ =	sdelay $0x3  }
0x629: {  	[tilespmem:v13+s20+$0x0] =	vst.idx.msk $0xffff, v14  }
0x62a: {  	v14 =	vor.u32 $0x5, v5;
	v15 =	vld.idx.msk [tilespmem:v15+s23+$0x0], $0xffff  }
0x62b: {  	v19 =	vor.u32 $0x300, v18;
	_ =	sdelay $0x3  }
0x62c: {  	[tilespmem:v14+s20+$0x0] =	vst.idx.msk $0xffff, v15  }
0x62d: {  	v15 =	vor.u32 $0x6, v5;
	v19 =	vld.idx.msk [tilespmem:v19+s23+$0x0], $0xffff  }
0x62e: {  	v18 =	vor.u32 $0x380, v18;
	_ =	sdelay $0x3  }
0x62f: {  	[tilespmem:v15+s20+$0x0] =	vst.idx.msk $0xffff, v19  }
0x630: {  	v40 =	vadd.s32 v16, v17;
	v16 =	vor.u32 $0x7, v5;
	v17 =	vld.idx.msk [tilespmem:v18+s23+$0x0], $0xffff  }
0x631: {  	v18 =	vadd.s32 $0x2C00, v40;
	_ =	sdelay $0x3  }
0x632: {  	[tilespmem:v16+s20+$0x0] =	vst.idx.msk $0xffff, v17  }
0x633: {  	v17 =	vor.u32 $0x8, v5;
	v18 =	vld.idx.msk [tilespmem:v18+s23+$0x0], $0xffff  }
0x634: {  	v19 =	vadd.s32 $0x2C80, v40;
	_ =	sdelay $0x3  }
0x635: {  	[tilespmem:v17+s20+$0x0] =	vst.idx.msk $0xffff, v18  }
0x636: {  	v18 =	vor.u32 $0x9, v5;
	v19 =	vld.idx.msk [tilespmem:v19+s23+$0x0], $0xffff  }
0x637: {  	v20 =	vadd.s32 $0x2D00, v40;
	_ =	sdelay $0x3  }
0x638: {  	[tilespmem:v18+s20+$0x0] =	vst.idx.msk $0xffff, v19  }
0x639: {  	v19 =	vor.u32 $0xA, v5;
	v20 =	vld.idx.msk [tilespmem:v20+s23+$0x0], $0xffff  }
0x63a: {  	v21 =	vadd.s32 $0x2D80, v40;
	_ =	sdelay $0x3  }
0x63b: {  	[tilespmem:v19+s20+$0x0] =	vst.idx.msk $0xffff, v20  }
0x63c: {  	v20 =	vor.u32 $0xB, v5;
	v21 =	vld.idx.msk [tilespmem:v21+s23+$0x0], $0xffff  }
0x63d: {  	v22 =	vadd.s32 $0x2E00, v40;
	_ =	sdelay $0x3  }
0x63e: {  	[tilespmem:v20+s20+$0x0] =	vst.idx.msk $0xffff, v21  }
0x63f: {  	v21 =	vor.u32 $0xC, v5;
	v22 =	vld.idx.msk [tilespmem:v22+s23+$0x0], $0xffff  }
0x640: {  	v23 =	vadd.s32 $0x2E80, v40;
	_ =	sdelay $0x3  }
0x641: {  	[tilespmem:v21+s20+$0x0] =	vst.idx.msk $0xffff, v22  }
0x642: {  	v22 =	vor.u32 $0xD, v5;
	v23 =	vld.idx.msk [tilespmem:v23+s23+$0x0], $0xffff  }
0x643: {  	v24 =	vadd.s32 $0x2F00, v40;
	_ =	sdelay $0x3  }
0x644: {  	[tilespmem:v22+s20+$0x0] =	vst.idx.msk $0xffff, v23  }
0x645: {  	v23 =	vor.u32 $0xE, v5;
	v24 =	vld.idx.msk [tilespmem:v24+s23+$0x0], $0xffff  }
0x646: {  	v25 =	vadd.s32 $0x2F80, v40;
	_ =	sdelay $0x3  }
0x647: {  	[tilespmem:v23+s20+$0x0] =	vst.idx.msk $0xffff, v24  }
0x648: {  	v24 =	vor.u32 $0xF, v5;
	v25 =	vld.idx.msk [tilespmem:v25+s23+$0x0], $0xffff  }
0x649: {  	v26 =	vadd.s32 $0x5800, v40;
	_ =	sdelay $0x3  }
0x64a: {  	[tilespmem:v24+s20+$0x0] =	vst.idx.msk $0xffff, v25  }
0x64b: {  	v25 =	vor.u32 $0x10, v5;
	v26 =	vld.idx.msk [tilespmem:v26+s23+$0x0], $0xffff  }
0x64c: {  	v27 =	vadd.s32 $0x5880, v40;
	_ =	sdelay $0x3  }
0x64d: {  	[tilespmem:v25+s20+$0x0] =	vst.idx.msk $0xffff, v26  }
0x64e: {  	v26 =	vor.u32 $0x11, v5;
	v27 =	vld.idx.msk [tilespmem:v27+s23+$0x0], $0xffff  }
0x64f: {  	v28 =	vadd.s32 $0x5900, v40;
	_ =	sdelay $0x3  }
0x650: {  	[tilespmem:v26+s20+$0x0] =	vst.idx.msk $0xffff, v27  }
0x651: {  	v27 =	vor.u32 $0x12, v5;
	v28 =	vld.idx.msk [tilespmem:v28+s23+$0x0], $0xffff  }
0x652: {  	v29 =	vadd.s32 $0x5980, v40;
	_ =	sdelay $0x3  }
0x653: {  	[tilespmem:v27+s20+$0x0] =	vst.idx.msk $0xffff, v28  }
0x654: {  	v28 =	vor.u32 $0x13, v5;
	v29 =	vld.idx.msk [tilespmem:v29+s23+$0x0], $0xffff  }
0x655: {  	v30 =	vadd.s32 $0x5A00, v40;
	_ =	sdelay $0x3  }
0x656: {  	[tilespmem:v28+s20+$0x0] =	vst.idx.msk $0xffff, v29  }
0x657: {  	v29 =	vor.u32 $0x14, v5;
	v30 =	vld.idx.msk [tilespmem:v30+s23+$0x0], $0xffff  }
0x658: {  	v31 =	vadd.s32 $0x5A80, v40;
	_ =	sdelay $0x3  }
0x659: {  	[tilespmem:v29+s20+$0x0] =	vst.idx.msk $0xffff, v30  }
0x65a: {  	v30 =	vor.u32 $0x15, v5;
	v31 =	vld.idx.msk [tilespmem:v31+s23+$0x0], $0xffff  }
0x65b: {  	v32 =	vadd.s32 $0x5B00, v40;
	_ =	sdelay $0x3  }
0x65c: {  	[tilespmem:v30+s20+$0x0] =	vst.idx.msk $0xffff, v31  }
0x65d: {  	v31 =	vor.u32 $0x16, v5;
	v32 =	vld.idx.msk [tilespmem:v32+s23+$0x0], $0xffff  }
0x65e: {  	v33 =	vadd.s32 $0x5B80, v40;
	_ =	sdelay $0x3  }
0x65f: {  	[tilespmem:v31+s20+$0x0] =	vst.idx.msk $0xffff, v32  }
0x660: {  	v32 =	vor.u32 $0x17, v5;
	v33 =	vld.idx.msk [tilespmem:v33+s23+$0x0], $0xffff  }
0x661: {  	v34 =	vadd.s32 $0x8400, v40;
	_ =	sdelay $0x3  }
0x662: {  	[tilespmem:v32+s20+$0x0] =	vst.idx.msk $0xffff, v33  }
0x663: {  	v33 =	vor.u32 $0x18, v5;
	v34 =	vld.idx.msk [tilespmem:v34+s23+$0x0], $0xffff  }
0x664: {  	v35 =	vadd.s32 $0x8480, v40;
	_ =	sdelay $0x3  }
0x665: {  	[tilespmem:v33+s20+$0x0] =	vst.idx.msk $0xffff, v34  }
0x666: {  	v34 =	vor.u32 $0x19, v5;
	v35 =	vld.idx.msk [tilespmem:v35+s23+$0x0], $0xffff  }
0x667: {  	v36 =	vadd.s32 $0x8500, v40;
	_ =	sdelay $0x3  }
0x668: {  	[tilespmem:v34+s20+$0x0] =	vst.idx.msk $0xffff, v35  }
0x669: {  	v35 =	vor.u32 $0x1A, v5;
	v36 =	vld.idx.msk [tilespmem:v36+s23+$0x0], $0xffff  }
0x66a: {  	v37 =	vadd.s32 $0x8580, v40;
	_ =	sdelay $0x3  }
0x66b: {  	[tilespmem:v35+s20+$0x0] =	vst.idx.msk $0xffff, v36  }
0x66c: {  	v36 =	vor.u32 $0x1B, v5;
	v37 =	vld.idx.msk [tilespmem:v37+s23+$0x0], $0xffff  }
0x66d: {  	v38 =	vadd.s32 $0x8600, v40;
	_ =	sdelay $0x3  }
0x66e: {  	[tilespmem:v36+s20+$0x0] =	vst.idx.msk $0xffff, v37  }
0x66f: {  	v37 =	vor.u32 $0x1C, v5;
	v38 =	vld.idx.msk [tilespmem:v38+s23+$0x0], $0xffff  }
0x670: {  	v39 =	vadd.s32 $0x8680, v40;
	_ =	sdelay $0x3  }
0x671: {  	[tilespmem:v37+s20+$0x0] =	vst.idx.msk $0xffff, v38  }
0x672: {  	v38 =	vor.u32 $0x1D, v5;
	v39 =	vld.idx.msk [tilespmem:v39+s23+$0x0], $0xffff  }
0x673: {  	v41 =	vadd.s32 $0x8700, v40;
	_ =	sdelay $0x3  }
0x674: {  	[tilespmem:v38+s20+$0x0] =	vst.idx.msk $0xffff, v39  }
0x675: {  	v39 =	vor.u32 $0x1E, v5;
	v41 =	vld.idx.msk [tilespmem:v41+s23+$0x0], $0xffff  }
0x676: {  	v40 =	vadd.s32 $0x8780, v40;
	_ =	sdelay $0x3  }
0x677: {  	[tilespmem:v39+s20+$0x0] =	vst.idx.msk $0xffff, v41  }
0x678: {  	p0 =	sne.s32 s1, $0x1;
	v41 =	vld.idx.msk [tilespmem:v40+s23+$0x0], $0xffff;
	v40 =	vor.u32 $0x1F, v5  }
.Ltmp31:
0x679: {  	_ = 	snop;
	(pc) =	sbr.rel @!p0 .LBB2_41-.Ltmp31, $2  }
0x67a: {  	_ =	sdelay $0x2  }
0x67b: {  	s0 =	sadd.s32 $0xFFFFFFFF, s1;
	s2 =	sadd.s32 $0x10, s2;
	[tilespmem:v40+s20+$0x0] =	vst.idx.msk $0xffff, v41  }
.LBB2_40:
0x67c: {  	[hbm4b:s4+s18] =	stream.indirect.scatter [tilespmem:s20], [sflag:$0x3], $0x80, s19, s18, $0xb8;
	[tilespmem:$0x1F980] =	vst v63  }
0x67d: {  	p0 =	sne.s32 s0, $0x1;
	s0 =	sadd.s32 $0xFFFFFFFF, s0;
	v41 =	vld [tilespmem:s2+$0x0];
	_ =	sdelay $0x4  }
0x67e: {  	v42 =	vand.u32 $0x7F80, v41;
	v43 =	vshra.s32 v41, $0xF  }
0x67f: {  	v42 =	vsub.s32 v42, v6  }
0x680: {  	v41 =	vand.u32 $0x7F, v41;
	v42 =	vshll.u32 v42, $0x3  }
0x681: {  	v44 =	vor.u32 v41, v42;
	v41 =	vadd.s32 v41, v42  }
0x682: {  	_ =	swait.ge [sflag:s25], $0x800  }
0x683: {  	[sflag:s25] =	ssyncset.done $0x0  }
0x684: {  	[sflag:s25] =	ssyncadd.s32 $0xFFFFF800  }
0x685: {  	[tilespmem:$0x1F900] =	vst v43  }
0x686: {  	v42 =	vld.idx.msk [tilespmem:v44+s23+$0x0], $0xffff;
	_ =	sdelay $0x1  }
0x687: {  	v43 =	vor.u32 $0x80, v44;
	_ =	sdelay $0x3  }
0x688: {  	[tilespmem:v5+s20+$0x0] =	vst.idx.msk $0xffff, v42  }
0x689: {  	v42 =	vld.idx.msk [tilespmem:v43+s23+$0x0], $0xffff;
	_ =	sdelay $0x1  }
0x68a: {  	v43 =	vor.u32 $0x100, v44;
	_ =	sdelay $0x3  }
0x68b: {  	[tilespmem:v10+s20+$0x0] =	vst.idx.msk $0xffff, v42  }
0x68c: {  	v42 =	vld.idx.msk [tilespmem:v43+s23+$0x0], $0xffff;
	_ =	sdelay $0x1  }
0x68d: {  	v43 =	vor.u32 $0x180, v44;
	_ =	sdelay $0x3  }
0x68e: {  	[tilespmem:v11+s20+$0x0] =	vst.idx.msk $0xffff, v42  }
0x68f: {  	v42 =	vld.idx.msk [tilespmem:v43+s23+$0x0], $0xffff;
	_ =	sdelay $0x1  }
0x690: {  	v43 =	vor.u32 $0x200, v44;
	_ =	sdelay $0x3  }
0x691: {  	[tilespmem:v12+s20+$0x0] =	vst.idx.msk $0xffff, v42  }
0x692: {  	v42 =	vld.idx.msk [tilespmem:v43+s23+$0x0], $0xffff;
	_ =	sdelay $0x1  }
0x693: {  	v43 =	vor.u32 $0x280, v44;
	_ =	sdelay $0x3  }
0x694: {  	[tilespmem:v13+s20+$0x0] =	vst.idx.msk $0xffff, v42  }
0x695: {  	v42 =	vld.idx.msk [tilespmem:v43+s23+$0x0], $0xffff;
	_ =	sdelay $0x1  }
0x696: {  	v43 =	vor.u32 $0x300, v44;
	_ =	sdelay $0x3  }
0x697: {  	[tilespmem:v14+s20+$0x0] =	vst.idx.msk $0xffff, v42  }
0x698: {  	v42 =	vld.idx.msk [tilespmem:v43+s23+$0x0], $0xffff;
	_ =	sdelay $0x1  }
0x699: {  	v43 =	vor.u32 $0x380, v44;
	_ =	sdelay $0x3  }
0x69a: {  	[tilespmem:v15+s20+$0x0] =	vst.idx.msk $0xffff, v42  }
0x69b: {  	v42 =	vld.idx.msk [tilespmem:v43+s23+$0x0], $0xffff;
	_ =	sdelay $0x1  }
0x69c: {  	v43 =	vadd.s32 $0x2C00, v41;
	_ =	sdelay $0x3  }
0x69d: {  	[tilespmem:v16+s20+$0x0] =	vst.idx.msk $0xffff, v42  }
0x69e: {  	v42 =	vld.idx.msk [tilespmem:v43+s23+$0x0], $0xffff;
	_ =	sdelay $0x1  }
0x69f: {  	v43 =	vadd.s32 $0x2C80, v41;
	_ =	sdelay $0x3  }
0x6a0: {  	[tilespmem:v17+s20+$0x0] =	vst.idx.msk $0xffff, v42  }
0x6a1: {  	v42 =	vld.idx.msk [tilespmem:v43+s23+$0x0], $0xffff;
	_ =	sdelay $0x1  }
0x6a2: {  	v43 =	vadd.s32 $0x2D00, v41;
	_ =	sdelay $0x3  }
0x6a3: {  	[tilespmem:v18+s20+$0x0] =	vst.idx.msk $0xffff, v42  }
0x6a4: {  	v42 =	vld.idx.msk [tilespmem:v43+s23+$0x0], $0xffff;
	_ =	sdelay $0x1  }
0x6a5: {  	v43 =	vadd.s32 $0x2D80, v41;
	_ =	sdelay $0x3  }
0x6a6: {  	[tilespmem:v19+s20+$0x0] =	vst.idx.msk $0xffff, v42  }
0x6a7: {  	v42 =	vld.idx.msk [tilespmem:v43+s23+$0x0], $0xffff;
	_ =	sdelay $0x1  }
0x6a8: {  	v43 =	vadd.s32 $0x2E00, v41;
	_ =	sdelay $0x3  }
0x6a9: {  	[tilespmem:v20+s20+$0x0] =	vst.idx.msk $0xffff, v42  }
0x6aa: {  	v42 =	vld.idx.msk [tilespmem:v43+s23+$0x0], $0xffff;
	_ =	sdelay $0x1  }
0x6ab: {  	v43 =	vadd.s32 $0x2E80, v41;
	_ =	sdelay $0x3  }
0x6ac: {  	[tilespmem:v21+s20+$0x0] =	vst.idx.msk $0xffff, v42  }
0x6ad: {  	v42 =	vld.idx.msk [tilespmem:v43+s23+$0x0], $0xffff;
	_ =	sdelay $0x1  }
0x6ae: {  	v43 =	vadd.s32 $0x2F00, v41;
	_ =	sdelay $0x3  }
0x6af: {  	[tilespmem:v22+s20+$0x0] =	vst.idx.msk $0xffff, v42  }
0x6b0: {  	v42 =	vld.idx.msk [tilespmem:v43+s23+$0x0], $0xffff;
	_ =	sdelay $0x1  }
0x6b1: {  	v43 =	vadd.s32 $0x2F80, v41;
	_ =	sdelay $0x3  }
0x6b2: {  	[tilespmem:v23+s20+$0x0] =	vst.idx.msk $0xffff, v42  }
0x6b3: {  	v42 =	vld.idx.msk [tilespmem:v43+s23+$0x0], $0xffff;
	_ =	sdelay $0x1  }
0x6b4: {  	v43 =	vadd.s32 $0x5800, v41;
	_ =	sdelay $0x3  }
0x6b5: {  	[tilespmem:v24+s20+$0x0] =	vst.idx.msk $0xffff, v42  }
0x6b6: {  	v42 =	vld.idx.msk [tilespmem:v43+s23+$0x0], $0xffff;
	_ =	sdelay $0x1  }
0x6b7: {  	v43 =	vadd.s32 $0x5880, v41;
	_ =	sdelay $0x3  }
0x6b8: {  	[tilespmem:v25+s20+$0x0] =	vst.idx.msk $0xffff, v42  }
0x6b9: {  	v42 =	vld.idx.msk [tilespmem:v43+s23+$0x0], $0xffff;
	_ =	sdelay $0x1  }
0x6ba: {  	v43 =	vadd.s32 $0x5900, v41;
	_ =	sdelay $0x3  }
0x6bb: {  	[tilespmem:v26+s20+$0x0] =	vst.idx.msk $0xffff, v42  }
0x6bc: {  	v42 =	vld.idx.msk [tilespmem:v43+s23+$0x0], $0xffff;
	_ =	sdelay $0x1  }
0x6bd: {  	v43 =	vadd.s32 $0x5980, v41;
	_ =	sdelay $0x3  }
0x6be: {  	[tilespmem:v27+s20+$0x0] =	vst.idx.msk $0xffff, v42  }
0x6bf: {  	v42 =	vld.idx.msk [tilespmem:v43+s23+$0x0], $0xffff;
	_ =	sdelay $0x1  }
0x6c0: {  	v43 =	vadd.s32 $0x5A00, v41;
	_ =	sdelay $0x3  }
0x6c1: {  	[tilespmem:v28+s20+$0x0] =	vst.idx.msk $0xffff, v42  }
0x6c2: {  	v42 =	vld.idx.msk [tilespmem:v43+s23+$0x0], $0xffff;
	_ =	sdelay $0x1  }
0x6c3: {  	v43 =	vadd.s32 $0x5A80, v41;
	_ =	sdelay $0x3  }
0x6c4: {  	[tilespmem:v29+s20+$0x0] =	vst.idx.msk $0xffff, v42  }
0x6c5: {  	v42 =	vld.idx.msk [tilespmem:v43+s23+$0x0], $0xffff;
	_ =	sdelay $0x1  }
0x6c6: {  	v43 =	vadd.s32 $0x5B00, v41;
	_ =	sdelay $0x3  }
0x6c7: {  	[tilespmem:v30+s20+$0x0] =	vst.idx.msk $0xffff, v42  }
0x6c8: {  	v42 =	vld.idx.msk [tilespmem:v43+s23+$0x0], $0xffff;
	_ =	sdelay $0x1  }
0x6c9: {  	v43 =	vadd.s32 $0x5B80, v41;
	_ =	sdelay $0x3  }
0x6ca: {  	[tilespmem:v31+s20+$0x0] =	vst.idx.msk $0xffff, v42  }
0x6cb: {  	v42 =	vld.idx.msk [tilespmem:v43+s23+$0x0], $0xffff;
	_ =	sdelay $0x1  }
0x6cc: {  	v43 =	vadd.s32 $0x8400, v41;
	_ =	sdelay $0x3  }
0x6cd: {  	[tilespmem:v32+s20+$0x0] =	vst.idx.msk $0xffff, v42  }
0x6ce: {  	v42 =	vld.idx.msk [tilespmem:v43+s23+$0x0], $0xffff;
	_ =	sdelay $0x1  }
0x6cf: {  	v43 =	vadd.s32 $0x8480, v41;
	_ =	sdelay $0x3  }
0x6d0: {  	[tilespmem:v33+s20+$0x0] =	vst.idx.msk $0xffff, v42  }
0x6d1: {  	v42 =	vld.idx.msk [tilespmem:v43+s23+$0x0], $0xffff;
	_ =	sdelay $0x1  }
0x6d2: {  	v43 =	vadd.s32 $0x8500, v41;
	_ =	sdelay $0x3  }
0x6d3: {  	[tilespmem:v34+s20+$0x0] =	vst.idx.msk $0xffff, v42  }
0x6d4: {  	v42 =	vld.idx.msk [tilespmem:v43+s23+$0x0], $0xffff;
	_ =	sdelay $0x1  }
0x6d5: {  	v43 =	vadd.s32 $0x8580, v41;
	_ =	sdelay $0x3  }
0x6d6: {  	[tilespmem:v35+s20+$0x0] =	vst.idx.msk $0xffff, v42  }
0x6d7: {  	v42 =	vld.idx.msk [tilespmem:v43+s23+$0x0], $0xffff;
	_ =	sdelay $0x1  }
0x6d8: {  	v43 =	vadd.s32 $0x8600, v41;
	_ =	sdelay $0x3  }
0x6d9: {  	[tilespmem:v36+s20+$0x0] =	vst.idx.msk $0xffff, v42  }
0x6da: {  	v42 =	vld.idx.msk [tilespmem:v43+s23+$0x0], $0xffff;
	_ =	sdelay $0x1  }
0x6db: {  	v43 =	vadd.s32 $0x8680, v41;
	_ =	sdelay $0x3  }
0x6dc: {  	[tilespmem:v37+s20+$0x0] =	vst.idx.msk $0xffff, v42  }
0x6dd: {  	v42 =	vld.idx.msk [tilespmem:v43+s23+$0x0], $0xffff;
	_ =	sdelay $0x1  }
0x6de: {  	v43 =	vadd.s32 $0x8700, v41;
	_ =	sdelay $0x3  }
0x6df: {  	[tilespmem:v38+s20+$0x0] =	vst.idx.msk $0xffff, v42  }
0x6e0: {  	v42 =	vld.idx.msk [tilespmem:v43+s23+$0x0], $0xffff;
	_ =	sdelay $0x1  }
0x6e1: {  	v41 =	vadd.s32 $0x8780, v41;
	_ =	sdelay $0x3  }
0x6e2: {  	[tilespmem:v39+s20+$0x0] =	vst.idx.msk $0xffff, v42  }
0x6e3: {  	v41 =	vld.idx.msk [tilespmem:v41+s23+$0x0], $0xffff;
	_ =	sdelay $0x1  }
.Ltmp32:
0x6e4: {  	(pc) =	sbr.rel @p0 .LBB2_40-.Ltmp32, $2  }
0x6e5: {  	_ =	sdelay $0x2  }
0x6e6: {  	s2 =	sadd.s32 $0x10, s2;
	[tilespmem:v40+s20+$0x0] =	vst.idx.msk $0xffff, v41  }
.Ltmp33:
0x6e7: {  	_ = 	snop;
	(pc) =	sbr.rel .LBB2_41-.Ltmp33, $1  }
0x6e8: {  	_ =	sdelay $0x3  }
.LBB2_34:
.Ltmp34:
0x6e9: {  	(pc) =	sbr.rel .LBB2_37-.Ltmp34, $2  }
0x6ea: {  	_ =	sdelay $0x2  }
0x6eb: {  	_ = 	snop  }
.LBB2_43:
0x6ec: {  	_ =	sfence.sel $0x180000  }
0x6ed: {  	[bflag:$0x0] =	sbarrier.arrive $0xFFFF  }
0x6ee: {  	_ =	strace $0x90000047  }
0x6ef: {  	s0 =	stileid.u32;
	[bflag:$0x2] =	sbarrier.arrive $0xFFFF  }
0x6f0: {  	p0 =	sne.s32 s0, $0x0;
	s0 =	rddreg [dreg:$0x3]  }
0x6f1: {  	s0 =	sadd.s32 @!p0 $0x100000, s0  }
0x6f2: {  	[sflag:s0] =	ssyncadd.tile.s32 @!p0 $0x1;
	_ =	shalt  }
.Lfunc_end2:
_tile_overlayer_lowered:
.L_overlay_start_2:
0x6f3: {  	(tag) =	ssettag $0x2  }
0x6f4: {  	s0 =	rddreg [dreg:$0x0];
	s2 =	stileid.u32  }
0x6f5: {  	s1 =	rddreg [dreg:$0x1];
	p0 =	sne.s32 s2, $0x0  }
0x6f6: {  	s3 =	rddreg [dreg:$0x2];
	[bflag:$0x3] =	sbarrier.arrive $0xFFFF;
	s2 =	simm.s32 @!p0 $0x1C04  }
0x6f7: {  	[timem:s3], [sflag:s2] =	dma.local @!p0 [hbm:s0], s1  }
0x6f8: {  	s0 =	simm.s32 @!p0 $0x4  }
0x6f9: {  	_ =	swait.ge @!p0 [sflag:s0], s1  }
0x6fa: {  	s1 =	ssub.s32 @!p0 $0x0, s1;
	[sflag:s0] =	ssyncset.done @!p0 $0x0  }
0x6fb: {  	[sflag:s0] =	ssyncadd.s32 @!p0 s1  }
0x6fc: {  	[bflag:$0x3] =	sbarrier.arrive $0xFFFF  }
0x6fd: {  	_ =	shalt  }

</sc_bundles>
